<compile_context>
chip_gen: v7x
topology: tpu7x:2x2x1
jax: 0.10.2.dev20260603
libtpu: 0.0.44.dev20260713+nightly
codegen_flags: <defaults>
</compile_context>

<pallas_src>
import functools

import jax
import jax.numpy as jnp
from jax import lax
from jax.experimental import pallas as pl
from jax.experimental.pallas import tpu as pltpu
from jax.experimental.pallas import tpu_sc as plsc

C = 8
NC, NS = 2, 16
NW = NC * NS
L = 16
P_BUILD = 4096
S_CHUNK = 4096


def _sc_all(tex_cs, ids1d, n, size, b, h, w):
    hw = h * w
    per_w = n // NW
    n_g = per_w // S_CHUNK
    nfull = size // P_BUILD
    rem = size - nfull * P_BUILD
    full, extra = nfull // NS, nfull % NS
    rows_per_chunk = S_CHUNK // w
    mesh = plsc.VectorSubcoreMesh(core_axis_name="c", subcore_axis_name="s")

    @functools.partial(
        pl.kernel,
        mesh=mesh,
        out_type=jax.ShapeDtypeStruct((b, C, h, w), jnp.float32),
        scratch_types=[
            pltpu.HBM((NC, size, C), jnp.float32),
            pltpu.VMEM((C, P_BUILD), jnp.float32),
            pltpu.VMEM((S_CHUNK,), jnp.int32),
            pltpu.VMEM((S_CHUNK, C), jnp.float32),
            pltpu.VMEM((C, S_CHUNK // 512, 512), jnp.float32),
            pltpu.SemaphoreType.DMA,
        ],
        compiler_params=pltpu.CompilerParams(use_tc_tiling_on_sc=False,
                                             needs_layout_passes=False),
    )
    def k(t0, t1, t2, t3, t4, t5, t6, t7, ids_hbm, out_hbm, table_hbm,
          tin_v, idx_v, rows_v, cm_v2, sem):
        tex_refs = [t0, t1, t2, t3, t4, t5, t6, t7]
        cid = lax.axis_index("c")
        sid = lax.axis_index("s")
        iota = lax.iota(jnp.int32, L)
        ch_splat = [jnp.full((L,), ch, jnp.int32) for ch in range(C)]

        def drain_table_write():
            pltpu.make_async_copy(
                rows_v, table_hbm.at[cid, pl.ds(0, P_BUILD)], sem).wait()

        def build(kk, carry):
            off = (sid + NS * kk) * P_BUILD
            hs = [pltpu.async_copy(
                      tex_refs[ch].at[pl.ds(off, P_BUILD)],
                      tin_v.at[ch], sem) for ch in range(C)]
            for hh in hs:
                hh.wait()

            @pl.when(kk > 0)
            def _():
                drain_table_write()

            @plsc.parallel_loop(0, P_BUILD // L, unroll=4)
            def tr(g):
                p_idx = g * L + iota
                for ch in range(C):
                    vals = tin_v[ch, pl.ds(g * L, L)]
                    plsc.store_scatter(rows_v, [p_idx, ch_splat[ch]], vals)

            pltpu.async_copy(
                rows_v, table_hbm.at[cid, pl.ds(off, P_BUILD)], sem)
            return carry

        nk = jnp.where(sid < extra, full + 1, full)
        lax.fori_loop(0, nk, build, 0)
        drain_table_write()

        if rem:
            @pl.when(sid == extra)
            def _():
                roff = nfull * P_BUILD
                hs = [pltpu.async_copy(
                          tex_refs[ch].at[pl.ds(roff, rem)],
                          tin_v.at[ch, pl.ds(0, rem)], sem)
                      for ch in range(C)]
                for hh in hs:
                    hh.wait()

                @plsc.parallel_loop(0, rem // L, unroll=4)
                def trr(g):
                    p_idx = g * L + iota
                    for ch in range(C):
                        vals = tin_v[ch, pl.ds(g * L, L)]
                        plsc.store_scatter(rows_v, [p_idx, ch_splat[ch]],
                                           vals)
                pltpu.sync_copy(rows_v.at[pl.ds(0, rem)],
                                table_hbm.at[cid, pl.ds(roff, rem)])

        plsc.subcore_barrier()

        wid = sid * NC + cid
        base = wid * per_w
        bb = wid // (hw // per_w)
        col0 = (wid % (hw // per_w)) * per_w
        h0w = col0 // w

        def drain_out_writes():
            for ch in range(C):
                pltpu.make_async_copy(
                    cm_v2.at[ch],
                    out_hbm.at[bb, ch, pl.ds(h0w, rows_per_chunk), :],
                    sem).wait()

        half = S_CHUNK // 2

        def gather(j, carry):
            off = base + j * S_CHUNK
            pltpu.sync_copy(ids_hbm.at[pl.ds(off, S_CHUNK)], idx_v)
            ha = pltpu.async_copy(
                table_hbm.at[cid].at[idx_v.at[pl.ds(0, half)]],
                rows_v.at[pl.ds(0, half)], sem)
            hb = pltpu.async_copy(
                table_hbm.at[cid].at[idx_v.at[pl.ds(half, half)]],
                rows_v.at[pl.ds(half, half)], sem)
            ha.wait()

            @pl.when(j > 0)
            def _():
                drain_out_writes()

            gprow = 512 // L

            @plsc.parallel_loop(0, half // L, unroll=4)
            def tr(g):
                s_idx = g * L + iota
                for ch in range(C):
                    vals = plsc.load_gather(rows_v, [s_idx, ch_splat[ch]])
                    cm_v2[ch, g // gprow, pl.ds((g % gprow) * L, L)] = vals

            hb.wait()

            @plsc.parallel_loop(half // L, S_CHUNK // L, unroll=4)
            def tr2(g):
                s_idx = g * L + iota
                for ch in range(C):
                    vals = plsc.load_gather(rows_v, [s_idx, ch_splat[ch]])
                    cm_v2[ch, g // gprow, pl.ds((g % gprow) * L, L)] = vals

            hrow = h0w + j * rows_per_chunk
            for ch in range(C):
                pltpu.async_copy(
                    cm_v2.at[ch],
                    out_hbm.at[bb, ch, pl.ds(hrow, rows_per_chunk), :],
                    sem)
            return carry

        lax.fori_loop(0, n_g, gather, 0)
        drain_out_writes()

    return k(*tex_cs, ids1d)


def kernel(inputs, texture):
    ids = inputs
    b, h, w = ids.shape
    size = texture.shape[2]
    n = b * h * w
    tex_cs = [texture[0, c] for c in range(C)]
    return _sc_all(tex_cs, ids.reshape(n), n, size, b, h, w)

# --- scband reference (transcript-rebuilt; emitter-appended) ---
"""Pipeline reference for scband-point-texture-28819230556917 (READ-ONLY COPY).

The authoritative reference and input builder live on the scoring server;
editing this copy changes nothing except your own understanding.
"""

import jax, jax.numpy as jnp
import numpy as np

NUM_CHANNELS = 8
SIZE = 1000000
B, H, W = 4, 512, 512


def setup_inputs(seed: int = 0) -> dict:
    key = jax.random.key(seed)
    k1, k2 = jax.random.split(key)
    # ids into the point texture (int32 used for CPU-jax compatibility; values < SIZE)
    inputs = jax.random.randint(k1, (B, H, W), 0, SIZE, dtype=jnp.int32)
    # learned parameter: texture_ of shape (1, num_channels, size), init_method='rand'
    texture = jax.random.uniform(k2, (1, NUM_CHANNELS, SIZE), dtype=jnp.float32)
    return {"inputs": inputs, "texture": texture}


def reference(inputs, texture):
    # Faithful translation of PointTexture.forward for a 3-dim ids tensor [B, H, W]
    ids = inputs
    sh = ids.shape
    ind = ids.reshape(-1)
    tex = jnp.transpose(texture, (1, 0, 2))  # (C, 1, size)
    tex = jnp.broadcast_to(tex, (tex.shape[0], sh[0], tex.shape[2]))  # expand over batch
    tex = tex.reshape(tex.shape[0], -1)  # (C, B*size)
    sample = jnp.take(tex, ind, axis=1)  # index_select along dim 1 -> (C, B*H*W)
    sample = sample.reshape(sample.shape[0], sh[0], sh[1], sh[2])  # (C, B, H, W)
    sample = jnp.transpose(sample, (1, 0, 2, 3))  # (B, C, H, W)
    # activation == 'none' -> identity
    return sample

if __name__ == "__main__":
    import jax
    _d = setup_inputs()
    print(jax.jit(kernel)(*tuple(_d.values())))

</pallas_src>

<mosaic_0001>
#map = affine_map<(d0, d1) -> (0)>
#map1 = affine_map<(d0, d1) -> (0, 0, 0, 0)>
module attributes {stable_mosaic.version = 14 : i64} {
  func.func @k(%arg0: i32, %arg1: i32, %arg2: memref<1000000xf32, #tpu.memory_space<hbm>>, %arg3: memref<1000000xf32, #tpu.memory_space<hbm>>, %arg4: memref<1000000xf32, #tpu.memory_space<hbm>>, %arg5: memref<1000000xf32, #tpu.memory_space<hbm>>, %arg6: memref<1000000xf32, #tpu.memory_space<hbm>>, %arg7: memref<1000000xf32, #tpu.memory_space<hbm>>, %arg8: memref<1000000xf32, #tpu.memory_space<hbm>>, %arg9: memref<1000000xf32, #tpu.memory_space<hbm>>, %arg10: memref<1048576xi32, #tpu.memory_space<hbm>>, %arg11: memref<4x8x512x512xf32, #tpu.memory_space<hbm>>, %arg12: memref<2x1000000x8xf32, #tpu.memory_space<hbm>>, %arg13: memref<8x4096xf32, #tpu.memory_space<vmem>>, %arg14: memref<4096xi32, #tpu.memory_space<vmem>>, %arg15: memref<4096x8xf32, #tpu.memory_space<vmem>>, %arg16: memref<8x8x512xf32, #tpu.memory_space<vmem>>, %arg17: memref<!tpu.dma_semaphore, #tpu.memory_space<semaphore_mem>>) attributes {dimension_semantics = [#tpu.dimension_semantics<core_parallel>, #tpu.dimension_semantics<subcore_parallel>], iteration_bounds = array<i64: 2, 16>, scalar_prefetch = 0 : i64, scratch_operands = 6 : i64, tpu.core_type = #tpu.core_type<sc_vector_subcore>, window_params = [{transform_indices = #map}, {transform_indices = #map}, {transform_indices = #map}, {transform_indices = #map}, {transform_indices = #map}, {transform_indices = #map}, {transform_indices = #map}, {transform_indices = #map}, {transform_indices = #map}, {transform_indices = #map1}]} {
    %iota3A = tpu.iota {dimensions = array<i32: 0>} : vector<16xi32>
    %broadcast_in_dim3A = arith.constant 0 : i32
    %broadcast_in_dim3A_0 = vector.broadcast %broadcast_in_dim3A : i32 to vector<16xi32>
    %broadcast_in_dim3A_1 = arith.constant 1 : i32
    %broadcast_in_dim3A_2 = vector.broadcast %broadcast_in_dim3A_1 : i32 to vector<16xi32>
    %broadcast_in_dim3A_3 = arith.constant 2 : i32
    %broadcast_in_dim3A_4 = vector.broadcast %broadcast_in_dim3A_3 : i32 to vector<16xi32>
    %broadcast_in_dim3A_5 = arith.constant 3 : i32
    %broadcast_in_dim3A_6 = vector.broadcast %broadcast_in_dim3A_5 : i32 to vector<16xi32>
    %broadcast_in_dim3A_7 = arith.constant 4 : i32
    %broadcast_in_dim3A_8 = vector.broadcast %broadcast_in_dim3A_7 : i32 to vector<16xi32>
    %broadcast_in_dim3A_9 = arith.constant 5 : i32
    %broadcast_in_dim3A_10 = vector.broadcast %broadcast_in_dim3A_9 : i32 to vector<16xi32>
    %broadcast_in_dim3A_11 = arith.constant 6 : i32
    %broadcast_in_dim3A_12 = vector.broadcast %broadcast_in_dim3A_11 : i32 to vector<16xi32>
    %broadcast_in_dim3A_13 = arith.constant 7 : i32
    %broadcast_in_dim3A_14 = vector.broadcast %broadcast_in_dim3A_13 : i32 to vector<16xi32>
    %lt3A = arith.constant 4 : i32
    %lt3A_15 = arith.cmpi slt, %arg1, %lt3A : i32
    %jit3A = arith.constant 16 : i32
    %jit3A_16 = arith.constant 15 : i32
    %select_n3A = arith.select %lt3A_15, %jit3A, %jit3A_16 : i32
    %while3A = arith.constant 0 : i32
    %while3A_17 = arith.constant 0 : i32
    %while3A_18 = arith.subi %select_n3A, %while3A_17 : i32
    %while3A_19 = arith.addi %while3A_17, %while3A_18 : i32
    %while3A_20 = arith.constant 1 : i32
    %while3A_21 = arith.divsi %while3A_18, %while3A_20 : i32
    %while3A_22 = arith.muli %while3A_21, %while3A_20 : i32
    %while3A_23 = arith.addi %while3A_17, %while3A_22 : i32
    %while3A_24 = arith.constant 1 : i32
    scf.for %while3A_231 = %while3A_17 to %while3A_23 step %while3A_24  : i32 {
      %mul3A_232 = arith.constant 16 : i32
      %mul3A_233 = arith.muli %mul3A_232, %while3A_231 : i32
      %add3A_234 = arith.addi %arg1, %mul3A_233 : i32
      %mul3A_235 = arith.constant 4096 : i32
      %mul3A_236 = arith.muli %add3A_234, %mul3A_235 : i32
      %dma_start3A = arith.constant 0 : i32
      %dma_start3A_237 = arith.constant 0 : i32
      %dma_start3A_238 = tpu.memref_slice %arg13[%dma_start3A, %dma_start3A_237] : memref<8x4096xf32, #tpu.memory_space<vmem>> -> memref<1x4096xf32, #tpu.memory_space<vmem>>
      %dma_start3A_239 = tpu.memref_squeeze %dma_start3A_238 : memref<1x4096xf32, #tpu.memory_space<vmem>> -> memref<4096xf32, #tpu.memory_space<vmem>>
      %dma_start3A_240 = tpu.memref_slice %arg2[%mul3A_236] : memref<1000000xf32, #tpu.memory_space<hbm>> -> memref<4096xf32, #tpu.memory_space<hbm>>
      %dma_start3A_241 = arith.constant 0 : i32
      %dma_start3A_242 = tpu.memref_slice %arg13[%dma_start3A, %dma_start3A_241] : memref<8x4096xf32, #tpu.memory_space<vmem>> -> memref<1x4096xf32, #tpu.memory_space<vmem>>
      %dma_start3A_243 = tpu.memref_squeeze %dma_start3A_242 : memref<1x4096xf32, #tpu.memory_space<vmem>> -> memref<4096xf32, #tpu.memory_space<vmem>>
      %dma_start3A_244 = tpu.memref_slice %arg2[%mul3A_236] : memref<1000000xf32, #tpu.memory_space<hbm>> -> memref<4096xf32, #tpu.memory_space<hbm>>
      tpu.enqueue_dma source(%dma_start3A_244 : memref<4096xf32, #tpu.memory_space<hbm>>) target(%dma_start3A_243 : memref<4096xf32, #tpu.memory_space<vmem>>) target_semaphore(%arg17 : memref<!tpu.dma_semaphore, #tpu.memory_space<semaphore_mem>>)
      %dma_start3A_245 = arith.constant 1 : i32
      %dma_start3A_246 = arith.constant 0 : i32
      %dma_start3A_247 = tpu.memref_slice %arg13[%dma_start3A_245, %dma_start3A_246] : memref<8x4096xf32, #tpu.memory_space<vmem>> -> memref<1x4096xf32, #tpu.memory_space<vmem>>
      %dma_start3A_248 = tpu.memref_squeeze %dma_start3A_247 : memref<1x4096xf32, #tpu.memory_space<vmem>> -> memref<4096xf32, #tpu.memory_space<vmem>>
      %dma_start3A_249 = tpu.memref_slice %arg3[%mul3A_236] : memref<1000000xf32, #tpu.memory_space<hbm>> -> memref<4096xf32, #tpu.memory_space<hbm>>
      %dma_start3A_250 = arith.constant 0 : i32
      %dma_start3A_251 = tpu.memref_slice %arg13[%dma_start3A_245, %dma_start3A_250] : memref<8x4096xf32, #tpu.memory_space<vmem>> -> memref<1x4096xf32, #tpu.memory_space<vmem>>
      %dma_start3A_252 = tpu.memref_squeeze %dma_start3A_251 : memref<1x4096xf32, #tpu.memory_space<vmem>> -> memref<4096xf32, #tpu.memory_space<vmem>>
      %dma_start3A_253 = tpu.memref_slice %arg3[%mul3A_236] : memref<1000000xf32, #tpu.memory_space<hbm>> -> memref<4096xf32, #tpu.memory_space<hbm>>
      tpu.enqueue_dma source(%dma_start3A_253 : memref<4096xf32, #tpu.memory_space<hbm>>) target(%dma_start3A_252 : memref<4096xf32, #tpu.memory_space<vmem>>) target_semaphore(%arg17 : memref<!tpu.dma_semaphore, #tpu.memory_space<semaphore_mem>>)
      %dma_start3A_254 = arith.constant 2 : i32
      %dma_start3A_255 = arith.constant 0 : i32
      %dma_start3A_256 = tpu.memref_slice %arg13[%dma_start3A_254, %dma_start3A_255] : memref<8x4096xf32, #tpu.memory_space<vmem>> -> memref<1x4096xf32, #tpu.memory_space<vmem>>
      %dma_start3A_257 = tpu.memref_squeeze %dma_start3A_256 : memref<1x4096xf32, #tpu.memory_space<vmem>> -> memref<4096xf32, #tpu.memory_space<vmem>>
      %dma_start3A_258 = tpu.memref_slice %arg4[%mul3A_236] : memref<1000000xf32, #tpu.memory_space<hbm>> -> memref<4096xf32, #tpu.memory_space<hbm>>
      %dma_start3A_259 = arith.constant 0 : i32
      %dma_start3A_260 = tpu.memref_slice %arg13[%dma_start3A_254, %dma_start3A_259] : memref<8x4096xf32, #tpu.memory_space<vmem>> -> memref<1x4096xf32, #tpu.memory_space<vmem>>
      %dma_start3A_261 = tpu.memref_squeeze %dma_start3A_260 : memref<1x4096xf32, #tpu.memory_space<vmem>> -> memref<4096xf32, #tpu.memory_space<vmem>>
      %dma_start3A_262 = tpu.memref_slice %arg4[%mul3A_236] : memref<1000000xf32, #tpu.memory_space<hbm>> -> memref<4096xf32, #tpu.memory_space<hbm>>
      tpu.enqueue_dma source(%dma_start3A_262 : memref<4096xf32, #tpu.memory_space<hbm>>) target(%dma_start3A_261 : memref<4096xf32, #tpu.memory_space<vmem>>) target_semaphore(%arg17 : memref<!tpu.dma_semaphore, #tpu.memory_space<semaphore_mem>>)
      %dma_start3A_263 = arith.constant 3 : i32
      %dma_start3A_264 = arith.constant 0 : i32
      %dma_start3A_265 = tpu.memref_slice %arg13[%dma_start3A_263, %dma_start3A_264] : memref<8x4096xf32, #tpu.memory_space<vmem>> -> memref<1x4096xf32, #tpu.memory_space<vmem>>
      %dma_start3A_266 = tpu.memref_squeeze %dma_start3A_265 : memref<1x4096xf32, #tpu.memory_space<vmem>> -> memref<4096xf32, #tpu.memory_space<vmem>>
      %dma_start3A_267 = tpu.memref_slice %arg5[%mul3A_236] : memref<1000000xf32, #tpu.memory_space<hbm>> -> memref<4096xf32, #tpu.memory_space<hbm>>
      %dma_start3A_268 = arith.constant 0 : i32
      %dma_start3A_269 = tpu.memref_slice %arg13[%dma_start3A_263, %dma_start3A_268] : memref<8x4096xf32, #tpu.memory_space<vmem>> -> memref<1x4096xf32, #tpu.memory_space<vmem>>
      %dma_start3A_270 = tpu.memref_squeeze %dma_start3A_269 : memref<1x4096xf32, #tpu.memory_space<vmem>> -> memref<4096xf32, #tpu.memory_space<vmem>>
      %dma_start3A_271 = tpu.memref_slice %arg5[%mul3A_236] : memref<1000000xf32, #tpu.memory_space<hbm>> -> memref<4096xf32, #tpu.memory_space<hbm>>
      tpu.enqueue_dma source(%dma_start3A_271 : memref<4096xf32, #tpu.memory_space<hbm>>) target(%dma_start3A_270 : memref<4096xf32, #tpu.memory_space<vmem>>) target_semaphore(%arg17 : memref<!tpu.dma_semaphore, #tpu.memory_space<semaphore_mem>>)
      %dma_start3A_272 = arith.constant 4 : i32
      %dma_start3A_273 = arith.constant 0 : i32
      %dma_start3A_274 = tpu.memref_slice %arg13[%dma_start3A_272, %dma_start3A_273] : memref<8x4096xf32, #tpu.memory_space<vmem>> -> memref<1x4096xf32, #tpu.memory_space<vmem>>
      %dma_start3A_275 = tpu.memref_squeeze %dma_start3A_274 : memref<1x4096xf32, #tpu.memory_space<vmem>> -> memref<4096xf32, #tpu.memory_space<vmem>>
      %dma_start3A_276 = tpu.memref_slice %arg6[%mul3A_236] : memref<1000000xf32, #tpu.memory_space<hbm>> -> memref<4096xf32, #tpu.memory_space<hbm>>
      %dma_start3A_277 = arith.constant 0 : i32
      %dma_start3A_278 = tpu.memref_slice %arg13[%dma_start3A_272, %dma_start3A_277] : memref<8x4096xf32, #tpu.memory_space<vmem>> -> memref<1x4096xf32, #tpu.memory_space<vmem>>
      %dma_start3A_279 = tpu.memref_squeeze %dma_start3A_278 : memref<1x4096xf32, #tpu.memory_space<vmem>> -> memref<4096xf32, #tpu.memory_space<vmem>>
      %dma_start3A_280 = tpu.memref_slice %arg6[%mul3A_236] : memref<1000000xf32, #tpu.memory_space<hbm>> -> memref<4096xf32, #tpu.memory_space<hbm>>
      tpu.enqueue_dma source(%dma_start3A_280 : memref<4096xf32, #tpu.memory_space<hbm>>) target(%dma_start3A_279 : memref<4096xf32, #tpu.memory_space<vmem>>) target_semaphore(%arg17 : memref<!tpu.dma_semaphore, #tpu.memory_space<semaphore_mem>>)
      %dma_start3A_281 = arith.constant 5 : i32
      %dma_start3A_282 = arith.constant 0 : i32
      %dma_start3A_283 = tpu.memref_slice %arg13[%dma_start3A_281, %dma_start3A_282] : memref<8x4096xf32, #tpu.memory_space<vmem>> -> memref<1x4096xf32, #tpu.memory_space<vmem>>
      %dma_start3A_284 = tpu.memref_squeeze %dma_start3A_283 : memref<1x4096xf32, #tpu.memory_space<vmem>> -> memref<4096xf32, #tpu.memory_space<vmem>>
      %dma_start3A_285 = tpu.memref_slice %arg7[%mul3A_236] : memref<1000000xf32, #tpu.memory_space<hbm>> -> memref<4096xf32, #tpu.memory_space<hbm>>
      %dma_start3A_286 = arith.constant 0 : i32
      %dma_start3A_287 = tpu.memref_slice %arg13[%dma_start3A_281, %dma_start3A_286] : memref<8x4096xf32, #tpu.memory_space<vmem>> -> memref<1x4096xf32, #tpu.memory_space<vmem>>
      %dma_start3A_288 = tpu.memref_squeeze %dma_start3A_287 : memref<1x4096xf32, #tpu.memory_space<vmem>> -> memref<4096xf32, #tpu.memory_space<vmem>>
      %dma_start3A_289 = tpu.memref_slice %arg7[%mul3A_236] : memref<1000000xf32, #tpu.memory_space<hbm>> -> memref<4096xf32, #tpu.memory_space<hbm>>
      tpu.enqueue_dma source(%dma_start3A_289 : memref<4096xf32, #tpu.memory_space<hbm>>) target(%dma_start3A_288 : memref<4096xf32, #tpu.memory_space<vmem>>) target_semaphore(%arg17 : memref<!tpu.dma_semaphore, #tpu.memory_space<semaphore_mem>>)
      %dma_start3A_290 = arith.constant 6 : i32
      %dma_start3A_291 = arith.constant 0 : i32
      %dma_start3A_292 = tpu.memref_slice %arg13[%dma_start3A_290, %dma_start3A_291] : memref<8x4096xf32, #tpu.memory_space<vmem>> -> memref<1x4096xf32, #tpu.memory_space<vmem>>
      %dma_start3A_293 = tpu.memref_squeeze %dma_start3A_292 : memref<1x4096xf32, #tpu.memory_space<vmem>> -> memref<4096xf32, #tpu.memory_space<vmem>>
      %dma_start3A_294 = tpu.memref_slice %arg8[%mul3A_236] : memref<1000000xf32, #tpu.memory_space<hbm>> -> memref<4096xf32, #tpu.memory_space<hbm>>
      %dma_start3A_295 = arith.constant 0 : i32
      %dma_start3A_296 = tpu.memref_slice %arg13[%dma_start3A_290, %dma_start3A_295] : memref<8x4096xf32, #tpu.memory_space<vmem>> -> memref<1x4096xf32, #tpu.memory_space<vmem>>
      %dma_start3A_297 = tpu.memref_squeeze %dma_start3A_296 : memref<1x4096xf32, #tpu.memory_space<vmem>> -> memref<4096xf32, #tpu.memory_space<vmem>>
      %dma_start3A_298 = tpu.memref_slice %arg8[%mul3A_236] : memref<1000000xf32, #tpu.memory_space<hbm>> -> memref<4096xf32, #tpu.memory_space<hbm>>
      tpu.enqueue_dma source(%dma_start3A_298 : memref<4096xf32, #tpu.memory_space<hbm>>) target(%dma_start3A_297 : memref<4096xf32, #tpu.memory_space<vmem>>) target_semaphore(%arg17 : memref<!tpu.dma_semaphore, #tpu.memory_space<semaphore_mem>>)
      %dma_start3A_299 = arith.constant 7 : i32
      %dma_start3A_300 = arith.constant 0 : i32
      %dma_start3A_301 = tpu.memref_slice %arg13[%dma_start3A_299, %dma_start3A_300] : memref<8x4096xf32, #tpu.memory_space<vmem>> -> memref<1x4096xf32, #tpu.memory_space<vmem>>
      %dma_start3A_302 = tpu.memref_squeeze %dma_start3A_301 : memref<1x4096xf32, #tpu.memory_space<vmem>> -> memref<4096xf32, #tpu.memory_space<vmem>>
      %dma_start3A_303 = tpu.memref_slice %arg9[%mul3A_236] : memref<1000000xf32, #tpu.memory_space<hbm>> -> memref<4096xf32, #tpu.memory_space<hbm>>
      %dma_start3A_304 = arith.constant 0 : i32
      %dma_start3A_305 = tpu.memref_slice %arg13[%dma_start3A_299, %dma_start3A_304] : memref<8x4096xf32, #tpu.memory_space<vmem>> -> memref<1x4096xf32, #tpu.memory_space<vmem>>
      %dma_start3A_306 = tpu.memref_squeeze %dma_start3A_305 : memref<1x4096xf32, #tpu.memory_space<vmem>> -> memref<4096xf32, #tpu.memory_space<vmem>>
      %dma_start3A_307 = tpu.memref_slice %arg9[%mul3A_236] : memref<1000000xf32, #tpu.memory_space<hbm>> -> memref<4096xf32, #tpu.memory_space<hbm>>
      tpu.enqueue_dma source(%dma_start3A_307 : memref<4096xf32, #tpu.memory_space<hbm>>) target(%dma_start3A_306 : memref<4096xf32, #tpu.memory_space<vmem>>) target_semaphore(%arg17 : memref<!tpu.dma_semaphore, #tpu.memory_space<semaphore_mem>>)
      %dma_wait3A_308 = arith.constant 0 : i32
      %dma_wait3A_309 = arith.constant 0 : i32
      %dma_wait3A_310 = tpu.memref_slice %arg13[%dma_wait3A_308, %dma_wait3A_309] : memref<8x4096xf32, #tpu.memory_space<vmem>> -> memref<1x4096xf32, #tpu.memory_space<vmem>>
      %dma_wait3A_311 = tpu.memref_squeeze %dma_wait3A_310 : memref<1x4096xf32, #tpu.memory_space<vmem>> -> memref<4096xf32, #tpu.memory_space<vmem>>
      %dma_wait3A_312 = tpu.memref_slice %arg2[%mul3A_236] : memref<1000000xf32, #tpu.memory_space<hbm>> -> memref<4096xf32, #tpu.memory_space<hbm>>
      %dma_wait3A_313 = arith.constant 0 : i32
      %dma_wait3A_314 = tpu.memref_slice %arg13[%dma_wait3A_308, %dma_wait3A_313] : memref<8x4096xf32, #tpu.memory_space<vmem>> -> memref<1x4096xf32, #tpu.memory_space<vmem>>
      %dma_wait3A_315 = tpu.memref_squeeze %dma_wait3A_314 : memref<1x4096xf32, #tpu.memory_space<vmem>> -> memref<4096xf32, #tpu.memory_space<vmem>>
      %dma_wait3A_316 = tpu.memref_slice %arg2[%mul3A_236] : memref<1000000xf32, #tpu.memory_space<hbm>> -> memref<4096xf32, #tpu.memory_space<hbm>>
      tpu.wait_dma2 semaphore(%arg17 : memref<!tpu.dma_semaphore, #tpu.memory_space<semaphore_mem>>) src(%dma_wait3A_316 : memref<4096xf32, #tpu.memory_space<hbm>>) dst(%dma_wait3A_315 : memref<4096xf32, #tpu.memory_space<vmem>>)
      %dma_wait3A_317 = arith.constant 1 : i32
      %dma_wait3A_318 = arith.constant 0 : i32
      %dma_wait3A_319 = tpu.memref_slice %arg13[%dma_wait3A_317, %dma_wait3A_318] : memref<8x4096xf32, #tpu.memory_space<vmem>> -> memref<1x4096xf32, #tpu.memory_space<vmem>>
      %dma_wait3A_320 = tpu.memref_squeeze %dma_wait3A_319 : memref<1x4096xf32, #tpu.memory_space<vmem>> -> memref<4096xf32, #tpu.memory_space<vmem>>
      %dma_wait3A_321 = tpu.memref_slice %arg3[%mul3A_236] : memref<1000000xf32, #tpu.memory_space<hbm>> -> memref<4096xf32, #tpu.memory_space<hbm>>
      %dma_wait3A_322 = arith.constant 0 : i32
      %dma_wait3A_323 = tpu.memref_slice %arg13[%dma_wait3A_317, %dma_wait3A_322] : memref<8x4096xf32, #tpu.memory_space<vmem>> -> memref<1x4096xf32, #tpu.memory_space<vmem>>
      %dma_wait3A_324 = tpu.memref_squeeze %dma_wait3A_323 : memref<1x4096xf32, #tpu.memory_space<vmem>> -> memref<4096xf32, #tpu.memory_space<vmem>>
      %dma_wait3A_325 = tpu.memref_slice %arg3[%mul3A_236] : memref<1000000xf32, #tpu.memory_space<hbm>> -> memref<4096xf32, #tpu.memory_space<hbm>>
      tpu.wait_dma2 semaphore(%arg17 : memref<!tpu.dma_semaphore, #tpu.memory_space<semaphore_mem>>) src(%dma_wait3A_325 : memref<4096xf32, #tpu.memory_space<hbm>>) dst(%dma_wait3A_324 : memref<4096xf32, #tpu.memory_space<vmem>>)
      %dma_wait3A_326 = arith.constant 2 : i32
      %dma_wait3A_327 = arith.constant 0 : i32
      %dma_wait3A_328 = tpu.memref_slice %arg13[%dma_wait3A_326, %dma_wait3A_327] : memref<8x4096xf32, #tpu.memory_space<vmem>> -> memref<1x4096xf32, #tpu.memory_space<vmem>>
      %dma_wait3A_329 = tpu.memref_squeeze %dma_wait3A_328 : memref<1x4096xf32, #tpu.memory_space<vmem>> -> memref<4096xf32, #tpu.memory_space<vmem>>
      %dma_wait3A_330 = tpu.memref_slice %arg4[%mul3A_236] : memref<1000000xf32, #tpu.memory_space<hbm>> -> memref<4096xf32, #tpu.memory_space<hbm>>
      %dma_wait3A_331 = arith.constant 0 : i32
      %dma_wait3A_332 = tpu.memref_slice %arg13[%dma_wait3A_326, %dma_wait3A_331] : memref<8x4096xf32, #tpu.memory_space<vmem>> -> memref<1x4096xf32, #tpu.memory_space<vmem>>
      %dma_wait3A_333 = tpu.memref_squeeze %dma_wait3A_332 : memref<1x4096xf32, #tpu.memory_space<vmem>> -> memref<4096xf32, #tpu.memory_space<vmem>>
      %dma_wait3A_334 = tpu.memref_slice %arg4[%mul3A_236] : memref<1000000xf32, #tpu.memory_space<hbm>> -> memref<4096xf32, #tpu.memory_space<hbm>>
      tpu.wait_dma2 semaphore(%arg17 : memref<!tpu.dma_semaphore, #tpu.memory_space<semaphore_mem>>) src(%dma_wait3A_334 : memref<4096xf32, #tpu.memory_space<hbm>>) dst(%dma_wait3A_333 : memref<4096xf32, #tpu.memory_space<vmem>>)
      %dma_wait3A_335 = arith.constant 3 : i32
      %dma_wait3A_336 = arith.constant 0 : i32
      %dma_wait3A_337 = tpu.memref_slice %arg13[%dma_wait3A_335, %dma_wait3A_336] : memref<8x4096xf32, #tpu.memory_space<vmem>> -> memref<1x4096xf32, #tpu.memory_space<vmem>>
      %dma_wait3A_338 = tpu.memref_squeeze %dma_wait3A_337 : memref<1x4096xf32, #tpu.memory_space<vmem>> -> memref<4096xf32, #tpu.memory_space<vmem>>
      %dma_wait3A_339 = tpu.memref_slice %arg5[%mul3A_236] : memref<1000000xf32, #tpu.memory_space<hbm>> -> memref<4096xf32, #tpu.memory_space<hbm>>
      %dma_wait3A_340 = arith.constant 0 : i32
      %dma_wait3A_341 = tpu.memref_slice %arg13[%dma_wait3A_335, %dma_wait3A_340] : memref<8x4096xf32, #tpu.memory_space<vmem>> -> memref<1x4096xf32, #tpu.memory_space<vmem>>
      %dma_wait3A_342 = tpu.memref_squeeze %dma_wait3A_341 : memref<1x4096xf32, #tpu.memory_space<vmem>> -> memref<4096xf32, #tpu.memory_space<vmem>>
      %dma_wait3A_343 = tpu.memref_slice %arg5[%mul3A_236] : memref<1000000xf32, #tpu.memory_space<hbm>> -> memref<4096xf32, #tpu.memory_space<hbm>>
      tpu.wait_dma2 semaphore(%arg17 : memref<!tpu.dma_semaphore, #tpu.memory_space<semaphore_mem>>) src(%dma_wait3A_343 : memref<4096xf32, #tpu.memory_space<hbm>>) dst(%dma_wait3A_342 : memref<4096xf32, #tpu.memory_space<vmem>>)
      %dma_wait3A_344 = arith.constant 4 : i32
      %dma_wait3A_345 = arith.constant 0 : i32
      %dma_wait3A_346 = tpu.memref_slice %arg13[%dma_wait3A_344, %dma_wait3A_345] : memref<8x4096xf32, #tpu.memory_space<vmem>> -> memref<1x4096xf32, #tpu.memory_space<vmem>>
      %dma_wait3A_347 = tpu.memref_squeeze %dma_wait3A_346 : memref<1x4096xf32, #tpu.memory_space<vmem>> -> memref<4096xf32, #tpu.memory_space<vmem>>
      %dma_wait3A_348 = tpu.memref_slice %arg6[%mul3A_236] : memref<1000000xf32, #tpu.memory_space<hbm>> -> memref<4096xf32, #tpu.memory_space<hbm>>
      %dma_wait3A_349 = arith.constant 0 : i32
      %dma_wait3A_350 = tpu.memref_slice %arg13[%dma_wait3A_344, %dma_wait3A_349] : memref<8x4096xf32, #tpu.memory_space<vmem>> -> memref<1x4096xf32, #tpu.memory_space<vmem>>
      %dma_wait3A_351 = tpu.memref_squeeze %dma_wait3A_350 : memref<1x4096xf32, #tpu.memory_space<vmem>> -> memref<4096xf32, #tpu.memory_space<vmem>>
      %dma_wait3A_352 = tpu.memref_slice %arg6[%mul3A_236] : memref<1000000xf32, #tpu.memory_space<hbm>> -> memref<4096xf32, #tpu.memory_space<hbm>>
      tpu.wait_dma2 semaphore(%arg17 : memref<!tpu.dma_semaphore, #tpu.memory_space<semaphore_mem>>) src(%dma_wait3A_352 : memref<4096xf32, #tpu.memory_space<hbm>>) dst(%dma_wait3A_351 : memref<4096xf32, #tpu.memory_space<vmem>>)
      %dma_wait3A_353 = arith.constant 5 : i32
      %dma_wait3A_354 = arith.constant 0 : i32
      %dma_wait3A_355 = tpu.memref_slice %arg13[%dma_wait3A_353, %dma_wait3A_354] : memref<8x4096xf32, #tpu.memory_space<vmem>> -> memref<1x4096xf32, #tpu.memory_space<vmem>>
      %dma_wait3A_356 = tpu.memref_squeeze %dma_wait3A_355 : memref<1x4096xf32, #tpu.memory_space<vmem>> -> memref<4096xf32, #tpu.memory_space<vmem>>
      %dma_wait3A_357 = tpu.memref_slice %arg7[%mul3A_236] : memref<1000000xf32, #tpu.memory_space<hbm>> -> memref<4096xf32, #tpu.memory_space<hbm>>
      %dma_wait3A_358 = arith.constant 0 : i32
      %dma_wait3A_359 = tpu.memref_slice %arg13[%dma_wait3A_353, %dma_wait3A_358] : memref<8x4096xf32, #tpu.memory_space<vmem>> -> memref<1x4096xf32, #tpu.memory_space<vmem>>
      %dma_wait3A_360 = tpu.memref_squeeze %dma_wait3A_359 : memref<1x4096xf32, #tpu.memory_space<vmem>> -> memref<4096xf32, #tpu.memory_space<vmem>>
      %dma_wait3A_361 = tpu.memref_slice %arg7[%mul3A_236] : memref<1000000xf32, #tpu.memory_space<hbm>> -> memref<4096xf32, #tpu.memory_space<hbm>>
      tpu.wait_dma2 semaphore(%arg17 : memref<!tpu.dma_semaphore, #tpu.memory_space<semaphore_mem>>) src(%dma_wait3A_361 : memref<4096xf32, #tpu.memory_space<hbm>>) dst(%dma_wait3A_360 : memref<4096xf32, #tpu.memory_space<vmem>>)
      %dma_wait3A_362 = arith.constant 6 : i32
      %dma_wait3A_363 = arith.constant 0 : i32
      %dma_wait3A_364 = tpu.memref_slice %arg13[%dma_wait3A_362, %dma_wait3A_363] : memref<8x4096xf32, #tpu.memory_space<vmem>> -> memref<1x4096xf32, #tpu.memory_space<vmem>>
      %dma_wait3A_365 = tpu.memref_squeeze %dma_wait3A_364 : memref<1x4096xf32, #tpu.memory_space<vmem>> -> memref<4096xf32, #tpu.memory_space<vmem>>
      %dma_wait3A_366 = tpu.memref_slice %arg8[%mul3A_236] : memref<1000000xf32, #tpu.memory_space<hbm>> -> memref<4096xf32, #tpu.memory_space<hbm>>
      %dma_wait3A_367 = arith.constant 0 : i32
      %dma_wait3A_368 = tpu.memref_slice %arg13[%dma_wait3A_362, %dma_wait3A_367] : memref<8x4096xf32, #tpu.memory_space<vmem>> -> memref<1x4096xf32, #tpu.memory_space<vmem>>
      %dma_wait3A_369 = tpu.memref_squeeze %dma_wait3A_368 : memref<1x4096xf32, #tpu.memory_space<vmem>> -> memref<4096xf32, #tpu.memory_space<vmem>>
      %dma_wait3A_370 = tpu.memref_slice %arg8[%mul3A_236] : memref<1000000xf32, #tpu.memory_space<hbm>> -> memref<4096xf32, #tpu.memory_space<hbm>>
      tpu.wait_dma2 semaphore(%arg17 : memref<!tpu.dma_semaphore, #tpu.memory_space<semaphore_mem>>) src(%dma_wait3A_370 : memref<4096xf32, #tpu.memory_space<hbm>>) dst(%dma_wait3A_369 : memref<4096xf32, #tpu.memory_space<vmem>>)
      %dma_wait3A_371 = arith.constant 7 : i32
      %dma_wait3A_372 = arith.constant 0 : i32
      %dma_wait3A_373 = tpu.memref_slice %arg13[%dma_wait3A_371, %dma_wait3A_372] : memref<8x4096xf32, #tpu.memory_space<vmem>> -> memref<1x4096xf32, #tpu.memory_space<vmem>>
      %dma_wait3A_374 = tpu.memref_squeeze %dma_wait3A_373 : memref<1x4096xf32, #tpu.memory_space<vmem>> -> memref<4096xf32, #tpu.memory_space<vmem>>
      %dma_wait3A_375 = tpu.memref_slice %arg9[%mul3A_236] : memref<1000000xf32, #tpu.memory_space<hbm>> -> memref<4096xf32, #tpu.memory_space<hbm>>
      %dma_wait3A_376 = arith.constant 0 : i32
      %dma_wait3A_377 = tpu.memref_slice %arg13[%dma_wait3A_371, %dma_wait3A_376] : memref<8x4096xf32, #tpu.memory_space<vmem>> -> memref<1x4096xf32, #tpu.memory_space<vmem>>
      %dma_wait3A_378 = tpu.memref_squeeze %dma_wait3A_377 : memref<1x4096xf32, #tpu.memory_space<vmem>> -> memref<4096xf32, #tpu.memory_space<vmem>>
      %dma_wait3A_379 = tpu.memref_slice %arg9[%mul3A_236] : memref<1000000xf32, #tpu.memory_space<hbm>> -> memref<4096xf32, #tpu.memory_space<hbm>>
      tpu.wait_dma2 semaphore(%arg17 : memref<!tpu.dma_semaphore, #tpu.memory_space<semaphore_mem>>) src(%dma_wait3A_379 : memref<4096xf32, #tpu.memory_space<hbm>>) dst(%dma_wait3A_378 : memref<4096xf32, #tpu.memory_space<vmem>>)
      %gt3A = arith.constant 0 : i32
      %gt3A_380 = arith.cmpi sgt, %while3A_231, %gt3A : i32
      %convert_element_type3A_381 = arith.extui %gt3A_380 : i1 to i32
      %cond3A_382 = arith.constant 0 : i32
      %cond3A_383 = arith.cmpi ne, %convert_element_type3A_381, %cond3A_382 : i32
      scf.if %cond3A_383 {
        %dma_wait3A_392 = arith.constant 0 : i32
        %dma_wait3A_393 = arith.constant 0 : i32
        %dma_wait3A_394 = tpu.memref_slice %arg12[%arg0, %dma_wait3A_392, %dma_wait3A_393] : memref<2x1000000x8xf32, #tpu.memory_space<hbm>> -> memref<1x4096x8xf32, #tpu.memory_space<hbm>>
        %dma_wait3A_395 = tpu.memref_squeeze %dma_wait3A_394 : memref<1x4096x8xf32, #tpu.memory_space<hbm>> -> memref<4096x8xf32, #tpu.memory_space<hbm>>
        %dma_wait3A_396 = arith.constant 0 : i32
        %dma_wait3A_397 = arith.constant 0 : i32
        %dma_wait3A_398 = tpu.memref_slice %arg12[%arg0, %dma_wait3A_396, %dma_wait3A_397] : memref<2x1000000x8xf32, #tpu.memory_space<hbm>> -> memref<1x4096x8xf32, #tpu.memory_space<hbm>>
        %dma_wait3A_399 = tpu.memref_squeeze %dma_wait3A_398 : memref<1x4096x8xf32, #tpu.memory_space<hbm>> -> memref<4096x8xf32, #tpu.memory_space<hbm>>
        tpu.wait_dma2 semaphore(%arg17 : memref<!tpu.dma_semaphore, #tpu.memory_space<semaphore_mem>>) src(%arg15 : memref<4096x8xf32, #tpu.memory_space<vmem>>) dst(%dma_wait3A_399 : memref<4096x8xf32, #tpu.memory_space<hbm>>)
      } else {
      }
      %parallel_loop3A = arith.constant 0 : i32
      %parallel_loop3A_384 = arith.constant 256 : i32
      %parallel_loop3A_385 = arith.constant 1 : i32
      scf.for %parallel_loop3A_392 = %parallel_loop3A to %parallel_loop3A_384 step %parallel_loop3A_385  : i32 {
        %parallel_loop3A_393 = arith.constant 16 : i32
        %parallel_loop3A_394 = arith.muli %parallel_loop3A_392, %parallel_loop3A_393 : i32
        %parallel_loop3A_395 = vector.broadcast %parallel_loop3A_394 : i32 to vector<16xi32>
        %parallel_loop3A_396 = arith.addi %parallel_loop3A_395, %iota3A : vector<16xi32>
        %parallel_loop3A_397 = arith.constant 16 : i32
        %parallel_loop3A_398 = arith.muli %parallel_loop3A_392, %parallel_loop3A_397 : i32
        %parallel_loop3A_399 = arith.constant 0 : i32
        %parallel_loop3A_400 = arith.index_cast %parallel_loop3A_399 : i32 to index
        %parallel_loop3A_401 = arith.index_cast %parallel_loop3A_398 : i32 to index
        %parallel_loop3A_402 = tpu.vector_load %arg13[%parallel_loop3A_400, %parallel_loop3A_401] {strides = array<i32>} : memref<8x4096xf32, #tpu.memory_space<vmem>>, vector<16xf32>,
        tpu.vector_store_idx %arg15[%parallel_loop3A_396, %broadcast_in_dim3A_0], %parallel_loop3A_402 : memref<4096x8xf32, #tpu.memory_space<vmem>>[vector<16xi32>, vector<16xi32>], vector<16xf32>,
        %parallel_loop3A_403 = arith.constant 16 : i32
        %parallel_loop3A_404 = arith.muli %parallel_loop3A_392, %parallel_loop3A_403 : i32
        %parallel_loop3A_405 = arith.constant 1 : i32
        %parallel_loop3A_406 = arith.index_cast %parallel_loop3A_405 : i32 to index
        %parallel_loop3A_407 = arith.index_cast %parallel_loop3A_404 : i32 to index
        %parallel_loop3A_408 = tpu.vector_load %arg13[%parallel_loop3A_406, %parallel_loop3A_407] {strides = array<i32>} : memref<8x4096xf32, #tpu.memory_space<vmem>>, vector<16xf32>,
        tpu.vector_store_idx %arg15[%parallel_loop3A_396, %broadcast_in_dim3A_2], %parallel_loop3A_408 : memref<4096x8xf32, #tpu.memory_space<vmem>>[vector<16xi32>, vector<16xi32>], vector<16xf32>,
        %parallel_loop3A_409 = arith.constant 16 : i32
        %parallel_loop3A_410 = arith.muli %parallel_loop3A_392, %parallel_loop3A_409 : i32
        %parallel_loop3A_411 = arith.constant 2 : i32
        %parallel_loop3A_412 = arith.index_cast %parallel_loop3A_411 : i32 to index
        %parallel_loop3A_413 = arith.index_cast %parallel_loop3A_410 : i32 to index
        %parallel_loop3A_414 = tpu.vector_load %arg13[%parallel_loop3A_412, %parallel_loop3A_413] {strides = array<i32>} : memref<8x4096xf32, #tpu.memory_space<vmem>>, vector<16xf32>,
        tpu.vector_store_idx %arg15[%parallel_loop3A_396, %broadcast_in_dim3A_4], %parallel_loop3A_414 : memref<4096x8xf32, #tpu.memory_space<vmem>>[vector<16xi32>, vector<16xi32>], vector<16xf32>,
        %parallel_loop3A_415 = arith.constant 16 : i32
        %parallel_loop3A_416 = arith.muli %parallel_loop3A_392, %parallel_loop3A_415 : i32
        %parallel_loop3A_417 = arith.constant 3 : i32
        %parallel_loop3A_418 = arith.index_cast %parallel_loop3A_417 : i32 to index
        %parallel_loop3A_419 = arith.index_cast %parallel_loop3A_416 : i32 to index
        %parallel_loop3A_420 = tpu.vector_load %arg13[%parallel_loop3A_418, %parallel_loop3A_419] {strides = array<i32>} : memref<8x4096xf32, #tpu.memory_space<vmem>>, vector<16xf32>,
        tpu.vector_store_idx %arg15[%parallel_loop3A_396, %broadcast_in_dim3A_6], %parallel_loop3A_420 : memref<4096x8xf32, #tpu.memory_space<vmem>>[vector<16xi32>, vector<16xi32>], vector<16xf32>,
        %parallel_loop3A_421 = arith.constant 16 : i32
        %parallel_loop3A_422 = arith.muli %parallel_loop3A_392, %parallel_loop3A_421 : i32
        %parallel_loop3A_423 = arith.constant 4 : i32
        %parallel_loop3A_424 = arith.index_cast %parallel_loop3A_423 : i32 to index
        %parallel_loop3A_425 = arith.index_cast %parallel_loop3A_422 : i32 to index
        %parallel_loop3A_426 = tpu.vector_load %arg13[%parallel_loop3A_424, %parallel_loop3A_425] {strides = array<i32>} : memref<8x4096xf32, #tpu.memory_space<vmem>>, vector<16xf32>,
        tpu.vector_store_idx %arg15[%parallel_loop3A_396, %broadcast_in_dim3A_8], %parallel_loop3A_426 : memref<4096x8xf32, #tpu.memory_space<vmem>>[vector<16xi32>, vector<16xi32>], vector<16xf32>,
        %parallel_loop3A_427 = arith.constant 16 : i32
        %parallel_loop3A_428 = arith.muli %parallel_loop3A_392, %parallel_loop3A_427 : i32
        %parallel_loop3A_429 = arith.constant 5 : i32
        %parallel_loop3A_430 = arith.index_cast %parallel_loop3A_429 : i32 to index
        %parallel_loop3A_431 = arith.index_cast %parallel_loop3A_428 : i32 to index
        %parallel_loop3A_432 = tpu.vector_load %arg13[%parallel_loop3A_430, %parallel_loop3A_431] {strides = array<i32>} : memref<8x4096xf32, #tpu.memory_space<vmem>>, vector<16xf32>,
        tpu.vector_store_idx %arg15[%parallel_loop3A_396, %broadcast_in_dim3A_10], %parallel_loop3A_432 : memref<4096x8xf32, #tpu.memory_space<vmem>>[vector<16xi32>, vector<16xi32>], vector<16xf32>,
        %parallel_loop3A_433 = arith.constant 16 : i32
        %parallel_loop3A_434 = arith.muli %parallel_loop3A_392, %parallel_loop3A_433 : i32
        %parallel_loop3A_435 = arith.constant 6 : i32
        %parallel_loop3A_436 = arith.index_cast %parallel_loop3A_435 : i32 to index
        %parallel_loop3A_437 = arith.index_cast %parallel_loop3A_434 : i32 to index
        %parallel_loop3A_438 = tpu.vector_load %arg13[%parallel_loop3A_436, %parallel_loop3A_437] {strides = array<i32>} : memref<8x4096xf32, #tpu.memory_space<vmem>>, vector<16xf32>,
        tpu.vector_store_idx %arg15[%parallel_loop3A_396, %broadcast_in_dim3A_12], %parallel_loop3A_438 : memref<4096x8xf32, #tpu.memory_space<vmem>>[vector<16xi32>, vector<16xi32>], vector<16xf32>,
        %parallel_loop3A_439 = arith.constant 16 : i32
        %parallel_loop3A_440 = arith.muli %parallel_loop3A_392, %parallel_loop3A_439 : i32
        %parallel_loop3A_441 = arith.constant 7 : i32
        %parallel_loop3A_442 = arith.index_cast %parallel_loop3A_441 : i32 to index
        %parallel_loop3A_443 = arith.index_cast %parallel_loop3A_440 : i32 to index
        %parallel_loop3A_444 = tpu.vector_load %arg13[%parallel_loop3A_442, %parallel_loop3A_443] {strides = array<i32>} : memref<8x4096xf32, #tpu.memory_space<vmem>>, vector<16xf32>,
        tpu.vector_store_idx %arg15[%parallel_loop3A_396, %broadcast_in_dim3A_14], %parallel_loop3A_444 : memref<4096x8xf32, #tpu.memory_space<vmem>>[vector<16xi32>, vector<16xi32>], vector<16xf32>,
      } {sc.loop_unroll_factor = 4 : i64, sc.parallel_access}
      %dma_start3A_386 = arith.constant 0 : i32
      %dma_start3A_387 = tpu.memref_slice %arg12[%arg0, %mul3A_236, %dma_start3A_386] : memref<2x1000000x8xf32, #tpu.memory_space<hbm>> -> memref<1x4096x8xf32, #tpu.memory_space<hbm>>
      %dma_start3A_388 = tpu.memref_squeeze %dma_start3A_387 : memref<1x4096x8xf32, #tpu.memory_space<hbm>> -> memref<4096x8xf32, #tpu.memory_space<hbm>>
      %dma_start3A_389 = arith.constant 0 : i32
      %dma_start3A_390 = tpu.memref_slice %arg12[%arg0, %mul3A_236, %dma_start3A_389] : memref<2x1000000x8xf32, #tpu.memory_space<hbm>> -> memref<1x4096x8xf32, #tpu.memory_space<hbm>>
      %dma_start3A_391 = tpu.memref_squeeze %dma_start3A_390 : memref<1x4096x8xf32, #tpu.memory_space<hbm>> -> memref<4096x8xf32, #tpu.memory_space<hbm>>
      tpu.enqueue_dma source(%arg15 : memref<4096x8xf32, #tpu.memory_space<vmem>>) target(%dma_start3A_391 : memref<4096x8xf32, #tpu.memory_space<hbm>>) target_semaphore(%arg17 : memref<!tpu.dma_semaphore, #tpu.memory_space<semaphore_mem>>)
    }
    %while3A_25 = arith.constant 1 : i32
    scf.for %while3A_231 = %while3A_23 to %while3A_19 step %while3A_25  : i32 {
      %mul3A_232 = arith.constant 16 : i32
      %mul3A_233 = arith.muli %mul3A_232, %while3A_231 : i32
      %add3A_234 = arith.addi %arg1, %mul3A_233 : i32
      %mul3A_235 = arith.constant 4096 : i32
      %mul3A_236 = arith.muli %add3A_234, %mul3A_235 : i32
      %dma_start3A = arith.constant 0 : i32
      %dma_start3A_237 = arith.constant 0 : i32
      %dma_start3A_238 = tpu.memref_slice %arg13[%dma_start3A, %dma_start3A_237] : memref<8x4096xf32, #tpu.memory_space<vmem>> -> memref<1x4096xf32, #tpu.memory_space<vmem>>
      %dma_start3A_239 = tpu.memref_squeeze %dma_start3A_238 : memref<1x4096xf32, #tpu.memory_space<vmem>> -> memref<4096xf32, #tpu.memory_space<vmem>>
      %dma_start3A_240 = tpu.memref_slice %arg2[%mul3A_236] : memref<1000000xf32, #tpu.memory_space<hbm>> -> memref<4096xf32, #tpu.memory_space<hbm>>
      %dma_start3A_241 = arith.constant 0 : i32
      %dma_start3A_242 = tpu.memref_slice %arg13[%dma_start3A, %dma_start3A_241] : memref<8x4096xf32, #tpu.memory_space<vmem>> -> memref<1x4096xf32, #tpu.memory_space<vmem>>
      %dma_start3A_243 = tpu.memref_squeeze %dma_start3A_242 : memref<1x4096xf32, #tpu.memory_space<vmem>> -> memref<4096xf32, #tpu.memory_space<vmem>>
      %dma_start3A_244 = tpu.memref_slice %arg2[%mul3A_236] : memref<1000000xf32, #tpu.memory_space<hbm>> -> memref<4096xf32, #tpu.memory_space<hbm>>
      tpu.enqueue_dma source(%dma_start3A_244 : memref<4096xf32, #tpu.memory_space<hbm>>) target(%dma_start3A_243 : memref<4096xf32, #tpu.memory_space<vmem>>) target_semaphore(%arg17 : memref<!tpu.dma_semaphore, #tpu.memory_space<semaphore_mem>>)
      %dma_start3A_245 = arith.constant 1 : i32
      %dma_start3A_246 = arith.constant 0 : i32
      %dma_start3A_247 = tpu.memref_slice %arg13[%dma_start3A_245, %dma_start3A_246] : memref<8x4096xf32, #tpu.memory_space<vmem>> -> memref<1x4096xf32, #tpu.memory_space<vmem>>
      %dma_start3A_248 = tpu.memref_squeeze %dma_start3A_247 : memref<1x4096xf32, #tpu.memory_space<vmem>> -> memref<4096xf32, #tpu.memory_space<vmem>>
      %dma_start3A_249 = tpu.memref_slice %arg3[%mul3A_236] : memref<1000000xf32, #tpu.memory_space<hbm>> -> memref<4096xf32, #tpu.memory_space<hbm>>
      %dma_start3A_250 = arith.constant 0 : i32
      %dma_start3A_251 = tpu.memref_slice %arg13[%dma_start3A_245, %dma_start3A_250] : memref<8x4096xf32, #tpu.memory_space<vmem>> -> memref<1x4096xf32, #tpu.memory_space<vmem>>
      %dma_start3A_252 = tpu.memref_squeeze %dma_start3A_251 : memref<1x4096xf32, #tpu.memory_space<vmem>> -> memref<4096xf32, #tpu.memory_space<vmem>>
      %dma_start3A_253 = tpu.memref_slice %arg3[%mul3A_236] : memref<1000000xf32, #tpu.memory_space<hbm>> -> memref<4096xf32, #tpu.memory_space<hbm>>
      tpu.enqueue_dma source(%dma_start3A_253 : memref<4096xf32, #tpu.memory_space<hbm>>) target(%dma_start3A_252 : memref<4096xf32, #tpu.memory_space<vmem>>) target_semaphore(%arg17 : memref<!tpu.dma_semaphore, #tpu.memory_space<semaphore_mem>>)
      %dma_start3A_254 = arith.constant 2 : i32
      %dma_start3A_255 = arith.constant 0 : i32
      %dma_start3A_256 = tpu.memref_slice %arg13[%dma_start3A_254, %dma_start3A_255] : memref<8x4096xf32, #tpu.memory_space<vmem>> -> memref<1x4096xf32, #tpu.memory_space<vmem>>
      %dma_start3A_257 = tpu.memref_squeeze %dma_start3A_256 : memref<1x4096xf32, #tpu.memory_space<vmem>> -> memref<4096xf32, #tpu.memory_space<vmem>>
      %dma_start3A_258 = tpu.memref_slice %arg4[%mul3A_236] : memref<1000000xf32, #tpu.memory_space<hbm>> -> memref<4096xf32, #tpu.memory_space<hbm>>
      %dma_start3A_259 = arith.constant 0 : i32
      %dma_start3A_260 = tpu.memref_slice %arg13[%dma_start3A_254, %dma_start3A_259] : memref<8x4096xf32, #tpu.memory_space<vmem>> -> memref<1x4096xf32, #tpu.memory_space<vmem>>
      %dma_start3A_261 = tpu.memref_squeeze %dma_start3A_260 : memref<1x4096xf32, #tpu.memory_space<vmem>> -> memref<4096xf32, #tpu.memory_space<vmem>>
      %dma_start3A_262 = tpu.memref_slice %arg4[%mul3A_236] : memref<1000000xf32, #tpu.memory_space<hbm>> -> memref<4096xf32, #tpu.memory_space<hbm>>
      tpu.enqueue_dma source(%dma_start3A_262 : memref<4096xf32, #tpu.memory_space<hbm>>) target(%dma_start3A_261 : memref<4096xf32, #tpu.memory_space<vmem>>) target_semaphore(%arg17 : memref<!tpu.dma_semaphore, #tpu.memory_space<semaphore_mem>>)
      %dma_start3A_263 = arith.constant 3 : i32
      %dma_start3A_264 = arith.constant 0 : i32
      %dma_start3A_265 = tpu.memref_slice %arg13[%dma_start3A_263, %dma_start3A_264] : memref<8x4096xf32, #tpu.memory_space<vmem>> -> memref<1x4096xf32, #tpu.memory_space<vmem>>
      %dma_start3A_266 = tpu.memref_squeeze %dma_start3A_265 : memref<1x4096xf32, #tpu.memory_space<vmem>> -> memref<4096xf32, #tpu.memory_space<vmem>>
      %dma_start3A_267 = tpu.memref_slice %arg5[%mul3A_236] : memref<1000000xf32, #tpu.memory_space<hbm>> -> memref<4096xf32, #tpu.memory_space<hbm>>
      %dma_start3A_268 = arith.constant 0 : i32
      %dma_start3A_269 = tpu.memref_slice %arg13[%dma_start3A_263, %dma_start3A_268] : memref<8x4096xf32, #tpu.memory_space<vmem>> -> memref<1x4096xf32, #tpu.memory_space<vmem>>
      %dma_start3A_270 = tpu.memref_squeeze %dma_start3A_269 : memref<1x4096xf32, #tpu.memory_space<vmem>> -> memref<4096xf32, #tpu.memory_space<vmem>>
      %dma_start3A_271 = tpu.memref_slice %arg5[%mul3A_236] : memref<1000000xf32, #tpu.memory_space<hbm>> -> memref<4096xf32, #tpu.memory_space<hbm>>
      tpu.enqueue_dma source(%dma_start3A_271 : memref<4096xf32, #tpu.memory_space<hbm>>) target(%dma_start3A_270 : memref<4096xf32, #tpu.memory_space<vmem>>) target_semaphore(%arg17 : memref<!tpu.dma_semaphore, #tpu.memory_space<semaphore_mem>>)
      %dma_start3A_272 = arith.constant 4 : i32
      %dma_start3A_273 = arith.constant 0 : i32
      %dma_start3A_274 = tpu.memref_slice %arg13[%dma_start3A_272, %dma_start3A_273] : memref<8x4096xf32, #tpu.memory_space<vmem>> -> memref<1x4096xf32, #tpu.memory_space<vmem>>
      %dma_start3A_275 = tpu.memref_squeeze %dma_start3A_274 : memref<1x4096xf32, #tpu.memory_space<vmem>> -> memref<4096xf32, #tpu.memory_space<vmem>>
      %dma_start3A_276 = tpu.memref_slice %arg6[%mul3A_236] : memref<1000000xf32, #tpu.memory_space<hbm>> -> memref<4096xf32, #tpu.memory_space<hbm>>
      %dma_start3A_277 = arith.constant 0 : i32
      %dma_start3A_278 = tpu.memref_slice %arg13[%dma_start3A_272, %dma_start3A_277] : memref<8x4096xf32, #tpu.memory_space<vmem>> -> memref<1x4096xf32, #tpu.memory_space<vmem>>
      %dma_start3A_279 = tpu.memref_squeeze %dma_start3A_278 : memref<1x4096xf32, #tpu.memory_space<vmem>> -> memref<4096xf32, #tpu.memory_space<vmem>>
      %dma_start3A_280 = tpu.memref_slice %arg6[%mul3A_236] : memref<1000000xf32, #tpu.memory_space<hbm>> -> memref<4096xf32, #tpu.memory_space<hbm>>
      tpu.enqueue_dma source(%dma_start3A_280 : memref<4096xf32, #tpu.memory_space<hbm>>) target(%dma_start3A_279 : memref<4096xf32, #tpu.memory_space<vmem>>) target_semaphore(%arg17 : memref<!tpu.dma_semaphore, #tpu.memory_space<semaphore_mem>>)
      %dma_start3A_281 = arith.constant 5 : i32
      %dma_start3A_282 = arith.constant 0 : i32
      %dma_start3A_283 = tpu.memref_slice %arg13[%dma_start3A_281, %dma_start3A_282] : memref<8x4096xf32, #tpu.memory_space<vmem>> -> memref<1x4096xf32, #tpu.memory_space<vmem>>
      %dma_start3A_284 = tpu.memref_squeeze %dma_start3A_283 : memref<1x4096xf32, #tpu.memory_space<vmem>> -> memref<4096xf32, #tpu.memory_space<vmem>>
      %dma_start3A_285 = tpu.memref_slice %arg7[%mul3A_236] : memref<1000000xf32, #tpu.memory_space<hbm>> -> memref<4096xf32, #tpu.memory_space<hbm>>
      %dma_start3A_286 = arith.constant 0 : i32
      %dma_start3A_287 = tpu.memref_slice %arg13[%dma_start3A_281, %dma_start3A_286] : memref<8x4096xf32, #tpu.memory_space<vmem>> -> memref<1x4096xf32, #tpu.memory_space<vmem>>
      %dma_start3A_288 = tpu.memref_squeeze %dma_start3A_287 : memref<1x4096xf32, #tpu.memory_space<vmem>> -> memref<4096xf32, #tpu.memory_space<vmem>>
      %dma_start3A_289 = tpu.memref_slice %arg7[%mul3A_236] : memref<1000000xf32, #tpu.memory_space<hbm>> -> memref<4096xf32, #tpu.memory_space<hbm>>
      tpu.enqueue_dma source(%dma_start3A_289 : memref<4096xf32, #tpu.memory_space<hbm>>) target(%dma_start3A_288 : memref<4096xf32, #tpu.memory_space<vmem>>) target_semaphore(%arg17 : memref<!tpu.dma_semaphore, #tpu.memory_space<semaphore_mem>>)
      %dma_start3A_290 = arith.constant 6 : i32
      %dma_start3A_291 = arith.constant 0 : i32
      %dma_start3A_292 = tpu.memref_slice %arg13[%dma_start3A_290, %dma_start3A_291] : memref<8x4096xf32, #tpu.memory_space<vmem>> -> memref<1x4096xf32, #tpu.memory_space<vmem>>
      %dma_start3A_293 = tpu.memref_squeeze %dma_start3A_292 : memref<1x4096xf32, #tpu.memory_space<vmem>> -> memref<4096xf32, #tpu.memory_space<vmem>>
      %dma_start3A_294 = tpu.memref_slice %arg8[%mul3A_236] : memref<1000000xf32, #tpu.memory_space<hbm>> -> memref<4096xf32, #tpu.memory_space<hbm>>
      %dma_start3A_295 = arith.constant 0 : i32
      %dma_start3A_296 = tpu.memref_slice %arg13[%dma_start3A_290, %dma_start3A_295] : memref<8x4096xf32, #tpu.memory_space<vmem>> -> memref<1x4096xf32, #tpu.memory_space<vmem>>
      %dma_start3A_297 = tpu.memref_squeeze %dma_start3A_296 : memref<1x4096xf32, #tpu.memory_space<vmem>> -> memref<4096xf32, #tpu.memory_space<vmem>>
      %dma_start3A_298 = tpu.memref_slice %arg8[%mul3A_236] : memref<1000000xf32, #tpu.memory_space<hbm>> -> memref<4096xf32, #tpu.memory_space<hbm>>
      tpu.enqueue_dma source(%dma_start3A_298 : memref<4096xf32, #tpu.memory_space<hbm>>) target(%dma_start3A_297 : memref<4096xf32, #tpu.memory_space<vmem>>) target_semaphore(%arg17 : memref<!tpu.dma_semaphore, #tpu.memory_space<semaphore_mem>>)
      %dma_start3A_299 = arith.constant 7 : i32
      %dma_start3A_300 = arith.constant 0 : i32
      %dma_start3A_301 = tpu.memref_slice %arg13[%dma_start3A_299, %dma_start3A_300] : memref<8x4096xf32, #tpu.memory_space<vmem>> -> memref<1x4096xf32, #tpu.memory_space<vmem>>
      %dma_start3A_302 = tpu.memref_squeeze %dma_start3A_301 : memref<1x4096xf32, #tpu.memory_space<vmem>> -> memref<4096xf32, #tpu.memory_space<vmem>>
      %dma_start3A_303 = tpu.memref_slice %arg9[%mul3A_236] : memref<1000000xf32, #tpu.memory_space<hbm>> -> memref<4096xf32, #tpu.memory_space<hbm>>
      %dma_start3A_304 = arith.constant 0 : i32
      %dma_start3A_305 = tpu.memref_slice %arg13[%dma_start3A_299, %dma_start3A_304] : memref<8x4096xf32, #tpu.memory_space<vmem>> -> memref<1x4096xf32, #tpu.memory_space<vmem>>
      %dma_start3A_306 = tpu.memref_squeeze %dma_start3A_305 : memref<1x4096xf32, #tpu.memory_space<vmem>> -> memref<4096xf32, #tpu.memory_space<vmem>>
      %dma_start3A_307 = tpu.memref_slice %arg9[%mul3A_236] : memref<1000000xf32, #tpu.memory_space<hbm>> -> memref<4096xf32, #tpu.memory_space<hbm>>
      tpu.enqueue_dma source(%dma_start3A_307 : memref<4096xf32, #tpu.memory_space<hbm>>) target(%dma_start3A_306 : memref<4096xf32, #tpu.memory_space<vmem>>) target_semaphore(%arg17 : memref<!tpu.dma_semaphore, #tpu.memory_space<semaphore_mem>>)
      %dma_wait3A_308 = arith.constant 0 : i32
      %dma_wait3A_309 = arith.constant 0 : i32
      %dma_wait3A_310 = tpu.memref_slice %arg13[%dma_wait3A_308, %dma_wait3A_309] : memref<8x4096xf32, #tpu.memory_space<vmem>> -> memref<1x4096xf32, #tpu.memory_space<vmem>>
      %dma_wait3A_311 = tpu.memref_squeeze %dma_wait3A_310 : memref<1x4096xf32, #tpu.memory_space<vmem>> -> memref<4096xf32, #tpu.memory_space<vmem>>
      %dma_wait3A_312 = tpu.memref_slice %arg2[%mul3A_236] : memref<1000000xf32, #tpu.memory_space<hbm>> -> memref<4096xf32, #tpu.memory_space<hbm>>
      %dma_wait3A_313 = arith.constant 0 : i32
      %dma_wait3A_314 = tpu.memref_slice %arg13[%dma_wait3A_308, %dma_wait3A_313] : memref<8x4096xf32, #tpu.memory_space<vmem>> -> memref<1x4096xf32, #tpu.memory_space<vmem>>
      %dma_wait3A_315 = tpu.memref_squeeze %dma_wait3A_314 : memref<1x4096xf32, #tpu.memory_space<vmem>> -> memref<4096xf32, #tpu.memory_space<vmem>>
      %dma_wait3A_316 = tpu.memref_slice %arg2[%mul3A_236] : memref<1000000xf32, #tpu.memory_space<hbm>> -> memref<4096xf32, #tpu.memory_space<hbm>>
      tpu.wait_dma2 semaphore(%arg17 : memref<!tpu.dma_semaphore, #tpu.memory_space<semaphore_mem>>) src(%dma_wait3A_316 : memref<4096xf32, #tpu.memory_space<hbm>>) dst(%dma_wait3A_315 : memref<4096xf32, #tpu.memory_space<vmem>>)
      %dma_wait3A_317 = arith.constant 1 : i32
      %dma_wait3A_318 = arith.constant 0 : i32
      %dma_wait3A_319 = tpu.memref_slice %arg13[%dma_wait3A_317, %dma_wait3A_318] : memref<8x4096xf32, #tpu.memory_space<vmem>> -> memref<1x4096xf32, #tpu.memory_space<vmem>>
      %dma_wait3A_320 = tpu.memref_squeeze %dma_wait3A_319 : memref<1x4096xf32, #tpu.memory_space<vmem>> -> memref<4096xf32, #tpu.memory_space<vmem>>
      %dma_wait3A_321 = tpu.memref_slice %arg3[%mul3A_236] : memref<1000000xf32, #tpu.memory_space<hbm>> -> memref<4096xf32, #tpu.memory_space<hbm>>
      %dma_wait3A_322 = arith.constant 0 : i32
      %dma_wait3A_323 = tpu.memref_slice %arg13[%dma_wait3A_317, %dma_wait3A_322] : memref<8x4096xf32, #tpu.memory_space<vmem>> -> memref<1x4096xf32, #tpu.memory_space<vmem>>
      %dma_wait3A_324 = tpu.memref_squeeze %dma_wait3A_323 : memref<1x4096xf32, #tpu.memory_space<vmem>> -> memref<4096xf32, #tpu.memory_space<vmem>>
      %dma_wait3A_325 = tpu.memref_slice %arg3[%mul3A_236] : memref<1000000xf32, #tpu.memory_space<hbm>> -> memref<4096xf32, #tpu.memory_space<hbm>>
      tpu.wait_dma2 semaphore(%arg17 : memref<!tpu.dma_semaphore, #tpu.memory_space<semaphore_mem>>) src(%dma_wait3A_325 : memref<4096xf32, #tpu.memory_space<hbm>>) dst(%dma_wait3A_324 : memref<4096xf32, #tpu.memory_space<vmem>>)
      %dma_wait3A_326 = arith.constant 2 : i32
      %dma_wait3A_327 = arith.constant 0 : i32
      %dma_wait3A_328 = tpu.memref_slice %arg13[%dma_wait3A_326, %dma_wait3A_327] : memref<8x4096xf32, #tpu.memory_space<vmem>> -> memref<1x4096xf32, #tpu.memory_space<vmem>>
      %dma_wait3A_329 = tpu.memref_squeeze %dma_wait3A_328 : memref<1x4096xf32, #tpu.memory_space<vmem>> -> memref<4096xf32, #tpu.memory_space<vmem>>
      %dma_wait3A_330 = tpu.memref_slice %arg4[%mul3A_236] : memref<1000000xf32, #tpu.memory_space<hbm>> -> memref<4096xf32, #tpu.memory_space<hbm>>
      %dma_wait3A_331 = arith.constant 0 : i32
      %dma_wait3A_332 = tpu.memref_slice %arg13[%dma_wait3A_326, %dma_wait3A_331] : memref<8x4096xf32, #tpu.memory_space<vmem>> -> memref<1x4096xf32, #tpu.memory_space<vmem>>
      %dma_wait3A_333 = tpu.memref_squeeze %dma_wait3A_332 : memref<1x4096xf32, #tpu.memory_space<vmem>> -> memref<4096xf32, #tpu.memory_space<vmem>>
      %dma_wait3A_334 = tpu.memref_slice %arg4[%mul3A_236] : memref<1000000xf32, #tpu.memory_space<hbm>> -> memref<4096xf32, #tpu.memory_space<hbm>>
      tpu.wait_dma2 semaphore(%arg17 : memref<!tpu.dma_semaphore, #tpu.memory_space<semaphore_mem>>) src(%dma_wait3A_334 : memref<4096xf32, #tpu.memory_space<hbm>>) dst(%dma_wait3A_333 : memref<4096xf32, #tpu.memory_space<vmem>>)
      %dma_wait3A_335 = arith.constant 3 : i32
      %dma_wait3A_336 = arith.constant 0 : i32
      %dma_wait3A_337 = tpu.memref_slice %arg13[%dma_wait3A_335, %dma_wait3A_336] : memref<8x4096xf32, #tpu.memory_space<vmem>> -> memref<1x4096xf32, #tpu.memory_space<vmem>>
      %dma_wait3A_338 = tpu.memref_squeeze %dma_wait3A_337 : memref<1x4096xf32, #tpu.memory_space<vmem>> -> memref<4096xf32, #tpu.memory_space<vmem>>
      %dma_wait3A_339 = tpu.memref_slice %arg5[%mul3A_236] : memref<1000000xf32, #tpu.memory_space<hbm>> -> memref<4096xf32, #tpu.memory_space<hbm>>
      %dma_wait3A_340 = arith.constant 0 : i32
      %dma_wait3A_341 = tpu.memref_slice %arg13[%dma_wait3A_335, %dma_wait3A_340] : memref<8x4096xf32, #tpu.memory_space<vmem>> -> memref<1x4096xf32, #tpu.memory_space<vmem>>
      %dma_wait3A_342 = tpu.memref_squeeze %dma_wait3A_341 : memref<1x4096xf32, #tpu.memory_space<vmem>> -> memref<4096xf32, #tpu.memory_space<vmem>>
      %dma_wait3A_343 = tpu.memref_slice %arg5[%mul3A_236] : memref<1000000xf32, #tpu.memory_space<hbm>> -> memref<4096xf32, #tpu.memory_space<hbm>>
      tpu.wait_dma2 semaphore(%arg17 : memref<!tpu.dma_semaphore, #tpu.memory_space<semaphore_mem>>) src(%dma_wait3A_343 : memref<4096xf32, #tpu.memory_space<hbm>>) dst(%dma_wait3A_342 : memref<4096xf32, #tpu.memory_space<vmem>>)
      %dma_wait3A_344 = arith.constant 4 : i32
      %dma_wait3A_345 = arith.constant 0 : i32
      %dma_wait3A_346 = tpu.memref_slice %arg13[%dma_wait3A_344, %dma_wait3A_345] : memref<8x4096xf32, #tpu.memory_space<vmem>> -> memref<1x4096xf32, #tpu.memory_space<vmem>>
      %dma_wait3A_347 = tpu.memref_squeeze %dma_wait3A_346 : memref<1x4096xf32, #tpu.memory_space<vmem>> -> memref<4096xf32, #tpu.memory_space<vmem>>
      %dma_wait3A_348 = tpu.memref_slice %arg6[%mul3A_236] : memref<1000000xf32, #tpu.memory_space<hbm>> -> memref<4096xf32, #tpu.memory_space<hbm>>
      %dma_wait3A_349 = arith.constant 0 : i32
      %dma_wait3A_350 = tpu.memref_slice %arg13[%dma_wait3A_344, %dma_wait3A_349] : memref<8x4096xf32, #tpu.memory_space<vmem>> -> memref<1x4096xf32, #tpu.memory_space<vmem>>
      %dma_wait3A_351 = tpu.memref_squeeze %dma_wait3A_350 : memref<1x4096xf32, #tpu.memory_space<vmem>> -> memref<4096xf32, #tpu.memory_space<vmem>>
      %dma_wait3A_352 = tpu.memref_slice %arg6[%mul3A_236] : memref<1000000xf32, #tpu.memory_space<hbm>> -> memref<4096xf32, #tpu.memory_space<hbm>>
      tpu.wait_dma2 semaphore(%arg17 : memref<!tpu.dma_semaphore, #tpu.memory_space<semaphore_mem>>) src(%dma_wait3A_352 : memref<4096xf32, #tpu.memory_space<hbm>>) dst(%dma_wait3A_351 : memref<4096xf32, #tpu.memory_space<vmem>>)
      %dma_wait3A_353 = arith.constant 5 : i32
      %dma_wait3A_354 = arith.constant 0 : i32
      %dma_wait3A_355 = tpu.memref_slice %arg13[%dma_wait3A_353, %dma_wait3A_354] : memref<8x4096xf32, #tpu.memory_space<vmem>> -> memref<1x4096xf32, #tpu.memory_space<vmem>>
      %dma_wait3A_356 = tpu.memref_squeeze %dma_wait3A_355 : memref<1x4096xf32, #tpu.memory_space<vmem>> -> memref<4096xf32, #tpu.memory_space<vmem>>
      %dma_wait3A_357 = tpu.memref_slice %arg7[%mul3A_236] : memref<1000000xf32, #tpu.memory_space<hbm>> -> memref<4096xf32, #tpu.memory_space<hbm>>
      %dma_wait3A_358 = arith.constant 0 : i32
      %dma_wait3A_359 = tpu.memref_slice %arg13[%dma_wait3A_353, %dma_wait3A_358] : memref<8x4096xf32, #tpu.memory_space<vmem>> -> memref<1x4096xf32, #tpu.memory_space<vmem>>
      %dma_wait3A_360 = tpu.memref_squeeze %dma_wait3A_359 : memref<1x4096xf32, #tpu.memory_space<vmem>> -> memref<4096xf32, #tpu.memory_space<vmem>>
      %dma_wait3A_361 = tpu.memref_slice %arg7[%mul3A_236] : memref<1000000xf32, #tpu.memory_space<hbm>> -> memref<4096xf32, #tpu.memory_space<hbm>>
      tpu.wait_dma2 semaphore(%arg17 : memref<!tpu.dma_semaphore, #tpu.memory_space<semaphore_mem>>) src(%dma_wait3A_361 : memref<4096xf32, #tpu.memory_space<hbm>>) dst(%dma_wait3A_360 : memref<4096xf32, #tpu.memory_space<vmem>>)
      %dma_wait3A_362 = arith.constant 6 : i32
      %dma_wait3A_363 = arith.constant 0 : i32
      %dma_wait3A_364 = tpu.memref_slice %arg13[%dma_wait3A_362, %dma_wait3A_363] : memref<8x4096xf32, #tpu.memory_space<vmem>> -> memref<1x4096xf32, #tpu.memory_space<vmem>>
      %dma_wait3A_365 = tpu.memref_squeeze %dma_wait3A_364 : memref<1x4096xf32, #tpu.memory_space<vmem>> -> memref<4096xf32, #tpu.memory_space<vmem>>
      %dma_wait3A_366 = tpu.memref_slice %arg8[%mul3A_236] : memref<1000000xf32, #tpu.memory_space<hbm>> -> memref<4096xf32, #tpu.memory_space<hbm>>
      %dma_wait3A_367 = arith.constant 0 : i32
      %dma_wait3A_368 = tpu.memref_slice %arg13[%dma_wait3A_362, %dma_wait3A_367] : memref<8x4096xf32, #tpu.memory_space<vmem>> -> memref<1x4096xf32, #tpu.memory_space<vmem>>
      %dma_wait3A_369 = tpu.memref_squeeze %dma_wait3A_368 : memref<1x4096xf32, #tpu.memory_space<vmem>> -> memref<4096xf32, #tpu.memory_space<vmem>>
      %dma_wait3A_370 = tpu.memref_slice %arg8[%mul3A_236] : memref<1000000xf32, #tpu.memory_space<hbm>> -> memref<4096xf32, #tpu.memory_space<hbm>>
      tpu.wait_dma2 semaphore(%arg17 : memref<!tpu.dma_semaphore, #tpu.memory_space<semaphore_mem>>) src(%dma_wait3A_370 : memref<4096xf32, #tpu.memory_space<hbm>>) dst(%dma_wait3A_369 : memref<4096xf32, #tpu.memory_space<vmem>>)
      %dma_wait3A_371 = arith.constant 7 : i32
      %dma_wait3A_372 = arith.constant 0 : i32
      %dma_wait3A_373 = tpu.memref_slice %arg13[%dma_wait3A_371, %dma_wait3A_372] : memref<8x4096xf32, #tpu.memory_space<vmem>> -> memref<1x4096xf32, #tpu.memory_space<vmem>>
      %dma_wait3A_374 = tpu.memref_squeeze %dma_wait3A_373 : memref<1x4096xf32, #tpu.memory_space<vmem>> -> memref<4096xf32, #tpu.memory_space<vmem>>
      %dma_wait3A_375 = tpu.memref_slice %arg9[%mul3A_236] : memref<1000000xf32, #tpu.memory_space<hbm>> -> memref<4096xf32, #tpu.memory_space<hbm>>
      %dma_wait3A_376 = arith.constant 0 : i32
      %dma_wait3A_377 = tpu.memref_slice %arg13[%dma_wait3A_371, %dma_wait3A_376] : memref<8x4096xf32, #tpu.memory_space<vmem>> -> memref<1x4096xf32, #tpu.memory_space<vmem>>
      %dma_wait3A_378 = tpu.memref_squeeze %dma_wait3A_377 : memref<1x4096xf32, #tpu.memory_space<vmem>> -> memref<4096xf32, #tpu.memory_space<vmem>>
      %dma_wait3A_379 = tpu.memref_slice %arg9[%mul3A_236] : memref<1000000xf32, #tpu.memory_space<hbm>> -> memref<4096xf32, #tpu.memory_space<hbm>>
      tpu.wait_dma2 semaphore(%arg17 : memref<!tpu.dma_semaphore, #tpu.memory_space<semaphore_mem>>) src(%dma_wait3A_379 : memref<4096xf32, #tpu.memory_space<hbm>>) dst(%dma_wait3A_378 : memref<4096xf32, #tpu.memory_space<vmem>>)
      %gt3A = arith.constant 0 : i32
      %gt3A_380 = arith.cmpi sgt, %while3A_231, %gt3A : i32
      %convert_element_type3A_381 = arith.extui %gt3A_380 : i1 to i32
      %cond3A_382 = arith.constant 0 : i32
      %cond3A_383 = arith.cmpi ne, %convert_element_type3A_381, %cond3A_382 : i32
      scf.if %cond3A_383 {
        %dma_wait3A_392 = arith.constant 0 : i32
        %dma_wait3A_393 = arith.constant 0 : i32
        %dma_wait3A_394 = tpu.memref_slice %arg12[%arg0, %dma_wait3A_392, %dma_wait3A_393] : memref<2x1000000x8xf32, #tpu.memory_space<hbm>> -> memref<1x4096x8xf32, #tpu.memory_space<hbm>>
        %dma_wait3A_395 = tpu.memref_squeeze %dma_wait3A_394 : memref<1x4096x8xf32, #tpu.memory_space<hbm>> -> memref<4096x8xf32, #tpu.memory_space<hbm>>
        %dma_wait3A_396 = arith.constant 0 : i32
        %dma_wait3A_397 = arith.constant 0 : i32
        %dma_wait3A_398 = tpu.memref_slice %arg12[%arg0, %dma_wait3A_396, %dma_wait3A_397] : memref<2x1000000x8xf32, #tpu.memory_space<hbm>> -> memref<1x4096x8xf32, #tpu.memory_space<hbm>>
        %dma_wait3A_399 = tpu.memref_squeeze %dma_wait3A_398 : memref<1x4096x8xf32, #tpu.memory_space<hbm>> -> memref<4096x8xf32, #tpu.memory_space<hbm>>
        tpu.wait_dma2 semaphore(%arg17 : memref<!tpu.dma_semaphore, #tpu.memory_space<semaphore_mem>>) src(%arg15 : memref<4096x8xf32, #tpu.memory_space<vmem>>) dst(%dma_wait3A_399 : memref<4096x8xf32, #tpu.memory_space<hbm>>)
      } else {
      }
      %parallel_loop3A = arith.constant 0 : i32
      %parallel_loop3A_384 = arith.constant 256 : i32
      %parallel_loop3A_385 = arith.constant 1 : i32
      scf.for %parallel_loop3A_392 = %parallel_loop3A to %parallel_loop3A_384 step %parallel_loop3A_385  : i32 {
        %parallel_loop3A_393 = arith.constant 16 : i32
        %parallel_loop3A_394 = arith.muli %parallel_loop3A_392, %parallel_loop3A_393 : i32
        %parallel_loop3A_395 = vector.broadcast %parallel_loop3A_394 : i32 to vector<16xi32>
        %parallel_loop3A_396 = arith.addi %parallel_loop3A_395, %iota3A : vector<16xi32>
        %parallel_loop3A_397 = arith.constant 16 : i32
        %parallel_loop3A_398 = arith.muli %parallel_loop3A_392, %parallel_loop3A_397 : i32
        %parallel_loop3A_399 = arith.constant 0 : i32
        %parallel_loop3A_400 = arith.index_cast %parallel_loop3A_399 : i32 to index
        %parallel_loop3A_401 = arith.index_cast %parallel_loop3A_398 : i32 to index
        %parallel_loop3A_402 = tpu.vector_load %arg13[%parallel_loop3A_400, %parallel_loop3A_401] {strides = array<i32>} : memref<8x4096xf32, #tpu.memory_space<vmem>>, vector<16xf32>,
        tpu.vector_store_idx %arg15[%parallel_loop3A_396, %broadcast_in_dim3A_0], %parallel_loop3A_402 : memref<4096x8xf32, #tpu.memory_space<vmem>>[vector<16xi32>, vector<16xi32>], vector<16xf32>,
        %parallel_loop3A_403 = arith.constant 16 : i32
        %parallel_loop3A_404 = arith.muli %parallel_loop3A_392, %parallel_loop3A_403 : i32
        %parallel_loop3A_405 = arith.constant 1 : i32
        %parallel_loop3A_406 = arith.index_cast %parallel_loop3A_405 : i32 to index
        %parallel_loop3A_407 = arith.index_cast %parallel_loop3A_404 : i32 to index
        %parallel_loop3A_408 = tpu.vector_load %arg13[%parallel_loop3A_406, %parallel_loop3A_407] {strides = array<i32>} : memref<8x4096xf32, #tpu.memory_space<vmem>>, vector<16xf32>,
        tpu.vector_store_idx %arg15[%parallel_loop3A_396, %broadcast_in_dim3A_2], %parallel_loop3A_408 : memref<4096x8xf32, #tpu.memory_space<vmem>>[vector<16xi32>, vector<16xi32>], vector<16xf32>,
        %parallel_loop3A_409 = arith.constant 16 : i32
        %parallel_loop3A_410 = arith.muli %parallel_loop3A_392, %parallel_loop3A_409 : i32
        %parallel_loop3A_411 = arith.constant 2 : i32
        %parallel_loop3A_412 = arith.index_cast %parallel_loop3A_411 : i32 to index
        %parallel_loop3A_413 = arith.index_cast %parallel_loop3A_410 : i32 to index
        %parallel_loop3A_414 = tpu.vector_load %arg13[%parallel_loop3A_412, %parallel_loop3A_413] {strides = array<i32>} : memref<8x4096xf32, #tpu.memory_space<vmem>>, vector<16xf32>,
        tpu.vector_store_idx %arg15[%parallel_loop3A_396, %broadcast_in_dim3A_4], %parallel_loop3A_414 : memref<4096x8xf32, #tpu.memory_space<vmem>>[vector<16xi32>, vector<16xi32>], vector<16xf32>,
        %parallel_loop3A_415 = arith.constant 16 : i32
        %parallel_loop3A_416 = arith.muli %parallel_loop3A_392, %parallel_loop3A_415 : i32
        %parallel_loop3A_417 = arith.constant 3 : i32
        %parallel_loop3A_418 = arith.index_cast %parallel_loop3A_417 : i32 to index
        %parallel_loop3A_419 = arith.index_cast %parallel_loop3A_416 : i32 to index
        %parallel_loop3A_420 = tpu.vector_load %arg13[%parallel_loop3A_418, %parallel_loop3A_419] {strides = array<i32>} : memref<8x4096xf32, #tpu.memory_space<vmem>>, vector<16xf32>,
        tpu.vector_store_idx %arg15[%parallel_loop3A_396, %broadcast_in_dim3A_6], %parallel_loop3A_420 : memref<4096x8xf32, #tpu.memory_space<vmem>>[vector<16xi32>, vector<16xi32>], vector<16xf32>,
        %parallel_loop3A_421 = arith.constant 16 : i32
        %parallel_loop3A_422 = arith.muli %parallel_loop3A_392, %parallel_loop3A_421 : i32
        %parallel_loop3A_423 = arith.constant 4 : i32
        %parallel_loop3A_424 = arith.index_cast %parallel_loop3A_423 : i32 to index
        %parallel_loop3A_425 = arith.index_cast %parallel_loop3A_422 : i32 to index
        %parallel_loop3A_426 = tpu.vector_load %arg13[%parallel_loop3A_424, %parallel_loop3A_425] {strides = array<i32>} : memref<8x4096xf32, #tpu.memory_space<vmem>>, vector<16xf32>,
        tpu.vector_store_idx %arg15[%parallel_loop3A_396, %broadcast_in_dim3A_8], %parallel_loop3A_426 : memref<4096x8xf32, #tpu.memory_space<vmem>>[vector<16xi32>, vector<16xi32>], vector<16xf32>,
        %parallel_loop3A_427 = arith.constant 16 : i32
        %parallel_loop3A_428 = arith.muli %parallel_loop3A_392, %parallel_loop3A_427 : i32
        %parallel_loop3A_429 = arith.constant 5 : i32
        %parallel_loop3A_430 = arith.index_cast %parallel_loop3A_429 : i32 to index
        %parallel_loop3A_431 = arith.index_cast %parallel_loop3A_428 : i32 to index
        %parallel_loop3A_432 = tpu.vector_load %arg13[%parallel_loop3A_430, %parallel_loop3A_431] {strides = array<i32>} : memref<8x4096xf32, #tpu.memory_space<vmem>>, vector<16xf32>,
        tpu.vector_store_idx %arg15[%parallel_loop3A_396, %broadcast_in_dim3A_10], %parallel_loop3A_432 : memref<4096x8xf32, #tpu.memory_space<vmem>>[vector<16xi32>, vector<16xi32>], vector<16xf32>,
        %parallel_loop3A_433 = arith.constant 16 : i32
        %parallel_loop3A_434 = arith.muli %parallel_loop3A_392, %parallel_loop3A_433 : i32
        %parallel_loop3A_435 = arith.constant 6 : i32
        %parallel_loop3A_436 = arith.index_cast %parallel_loop3A_435 : i32 to index
        %parallel_loop3A_437 = arith.index_cast %parallel_loop3A_434 : i32 to index
        %parallel_loop3A_438 = tpu.vector_load %arg13[%parallel_loop3A_436, %parallel_loop3A_437] {strides = array<i32>} : memref<8x4096xf32, #tpu.memory_space<vmem>>, vector<16xf32>,
        tpu.vector_store_idx %arg15[%parallel_loop3A_396, %broadcast_in_dim3A_12], %parallel_loop3A_438 : memref<4096x8xf32, #tpu.memory_space<vmem>>[vector<16xi32>, vector<16xi32>], vector<16xf32>,
        %parallel_loop3A_439 = arith.constant 16 : i32
        %parallel_loop3A_440 = arith.muli %parallel_loop3A_392, %parallel_loop3A_439 : i32
        %parallel_loop3A_441 = arith.constant 7 : i32
        %parallel_loop3A_442 = arith.index_cast %parallel_loop3A_441 : i32 to index
        %parallel_loop3A_443 = arith.index_cast %parallel_loop3A_440 : i32 to index
        %parallel_loop3A_444 = tpu.vector_load %arg13[%parallel_loop3A_442, %parallel_loop3A_443] {strides = array<i32>} : memref<8x4096xf32, #tpu.memory_space<vmem>>, vector<16xf32>,
        tpu.vector_store_idx %arg15[%parallel_loop3A_396, %broadcast_in_dim3A_14], %parallel_loop3A_444 : memref<4096x8xf32, #tpu.memory_space<vmem>>[vector<16xi32>, vector<16xi32>], vector<16xf32>,
      } {sc.loop_unroll_factor = 4 : i64, sc.parallel_access}
      %dma_start3A_386 = arith.constant 0 : i32
      %dma_start3A_387 = tpu.memref_slice %arg12[%arg0, %mul3A_236, %dma_start3A_386] : memref<2x1000000x8xf32, #tpu.memory_space<hbm>> -> memref<1x4096x8xf32, #tpu.memory_space<hbm>>
      %dma_start3A_388 = tpu.memref_squeeze %dma_start3A_387 : memref<1x4096x8xf32, #tpu.memory_space<hbm>> -> memref<4096x8xf32, #tpu.memory_space<hbm>>
      %dma_start3A_389 = arith.constant 0 : i32
      %dma_start3A_390 = tpu.memref_slice %arg12[%arg0, %mul3A_236, %dma_start3A_389] : memref<2x1000000x8xf32, #tpu.memory_space<hbm>> -> memref<1x4096x8xf32, #tpu.memory_space<hbm>>
      %dma_start3A_391 = tpu.memref_squeeze %dma_start3A_390 : memref<1x4096x8xf32, #tpu.memory_space<hbm>> -> memref<4096x8xf32, #tpu.memory_space<hbm>>
      tpu.enqueue_dma source(%arg15 : memref<4096x8xf32, #tpu.memory_space<vmem>>) target(%dma_start3A_391 : memref<4096x8xf32, #tpu.memory_space<hbm>>) target_semaphore(%arg17 : memref<!tpu.dma_semaphore, #tpu.memory_space<semaphore_mem>>)
    }
    %dma_wait3A = arith.constant 0 : i32
    %dma_wait3A_26 = arith.constant 0 : i32
    %dma_wait3A_27 = tpu.memref_slice %arg12[%arg0, %dma_wait3A, %dma_wait3A_26] : memref<2x1000000x8xf32, #tpu.memory_space<hbm>> -> memref<1x4096x8xf32, #tpu.memory_space<hbm>>
    %dma_wait3A_28 = tpu.memref_squeeze %dma_wait3A_27 : memref<1x4096x8xf32, #tpu.memory_space<hbm>> -> memref<4096x8xf32, #tpu.memory_space<hbm>>
    %dma_wait3A_29 = arith.constant 0 : i32
    %dma_wait3A_30 = arith.constant 0 : i32
    %dma_wait3A_31 = tpu.memref_slice %arg12[%arg0, %dma_wait3A_29, %dma_wait3A_30] : memref<2x1000000x8xf32, #tpu.memory_space<hbm>> -> memref<1x4096x8xf32, #tpu.memory_space<hbm>>
    %dma_wait3A_32 = tpu.memref_squeeze %dma_wait3A_31 : memref<1x4096x8xf32, #tpu.memory_space<hbm>> -> memref<4096x8xf32, #tpu.memory_space<hbm>>
    tpu.wait_dma2 semaphore(%arg17 : memref<!tpu.dma_semaphore, #tpu.memory_space<semaphore_mem>>) src(%arg15 : memref<4096x8xf32, #tpu.memory_space<vmem>>) dst(%dma_wait3A_32 : memref<4096x8xf32, #tpu.memory_space<hbm>>)
    %eq3A = arith.constant 4 : i32
    %eq3A_33 = arith.cmpi eq, %arg1, %eq3A : i32
    %convert_element_type3A = arith.extui %eq3A_33 : i1 to i32
    %cond3A = arith.constant 0 : i32
    %cond3A_34 = arith.cmpi ne, %convert_element_type3A, %cond3A : i32
    scf.if %cond3A_34 {
      %dma_start3A = arith.constant 0 : i32
      %dma_start3A_231 = arith.constant 0 : i32
      %dma_start3A_232 = tpu.memref_slice %arg13[%dma_start3A, %dma_start3A_231] : memref<8x4096xf32, #tpu.memory_space<vmem>> -> memref<1x576xf32, #tpu.memory_space<vmem>>
      %dma_start3A_233 = tpu.memref_squeeze %dma_start3A_232 : memref<1x576xf32, #tpu.memory_space<vmem>> -> memref<576xf32, #tpu.memory_space<vmem>>
      %dma_start3A_234 = arith.constant 999424 : i32
      %dma_start3A_235 = tpu.memref_slice %arg2[%dma_start3A_234] : memref<1000000xf32, #tpu.memory_space<hbm>> -> memref<576xf32, #tpu.memory_space<hbm>>
      %dma_start3A_236 = arith.constant 0 : i32
      %dma_start3A_237 = tpu.memref_slice %arg13[%dma_start3A, %dma_start3A_236] : memref<8x4096xf32, #tpu.memory_space<vmem>> -> memref<1x576xf32, #tpu.memory_space<vmem>>
      %dma_start3A_238 = tpu.memref_squeeze %dma_start3A_237 : memref<1x576xf32, #tpu.memory_space<vmem>> -> memref<576xf32, #tpu.memory_space<vmem>>
      %dma_start3A_239 = arith.constant 999424 : i32
      %dma_start3A_240 = tpu.memref_slice %arg2[%dma_start3A_239] : memref<1000000xf32, #tpu.memory_space<hbm>> -> memref<576xf32, #tpu.memory_space<hbm>>
      tpu.enqueue_dma source(%dma_start3A_240 : memref<576xf32, #tpu.memory_space<hbm>>) target(%dma_start3A_238 : memref<576xf32, #tpu.memory_space<vmem>>) target_semaphore(%arg17 : memref<!tpu.dma_semaphore, #tpu.memory_space<semaphore_mem>>)
      %dma_start3A_241 = arith.constant 1 : i32
      %dma_start3A_242 = arith.constant 0 : i32
      %dma_start3A_243 = tpu.memref_slice %arg13[%dma_start3A_241, %dma_start3A_242] : memref<8x4096xf32, #tpu.memory_space<vmem>> -> memref<1x576xf32, #tpu.memory_space<vmem>>
      %dma_start3A_244 = tpu.memref_squeeze %dma_start3A_243 : memref<1x576xf32, #tpu.memory_space<vmem>> -> memref<576xf32, #tpu.memory_space<vmem>>
      %dma_start3A_245 = arith.constant 999424 : i32
      %dma_start3A_246 = tpu.memref_slice %arg3[%dma_start3A_245] : memref<1000000xf32, #tpu.memory_space<hbm>> -> memref<576xf32, #tpu.memory_space<hbm>>
      %dma_start3A_247 = arith.constant 0 : i32
      %dma_start3A_248 = tpu.memref_slice %arg13[%dma_start3A_241, %dma_start3A_247] : memref<8x4096xf32, #tpu.memory_space<vmem>> -> memref<1x576xf32, #tpu.memory_space<vmem>>
      %dma_start3A_249 = tpu.memref_squeeze %dma_start3A_248 : memref<1x576xf32, #tpu.memory_space<vmem>> -> memref<576xf32, #tpu.memory_space<vmem>>
      %dma_start3A_250 = arith.constant 999424 : i32
      %dma_start3A_251 = tpu.memref_slice %arg3[%dma_start3A_250] : memref<1000000xf32, #tpu.memory_space<hbm>> -> memref<576xf32, #tpu.memory_space<hbm>>
      tpu.enqueue_dma source(%dma_start3A_251 : memref<576xf32, #tpu.memory_space<hbm>>) target(%dma_start3A_249 : memref<576xf32, #tpu.memory_space<vmem>>) target_semaphore(%arg17 : memref<!tpu.dma_semaphore, #tpu.memory_space<semaphore_mem>>)
      %dma_start3A_252 = arith.constant 2 : i32
      %dma_start3A_253 = arith.constant 0 : i32
      %dma_start3A_254 = tpu.memref_slice %arg13[%dma_start3A_252, %dma_start3A_253] : memref<8x4096xf32, #tpu.memory_space<vmem>> -> memref<1x576xf32, #tpu.memory_space<vmem>>
      %dma_start3A_255 = tpu.memref_squeeze %dma_start3A_254 : memref<1x576xf32, #tpu.memory_space<vmem>> -> memref<576xf32, #tpu.memory_space<vmem>>
      %dma_start3A_256 = arith.constant 999424 : i32
      %dma_start3A_257 = tpu.memref_slice %arg4[%dma_start3A_256] : memref<1000000xf32, #tpu.memory_space<hbm>> -> memref<576xf32, #tpu.memory_space<hbm>>
      %dma_start3A_258 = arith.constant 0 : i32
      %dma_start3A_259 = tpu.memref_slice %arg13[%dma_start3A_252, %dma_start3A_258] : memref<8x4096xf32, #tpu.memory_space<vmem>> -> memref<1x576xf32, #tpu.memory_space<vmem>>
      %dma_start3A_260 = tpu.memref_squeeze %dma_start3A_259 : memref<1x576xf32, #tpu.memory_space<vmem>> -> memref<576xf32, #tpu.memory_space<vmem>>
      %dma_start3A_261 = arith.constant 999424 : i32
      %dma_start3A_262 = tpu.memref_slice %arg4[%dma_start3A_261] : memref<1000000xf32, #tpu.memory_space<hbm>> -> memref<576xf32, #tpu.memory_space<hbm>>
      tpu.enqueue_dma source(%dma_start3A_262 : memref<576xf32, #tpu.memory_space<hbm>>) target(%dma_start3A_260 : memref<576xf32, #tpu.memory_space<vmem>>) target_semaphore(%arg17 : memref<!tpu.dma_semaphore, #tpu.memory_space<semaphore_mem>>)
      %dma_start3A_263 = arith.constant 3 : i32
      %dma_start3A_264 = arith.constant 0 : i32
      %dma_start3A_265 = tpu.memref_slice %arg13[%dma_start3A_263, %dma_start3A_264] : memref<8x4096xf32, #tpu.memory_space<vmem>> -> memref<1x576xf32, #tpu.memory_space<vmem>>
      %dma_start3A_266 = tpu.memref_squeeze %dma_start3A_265 : memref<1x576xf32, #tpu.memory_space<vmem>> -> memref<576xf32, #tpu.memory_space<vmem>>
      %dma_start3A_267 = arith.constant 999424 : i32
      %dma_start3A_268 = tpu.memref_slice %arg5[%dma_start3A_267] : memref<1000000xf32, #tpu.memory_space<hbm>> -> memref<576xf32, #tpu.memory_space<hbm>>
      %dma_start3A_269 = arith.constant 0 : i32
      %dma_start3A_270 = tpu.memref_slice %arg13[%dma_start3A_263, %dma_start3A_269] : memref<8x4096xf32, #tpu.memory_space<vmem>> -> memref<1x576xf32, #tpu.memory_space<vmem>>
      %dma_start3A_271 = tpu.memref_squeeze %dma_start3A_270 : memref<1x576xf32, #tpu.memory_space<vmem>> -> memref<576xf32, #tpu.memory_space<vmem>>
      %dma_start3A_272 = arith.constant 999424 : i32
      %dma_start3A_273 = tpu.memref_slice %arg5[%dma_start3A_272] : memref<1000000xf32, #tpu.memory_space<hbm>> -> memref<576xf32, #tpu.memory_space<hbm>>
      tpu.enqueue_dma source(%dma_start3A_273 : memref<576xf32, #tpu.memory_space<hbm>>) target(%dma_start3A_271 : memref<576xf32, #tpu.memory_space<vmem>>) target_semaphore(%arg17 : memref<!tpu.dma_semaphore, #tpu.memory_space<semaphore_mem>>)
      %dma_start3A_274 = arith.constant 4 : i32
      %dma_start3A_275 = arith.constant 0 : i32
      %dma_start3A_276 = tpu.memref_slice %arg13[%dma_start3A_274, %dma_start3A_275] : memref<8x4096xf32, #tpu.memory_space<vmem>> -> memref<1x576xf32, #tpu.memory_space<vmem>>
      %dma_start3A_277 = tpu.memref_squeeze %dma_start3A_276 : memref<1x576xf32, #tpu.memory_space<vmem>> -> memref<576xf32, #tpu.memory_space<vmem>>
      %dma_start3A_278 = arith.constant 999424 : i32
      %dma_start3A_279 = tpu.memref_slice %arg6[%dma_start3A_278] : memref<1000000xf32, #tpu.memory_space<hbm>> -> memref<576xf32, #tpu.memory_space<hbm>>
      %dma_start3A_280 = arith.constant 0 : i32
      %dma_start3A_281 = tpu.memref_slice %arg13[%dma_start3A_274, %dma_start3A_280] : memref<8x4096xf32, #tpu.memory_space<vmem>> -> memref<1x576xf32, #tpu.memory_space<vmem>>
      %dma_start3A_282 = tpu.memref_squeeze %dma_start3A_281 : memref<1x576xf32, #tpu.memory_space<vmem>> -> memref<576xf32, #tpu.memory_space<vmem>>
      %dma_start3A_283 = arith.constant 999424 : i32
      %dma_start3A_284 = tpu.memref_slice %arg6[%dma_start3A_283] : memref<1000000xf32, #tpu.memory_space<hbm>> -> memref<576xf32, #tpu.memory_space<hbm>>
      tpu.enqueue_dma source(%dma_start3A_284 : memref<576xf32, #tpu.memory_space<hbm>>) target(%dma_start3A_282 : memref<576xf32, #tpu.memory_space<vmem>>) target_semaphore(%arg17 : memref<!tpu.dma_semaphore, #tpu.memory_space<semaphore_mem>>)
      %dma_start3A_285 = arith.constant 5 : i32
      %dma_start3A_286 = arith.constant 0 : i32
      %dma_start3A_287 = tpu.memref_slice %arg13[%dma_start3A_285, %dma_start3A_286] : memref<8x4096xf32, #tpu.memory_space<vmem>> -> memref<1x576xf32, #tpu.memory_space<vmem>>
      %dma_start3A_288 = tpu.memref_squeeze %dma_start3A_287 : memref<1x576xf32, #tpu.memory_space<vmem>> -> memref<576xf32, #tpu.memory_space<vmem>>
      %dma_start3A_289 = arith.constant 999424 : i32
      %dma_start3A_290 = tpu.memref_slice %arg7[%dma_start3A_289] : memref<1000000xf32, #tpu.memory_space<hbm>> -> memref<576xf32, #tpu.memory_space<hbm>>
      %dma_start3A_291 = arith.constant 0 : i32
      %dma_start3A_292 = tpu.memref_slice %arg13[%dma_start3A_285, %dma_start3A_291] : memref<8x4096xf32, #tpu.memory_space<vmem>> -> memref<1x576xf32, #tpu.memory_space<vmem>>
      %dma_start3A_293 = tpu.memref_squeeze %dma_start3A_292 : memref<1x576xf32, #tpu.memory_space<vmem>> -> memref<576xf32, #tpu.memory_space<vmem>>
      %dma_start3A_294 = arith.constant 999424 : i32
      %dma_start3A_295 = tpu.memref_slice %arg7[%dma_start3A_294] : memref<1000000xf32, #tpu.memory_space<hbm>> -> memref<576xf32, #tpu.memory_space<hbm>>
      tpu.enqueue_dma source(%dma_start3A_295 : memref<576xf32, #tpu.memory_space<hbm>>) target(%dma_start3A_293 : memref<576xf32, #tpu.memory_space<vmem>>) target_semaphore(%arg17 : memref<!tpu.dma_semaphore, #tpu.memory_space<semaphore_mem>>)
      %dma_start3A_296 = arith.constant 6 : i32
      %dma_start3A_297 = arith.constant 0 : i32
      %dma_start3A_298 = tpu.memref_slice %arg13[%dma_start3A_296, %dma_start3A_297] : memref<8x4096xf32, #tpu.memory_space<vmem>> -> memref<1x576xf32, #tpu.memory_space<vmem>>
      %dma_start3A_299 = tpu.memref_squeeze %dma_start3A_298 : memref<1x576xf32, #tpu.memory_space<vmem>> -> memref<576xf32, #tpu.memory_space<vmem>>
      %dma_start3A_300 = arith.constant 999424 : i32
      %dma_start3A_301 = tpu.memref_slice %arg8[%dma_start3A_300] : memref<1000000xf32, #tpu.memory_space<hbm>> -> memref<576xf32, #tpu.memory_space<hbm>>
      %dma_start3A_302 = arith.constant 0 : i32
      %dma_start3A_303 = tpu.memref_slice %arg13[%dma_start3A_296, %dma_start3A_302] : memref<8x4096xf32, #tpu.memory_space<vmem>> -> memref<1x576xf32, #tpu.memory_space<vmem>>
      %dma_start3A_304 = tpu.memref_squeeze %dma_start3A_303 : memref<1x576xf32, #tpu.memory_space<vmem>> -> memref<576xf32, #tpu.memory_space<vmem>>
      %dma_start3A_305 = arith.constant 999424 : i32
      %dma_start3A_306 = tpu.memref_slice %arg8[%dma_start3A_305] : memref<1000000xf32, #tpu.memory_space<hbm>> -> memref<576xf32, #tpu.memory_space<hbm>>
      tpu.enqueue_dma source(%dma_start3A_306 : memref<576xf32, #tpu.memory_space<hbm>>) target(%dma_start3A_304 : memref<576xf32, #tpu.memory_space<vmem>>) target_semaphore(%arg17 : memref<!tpu.dma_semaphore, #tpu.memory_space<semaphore_mem>>)
      %dma_start3A_307 = arith.constant 7 : i32
      %dma_start3A_308 = arith.constant 0 : i32
      %dma_start3A_309 = tpu.memref_slice %arg13[%dma_start3A_307, %dma_start3A_308] : memref<8x4096xf32, #tpu.memory_space<vmem>> -> memref<1x576xf32, #tpu.memory_space<vmem>>
      %dma_start3A_310 = tpu.memref_squeeze %dma_start3A_309 : memref<1x576xf32, #tpu.memory_space<vmem>> -> memref<576xf32, #tpu.memory_space<vmem>>
      %dma_start3A_311 = arith.constant 999424 : i32
      %dma_start3A_312 = tpu.memref_slice %arg9[%dma_start3A_311] : memref<1000000xf32, #tpu.memory_space<hbm>> -> memref<576xf32, #tpu.memory_space<hbm>>
      %dma_start3A_313 = arith.constant 0 : i32
      %dma_start3A_314 = tpu.memref_slice %arg13[%dma_start3A_307, %dma_start3A_313] : memref<8x4096xf32, #tpu.memory_space<vmem>> -> memref<1x576xf32, #tpu.memory_space<vmem>>
      %dma_start3A_315 = tpu.memref_squeeze %dma_start3A_314 : memref<1x576xf32, #tpu.memory_space<vmem>> -> memref<576xf32, #tpu.memory_space<vmem>>
      %dma_start3A_316 = arith.constant 999424 : i32
      %dma_start3A_317 = tpu.memref_slice %arg9[%dma_start3A_316] : memref<1000000xf32, #tpu.memory_space<hbm>> -> memref<576xf32, #tpu.memory_space<hbm>>
      tpu.enqueue_dma source(%dma_start3A_317 : memref<576xf32, #tpu.memory_space<hbm>>) target(%dma_start3A_315 : memref<576xf32, #tpu.memory_space<vmem>>) target_semaphore(%arg17 : memref<!tpu.dma_semaphore, #tpu.memory_space<semaphore_mem>>)
      %dma_wait3A_318 = arith.constant 0 : i32
      %dma_wait3A_319 = arith.constant 0 : i32
      %dma_wait3A_320 = tpu.memref_slice %arg13[%dma_wait3A_318, %dma_wait3A_319] : memref<8x4096xf32, #tpu.memory_space<vmem>> -> memref<1x576xf32, #tpu.memory_space<vmem>>
      %dma_wait3A_321 = tpu.memref_squeeze %dma_wait3A_320 : memref<1x576xf32, #tpu.memory_space<vmem>> -> memref<576xf32, #tpu.memory_space<vmem>>
      %dma_wait3A_322 = arith.constant 999424 : i32
      %dma_wait3A_323 = tpu.memref_slice %arg2[%dma_wait3A_322] : memref<1000000xf32, #tpu.memory_space<hbm>> -> memref<576xf32, #tpu.memory_space<hbm>>
      %dma_wait3A_324 = arith.constant 0 : i32
      %dma_wait3A_325 = tpu.memref_slice %arg13[%dma_wait3A_318, %dma_wait3A_324] : memref<8x4096xf32, #tpu.memory_space<vmem>> -> memref<1x576xf32, #tpu.memory_space<vmem>>
      %dma_wait3A_326 = tpu.memref_squeeze %dma_wait3A_325 : memref<1x576xf32, #tpu.memory_space<vmem>> -> memref<576xf32, #tpu.memory_space<vmem>>
      %dma_wait3A_327 = arith.constant 999424 : i32
      %dma_wait3A_328 = tpu.memref_slice %arg2[%dma_wait3A_327] : memref<1000000xf32, #tpu.memory_space<hbm>> -> memref<576xf32, #tpu.memory_space<hbm>>
      tpu.wait_dma2 semaphore(%arg17 : memref<!tpu.dma_semaphore, #tpu.memory_space<semaphore_mem>>) src(%dma_wait3A_328 : memref<576xf32, #tpu.memory_space<hbm>>) dst(%dma_wait3A_326 : memref<576xf32, #tpu.memory_space<vmem>>)
      %dma_wait3A_329 = arith.constant 1 : i32
      %dma_wait3A_330 = arith.constant 0 : i32
      %dma_wait3A_331 = tpu.memref_slice %arg13[%dma_wait3A_329, %dma_wait3A_330] : memref<8x4096xf32, #tpu.memory_space<vmem>> -> memref<1x576xf32, #tpu.memory_space<vmem>>
      %dma_wait3A_332 = tpu.memref_squeeze %dma_wait3A_331 : memref<1x576xf32, #tpu.memory_space<vmem>> -> memref<576xf32, #tpu.memory_space<vmem>>
      %dma_wait3A_333 = arith.constant 999424 : i32
      %dma_wait3A_334 = tpu.memref_slice %arg3[%dma_wait3A_333] : memref<1000000xf32, #tpu.memory_space<hbm>> -> memref<576xf32, #tpu.memory_space<hbm>>
      %dma_wait3A_335 = arith.constant 0 : i32
      %dma_wait3A_336 = tpu.memref_slice %arg13[%dma_wait3A_329, %dma_wait3A_335] : memref<8x4096xf32, #tpu.memory_space<vmem>> -> memref<1x576xf32, #tpu.memory_space<vmem>>
      %dma_wait3A_337 = tpu.memref_squeeze %dma_wait3A_336 : memref<1x576xf32, #tpu.memory_space<vmem>> -> memref<576xf32, #tpu.memory_space<vmem>>
      %dma_wait3A_338 = arith.constant 999424 : i32
      %dma_wait3A_339 = tpu.memref_slice %arg3[%dma_wait3A_338] : memref<1000000xf32, #tpu.memory_space<hbm>> -> memref<576xf32, #tpu.memory_space<hbm>>
      tpu.wait_dma2 semaphore(%arg17 : memref<!tpu.dma_semaphore, #tpu.memory_space<semaphore_mem>>) src(%dma_wait3A_339 : memref<576xf32, #tpu.memory_space<hbm>>) dst(%dma_wait3A_337 : memref<576xf32, #tpu.memory_space<vmem>>)
      %dma_wait3A_340 = arith.constant 2 : i32
      %dma_wait3A_341 = arith.constant 0 : i32
      %dma_wait3A_342 = tpu.memref_slice %arg13[%dma_wait3A_340, %dma_wait3A_341] : memref<8x4096xf32, #tpu.memory_space<vmem>> -> memref<1x576xf32, #tpu.memory_space<vmem>>
      %dma_wait3A_343 = tpu.memref_squeeze %dma_wait3A_342 : memref<1x576xf32, #tpu.memory_space<vmem>> -> memref<576xf32, #tpu.memory_space<vmem>>
      %dma_wait3A_344 = arith.constant 999424 : i32
      %dma_wait3A_345 = tpu.memref_slice %arg4[%dma_wait3A_344] : memref<1000000xf32, #tpu.memory_space<hbm>> -> memref<576xf32, #tpu.memory_space<hbm>>
      %dma_wait3A_346 = arith.constant 0 : i32
      %dma_wait3A_347 = tpu.memref_slice %arg13[%dma_wait3A_340, %dma_wait3A_346] : memref<8x4096xf32, #tpu.memory_space<vmem>> -> memref<1x576xf32, #tpu.memory_space<vmem>>
      %dma_wait3A_348 = tpu.memref_squeeze %dma_wait3A_347 : memref<1x576xf32, #tpu.memory_space<vmem>> -> memref<576xf32, #tpu.memory_space<vmem>>
      %dma_wait3A_349 = arith.constant 999424 : i32
      %dma_wait3A_350 = tpu.memref_slice %arg4[%dma_wait3A_349] : memref<1000000xf32, #tpu.memory_space<hbm>> -> memref<576xf32, #tpu.memory_space<hbm>>
      tpu.wait_dma2 semaphore(%arg17 : memref<!tpu.dma_semaphore, #tpu.memory_space<semaphore_mem>>) src(%dma_wait3A_350 : memref<576xf32, #tpu.memory_space<hbm>>) dst(%dma_wait3A_348 : memref<576xf32, #tpu.memory_space<vmem>>)
      %dma_wait3A_351 = arith.constant 3 : i32
      %dma_wait3A_352 = arith.constant 0 : i32
      %dma_wait3A_353 = tpu.memref_slice %arg13[%dma_wait3A_351, %dma_wait3A_352] : memref<8x4096xf32, #tpu.memory_space<vmem>> -> memref<1x576xf32, #tpu.memory_space<vmem>>
      %dma_wait3A_354 = tpu.memref_squeeze %dma_wait3A_353 : memref<1x576xf32, #tpu.memory_space<vmem>> -> memref<576xf32, #tpu.memory_space<vmem>>
      %dma_wait3A_355 = arith.constant 999424 : i32
      %dma_wait3A_356 = tpu.memref_slice %arg5[%dma_wait3A_355] : memref<1000000xf32, #tpu.memory_space<hbm>> -> memref<576xf32, #tpu.memory_space<hbm>>
      %dma_wait3A_357 = arith.constant 0 : i32
      %dma_wait3A_358 = tpu.memref_slice %arg13[%dma_wait3A_351, %dma_wait3A_357] : memref<8x4096xf32, #tpu.memory_space<vmem>> -> memref<1x576xf32, #tpu.memory_space<vmem>>
      %dma_wait3A_359 = tpu.memref_squeeze %dma_wait3A_358 : memref<1x576xf32, #tpu.memory_space<vmem>> -> memref<576xf32, #tpu.memory_space<vmem>>
      %dma_wait3A_360 = arith.constant 999424 : i32
      %dma_wait3A_361 = tpu.memref_slice %arg5[%dma_wait3A_360] : memref<1000000xf32, #tpu.memory_space<hbm>> -> memref<576xf32, #tpu.memory_space<hbm>>
      tpu.wait_dma2 semaphore(%arg17 : memref<!tpu.dma_semaphore, #tpu.memory_space<semaphore_mem>>) src(%dma_wait3A_361 : memref<576xf32, #tpu.memory_space<hbm>>) dst(%dma_wait3A_359 : memref<576xf32, #tpu.memory_space<vmem>>)
      %dma_wait3A_362 = arith.constant 4 : i32
      %dma_wait3A_363 = arith.constant 0 : i32
      %dma_wait3A_364 = tpu.memref_slice %arg13[%dma_wait3A_362, %dma_wait3A_363] : memref<8x4096xf32, #tpu.memory_space<vmem>> -> memref<1x576xf32, #tpu.memory_space<vmem>>
      %dma_wait3A_365 = tpu.memref_squeeze %dma_wait3A_364 : memref<1x576xf32, #tpu.memory_space<vmem>> -> memref<576xf32, #tpu.memory_space<vmem>>
      %dma_wait3A_366 = arith.constant 999424 : i32
      %dma_wait3A_367 = tpu.memref_slice %arg6[%dma_wait3A_366] : memref<1000000xf32, #tpu.memory_space<hbm>> -> memref<576xf32, #tpu.memory_space<hbm>>
      %dma_wait3A_368 = arith.constant 0 : i32
      %dma_wait3A_369 = tpu.memref_slice %arg13[%dma_wait3A_362, %dma_wait3A_368] : memref<8x4096xf32, #tpu.memory_space<vmem>> -> memref<1x576xf32, #tpu.memory_space<vmem>>
      %dma_wait3A_370 = tpu.memref_squeeze %dma_wait3A_369 : memref<1x576xf32, #tpu.memory_space<vmem>> -> memref<576xf32, #tpu.memory_space<vmem>>
      %dma_wait3A_371 = arith.constant 999424 : i32
      %dma_wait3A_372 = tpu.memref_slice %arg6[%dma_wait3A_371] : memref<1000000xf32, #tpu.memory_space<hbm>> -> memref<576xf32, #tpu.memory_space<hbm>>
      tpu.wait_dma2 semaphore(%arg17 : memref<!tpu.dma_semaphore, #tpu.memory_space<semaphore_mem>>) src(%dma_wait3A_372 : memref<576xf32, #tpu.memory_space<hbm>>) dst(%dma_wait3A_370 : memref<576xf32, #tpu.memory_space<vmem>>)
      %dma_wait3A_373 = arith.constant 5 : i32
      %dma_wait3A_374 = arith.constant 0 : i32
      %dma_wait3A_375 = tpu.memref_slice %arg13[%dma_wait3A_373, %dma_wait3A_374] : memref<8x4096xf32, #tpu.memory_space<vmem>> -> memref<1x576xf32, #tpu.memory_space<vmem>>
      %dma_wait3A_376 = tpu.memref_squeeze %dma_wait3A_375 : memref<1x576xf32, #tpu.memory_space<vmem>> -> memref<576xf32, #tpu.memory_space<vmem>>
      %dma_wait3A_377 = arith.constant 999424 : i32
      %dma_wait3A_378 = tpu.memref_slice %arg7[%dma_wait3A_377] : memref<1000000xf32, #tpu.memory_space<hbm>> -> memref<576xf32, #tpu.memory_space<hbm>>
      %dma_wait3A_379 = arith.constant 0 : i32
      %dma_wait3A_380 = tpu.memref_slice %arg13[%dma_wait3A_373, %dma_wait3A_379] : memref<8x4096xf32, #tpu.memory_space<vmem>> -> memref<1x576xf32, #tpu.memory_space<vmem>>
      %dma_wait3A_381 = tpu.memref_squeeze %dma_wait3A_380 : memref<1x576xf32, #tpu.memory_space<vmem>> -> memref<576xf32, #tpu.memory_space<vmem>>
      %dma_wait3A_382 = arith.constant 999424 : i32
      %dma_wait3A_383 = tpu.memref_slice %arg7[%dma_wait3A_382] : memref<1000000xf32, #tpu.memory_space<hbm>> -> memref<576xf32, #tpu.memory_space<hbm>>
      tpu.wait_dma2 semaphore(%arg17 : memref<!tpu.dma_semaphore, #tpu.memory_space<semaphore_mem>>) src(%dma_wait3A_383 : memref<576xf32, #tpu.memory_space<hbm>>) dst(%dma_wait3A_381 : memref<576xf32, #tpu.memory_space<vmem>>)
      %dma_wait3A_384 = arith.constant 6 : i32
      %dma_wait3A_385 = arith.constant 0 : i32
      %dma_wait3A_386 = tpu.memref_slice %arg13[%dma_wait3A_384, %dma_wait3A_385] : memref<8x4096xf32, #tpu.memory_space<vmem>> -> memref<1x576xf32, #tpu.memory_space<vmem>>
      %dma_wait3A_387 = tpu.memref_squeeze %dma_wait3A_386 : memref<1x576xf32, #tpu.memory_space<vmem>> -> memref<576xf32, #tpu.memory_space<vmem>>
      %dma_wait3A_388 = arith.constant 999424 : i32
      %dma_wait3A_389 = tpu.memref_slice %arg8[%dma_wait3A_388] : memref<1000000xf32, #tpu.memory_space<hbm>> -> memref<576xf32, #tpu.memory_space<hbm>>
      %dma_wait3A_390 = arith.constant 0 : i32
      %dma_wait3A_391 = tpu.memref_slice %arg13[%dma_wait3A_384, %dma_wait3A_390] : memref<8x4096xf32, #tpu.memory_space<vmem>> -> memref<1x576xf32, #tpu.memory_space<vmem>>
      %dma_wait3A_392 = tpu.memref_squeeze %dma_wait3A_391 : memref<1x576xf32, #tpu.memory_space<vmem>> -> memref<576xf32, #tpu.memory_space<vmem>>
      %dma_wait3A_393 = arith.constant 999424 : i32
      %dma_wait3A_394 = tpu.memref_slice %arg8[%dma_wait3A_393] : memref<1000000xf32, #tpu.memory_space<hbm>> -> memref<576xf32, #tpu.memory_space<hbm>>
      tpu.wait_dma2 semaphore(%arg17 : memref<!tpu.dma_semaphore, #tpu.memory_space<semaphore_mem>>) src(%dma_wait3A_394 : memref<576xf32, #tpu.memory_space<hbm>>) dst(%dma_wait3A_392 : memref<576xf32, #tpu.memory_space<vmem>>)
      %dma_wait3A_395 = arith.constant 7 : i32
      %dma_wait3A_396 = arith.constant 0 : i32
      %dma_wait3A_397 = tpu.memref_slice %arg13[%dma_wait3A_395, %dma_wait3A_396] : memref<8x4096xf32, #tpu.memory_space<vmem>> -> memref<1x576xf32, #tpu.memory_space<vmem>>
      %dma_wait3A_398 = tpu.memref_squeeze %dma_wait3A_397 : memref<1x576xf32, #tpu.memory_space<vmem>> -> memref<576xf32, #tpu.memory_space<vmem>>
      %dma_wait3A_399 = arith.constant 999424 : i32
      %dma_wait3A_400 = tpu.memref_slice %arg9[%dma_wait3A_399] : memref<1000000xf32, #tpu.memory_space<hbm>> -> memref<576xf32, #tpu.memory_space<hbm>>
      %dma_wait3A_401 = arith.constant 0 : i32
      %dma_wait3A_402 = tpu.memref_slice %arg13[%dma_wait3A_395, %dma_wait3A_401] : memref<8x4096xf32, #tpu.memory_space<vmem>> -> memref<1x576xf32, #tpu.memory_space<vmem>>
      %dma_wait3A_403 = tpu.memref_squeeze %dma_wait3A_402 : memref<1x576xf32, #tpu.memory_space<vmem>> -> memref<576xf32, #tpu.memory_space<vmem>>
      %dma_wait3A_404 = arith.constant 999424 : i32
      %dma_wait3A_405 = tpu.memref_slice %arg9[%dma_wait3A_404] : memref<1000000xf32, #tpu.memory_space<hbm>> -> memref<576xf32, #tpu.memory_space<hbm>>
      tpu.wait_dma2 semaphore(%arg17 : memref<!tpu.dma_semaphore, #tpu.memory_space<semaphore_mem>>) src(%dma_wait3A_405 : memref<576xf32, #tpu.memory_space<hbm>>) dst(%dma_wait3A_403 : memref<576xf32, #tpu.memory_space<vmem>>)
      %parallel_loop3A = arith.constant 0 : i32
      %parallel_loop3A_406 = arith.constant 36 : i32
      %parallel_loop3A_407 = arith.constant 1 : i32
      scf.for %parallel_loop3A_408 = %parallel_loop3A to %parallel_loop3A_406 step %parallel_loop3A_407  : i32 {
        %parallel_loop3A_409 = arith.constant 16 : i32
        %parallel_loop3A_410 = arith.muli %parallel_loop3A_408, %parallel_loop3A_409 : i32
        %parallel_loop3A_411 = vector.broadcast %parallel_loop3A_410 : i32 to vector<16xi32>
        %parallel_loop3A_412 = arith.addi %parallel_loop3A_411, %iota3A : vector<16xi32>
        %parallel_loop3A_413 = arith.constant 16 : i32
        %parallel_loop3A_414 = arith.muli %parallel_loop3A_408, %parallel_loop3A_413 : i32
        %parallel_loop3A_415 = arith.constant 0 : i32
        %parallel_loop3A_416 = arith.index_cast %parallel_loop3A_415 : i32 to index
        %parallel_loop3A_417 = arith.index_cast %parallel_loop3A_414 : i32 to index
        %parallel_loop3A_418 = tpu.vector_load %arg13[%parallel_loop3A_416, %parallel_loop3A_417] {strides = array<i32>} : memref<8x4096xf32, #tpu.memory_space<vmem>>, vector<16xf32>,
        tpu.vector_store_idx %arg15[%parallel_loop3A_412, %broadcast_in_dim3A_0], %parallel_loop3A_418 : memref<4096x8xf32, #tpu.memory_space<vmem>>[vector<16xi32>, vector<16xi32>], vector<16xf32>,
        %parallel_loop3A_419 = arith.constant 16 : i32
        %parallel_loop3A_420 = arith.muli %parallel_loop3A_408, %parallel_loop3A_419 : i32
        %parallel_loop3A_421 = arith.constant 1 : i32
        %parallel_loop3A_422 = arith.index_cast %parallel_loop3A_421 : i32 to index
        %parallel_loop3A_423 = arith.index_cast %parallel_loop3A_420 : i32 to index
        %parallel_loop3A_424 = tpu.vector_load %arg13[%parallel_loop3A_422, %parallel_loop3A_423] {strides = array<i32>} : memref<8x4096xf32, #tpu.memory_space<vmem>>, vector<16xf32>,
        tpu.vector_store_idx %arg15[%parallel_loop3A_412, %broadcast_in_dim3A_2], %parallel_loop3A_424 : memref<4096x8xf32, #tpu.memory_space<vmem>>[vector<16xi32>, vector<16xi32>], vector<16xf32>,
        %parallel_loop3A_425 = arith.constant 16 : i32
        %parallel_loop3A_426 = arith.muli %parallel_loop3A_408, %parallel_loop3A_425 : i32
        %parallel_loop3A_427 = arith.constant 2 : i32
        %parallel_loop3A_428 = arith.index_cast %parallel_loop3A_427 : i32 to index
        %parallel_loop3A_429 = arith.index_cast %parallel_loop3A_426 : i32 to index
        %parallel_loop3A_430 = tpu.vector_load %arg13[%parallel_loop3A_428, %parallel_loop3A_429] {strides = array<i32>} : memref<8x4096xf32, #tpu.memory_space<vmem>>, vector<16xf32>,
        tpu.vector_store_idx %arg15[%parallel_loop3A_412, %broadcast_in_dim3A_4], %parallel_loop3A_430 : memref<4096x8xf32, #tpu.memory_space<vmem>>[vector<16xi32>, vector<16xi32>], vector<16xf32>,
        %parallel_loop3A_431 = arith.constant 16 : i32
        %parallel_loop3A_432 = arith.muli %parallel_loop3A_408, %parallel_loop3A_431 : i32
        %parallel_loop3A_433 = arith.constant 3 : i32
        %parallel_loop3A_434 = arith.index_cast %parallel_loop3A_433 : i32 to index
        %parallel_loop3A_435 = arith.index_cast %parallel_loop3A_432 : i32 to index
        %parallel_loop3A_436 = tpu.vector_load %arg13[%parallel_loop3A_434, %parallel_loop3A_435] {strides = array<i32>} : memref<8x4096xf32, #tpu.memory_space<vmem>>, vector<16xf32>,
        tpu.vector_store_idx %arg15[%parallel_loop3A_412, %broadcast_in_dim3A_6], %parallel_loop3A_436 : memref<4096x8xf32, #tpu.memory_space<vmem>>[vector<16xi32>, vector<16xi32>], vector<16xf32>,
        %parallel_loop3A_437 = arith.constant 16 : i32
        %parallel_loop3A_438 = arith.muli %parallel_loop3A_408, %parallel_loop3A_437 : i32
        %parallel_loop3A_439 = arith.constant 4 : i32
        %parallel_loop3A_440 = arith.index_cast %parallel_loop3A_439 : i32 to index
        %parallel_loop3A_441 = arith.index_cast %parallel_loop3A_438 : i32 to index
        %parallel_loop3A_442 = tpu.vector_load %arg13[%parallel_loop3A_440, %parallel_loop3A_441] {strides = array<i32>} : memref<8x4096xf32, #tpu.memory_space<vmem>>, vector<16xf32>,
        tpu.vector_store_idx %arg15[%parallel_loop3A_412, %broadcast_in_dim3A_8], %parallel_loop3A_442 : memref<4096x8xf32, #tpu.memory_space<vmem>>[vector<16xi32>, vector<16xi32>], vector<16xf32>,
        %parallel_loop3A_443 = arith.constant 16 : i32
        %parallel_loop3A_444 = arith.muli %parallel_loop3A_408, %parallel_loop3A_443 : i32
        %parallel_loop3A_445 = arith.constant 5 : i32
        %parallel_loop3A_446 = arith.index_cast %parallel_loop3A_445 : i32 to index
        %parallel_loop3A_447 = arith.index_cast %parallel_loop3A_444 : i32 to index
        %parallel_loop3A_448 = tpu.vector_load %arg13[%parallel_loop3A_446, %parallel_loop3A_447] {strides = array<i32>} : memref<8x4096xf32, #tpu.memory_space<vmem>>, vector<16xf32>,
        tpu.vector_store_idx %arg15[%parallel_loop3A_412, %broadcast_in_dim3A_10], %parallel_loop3A_448 : memref<4096x8xf32, #tpu.memory_space<vmem>>[vector<16xi32>, vector<16xi32>], vector<16xf32>,
        %parallel_loop3A_449 = arith.constant 16 : i32
        %parallel_loop3A_450 = arith.muli %parallel_loop3A_408, %parallel_loop3A_449 : i32
        %parallel_loop3A_451 = arith.constant 6 : i32
        %parallel_loop3A_452 = arith.index_cast %parallel_loop3A_451 : i32 to index
        %parallel_loop3A_453 = arith.index_cast %parallel_loop3A_450 : i32 to index
        %parallel_loop3A_454 = tpu.vector_load %arg13[%parallel_loop3A_452, %parallel_loop3A_453] {strides = array<i32>} : memref<8x4096xf32, #tpu.memory_space<vmem>>, vector<16xf32>,
        tpu.vector_store_idx %arg15[%parallel_loop3A_412, %broadcast_in_dim3A_12], %parallel_loop3A_454 : memref<4096x8xf32, #tpu.memory_space<vmem>>[vector<16xi32>, vector<16xi32>], vector<16xf32>,
        %parallel_loop3A_455 = arith.constant 16 : i32
        %parallel_loop3A_456 = arith.muli %parallel_loop3A_408, %parallel_loop3A_455 : i32
        %parallel_loop3A_457 = arith.constant 7 : i32
        %parallel_loop3A_458 = arith.index_cast %parallel_loop3A_457 : i32 to index
        %parallel_loop3A_459 = arith.index_cast %parallel_loop3A_456 : i32 to index
        %parallel_loop3A_460 = tpu.vector_load %arg13[%parallel_loop3A_458, %parallel_loop3A_459] {strides = array<i32>} : memref<8x4096xf32, #tpu.memory_space<vmem>>, vector<16xf32>,
        tpu.vector_store_idx %arg15[%parallel_loop3A_412, %broadcast_in_dim3A_14], %parallel_loop3A_460 : memref<4096x8xf32, #tpu.memory_space<vmem>>[vector<16xi32>, vector<16xi32>], vector<16xf32>,
      } {sc.loop_unroll_factor = 4 : i64, sc.parallel_access}
      "tpu.region"() ({
        %run_scoped3A = tpu.sem_alloc : memref<!tpu.dma_semaphore, #tpu.memory_space<semaphore_mem>>
        %dma_start3A_408 = arith.constant 0 : i32
        %dma_start3A_409 = arith.constant 0 : i32
        %dma_start3A_410 = tpu.memref_slice %arg15[%dma_start3A_408, %dma_start3A_409] : memref<4096x8xf32, #tpu.memory_space<vmem>> -> memref<576x8xf32, #tpu.memory_space<vmem>>
        %dma_start3A_411 = arith.constant 999424 : i32
        %dma_start3A_412 = arith.constant 0 : i32
        %dma_start3A_413 = tpu.memref_slice %arg12[%arg0, %dma_start3A_411, %dma_start3A_412] : memref<2x1000000x8xf32, #tpu.memory_space<hbm>> -> memref<1x576x8xf32, #tpu.memory_space<hbm>>
        %dma_start3A_414 = tpu.memref_squeeze %dma_start3A_413 : memref<1x576x8xf32, #tpu.memory_space<hbm>> -> memref<576x8xf32, #tpu.memory_space<hbm>>
        %dma_start3A_415 = arith.constant 999424 : i32
        %dma_start3A_416 = arith.constant 0 : i32
        %dma_start3A_417 = tpu.memref_slice %arg12[%arg0, %dma_start3A_415, %dma_start3A_416] : memref<2x1000000x8xf32, #tpu.memory_space<hbm>> -> memref<1x576x8xf32, #tpu.memory_space<hbm>>
        %dma_start3A_418 = tpu.memref_squeeze %dma_start3A_417 : memref<1x576x8xf32, #tpu.memory_space<hbm>> -> memref<576x8xf32, #tpu.memory_space<hbm>>
        %dma_start3A_419 = arith.constant 0 : i32
        %dma_start3A_420 = arith.constant 0 : i32
        %dma_start3A_421 = tpu.memref_slice %arg15[%dma_start3A_419, %dma_start3A_420] : memref<4096x8xf32, #tpu.memory_space<vmem>> -> memref<576x8xf32, #tpu.memory_space<vmem>>
        tpu.enqueue_dma source(%dma_start3A_421 : memref<576x8xf32, #tpu.memory_space<vmem>>) target(%dma_start3A_418 : memref<576x8xf32, #tpu.memory_space<hbm>>) target_semaphore(%run_scoped3A : memref<!tpu.dma_semaphore, #tpu.memory_space<semaphore_mem>>)
        %dma_wait3A_422 = arith.constant 0 : i32
        %dma_wait3A_423 = arith.constant 0 : i32
        %dma_wait3A_424 = tpu.memref_slice %arg15[%dma_wait3A_422, %dma_wait3A_423] : memref<4096x8xf32, #tpu.memory_space<vmem>> -> memref<576x8xf32, #tpu.memory_space<vmem>>
        %dma_wait3A_425 = arith.constant 999424 : i32
        %dma_wait3A_426 = arith.constant 0 : i32
        %dma_wait3A_427 = tpu.memref_slice %arg12[%arg0, %dma_wait3A_425, %dma_wait3A_426] : memref<2x1000000x8xf32, #tpu.memory_space<hbm>> -> memref<1x576x8xf32, #tpu.memory_space<hbm>>
        %dma_wait3A_428 = tpu.memref_squeeze %dma_wait3A_427 : memref<1x576x8xf32, #tpu.memory_space<hbm>> -> memref<576x8xf32, #tpu.memory_space<hbm>>
        %dma_wait3A_429 = arith.constant 999424 : i32
        %dma_wait3A_430 = arith.constant 0 : i32
        %dma_wait3A_431 = tpu.memref_slice %arg12[%arg0, %dma_wait3A_429, %dma_wait3A_430] : memref<2x1000000x8xf32, #tpu.memory_space<hbm>> -> memref<1x576x8xf32, #tpu.memory_space<hbm>>
        %dma_wait3A_432 = tpu.memref_squeeze %dma_wait3A_431 : memref<1x576x8xf32, #tpu.memory_space<hbm>> -> memref<576x8xf32, #tpu.memory_space<hbm>>
        %dma_wait3A_433 = arith.constant 0 : i32
        %dma_wait3A_434 = arith.constant 0 : i32
        %dma_wait3A_435 = tpu.memref_slice %arg15[%dma_wait3A_433, %dma_wait3A_434] : memref<4096x8xf32, #tpu.memory_space<vmem>> -> memref<576x8xf32, #tpu.memory_space<vmem>>
        tpu.wait_dma2 semaphore(%run_scoped3A : memref<!tpu.dma_semaphore, #tpu.memory_space<semaphore_mem>>) src(%dma_wait3A_435 : memref<576x8xf32, #tpu.memory_space<vmem>>) dst(%dma_wait3A_432 : memref<576x8xf32, #tpu.memory_space<hbm>>)
        tpu.yield
      }) : () -> ()
    } else {
    }
    %barrier3A = arith.constant 0 : index
    tpu.barrier barrier_id(%barrier3A)
    %mul3A = arith.constant 2 : i32
    %mul3A_35 = arith.muli %arg1, %mul3A : i32
    %add3A = arith.addi %mul3A_35, %arg0 : i32
    %mul3A_36 = arith.constant 32768 : i32
    %mul3A_37 = arith.muli %add3A, %mul3A_36 : i32
    %jit3A_38 = arith.constant 8 : i32
    %div3A = arith.divsi %add3A, %jit3A_38 : i32
    %sign3A = arith.constant 0 : i32
    %sign3A_39 = arith.cmpi sgt, %add3A, %sign3A : i32
    %sign3A_40 = arith.extui %sign3A_39 : i1 to i32
    %sign3A_41 = arith.constant 0 : i32
    %sign3A_42 = arith.cmpi slt, %add3A, %sign3A_41 : i32
    %sign3A_43 = arith.extui %sign3A_42 : i1 to i32
    %sign3A_44 = arith.subi %sign3A_40, %sign3A_43 : i32
    %sign3A_45 = arith.constant 0 : i32
    %sign3A_46 = arith.cmpi sgt, %jit3A_38, %sign3A_45 : i32
    %sign3A_47 = arith.extui %sign3A_46 : i1 to i32
    %sign3A_48 = arith.constant 0 : i32
    %sign3A_49 = arith.cmpi slt, %jit3A_38, %sign3A_48 : i32
    %sign3A_50 = arith.extui %sign3A_49 : i1 to i32
    %sign3A_51 = arith.subi %sign3A_47, %sign3A_50 : i32
    %ne3A = arith.cmpi ne, %sign3A_44, %sign3A_51 : i32
    %rem3A = arith.remsi %add3A, %jit3A_38 : i32
    %ne3A_52 = arith.constant 0 : i32
    %ne3A_53 = arith.cmpi ne, %rem3A, %ne3A_52 : i32
    %and3A = arith.andi %ne3A, %ne3A_53 : i1
    %sub3A = arith.constant 1 : i32
    %sub3A_54 = arith.subi %div3A, %sub3A : i32
    %select_n3A_55 = arith.select %and3A, %sub3A_54, %div3A : i32
    %jit3A_56 = arith.constant 8 : i32
    %eq3A_57 = arith.constant 0 : i32
    %eq3A_58 = arith.cmpi eq, %jit3A_56, %eq3A_57 : i32
    %jit3A_59 = arith.constant 1 : i32
    %select_n3A_60 = arith.select %eq3A_58, %jit3A_59, %jit3A_56 : i32
    %rem3A_61 = arith.remsi %add3A, %select_n3A_60 : i32
    %ne3A_62 = arith.constant 0 : i32
    %ne3A_63 = arith.cmpi ne, %rem3A_61, %ne3A_62 : i32
    %lt3A_64 = arith.constant 0 : i32
    %lt3A_65 = arith.cmpi slt, %rem3A_61, %lt3A_64 : i32
    %lt3A_66 = arith.constant 0 : i32
    %lt3A_67 = arith.cmpi slt, %select_n3A_60, %lt3A_66 : i32
    %ne3A_68 = arith.xori %lt3A_65, %lt3A_67 : i1
    %and3A_69 = arith.andi %ne3A_68, %ne3A_63 : i1
    %add3A_70 = arith.addi %rem3A_61, %select_n3A_60 : i32
    %select_n3A_71 = arith.select %and3A_69, %add3A_70, %rem3A_61 : i32
    %mul3A_72 = arith.constant 32768 : i32
    %mul3A_73 = arith.muli %select_n3A_71, %mul3A_72 : i32
    %jit3A_74 = arith.constant 512 : i32
    %div3A_75 = arith.divsi %mul3A_73, %jit3A_74 : i32
    %sign3A_76 = arith.constant 0 : i32
    %sign3A_77 = arith.cmpi sgt, %mul3A_73, %sign3A_76 : i32
    %sign3A_78 = arith.extui %sign3A_77 : i1 to i32
    %sign3A_79 = arith.constant 0 : i32
    %sign3A_80 = arith.cmpi slt, %mul3A_73, %sign3A_79 : i32
    %sign3A_81 = arith.extui %sign3A_80 : i1 to i32
    %sign3A_82 = arith.subi %sign3A_78, %sign3A_81 : i32
    %sign3A_83 = arith.constant 0 : i32
    %sign3A_84 = arith.cmpi sgt, %jit3A_74, %sign3A_83 : i32
    %sign3A_85 = arith.extui %sign3A_84 : i1 to i32
    %sign3A_86 = arith.constant 0 : i32
    %sign3A_87 = arith.cmpi slt, %jit3A_74, %sign3A_86 : i32
    %sign3A_88 = arith.extui %sign3A_87 : i1 to i32
    %sign3A_89 = arith.subi %sign3A_85, %sign3A_88 : i32
    %ne3A_90 = arith.cmpi ne, %sign3A_82, %sign3A_89 : i32
    %rem3A_91 = arith.remsi %mul3A_73, %jit3A_74 : i32
    %ne3A_92 = arith.constant 0 : i32
    %ne3A_93 = arith.cmpi ne, %rem3A_91, %ne3A_92 : i32
    %and3A_94 = arith.andi %ne3A_90, %ne3A_93 : i1
    %sub3A_95 = arith.constant 1 : i32
    %sub3A_96 = arith.subi %div3A_75, %sub3A_95 : i32
    %select_n3A_97 = arith.select %and3A_94, %sub3A_96, %div3A_75 : i32
    %scan3A = arith.constant 0 : i32
    %scan3A_98 = arith.constant 0 : i32
    %scan3A_99 = arith.constant 8 : i32
    %scan3A_100 = arith.addi %scan3A_98, %scan3A_99 : i32
    %scan3A_101 = arith.constant 1 : i32
    scf.for %scan3A_231 = %scan3A_98 to %scan3A_100 step %scan3A_101  : i32 {
      %mul3A_232 = arith.constant 4096 : i32
      %mul3A_233 = arith.muli %scan3A_231, %mul3A_232 : i32
      %add3A_234 = arith.addi %mul3A_37, %mul3A_233 : i32
      "tpu.region"() ({
        %run_scoped3A = tpu.sem_alloc : memref<!tpu.dma_semaphore, #tpu.memory_space<semaphore_mem>>
        %dma_start3A_422 = tpu.memref_slice %arg10[%add3A_234] : memref<1048576xi32, #tpu.memory_space<hbm>> -> memref<4096xi32, #tpu.memory_space<hbm>>
        %dma_start3A_423 = tpu.memref_slice %arg10[%add3A_234] : memref<1048576xi32, #tpu.memory_space<hbm>> -> memref<4096xi32, #tpu.memory_space<hbm>>
        tpu.enqueue_dma source(%dma_start3A_423 : memref<4096xi32, #tpu.memory_space<hbm>>) target(%arg14 : memref<4096xi32, #tpu.memory_space<vmem>>) target_semaphore(%run_scoped3A : memref<!tpu.dma_semaphore, #tpu.memory_space<semaphore_mem>>)
        %dma_wait3A_424 = tpu.memref_slice %arg10[%add3A_234] : memref<1048576xi32, #tpu.memory_space<hbm>> -> memref<4096xi32, #tpu.memory_space<hbm>>
        %dma_wait3A_425 = tpu.memref_slice %arg10[%add3A_234] : memref<1048576xi32, #tpu.memory_space<hbm>> -> memref<4096xi32, #tpu.memory_space<hbm>>
        tpu.wait_dma2 semaphore(%run_scoped3A : memref<!tpu.dma_semaphore, #tpu.memory_space<semaphore_mem>>) src(%dma_wait3A_425 : memref<4096xi32, #tpu.memory_space<hbm>>) dst(%arg14 : memref<4096xi32, #tpu.memory_space<vmem>>)
        tpu.yield
      }) : () -> ()
      %dma_start3A = arith.constant 0 : i32
      %dma_start3A_235 = arith.constant 0 : i32
      %dma_start3A_236 = tpu.memref_slice %arg15[%dma_start3A, %dma_start3A_235] : memref<4096x8xf32, #tpu.memory_space<vmem>> -> memref<2048x8xf32, #tpu.memory_space<vmem>>
      %dma_start3A_237 = arith.constant 0 : i32
      %dma_start3A_238 = tpu.memref_slice %arg14[%dma_start3A_237] : memref<4096xi32, #tpu.memory_space<vmem>> -> memref<2048xi32, #tpu.memory_space<vmem>>
      %dma_start3A_239 = arith.constant 0 : i32
      %dma_start3A_240 = arith.constant 0 : i32
      %dma_start3A_241 = tpu.memref_slice %arg12[%arg0, %dma_start3A_239, %dma_start3A_240] : memref<2x1000000x8xf32, #tpu.memory_space<hbm>> -> memref<1x1000000x8xf32, #tpu.memory_space<hbm>>
      %dma_start3A_242 = tpu.memref_squeeze %dma_start3A_241 : memref<1x1000000x8xf32, #tpu.memory_space<hbm>> -> memref<1000000x8xf32, #tpu.memory_space<hbm>>
      %dma_start3A_243 = arith.constant 0 : i32
      %dma_start3A_244 = arith.constant 0 : i32
      %dma_start3A_245 = tpu.memref_slice %dma_start3A_242[%dma_start3A_243, %dma_start3A_244] : memref<1000000x8xf32, #tpu.memory_space<hbm>> -> memref<1000000x8xf32, #tpu.memory_space<hbm>>
      tpu.enqueue_indirect_dma source(%dma_start3A_245 : memref<1000000x8xf32, #tpu.memory_space<hbm>>) target(%dma_start3A_236 : memref<2048x8xf32, #tpu.memory_space<vmem>>) offsets(%dma_start3A_238 : memref<2048xi32, #tpu.memory_space<vmem>>) semaphore(%arg17 : memref<!tpu.dma_semaphore, #tpu.memory_space<semaphore_mem>>)
      %dma_start3A_246 = arith.constant 2048 : i32
      %dma_start3A_247 = arith.constant 0 : i32
      %dma_start3A_248 = tpu.memref_slice %arg15[%dma_start3A_246, %dma_start3A_247] : memref<4096x8xf32, #tpu.memory_space<vmem>> -> memref<2048x8xf32, #tpu.memory_space<vmem>>
      %dma_start3A_249 = arith.constant 2048 : i32
      %dma_start3A_250 = tpu.memref_slice %arg14[%dma_start3A_249] : memref<4096xi32, #tpu.memory_space<vmem>> -> memref<2048xi32, #tpu.memory_space<vmem>>
      %dma_start3A_251 = arith.constant 0 : i32
      %dma_start3A_252 = arith.constant 0 : i32
      %dma_start3A_253 = tpu.memref_slice %arg12[%arg0, %dma_start3A_251, %dma_start3A_252] : memref<2x1000000x8xf32, #tpu.memory_space<hbm>> -> memref<1x1000000x8xf32, #tpu.memory_space<hbm>>
      %dma_start3A_254 = tpu.memref_squeeze %dma_start3A_253 : memref<1x1000000x8xf32, #tpu.memory_space<hbm>> -> memref<1000000x8xf32, #tpu.memory_space<hbm>>
      %dma_start3A_255 = arith.constant 0 : i32
      %dma_start3A_256 = arith.constant 0 : i32
      %dma_start3A_257 = tpu.memref_slice %dma_start3A_254[%dma_start3A_255, %dma_start3A_256] : memref<1000000x8xf32, #tpu.memory_space<hbm>> -> memref<1000000x8xf32, #tpu.memory_space<hbm>>
      tpu.enqueue_indirect_dma source(%dma_start3A_257 : memref<1000000x8xf32, #tpu.memory_space<hbm>>) target(%dma_start3A_248 : memref<2048x8xf32, #tpu.memory_space<vmem>>) offsets(%dma_start3A_250 : memref<2048xi32, #tpu.memory_space<vmem>>) semaphore(%arg17 : memref<!tpu.dma_semaphore, #tpu.memory_space<semaphore_mem>>)
      %dma_wait3A_258 = arith.constant 0 : i32
      %dma_wait3A_259 = arith.constant 0 : i32
      %dma_wait3A_260 = tpu.memref_slice %arg15[%dma_wait3A_258, %dma_wait3A_259] : memref<4096x8xf32, #tpu.memory_space<vmem>> -> memref<2048x8xf32, #tpu.memory_space<vmem>>
      %dma_wait3A_261 = arith.constant 0 : i32
      %dma_wait3A_262 = tpu.memref_slice %arg14[%dma_wait3A_261] : memref<4096xi32, #tpu.memory_space<vmem>> -> memref<2048xi32, #tpu.memory_space<vmem>>
      %dma_wait3A_263 = arith.constant 0 : i32
      %dma_wait3A_264 = arith.constant 0 : i32
      %dma_wait3A_265 = tpu.memref_slice %arg12[%arg0, %dma_wait3A_263, %dma_wait3A_264] : memref<2x1000000x8xf32, #tpu.memory_space<hbm>> -> memref<1x1000000x8xf32, #tpu.memory_space<hbm>>
      %dma_wait3A_266 = tpu.memref_squeeze %dma_wait3A_265 : memref<1x1000000x8xf32, #tpu.memory_space<hbm>> -> memref<1000000x8xf32, #tpu.memory_space<hbm>>
      %dma_wait3A_267 = arith.constant 0 : i32
      %dma_wait3A_268 = arith.constant 0 : i32
      %dma_wait3A_269 = tpu.memref_slice %dma_wait3A_266[%dma_wait3A_267, %dma_wait3A_268] : memref<1000000x8xf32, #tpu.memory_space<hbm>> -> memref<1000000x8xf32, #tpu.memory_space<hbm>>
      tpu.wait_indirect_dma semaphore(%arg17 : memref<!tpu.dma_semaphore, #tpu.memory_space<semaphore_mem>>) src(%dma_wait3A_269 : memref<1000000x8xf32, #tpu.memory_space<hbm>>) dst(%dma_wait3A_260 : memref<2048x8xf32, #tpu.memory_space<vmem>>)
      %gt3A = arith.constant 0 : i32
      %gt3A_270 = arith.cmpi sgt, %scan3A_231, %gt3A : i32
      %convert_element_type3A_271 = arith.extui %gt3A_270 : i1 to i32
      %cond3A_272 = arith.constant 0 : i32
      %cond3A_273 = arith.cmpi ne, %convert_element_type3A_271, %cond3A_272 : i32
      scf.if %cond3A_273 {
        %dma_wait3A_422 = arith.constant 0 : i32
        %dma_wait3A_423 = arith.constant 0 : i32
        %dma_wait3A_424 = arith.constant 0 : i32
        %dma_wait3A_425 = arith.constant 0 : i32
        %dma_wait3A_426 = tpu.memref_slice %arg16[%dma_wait3A_422, %dma_wait3A_424, %dma_wait3A_425] : memref<8x8x512xf32, #tpu.memory_space<vmem>> -> memref<1x8x512xf32, #tpu.memory_space<vmem>>
        %dma_wait3A_427 = tpu.memref_squeeze %dma_wait3A_426 : memref<1x8x512xf32, #tpu.memory_space<vmem>> -> memref<8x512xf32, #tpu.memory_space<vmem>>
        %dma_wait3A_428 = arith.constant 0 : i32
        %dma_wait3A_429 = tpu.memref_slice %arg11[%select_n3A_55, %dma_wait3A_423, %select_n3A_97, %dma_wait3A_428] : memref<4x8x512x512xf32, #tpu.memory_space<hbm>> -> memref<1x1x8x512xf32, #tpu.memory_space<hbm>>
        %dma_wait3A_430 = tpu.memref_squeeze %dma_wait3A_429 : memref<1x1x8x512xf32, #tpu.memory_space<hbm>> -> memref<8x512xf32, #tpu.memory_space<hbm>>
        %dma_wait3A_431 = arith.constant 0 : i32
        %dma_wait3A_432 = tpu.memref_slice %arg11[%select_n3A_55, %dma_wait3A_423, %select_n3A_97, %dma_wait3A_431] : memref<4x8x512x512xf32, #tpu.memory_space<hbm>> -> memref<1x1x8x512xf32, #tpu.memory_space<hbm>>
        %dma_wait3A_433 = tpu.memref_squeeze %dma_wait3A_432 : memref<1x1x8x512xf32, #tpu.memory_space<hbm>> -> memref<8x512xf32, #tpu.memory_space<hbm>>
        %dma_wait3A_434 = arith.constant 0 : i32
        %dma_wait3A_435 = arith.constant 0 : i32
        %dma_wait3A_436 = tpu.memref_slice %arg16[%dma_wait3A_422, %dma_wait3A_434, %dma_wait3A_435] : memref<8x8x512xf32, #tpu.memory_space<vmem>> -> memref<1x8x512xf32, #tpu.memory_space<vmem>>
        %dma_wait3A_437 = tpu.memref_squeeze %dma_wait3A_436 : memref<1x8x512xf32, #tpu.memory_space<vmem>> -> memref<8x512xf32, #tpu.memory_space<vmem>>
        tpu.wait_dma2 semaphore(%arg17 : memref<!tpu.dma_semaphore, #tpu.memory_space<semaphore_mem>>) src(%dma_wait3A_437 : memref<8x512xf32, #tpu.memory_space<vmem>>) dst(%dma_wait3A_433 : memref<8x512xf32, #tpu.memory_space<hbm>>)
        %dma_wait3A_438 = arith.constant 1 : i32
        %dma_wait3A_439 = arith.constant 1 : i32
        %dma_wait3A_440 = arith.constant 0 : i32
        %dma_wait3A_441 = arith.constant 0 : i32
        %dma_wait3A_442 = tpu.memref_slice %arg16[%dma_wait3A_438, %dma_wait3A_440, %dma_wait3A_441] : memref<8x8x512xf32, #tpu.memory_space<vmem>> -> memref<1x8x512xf32, #tpu.memory_space<vmem>>
        %dma_wait3A_443 = tpu.memref_squeeze %dma_wait3A_442 : memref<1x8x512xf32, #tpu.memory_space<vmem>> -> memref<8x512xf32, #tpu.memory_space<vmem>>
        %dma_wait3A_444 = arith.constant 0 : i32
        %dma_wait3A_445 = tpu.memref_slice %arg11[%select_n3A_55, %dma_wait3A_439, %select_n3A_97, %dma_wait3A_444] : memref<4x8x512x512xf32, #tpu.memory_space<hbm>> -> memref<1x1x8x512xf32, #tpu.memory_space<hbm>>
        %dma_wait3A_446 = tpu.memref_squeeze %dma_wait3A_445 : memref<1x1x8x512xf32, #tpu.memory_space<hbm>> -> memref<8x512xf32, #tpu.memory_space<hbm>>
        %dma_wait3A_447 = arith.constant 0 : i32
        %dma_wait3A_448 = tpu.memref_slice %arg11[%select_n3A_55, %dma_wait3A_439, %select_n3A_97, %dma_wait3A_447] : memref<4x8x512x512xf32, #tpu.memory_space<hbm>> -> memref<1x1x8x512xf32, #tpu.memory_space<hbm>>
        %dma_wait3A_449 = tpu.memref_squeeze %dma_wait3A_448 : memref<1x1x8x512xf32, #tpu.memory_space<hbm>> -> memref<8x512xf32, #tpu.memory_space<hbm>>
        %dma_wait3A_450 = arith.constant 0 : i32
        %dma_wait3A_451 = arith.constant 0 : i32
        %dma_wait3A_452 = tpu.memref_slice %arg16[%dma_wait3A_438, %dma_wait3A_450, %dma_wait3A_451] : memref<8x8x512xf32, #tpu.memory_space<vmem>> -> memref<1x8x512xf32, #tpu.memory_space<vmem>>
        %dma_wait3A_453 = tpu.memref_squeeze %dma_wait3A_452 : memref<1x8x512xf32, #tpu.memory_space<vmem>> -> memref<8x512xf32, #tpu.memory_space<vmem>>
        tpu.wait_dma2 semaphore(%arg17 : memref<!tpu.dma_semaphore, #tpu.memory_space<semaphore_mem>>) src(%dma_wait3A_453 : memref<8x512xf32, #tpu.memory_space<vmem>>) dst(%dma_wait3A_449 : memref<8x512xf32, #tpu.memory_space<hbm>>)
        %dma_wait3A_454 = arith.constant 2 : i32
        %dma_wait3A_455 = arith.constant 2 : i32
        %dma_wait3A_456 = arith.constant 0 : i32
        %dma_wait3A_457 = arith.constant 0 : i32
        %dma_wait3A_458 = tpu.memref_slice %arg16[%dma_wait3A_454, %dma_wait3A_456, %dma_wait3A_457] : memref<8x8x512xf32, #tpu.memory_space<vmem>> -> memref<1x8x512xf32, #tpu.memory_space<vmem>>
        %dma_wait3A_459 = tpu.memref_squeeze %dma_wait3A_458 : memref<1x8x512xf32, #tpu.memory_space<vmem>> -> memref<8x512xf32, #tpu.memory_space<vmem>>
        %dma_wait3A_460 = arith.constant 0 : i32
        %dma_wait3A_461 = tpu.memref_slice %arg11[%select_n3A_55, %dma_wait3A_455, %select_n3A_97, %dma_wait3A_460] : memref<4x8x512x512xf32, #tpu.memory_space<hbm>> -> memref<1x1x8x512xf32, #tpu.memory_space<hbm>>
        %dma_wait3A_462 = tpu.memref_squeeze %dma_wait3A_461 : memref<1x1x8x512xf32, #tpu.memory_space<hbm>> -> memref<8x512xf32, #tpu.memory_space<hbm>>
        %dma_wait3A_463 = arith.constant 0 : i32
        %dma_wait3A_464 = tpu.memref_slice %arg11[%select_n3A_55, %dma_wait3A_455, %select_n3A_97, %dma_wait3A_463] : memref<4x8x512x512xf32, #tpu.memory_space<hbm>> -> memref<1x1x8x512xf32, #tpu.memory_space<hbm>>
        %dma_wait3A_465 = tpu.memref_squeeze %dma_wait3A_464 : memref<1x1x8x512xf32, #tpu.memory_space<hbm>> -> memref<8x512xf32, #tpu.memory_space<hbm>>
        %dma_wait3A_466 = arith.constant 0 : i32
        %dma_wait3A_467 = arith.constant 0 : i32
        %dma_wait3A_468 = tpu.memref_slice %arg16[%dma_wait3A_454, %dma_wait3A_466, %dma_wait3A_467] : memref<8x8x512xf32, #tpu.memory_space<vmem>> -> memref<1x8x512xf32, #tpu.memory_space<vmem>>
        %dma_wait3A_469 = tpu.memref_squeeze %dma_wait3A_468 : memref<1x8x512xf32, #tpu.memory_space<vmem>> -> memref<8x512xf32, #tpu.memory_space<vmem>>
        tpu.wait_dma2 semaphore(%arg17 : memref<!tpu.dma_semaphore, #tpu.memory_space<semaphore_mem>>) src(%dma_wait3A_469 : memref<8x512xf32, #tpu.memory_space<vmem>>) dst(%dma_wait3A_465 : memref<8x512xf32, #tpu.memory_space<hbm>>)
        %dma_wait3A_470 = arith.constant 3 : i32
        %dma_wait3A_471 = arith.constant 3 : i32
        %dma_wait3A_472 = arith.constant 0 : i32
        %dma_wait3A_473 = arith.constant 0 : i32
        %dma_wait3A_474 = tpu.memref_slice %arg16[%dma_wait3A_470, %dma_wait3A_472, %dma_wait3A_473] : memref<8x8x512xf32, #tpu.memory_space<vmem>> -> memref<1x8x512xf32, #tpu.memory_space<vmem>>
        %dma_wait3A_475 = tpu.memref_squeeze %dma_wait3A_474 : memref<1x8x512xf32, #tpu.memory_space<vmem>> -> memref<8x512xf32, #tpu.memory_space<vmem>>
        %dma_wait3A_476 = arith.constant 0 : i32
        %dma_wait3A_477 = tpu.memref_slice %arg11[%select_n3A_55, %dma_wait3A_471, %select_n3A_97, %dma_wait3A_476] : memref<4x8x512x512xf32, #tpu.memory_space<hbm>> -> memref<1x1x8x512xf32, #tpu.memory_space<hbm>>
        %dma_wait3A_478 = tpu.memref_squeeze %dma_wait3A_477 : memref<1x1x8x512xf32, #tpu.memory_space<hbm>> -> memref<8x512xf32, #tpu.memory_space<hbm>>
        %dma_wait3A_479 = arith.constant 0 : i32
        %dma_wait3A_480 = tpu.memref_slice %arg11[%select_n3A_55, %dma_wait3A_471, %select_n3A_97, %dma_wait3A_479] : memref<4x8x512x512xf32, #tpu.memory_space<hbm>> -> memref<1x1x8x512xf32, #tpu.memory_space<hbm>>
        %dma_wait3A_481 = tpu.memref_squeeze %dma_wait3A_480 : memref<1x1x8x512xf32, #tpu.memory_space<hbm>> -> memref<8x512xf32, #tpu.memory_space<hbm>>
        %dma_wait3A_482 = arith.constant 0 : i32
        %dma_wait3A_483 = arith.constant 0 : i32
        %dma_wait3A_484 = tpu.memref_slice %arg16[%dma_wait3A_470, %dma_wait3A_482, %dma_wait3A_483] : memref<8x8x512xf32, #tpu.memory_space<vmem>> -> memref<1x8x512xf32, #tpu.memory_space<vmem>>
        %dma_wait3A_485 = tpu.memref_squeeze %dma_wait3A_484 : memref<1x8x512xf32, #tpu.memory_space<vmem>> -> memref<8x512xf32, #tpu.memory_space<vmem>>
        tpu.wait_dma2 semaphore(%arg17 : memref<!tpu.dma_semaphore, #tpu.memory_space<semaphore_mem>>) src(%dma_wait3A_485 : memref<8x512xf32, #tpu.memory_space<vmem>>) dst(%dma_wait3A_481 : memref<8x512xf32, #tpu.memory_space<hbm>>)
        %dma_wait3A_486 = arith.constant 4 : i32
        %dma_wait3A_487 = arith.constant 4 : i32
        %dma_wait3A_488 = arith.constant 0 : i32
        %dma_wait3A_489 = arith.constant 0 : i32
        %dma_wait3A_490 = tpu.memref_slice %arg16[%dma_wait3A_486, %dma_wait3A_488, %dma_wait3A_489] : memref<8x8x512xf32, #tpu.memory_space<vmem>> -> memref<1x8x512xf32, #tpu.memory_space<vmem>>
        %dma_wait3A_491 = tpu.memref_squeeze %dma_wait3A_490 : memref<1x8x512xf32, #tpu.memory_space<vmem>> -> memref<8x512xf32, #tpu.memory_space<vmem>>
        %dma_wait3A_492 = arith.constant 0 : i32
        %dma_wait3A_493 = tpu.memref_slice %arg11[%select_n3A_55, %dma_wait3A_487, %select_n3A_97, %dma_wait3A_492] : memref<4x8x512x512xf32, #tpu.memory_space<hbm>> -> memref<1x1x8x512xf32, #tpu.memory_space<hbm>>
        %dma_wait3A_494 = tpu.memref_squeeze %dma_wait3A_493 : memref<1x1x8x512xf32, #tpu.memory_space<hbm>> -> memref<8x512xf32, #tpu.memory_space<hbm>>
        %dma_wait3A_495 = arith.constant 0 : i32
        %dma_wait3A_496 = tpu.memref_slice %arg11[%select_n3A_55, %dma_wait3A_487, %select_n3A_97, %dma_wait3A_495] : memref<4x8x512x512xf32, #tpu.memory_space<hbm>> -> memref<1x1x8x512xf32, #tpu.memory_space<hbm>>
        %dma_wait3A_497 = tpu.memref_squeeze %dma_wait3A_496 : memref<1x1x8x512xf32, #tpu.memory_space<hbm>> -> memref<8x512xf32, #tpu.memory_space<hbm>>
        %dma_wait3A_498 = arith.constant 0 : i32
        %dma_wait3A_499 = arith.constant 0 : i32
        %dma_wait3A_500 = tpu.memref_slice %arg16[%dma_wait3A_486, %dma_wait3A_498, %dma_wait3A_499] : memref<8x8x512xf32, #tpu.memory_space<vmem>> -> memref<1x8x512xf32, #tpu.memory_space<vmem>>
        %dma_wait3A_501 = tpu.memref_squeeze %dma_wait3A_500 : memref<1x8x512xf32, #tpu.memory_space<vmem>> -> memref<8x512xf32, #tpu.memory_space<vmem>>
        tpu.wait_dma2 semaphore(%arg17 : memref<!tpu.dma_semaphore, #tpu.memory_space<semaphore_mem>>) src(%dma_wait3A_501 : memref<8x512xf32, #tpu.memory_space<vmem>>) dst(%dma_wait3A_497 : memref<8x512xf32, #tpu.memory_space<hbm>>)
        %dma_wait3A_502 = arith.constant 5 : i32
        %dma_wait3A_503 = arith.constant 5 : i32
        %dma_wait3A_504 = arith.constant 0 : i32
        %dma_wait3A_505 = arith.constant 0 : i32
        %dma_wait3A_506 = tpu.memref_slice %arg16[%dma_wait3A_502, %dma_wait3A_504, %dma_wait3A_505] : memref<8x8x512xf32, #tpu.memory_space<vmem>> -> memref<1x8x512xf32, #tpu.memory_space<vmem>>
        %dma_wait3A_507 = tpu.memref_squeeze %dma_wait3A_506 : memref<1x8x512xf32, #tpu.memory_space<vmem>> -> memref<8x512xf32, #tpu.memory_space<vmem>>
        %dma_wait3A_508 = arith.constant 0 : i32
        %dma_wait3A_509 = tpu.memref_slice %arg11[%select_n3A_55, %dma_wait3A_503, %select_n3A_97, %dma_wait3A_508] : memref<4x8x512x512xf32, #tpu.memory_space<hbm>> -> memref<1x1x8x512xf32, #tpu.memory_space<hbm>>
        %dma_wait3A_510 = tpu.memref_squeeze %dma_wait3A_509 : memref<1x1x8x512xf32, #tpu.memory_space<hbm>> -> memref<8x512xf32, #tpu.memory_space<hbm>>
        %dma_wait3A_511 = arith.constant 0 : i32
        %dma_wait3A_512 = tpu.memref_slice %arg11[%select_n3A_55, %dma_wait3A_503, %select_n3A_97, %dma_wait3A_511] : memref<4x8x512x512xf32, #tpu.memory_space<hbm>> -> memref<1x1x8x512xf32, #tpu.memory_space<hbm>>
        %dma_wait3A_513 = tpu.memref_squeeze %dma_wait3A_512 : memref<1x1x8x512xf32, #tpu.memory_space<hbm>> -> memref<8x512xf32, #tpu.memory_space<hbm>>
        %dma_wait3A_514 = arith.constant 0 : i32
        %dma_wait3A_515 = arith.constant 0 : i32
        %dma_wait3A_516 = tpu.memref_slice %arg16[%dma_wait3A_502, %dma_wait3A_514, %dma_wait3A_515] : memref<8x8x512xf32, #tpu.memory_space<vmem>> -> memref<1x8x512xf32, #tpu.memory_space<vmem>>
        %dma_wait3A_517 = tpu.memref_squeeze %dma_wait3A_516 : memref<1x8x512xf32, #tpu.memory_space<vmem>> -> memref<8x512xf32, #tpu.memory_space<vmem>>
        tpu.wait_dma2 semaphore(%arg17 : memref<!tpu.dma_semaphore, #tpu.memory_space<semaphore_mem>>) src(%dma_wait3A_517 : memref<8x512xf32, #tpu.memory_space<vmem>>) dst(%dma_wait3A_513 : memref<8x512xf32, #tpu.memory_space<hbm>>)
        %dma_wait3A_518 = arith.constant 6 : i32
        %dma_wait3A_519 = arith.constant 6 : i32
        %dma_wait3A_520 = arith.constant 0 : i32
        %dma_wait3A_521 = arith.constant 0 : i32
        %dma_wait3A_522 = tpu.memref_slice %arg16[%dma_wait3A_518, %dma_wait3A_520, %dma_wait3A_521] : memref<8x8x512xf32, #tpu.memory_space<vmem>> -> memref<1x8x512xf32, #tpu.memory_space<vmem>>
        %dma_wait3A_523 = tpu.memref_squeeze %dma_wait3A_522 : memref<1x8x512xf32, #tpu.memory_space<vmem>> -> memref<8x512xf32, #tpu.memory_space<vmem>>
        %dma_wait3A_524 = arith.constant 0 : i32
        %dma_wait3A_525 = tpu.memref_slice %arg11[%select_n3A_55, %dma_wait3A_519, %select_n3A_97, %dma_wait3A_524] : memref<4x8x512x512xf32, #tpu.memory_space<hbm>> -> memref<1x1x8x512xf32, #tpu.memory_space<hbm>>
        %dma_wait3A_526 = tpu.memref_squeeze %dma_wait3A_525 : memref<1x1x8x512xf32, #tpu.memory_space<hbm>> -> memref<8x512xf32, #tpu.memory_space<hbm>>
        %dma_wait3A_527 = arith.constant 0 : i32
        %dma_wait3A_528 = tpu.memref_slice %arg11[%select_n3A_55, %dma_wait3A_519, %select_n3A_97, %dma_wait3A_527] : memref<4x8x512x512xf32, #tpu.memory_space<hbm>> -> memref<1x1x8x512xf32, #tpu.memory_space<hbm>>
        %dma_wait3A_529 = tpu.memref_squeeze %dma_wait3A_528 : memref<1x1x8x512xf32, #tpu.memory_space<hbm>> -> memref<8x512xf32, #tpu.memory_space<hbm>>
        %dma_wait3A_530 = arith.constant 0 : i32
        %dma_wait3A_531 = arith.constant 0 : i32
        %dma_wait3A_532 = tpu.memref_slice %arg16[%dma_wait3A_518, %dma_wait3A_530, %dma_wait3A_531] : memref<8x8x512xf32, #tpu.memory_space<vmem>> -> memref<1x8x512xf32, #tpu.memory_space<vmem>>
        %dma_wait3A_533 = tpu.memref_squeeze %dma_wait3A_532 : memref<1x8x512xf32, #tpu.memory_space<vmem>> -> memref<8x512xf32, #tpu.memory_space<vmem>>
        tpu.wait_dma2 semaphore(%arg17 : memref<!tpu.dma_semaphore, #tpu.memory_space<semaphore_mem>>) src(%dma_wait3A_533 : memref<8x512xf32, #tpu.memory_space<vmem>>) dst(%dma_wait3A_529 : memref<8x512xf32, #tpu.memory_space<hbm>>)
        %dma_wait3A_534 = arith.constant 7 : i32
        %dma_wait3A_535 = arith.constant 7 : i32
        %dma_wait3A_536 = arith.constant 0 : i32
        %dma_wait3A_537 = arith.constant 0 : i32
        %dma_wait3A_538 = tpu.memref_slice %arg16[%dma_wait3A_534, %dma_wait3A_536, %dma_wait3A_537] : memref<8x8x512xf32, #tpu.memory_space<vmem>> -> memref<1x8x512xf32, #tpu.memory_space<vmem>>
        %dma_wait3A_539 = tpu.memref_squeeze %dma_wait3A_538 : memref<1x8x512xf32, #tpu.memory_space<vmem>> -> memref<8x512xf32, #tpu.memory_space<vmem>>
        %dma_wait3A_540 = arith.constant 0 : i32
        %dma_wait3A_541 = tpu.memref_slice %arg11[%select_n3A_55, %dma_wait3A_535, %select_n3A_97, %dma_wait3A_540] : memref<4x8x512x512xf32, #tpu.memory_space<hbm>> -> memref<1x1x8x512xf32, #tpu.memory_space<hbm>>
        %dma_wait3A_542 = tpu.memref_squeeze %dma_wait3A_541 : memref<1x1x8x512xf32, #tpu.memory_space<hbm>> -> memref<8x512xf32, #tpu.memory_space<hbm>>
        %dma_wait3A_543 = arith.constant 0 : i32
        %dma_wait3A_544 = tpu.memref_slice %arg11[%select_n3A_55, %dma_wait3A_535, %select_n3A_97, %dma_wait3A_543] : memref<4x8x512x512xf32, #tpu.memory_space<hbm>> -> memref<1x1x8x512xf32, #tpu.memory_space<hbm>>
        %dma_wait3A_545 = tpu.memref_squeeze %dma_wait3A_544 : memref<1x1x8x512xf32, #tpu.memory_space<hbm>> -> memref<8x512xf32, #tpu.memory_space<hbm>>
        %dma_wait3A_546 = arith.constant 0 : i32
        %dma_wait3A_547 = arith.constant 0 : i32
        %dma_wait3A_548 = tpu.memref_slice %arg16[%dma_wait3A_534, %dma_wait3A_546, %dma_wait3A_547] : memref<8x8x512xf32, #tpu.memory_space<vmem>> -> memref<1x8x512xf32, #tpu.memory_space<vmem>>
        %dma_wait3A_549 = tpu.memref_squeeze %dma_wait3A_548 : memref<1x8x512xf32, #tpu.memory_space<vmem>> -> memref<8x512xf32, #tpu.memory_space<vmem>>
        tpu.wait_dma2 semaphore(%arg17 : memref<!tpu.dma_semaphore, #tpu.memory_space<semaphore_mem>>) src(%dma_wait3A_549 : memref<8x512xf32, #tpu.memory_space<vmem>>) dst(%dma_wait3A_545 : memref<8x512xf32, #tpu.memory_space<hbm>>)
      } else {
      }
      %parallel_loop3A = arith.constant 0 : i32
      %parallel_loop3A_274 = arith.constant 128 : i32
      %parallel_loop3A_275 = arith.constant 1 : i32
      scf.for %parallel_loop3A_422 = %parallel_loop3A to %parallel_loop3A_274 step %parallel_loop3A_275  : i32 {
        %parallel_loop3A_423 = arith.constant 16 : i32
        %parallel_loop3A_424 = arith.muli %parallel_loop3A_422, %parallel_loop3A_423 : i32
        %parallel_loop3A_425 = vector.broadcast %parallel_loop3A_424 : i32 to vector<16xi32>
        %parallel_loop3A_426 = arith.addi %parallel_loop3A_425, %iota3A : vector<16xi32>
        %parallel_loop3A_427 = tpu.vector_load_idx %arg15[%parallel_loop3A_426, %broadcast_in_dim3A_0] : memref<4096x8xf32, #tpu.memory_space<vmem>>[vector<16xi32>, vector<16xi32>], vector<16xf32>,
        %parallel_loop3A_428 = arith.constant 32 : i32
        %parallel_loop3A_429 = arith.divsi %parallel_loop3A_422, %parallel_loop3A_428 : i32
        %parallel_loop3A_430 = arith.constant 0 : i32
        %parallel_loop3A_431 = arith.cmpi sgt, %parallel_loop3A_422, %parallel_loop3A_430 : i32
        %parallel_loop3A_432 = arith.extui %parallel_loop3A_431 : i1 to i32
        %parallel_loop3A_433 = arith.constant 0 : i32
        %parallel_loop3A_434 = arith.cmpi slt, %parallel_loop3A_422, %parallel_loop3A_433 : i32
        %parallel_loop3A_435 = arith.extui %parallel_loop3A_434 : i1 to i32
        %parallel_loop3A_436 = arith.subi %parallel_loop3A_432, %parallel_loop3A_435 : i32
        %parallel_loop3A_437 = arith.constant 0 : i32
        %parallel_loop3A_438 = arith.cmpi sgt, %parallel_loop3A_428, %parallel_loop3A_437 : i32
        %parallel_loop3A_439 = arith.extui %parallel_loop3A_438 : i1 to i32
        %parallel_loop3A_440 = arith.constant 0 : i32
        %parallel_loop3A_441 = arith.cmpi slt, %parallel_loop3A_428, %parallel_loop3A_440 : i32
        %parallel_loop3A_442 = arith.extui %parallel_loop3A_441 : i1 to i32
        %parallel_loop3A_443 = arith.subi %parallel_loop3A_439, %parallel_loop3A_442 : i32
        %parallel_loop3A_444 = arith.cmpi ne, %parallel_loop3A_436, %parallel_loop3A_443 : i32
        %parallel_loop3A_445 = arith.remsi %parallel_loop3A_422, %parallel_loop3A_428 : i32
        %parallel_loop3A_446 = arith.constant 0 : i32
        %parallel_loop3A_447 = arith.cmpi ne, %parallel_loop3A_445, %parallel_loop3A_446 : i32
        %parallel_loop3A_448 = arith.andi %parallel_loop3A_444, %parallel_loop3A_447 : i1
        %parallel_loop3A_449 = arith.constant 1 : i32
        %parallel_loop3A_450 = arith.subi %parallel_loop3A_429, %parallel_loop3A_449 : i32
        %parallel_loop3A_451 = arith.select %parallel_loop3A_448, %parallel_loop3A_450, %parallel_loop3A_429 : i32
        %parallel_loop3A_452 = arith.constant 32 : i32
        %parallel_loop3A_453 = arith.constant 0 : i32
        %parallel_loop3A_454 = arith.cmpi eq, %parallel_loop3A_452, %parallel_loop3A_453 : i32
        %parallel_loop3A_455 = arith.constant 1 : i32
        %parallel_loop3A_456 = arith.select %parallel_loop3A_454, %parallel_loop3A_455, %parallel_loop3A_452 : i32
        %parallel_loop3A_457 = arith.remsi %parallel_loop3A_422, %parallel_loop3A_456 : i32
        %parallel_loop3A_458 = arith.constant 0 : i32
        %parallel_loop3A_459 = arith.cmpi ne, %parallel_loop3A_457, %parallel_loop3A_458 : i32
        %parallel_loop3A_460 = arith.constant 0 : i32
        %parallel_loop3A_461 = arith.cmpi slt, %parallel_loop3A_457, %parallel_loop3A_460 : i32
        %parallel_loop3A_462 = arith.constant 0 : i32
        %parallel_loop3A_463 = arith.cmpi slt, %parallel_loop3A_456, %parallel_loop3A_462 : i32
        %parallel_loop3A_464 = arith.xori %parallel_loop3A_461, %parallel_loop3A_463 : i1
        %parallel_loop3A_465 = arith.andi %parallel_loop3A_464, %parallel_loop3A_459 : i1
        %parallel_loop3A_466 = arith.addi %parallel_loop3A_457, %parallel_loop3A_456 : i32
        %parallel_loop3A_467 = arith.select %parallel_loop3A_465, %parallel_loop3A_466, %parallel_loop3A_457 : i32
        %parallel_loop3A_468 = arith.constant 16 : i32
        %parallel_loop3A_469 = arith.muli %parallel_loop3A_467, %parallel_loop3A_468 : i32
        %parallel_loop3A_470 = arith.constant 0 : i32
        %parallel_loop3A_471 = arith.index_cast %parallel_loop3A_470 : i32 to index
        %parallel_loop3A_472 = arith.index_cast %parallel_loop3A_451 : i32 to index
        %parallel_loop3A_473 = arith.index_cast %parallel_loop3A_469 : i32 to index
        %parallel_loop3A_474 = tpu.vector_load %arg16[%parallel_loop3A_471, %parallel_loop3A_472, %parallel_loop3A_473] {strides = array<i32>} : memref<8x8x512xf32, #tpu.memory_space<vmem>>, vector<16xf32>,
        tpu.vector_store %arg16[%parallel_loop3A_471, %parallel_loop3A_472, %parallel_loop3A_473], %parallel_loop3A_427 {strides = array<i32>} : memref<8x8x512xf32, #tpu.memory_space<vmem>>, vector<16xf32>,
        %parallel_loop3A_475 = tpu.vector_load_idx %arg15[%parallel_loop3A_426, %broadcast_in_dim3A_2] : memref<4096x8xf32, #tpu.memory_space<vmem>>[vector<16xi32>, vector<16xi32>], vector<16xf32>,
        %parallel_loop3A_476 = arith.constant 32 : i32
        %parallel_loop3A_477 = arith.divsi %parallel_loop3A_422, %parallel_loop3A_476 : i32
        %parallel_loop3A_478 = arith.constant 0 : i32
        %parallel_loop3A_479 = arith.cmpi sgt, %parallel_loop3A_422, %parallel_loop3A_478 : i32
        %parallel_loop3A_480 = arith.extui %parallel_loop3A_479 : i1 to i32
        %parallel_loop3A_481 = arith.constant 0 : i32
        %parallel_loop3A_482 = arith.cmpi slt, %parallel_loop3A_422, %parallel_loop3A_481 : i32
        %parallel_loop3A_483 = arith.extui %parallel_loop3A_482 : i1 to i32
        %parallel_loop3A_484 = arith.subi %parallel_loop3A_480, %parallel_loop3A_483 : i32
        %parallel_loop3A_485 = arith.constant 0 : i32
        %parallel_loop3A_486 = arith.cmpi sgt, %parallel_loop3A_476, %parallel_loop3A_485 : i32
        %parallel_loop3A_487 = arith.extui %parallel_loop3A_486 : i1 to i32
        %parallel_loop3A_488 = arith.constant 0 : i32
        %parallel_loop3A_489 = arith.cmpi slt, %parallel_loop3A_476, %parallel_loop3A_488 : i32
        %parallel_loop3A_490 = arith.extui %parallel_loop3A_489 : i1 to i32
        %parallel_loop3A_491 = arith.subi %parallel_loop3A_487, %parallel_loop3A_490 : i32
        %parallel_loop3A_492 = arith.cmpi ne, %parallel_loop3A_484, %parallel_loop3A_491 : i32
        %parallel_loop3A_493 = arith.remsi %parallel_loop3A_422, %parallel_loop3A_476 : i32
        %parallel_loop3A_494 = arith.constant 0 : i32
        %parallel_loop3A_495 = arith.cmpi ne, %parallel_loop3A_493, %parallel_loop3A_494 : i32
        %parallel_loop3A_496 = arith.andi %parallel_loop3A_492, %parallel_loop3A_495 : i1
        %parallel_loop3A_497 = arith.constant 1 : i32
        %parallel_loop3A_498 = arith.subi %parallel_loop3A_477, %parallel_loop3A_497 : i32
        %parallel_loop3A_499 = arith.select %parallel_loop3A_496, %parallel_loop3A_498, %parallel_loop3A_477 : i32
        %parallel_loop3A_500 = arith.constant 32 : i32
        %parallel_loop3A_501 = arith.constant 0 : i32
        %parallel_loop3A_502 = arith.cmpi eq, %parallel_loop3A_500, %parallel_loop3A_501 : i32
        %parallel_loop3A_503 = arith.constant 1 : i32
        %parallel_loop3A_504 = arith.select %parallel_loop3A_502, %parallel_loop3A_503, %parallel_loop3A_500 : i32
        %parallel_loop3A_505 = arith.remsi %parallel_loop3A_422, %parallel_loop3A_504 : i32
        %parallel_loop3A_506 = arith.constant 0 : i32
        %parallel_loop3A_507 = arith.cmpi ne, %parallel_loop3A_505, %parallel_loop3A_506 : i32
        %parallel_loop3A_508 = arith.constant 0 : i32
        %parallel_loop3A_509 = arith.cmpi slt, %parallel_loop3A_505, %parallel_loop3A_508 : i32
        %parallel_loop3A_510 = arith.constant 0 : i32
        %parallel_loop3A_511 = arith.cmpi slt, %parallel_loop3A_504, %parallel_loop3A_510 : i32
        %parallel_loop3A_512 = arith.xori %parallel_loop3A_509, %parallel_loop3A_511 : i1
        %parallel_loop3A_513 = arith.andi %parallel_loop3A_512, %parallel_loop3A_507 : i1
        %parallel_loop3A_514 = arith.addi %parallel_loop3A_505, %parallel_loop3A_504 : i32
        %parallel_loop3A_515 = arith.select %parallel_loop3A_513, %parallel_loop3A_514, %parallel_loop3A_505 : i32
        %parallel_loop3A_516 = arith.constant 16 : i32
        %parallel_loop3A_517 = arith.muli %parallel_loop3A_515, %parallel_loop3A_516 : i32
        %parallel_loop3A_518 = arith.constant 1 : i32
        %parallel_loop3A_519 = arith.index_cast %parallel_loop3A_518 : i32 to index
        %parallel_loop3A_520 = arith.index_cast %parallel_loop3A_499 : i32 to index
        %parallel_loop3A_521 = arith.index_cast %parallel_loop3A_517 : i32 to index
        %parallel_loop3A_522 = tpu.vector_load %arg16[%parallel_loop3A_519, %parallel_loop3A_520, %parallel_loop3A_521] {strides = array<i32>} : memref<8x8x512xf32, #tpu.memory_space<vmem>>, vector<16xf32>,
        tpu.vector_store %arg16[%parallel_loop3A_519, %parallel_loop3A_520, %parallel_loop3A_521], %parallel_loop3A_475 {strides = array<i32>} : memref<8x8x512xf32, #tpu.memory_space<vmem>>, vector<16xf32>,
        %parallel_loop3A_523 = tpu.vector_load_idx %arg15[%parallel_loop3A_426, %broadcast_in_dim3A_4] : memref<4096x8xf32, #tpu.memory_space<vmem>>[vector<16xi32>, vector<16xi32>], vector<16xf32>,
        %parallel_loop3A_524 = arith.constant 32 : i32
        %parallel_loop3A_525 = arith.divsi %parallel_loop3A_422, %parallel_loop3A_524 : i32
        %parallel_loop3A_526 = arith.constant 0 : i32
        %parallel_loop3A_527 = arith.cmpi sgt, %parallel_loop3A_422, %parallel_loop3A_526 : i32
        %parallel_loop3A_528 = arith.extui %parallel_loop3A_527 : i1 to i32
        %parallel_loop3A_529 = arith.constant 0 : i32
        %parallel_loop3A_530 = arith.cmpi slt, %parallel_loop3A_422, %parallel_loop3A_529 : i32
        %parallel_loop3A_531 = arith.extui %parallel_loop3A_530 : i1 to i32
        %parallel_loop3A_532 = arith.subi %parallel_loop3A_528, %parallel_loop3A_531 : i32
        %parallel_loop3A_533 = arith.constant 0 : i32
        %parallel_loop3A_534 = arith.cmpi sgt, %parallel_loop3A_524, %parallel_loop3A_533 : i32
        %parallel_loop3A_535 = arith.extui %parallel_loop3A_534 : i1 to i32
        %parallel_loop3A_536 = arith.constant 0 : i32
        %parallel_loop3A_537 = arith.cmpi slt, %parallel_loop3A_524, %parallel_loop3A_536 : i32
        %parallel_loop3A_538 = arith.extui %parallel_loop3A_537 : i1 to i32
        %parallel_loop3A_539 = arith.subi %parallel_loop3A_535, %parallel_loop3A_538 : i32
        %parallel_loop3A_540 = arith.cmpi ne, %parallel_loop3A_532, %parallel_loop3A_539 : i32
        %parallel_loop3A_541 = arith.remsi %parallel_loop3A_422, %parallel_loop3A_524 : i32
        %parallel_loop3A_542 = arith.constant 0 : i32
        %parallel_loop3A_543 = arith.cmpi ne, %parallel_loop3A_541, %parallel_loop3A_542 : i32
        %parallel_loop3A_544 = arith.andi %parallel_loop3A_540, %parallel_loop3A_543 : i1
        %parallel_loop3A_545 = arith.constant 1 : i32
        %parallel_loop3A_546 = arith.subi %parallel_loop3A_525, %parallel_loop3A_545 : i32
        %parallel_loop3A_547 = arith.select %parallel_loop3A_544, %parallel_loop3A_546, %parallel_loop3A_525 : i32
        %parallel_loop3A_548 = arith.constant 32 : i32
        %parallel_loop3A_549 = arith.constant 0 : i32
        %parallel_loop3A_550 = arith.cmpi eq, %parallel_loop3A_548, %parallel_loop3A_549 : i32
        %parallel_loop3A_551 = arith.constant 1 : i32
        %parallel_loop3A_552 = arith.select %parallel_loop3A_550, %parallel_loop3A_551, %parallel_loop3A_548 : i32
        %parallel_loop3A_553 = arith.remsi %parallel_loop3A_422, %parallel_loop3A_552 : i32
        %parallel_loop3A_554 = arith.constant 0 : i32
        %parallel_loop3A_555 = arith.cmpi ne, %parallel_loop3A_553, %parallel_loop3A_554 : i32
        %parallel_loop3A_556 = arith.constant 0 : i32
        %parallel_loop3A_557 = arith.cmpi slt, %parallel_loop3A_553, %parallel_loop3A_556 : i32
        %parallel_loop3A_558 = arith.constant 0 : i32
        %parallel_loop3A_559 = arith.cmpi slt, %parallel_loop3A_552, %parallel_loop3A_558 : i32
        %parallel_loop3A_560 = arith.xori %parallel_loop3A_557, %parallel_loop3A_559 : i1
        %parallel_loop3A_561 = arith.andi %parallel_loop3A_560, %parallel_loop3A_555 : i1
        %parallel_loop3A_562 = arith.addi %parallel_loop3A_553, %parallel_loop3A_552 : i32
        %parallel_loop3A_563 = arith.select %parallel_loop3A_561, %parallel_loop3A_562, %parallel_loop3A_553 : i32
        %parallel_loop3A_564 = arith.constant 16 : i32
        %parallel_loop3A_565 = arith.muli %parallel_loop3A_563, %parallel_loop3A_564 : i32
        %parallel_loop3A_566 = arith.constant 2 : i32
        %parallel_loop3A_567 = arith.index_cast %parallel_loop3A_566 : i32 to index
        %parallel_loop3A_568 = arith.index_cast %parallel_loop3A_547 : i32 to index
        %parallel_loop3A_569 = arith.index_cast %parallel_loop3A_565 : i32 to index
        %parallel_loop3A_570 = tpu.vector_load %arg16[%parallel_loop3A_567, %parallel_loop3A_568, %parallel_loop3A_569] {strides = array<i32>} : memref<8x8x512xf32, #tpu.memory_space<vmem>>, vector<16xf32>,
        tpu.vector_store %arg16[%parallel_loop3A_567, %parallel_loop3A_568, %parallel_loop3A_569], %parallel_loop3A_523 {strides = array<i32>} : memref<8x8x512xf32, #tpu.memory_space<vmem>>, vector<16xf32>,
        %parallel_loop3A_571 = tpu.vector_load_idx %arg15[%parallel_loop3A_426, %broadcast_in_dim3A_6] : memref<4096x8xf32, #tpu.memory_space<vmem>>[vector<16xi32>, vector<16xi32>], vector<16xf32>,
        %parallel_loop3A_572 = arith.constant 32 : i32
        %parallel_loop3A_573 = arith.divsi %parallel_loop3A_422, %parallel_loop3A_572 : i32
        %parallel_loop3A_574 = arith.constant 0 : i32
        %parallel_loop3A_575 = arith.cmpi sgt, %parallel_loop3A_422, %parallel_loop3A_574 : i32
        %parallel_loop3A_576 = arith.extui %parallel_loop3A_575 : i1 to i32
        %parallel_loop3A_577 = arith.constant 0 : i32
        %parallel_loop3A_578 = arith.cmpi slt, %parallel_loop3A_422, %parallel_loop3A_577 : i32
        %parallel_loop3A_579 = arith.extui %parallel_loop3A_578 : i1 to i32
        %parallel_loop3A_580 = arith.subi %parallel_loop3A_576, %parallel_loop3A_579 : i32
        %parallel_loop3A_581 = arith.constant 0 : i32
        %parallel_loop3A_582 = arith.cmpi sgt, %parallel_loop3A_572, %parallel_loop3A_581 : i32
        %parallel_loop3A_583 = arith.extui %parallel_loop3A_582 : i1 to i32
        %parallel_loop3A_584 = arith.constant 0 : i32
        %parallel_loop3A_585 = arith.cmpi slt, %parallel_loop3A_572, %parallel_loop3A_584 : i32
        %parallel_loop3A_586 = arith.extui %parallel_loop3A_585 : i1 to i32
        %parallel_loop3A_587 = arith.subi %parallel_loop3A_583, %parallel_loop3A_586 : i32
        %parallel_loop3A_588 = arith.cmpi ne, %parallel_loop3A_580, %parallel_loop3A_587 : i32
        %parallel_loop3A_589 = arith.remsi %parallel_loop3A_422, %parallel_loop3A_572 : i32
        %parallel_loop3A_590 = arith.constant 0 : i32
        %parallel_loop3A_591 = arith.cmpi ne, %parallel_loop3A_589, %parallel_loop3A_590 : i32
        %parallel_loop3A_592 = arith.andi %parallel_loop3A_588, %parallel_loop3A_591 : i1
        %parallel_loop3A_593 = arith.constant 1 : i32
        %parallel_loop3A_594 = arith.subi %parallel_loop3A_573, %parallel_loop3A_593 : i32
        %parallel_loop3A_595 = arith.select %parallel_loop3A_592, %parallel_loop3A_594, %parallel_loop3A_573 : i32
        %parallel_loop3A_596 = arith.constant 32 : i32
        %parallel_loop3A_597 = arith.constant 0 : i32
        %parallel_loop3A_598 = arith.cmpi eq, %parallel_loop3A_596, %parallel_loop3A_597 : i32
        %parallel_loop3A_599 = arith.constant 1 : i32
        %parallel_loop3A_600 = arith.select %parallel_loop3A_598, %parallel_loop3A_599, %parallel_loop3A_596 : i32
        %parallel_loop3A_601 = arith.remsi %parallel_loop3A_422, %parallel_loop3A_600 : i32
        %parallel_loop3A_602 = arith.constant 0 : i32
        %parallel_loop3A_603 = arith.cmpi ne, %parallel_loop3A_601, %parallel_loop3A_602 : i32
        %parallel_loop3A_604 = arith.constant 0 : i32
        %parallel_loop3A_605 = arith.cmpi slt, %parallel_loop3A_601, %parallel_loop3A_604 : i32
        %parallel_loop3A_606 = arith.constant 0 : i32
        %parallel_loop3A_607 = arith.cmpi slt, %parallel_loop3A_600, %parallel_loop3A_606 : i32
        %parallel_loop3A_608 = arith.xori %parallel_loop3A_605, %parallel_loop3A_607 : i1
        %parallel_loop3A_609 = arith.andi %parallel_loop3A_608, %parallel_loop3A_603 : i1
        %parallel_loop3A_610 = arith.addi %parallel_loop3A_601, %parallel_loop3A_600 : i32
        %parallel_loop3A_611 = arith.select %parallel_loop3A_609, %parallel_loop3A_610, %parallel_loop3A_601 : i32
        %parallel_loop3A_612 = arith.constant 16 : i32
        %parallel_loop3A_613 = arith.muli %parallel_loop3A_611, %parallel_loop3A_612 : i32
        %parallel_loop3A_614 = arith.constant 3 : i32
        %parallel_loop3A_615 = arith.index_cast %parallel_loop3A_614 : i32 to index
        %parallel_loop3A_616 = arith.index_cast %parallel_loop3A_595 : i32 to index
        %parallel_loop3A_617 = arith.index_cast %parallel_loop3A_613 : i32 to index
        %parallel_loop3A_618 = tpu.vector_load %arg16[%parallel_loop3A_615, %parallel_loop3A_616, %parallel_loop3A_617] {strides = array<i32>} : memref<8x8x512xf32, #tpu.memory_space<vmem>>, vector<16xf32>,
        tpu.vector_store %arg16[%parallel_loop3A_615, %parallel_loop3A_616, %parallel_loop3A_617], %parallel_loop3A_571 {strides = array<i32>} : memref<8x8x512xf32, #tpu.memory_space<vmem>>, vector<16xf32>,
        %parallel_loop3A_619 = tpu.vector_load_idx %arg15[%parallel_loop3A_426, %broadcast_in_dim3A_8] : memref<4096x8xf32, #tpu.memory_space<vmem>>[vector<16xi32>, vector<16xi32>], vector<16xf32>,
        %parallel_loop3A_620 = arith.constant 32 : i32
        %parallel_loop3A_621 = arith.divsi %parallel_loop3A_422, %parallel_loop3A_620 : i32
        %parallel_loop3A_622 = arith.constant 0 : i32
        %parallel_loop3A_623 = arith.cmpi sgt, %parallel_loop3A_422, %parallel_loop3A_622 : i32
        %parallel_loop3A_624 = arith.extui %parallel_loop3A_623 : i1 to i32
        %parallel_loop3A_625 = arith.constant 0 : i32
        %parallel_loop3A_626 = arith.cmpi slt, %parallel_loop3A_422, %parallel_loop3A_625 : i32
        %parallel_loop3A_627 = arith.extui %parallel_loop3A_626 : i1 to i32
        %parallel_loop3A_628 = arith.subi %parallel_loop3A_624, %parallel_loop3A_627 : i32
        %parallel_loop3A_629 = arith.constant 0 : i32
        %parallel_loop3A_630 = arith.cmpi sgt, %parallel_loop3A_620, %parallel_loop3A_629 : i32
        %parallel_loop3A_631 = arith.extui %parallel_loop3A_630 : i1 to i32
        %parallel_loop3A_632 = arith.constant 0 : i32
        %parallel_loop3A_633 = arith.cmpi slt, %parallel_loop3A_620, %parallel_loop3A_632 : i32
        %parallel_loop3A_634 = arith.extui %parallel_loop3A_633 : i1 to i32
        %parallel_loop3A_635 = arith.subi %parallel_loop3A_631, %parallel_loop3A_634 : i32
        %parallel_loop3A_636 = arith.cmpi ne, %parallel_loop3A_628, %parallel_loop3A_635 : i32
        %parallel_loop3A_637 = arith.remsi %parallel_loop3A_422, %parallel_loop3A_620 : i32
        %parallel_loop3A_638 = arith.constant 0 : i32
        %parallel_loop3A_639 = arith.cmpi ne, %parallel_loop3A_637, %parallel_loop3A_638 : i32
        %parallel_loop3A_640 = arith.andi %parallel_loop3A_636, %parallel_loop3A_639 : i1
        %parallel_loop3A_641 = arith.constant 1 : i32
        %parallel_loop3A_642 = arith.subi %parallel_loop3A_621, %parallel_loop3A_641 : i32
        %parallel_loop3A_643 = arith.select %parallel_loop3A_640, %parallel_loop3A_642, %parallel_loop3A_621 : i32
        %parallel_loop3A_644 = arith.constant 32 : i32
        %parallel_loop3A_645 = arith.constant 0 : i32
        %parallel_loop3A_646 = arith.cmpi eq, %parallel_loop3A_644, %parallel_loop3A_645 : i32
        %parallel_loop3A_647 = arith.constant 1 : i32
        %parallel_loop3A_648 = arith.select %parallel_loop3A_646, %parallel_loop3A_647, %parallel_loop3A_644 : i32
        %parallel_loop3A_649 = arith.remsi %parallel_loop3A_422, %parallel_loop3A_648 : i32
        %parallel_loop3A_650 = arith.constant 0 : i32
        %parallel_loop3A_651 = arith.cmpi ne, %parallel_loop3A_649, %parallel_loop3A_650 : i32
        %parallel_loop3A_652 = arith.constant 0 : i32
        %parallel_loop3A_653 = arith.cmpi slt, %parallel_loop3A_649, %parallel_loop3A_652 : i32
        %parallel_loop3A_654 = arith.constant 0 : i32
        %parallel_loop3A_655 = arith.cmpi slt, %parallel_loop3A_648, %parallel_loop3A_654 : i32
        %parallel_loop3A_656 = arith.xori %parallel_loop3A_653, %parallel_loop3A_655 : i1
        %parallel_loop3A_657 = arith.andi %parallel_loop3A_656, %parallel_loop3A_651 : i1
        %parallel_loop3A_658 = arith.addi %parallel_loop3A_649, %parallel_loop3A_648 : i32
        %parallel_loop3A_659 = arith.select %parallel_loop3A_657, %parallel_loop3A_658, %parallel_loop3A_649 : i32
        %parallel_loop3A_660 = arith.constant 16 : i32
        %parallel_loop3A_661 = arith.muli %parallel_loop3A_659, %parallel_loop3A_660 : i32
        %parallel_loop3A_662 = arith.constant 4 : i32
        %parallel_loop3A_663 = arith.index_cast %parallel_loop3A_662 : i32 to index
        %parallel_loop3A_664 = arith.index_cast %parallel_loop3A_643 : i32 to index
        %parallel_loop3A_665 = arith.index_cast %parallel_loop3A_661 : i32 to index
        %parallel_loop3A_666 = tpu.vector_load %arg16[%parallel_loop3A_663, %parallel_loop3A_664, %parallel_loop3A_665] {strides = array<i32>} : memref<8x8x512xf32, #tpu.memory_space<vmem>>, vector<16xf32>,
        tpu.vector_store %arg16[%parallel_loop3A_663, %parallel_loop3A_664, %parallel_loop3A_665], %parallel_loop3A_619 {strides = array<i32>} : memref<8x8x512xf32, #tpu.memory_space<vmem>>, vector<16xf32>,
        %parallel_loop3A_667 = tpu.vector_load_idx %arg15[%parallel_loop3A_426, %broadcast_in_dim3A_10] : memref<4096x8xf32, #tpu.memory_space<vmem>>[vector<16xi32>, vector<16xi32>], vector<16xf32>,
        %parallel_loop3A_668 = arith.constant 32 : i32
        %parallel_loop3A_669 = arith.divsi %parallel_loop3A_422, %parallel_loop3A_668 : i32
        %parallel_loop3A_670 = arith.constant 0 : i32
        %parallel_loop3A_671 = arith.cmpi sgt, %parallel_loop3A_422, %parallel_loop3A_670 : i32
        %parallel_loop3A_672 = arith.extui %parallel_loop3A_671 : i1 to i32
        %parallel_loop3A_673 = arith.constant 0 : i32
        %parallel_loop3A_674 = arith.cmpi slt, %parallel_loop3A_422, %parallel_loop3A_673 : i32
        %parallel_loop3A_675 = arith.extui %parallel_loop3A_674 : i1 to i32
        %parallel_loop3A_676 = arith.subi %parallel_loop3A_672, %parallel_loop3A_675 : i32
        %parallel_loop3A_677 = arith.constant 0 : i32
        %parallel_loop3A_678 = arith.cmpi sgt, %parallel_loop3A_668, %parallel_loop3A_677 : i32
        %parallel_loop3A_679 = arith.extui %parallel_loop3A_678 : i1 to i32
        %parallel_loop3A_680 = arith.constant 0 : i32
        %parallel_loop3A_681 = arith.cmpi slt, %parallel_loop3A_668, %parallel_loop3A_680 : i32
        %parallel_loop3A_682 = arith.extui %parallel_loop3A_681 : i1 to i32
        %parallel_loop3A_683 = arith.subi %parallel_loop3A_679, %parallel_loop3A_682 : i32
        %parallel_loop3A_684 = arith.cmpi ne, %parallel_loop3A_676, %parallel_loop3A_683 : i32
        %parallel_loop3A_685 = arith.remsi %parallel_loop3A_422, %parallel_loop3A_668 : i32
        %parallel_loop3A_686 = arith.constant 0 : i32
        %parallel_loop3A_687 = arith.cmpi ne, %parallel_loop3A_685, %parallel_loop3A_686 : i32
        %parallel_loop3A_688 = arith.andi %parallel_loop3A_684, %parallel_loop3A_687 : i1
        %parallel_loop3A_689 = arith.constant 1 : i32
        %parallel_loop3A_690 = arith.subi %parallel_loop3A_669, %parallel_loop3A_689 : i32
        %parallel_loop3A_691 = arith.select %parallel_loop3A_688, %parallel_loop3A_690, %parallel_loop3A_669 : i32
        %parallel_loop3A_692 = arith.constant 32 : i32
        %parallel_loop3A_693 = arith.constant 0 : i32
        %parallel_loop3A_694 = arith.cmpi eq, %parallel_loop3A_692, %parallel_loop3A_693 : i32
        %parallel_loop3A_695 = arith.constant 1 : i32
        %parallel_loop3A_696 = arith.select %parallel_loop3A_694, %parallel_loop3A_695, %parallel_loop3A_692 : i32
        %parallel_loop3A_697 = arith.remsi %parallel_loop3A_422, %parallel_loop3A_696 : i32
        %parallel_loop3A_698 = arith.constant 0 : i32
        %parallel_loop3A_699 = arith.cmpi ne, %parallel_loop3A_697, %parallel_loop3A_698 : i32
        %parallel_loop3A_700 = arith.constant 0 : i32
        %parallel_loop3A_701 = arith.cmpi slt, %parallel_loop3A_697, %parallel_loop3A_700 : i32
        %parallel_loop3A_702 = arith.constant 0 : i32
        %parallel_loop3A_703 = arith.cmpi slt, %parallel_loop3A_696, %parallel_loop3A_702 : i32
        %parallel_loop3A_704 = arith.xori %parallel_loop3A_701, %parallel_loop3A_703 : i1
        %parallel_loop3A_705 = arith.andi %parallel_loop3A_704, %parallel_loop3A_699 : i1
        %parallel_loop3A_706 = arith.addi %parallel_loop3A_697, %parallel_loop3A_696 : i32
        %parallel_loop3A_707 = arith.select %parallel_loop3A_705, %parallel_loop3A_706, %parallel_loop3A_697 : i32
        %parallel_loop3A_708 = arith.constant 16 : i32
        %parallel_loop3A_709 = arith.muli %parallel_loop3A_707, %parallel_loop3A_708 : i32
        %parallel_loop3A_710 = arith.constant 5 : i32
        %parallel_loop3A_711 = arith.index_cast %parallel_loop3A_710 : i32 to index
        %parallel_loop3A_712 = arith.index_cast %parallel_loop3A_691 : i32 to index
        %parallel_loop3A_713 = arith.index_cast %parallel_loop3A_709 : i32 to index
        %parallel_loop3A_714 = tpu.vector_load %arg16[%parallel_loop3A_711, %parallel_loop3A_712, %parallel_loop3A_713] {strides = array<i32>} : memref<8x8x512xf32, #tpu.memory_space<vmem>>, vector<16xf32>,
        tpu.vector_store %arg16[%parallel_loop3A_711, %parallel_loop3A_712, %parallel_loop3A_713], %parallel_loop3A_667 {strides = array<i32>} : memref<8x8x512xf32, #tpu.memory_space<vmem>>, vector<16xf32>,
        %parallel_loop3A_715 = tpu.vector_load_idx %arg15[%parallel_loop3A_426, %broadcast_in_dim3A_12] : memref<4096x8xf32, #tpu.memory_space<vmem>>[vector<16xi32>, vector<16xi32>], vector<16xf32>,
        %parallel_loop3A_716 = arith.constant 32 : i32
        %parallel_loop3A_717 = arith.divsi %parallel_loop3A_422, %parallel_loop3A_716 : i32
        %parallel_loop3A_718 = arith.constant 0 : i32
        %parallel_loop3A_719 = arith.cmpi sgt, %parallel_loop3A_422, %parallel_loop3A_718 : i32
        %parallel_loop3A_720 = arith.extui %parallel_loop3A_719 : i1 to i32
        %parallel_loop3A_721 = arith.constant 0 : i32
        %parallel_loop3A_722 = arith.cmpi slt, %parallel_loop3A_422, %parallel_loop3A_721 : i32
        %parallel_loop3A_723 = arith.extui %parallel_loop3A_722 : i1 to i32
        %parallel_loop3A_724 = arith.subi %parallel_loop3A_720, %parallel_loop3A_723 : i32
        %parallel_loop3A_725 = arith.constant 0 : i32
        %parallel_loop3A_726 = arith.cmpi sgt, %parallel_loop3A_716, %parallel_loop3A_725 : i32
        %parallel_loop3A_727 = arith.extui %parallel_loop3A_726 : i1 to i32
        %parallel_loop3A_728 = arith.constant 0 : i32
        %parallel_loop3A_729 = arith.cmpi slt, %parallel_loop3A_716, %parallel_loop3A_728 : i32
        %parallel_loop3A_730 = arith.extui %parallel_loop3A_729 : i1 to i32
        %parallel_loop3A_731 = arith.subi %parallel_loop3A_727, %parallel_loop3A_730 : i32
        %parallel_loop3A_732 = arith.cmpi ne, %parallel_loop3A_724, %parallel_loop3A_731 : i32
        %parallel_loop3A_733 = arith.remsi %parallel_loop3A_422, %parallel_loop3A_716 : i32
        %parallel_loop3A_734 = arith.constant 0 : i32
        %parallel_loop3A_735 = arith.cmpi ne, %parallel_loop3A_733, %parallel_loop3A_734 : i32
        %parallel_loop3A_736 = arith.andi %parallel_loop3A_732, %parallel_loop3A_735 : i1
        %parallel_loop3A_737 = arith.constant 1 : i32
        %parallel_loop3A_738 = arith.subi %parallel_loop3A_717, %parallel_loop3A_737 : i32
        %parallel_loop3A_739 = arith.select %parallel_loop3A_736, %parallel_loop3A_738, %parallel_loop3A_717 : i32
        %parallel_loop3A_740 = arith.constant 32 : i32
        %parallel_loop3A_741 = arith.constant 0 : i32
        %parallel_loop3A_742 = arith.cmpi eq, %parallel_loop3A_740, %parallel_loop3A_741 : i32
        %parallel_loop3A_743 = arith.constant 1 : i32
        %parallel_loop3A_744 = arith.select %parallel_loop3A_742, %parallel_loop3A_743, %parallel_loop3A_740 : i32
        %parallel_loop3A_745 = arith.remsi %parallel_loop3A_422, %parallel_loop3A_744 : i32
        %parallel_loop3A_746 = arith.constant 0 : i32
        %parallel_loop3A_747 = arith.cmpi ne, %parallel_loop3A_745, %parallel_loop3A_746 : i32
        %parallel_loop3A_748 = arith.constant 0 : i32
        %parallel_loop3A_749 = arith.cmpi slt, %parallel_loop3A_745, %parallel_loop3A_748 : i32
        %parallel_loop3A_750 = arith.constant 0 : i32
        %parallel_loop3A_751 = arith.cmpi slt, %parallel_loop3A_744, %parallel_loop3A_750 : i32
        %parallel_loop3A_752 = arith.xori %parallel_loop3A_749, %parallel_loop3A_751 : i1
        %parallel_loop3A_753 = arith.andi %parallel_loop3A_752, %parallel_loop3A_747 : i1
        %parallel_loop3A_754 = arith.addi %parallel_loop3A_745, %parallel_loop3A_744 : i32
        %parallel_loop3A_755 = arith.select %parallel_loop3A_753, %parallel_loop3A_754, %parallel_loop3A_745 : i32
        %parallel_loop3A_756 = arith.constant 16 : i32
        %parallel_loop3A_757 = arith.muli %parallel_loop3A_755, %parallel_loop3A_756 : i32
        %parallel_loop3A_758 = arith.constant 6 : i32
        %parallel_loop3A_759 = arith.index_cast %parallel_loop3A_758 : i32 to index
        %parallel_loop3A_760 = arith.index_cast %parallel_loop3A_739 : i32 to index
        %parallel_loop3A_761 = arith.index_cast %parallel_loop3A_757 : i32 to index
        %parallel_loop3A_762 = tpu.vector_load %arg16[%parallel_loop3A_759, %parallel_loop3A_760, %parallel_loop3A_761] {strides = array<i32>} : memref<8x8x512xf32, #tpu.memory_space<vmem>>, vector<16xf32>,
        tpu.vector_store %arg16[%parallel_loop3A_759, %parallel_loop3A_760, %parallel_loop3A_761], %parallel_loop3A_715 {strides = array<i32>} : memref<8x8x512xf32, #tpu.memory_space<vmem>>, vector<16xf32>,
        %parallel_loop3A_763 = tpu.vector_load_idx %arg15[%parallel_loop3A_426, %broadcast_in_dim3A_14] : memref<4096x8xf32, #tpu.memory_space<vmem>>[vector<16xi32>, vector<16xi32>], vector<16xf32>,
        %parallel_loop3A_764 = arith.constant 32 : i32
        %parallel_loop3A_765 = arith.divsi %parallel_loop3A_422, %parallel_loop3A_764 : i32
        %parallel_loop3A_766 = arith.constant 0 : i32
        %parallel_loop3A_767 = arith.cmpi sgt, %parallel_loop3A_422, %parallel_loop3A_766 : i32
        %parallel_loop3A_768 = arith.extui %parallel_loop3A_767 : i1 to i32
        %parallel_loop3A_769 = arith.constant 0 : i32
        %parallel_loop3A_770 = arith.cmpi slt, %parallel_loop3A_422, %parallel_loop3A_769 : i32
        %parallel_loop3A_771 = arith.extui %parallel_loop3A_770 : i1 to i32
        %parallel_loop3A_772 = arith.subi %parallel_loop3A_768, %parallel_loop3A_771 : i32
        %parallel_loop3A_773 = arith.constant 0 : i32
        %parallel_loop3A_774 = arith.cmpi sgt, %parallel_loop3A_764, %parallel_loop3A_773 : i32
        %parallel_loop3A_775 = arith.extui %parallel_loop3A_774 : i1 to i32
        %parallel_loop3A_776 = arith.constant 0 : i32
        %parallel_loop3A_777 = arith.cmpi slt, %parallel_loop3A_764, %parallel_loop3A_776 : i32
        %parallel_loop3A_778 = arith.extui %parallel_loop3A_777 : i1 to i32
        %parallel_loop3A_779 = arith.subi %parallel_loop3A_775, %parallel_loop3A_778 : i32
        %parallel_loop3A_780 = arith.cmpi ne, %parallel_loop3A_772, %parallel_loop3A_779 : i32
        %parallel_loop3A_781 = arith.remsi %parallel_loop3A_422, %parallel_loop3A_764 : i32
        %parallel_loop3A_782 = arith.constant 0 : i32
        %parallel_loop3A_783 = arith.cmpi ne, %parallel_loop3A_781, %parallel_loop3A_782 : i32
        %parallel_loop3A_784 = arith.andi %parallel_loop3A_780, %parallel_loop3A_783 : i1
        %parallel_loop3A_785 = arith.constant 1 : i32
        %parallel_loop3A_786 = arith.subi %parallel_loop3A_765, %parallel_loop3A_785 : i32
        %parallel_loop3A_787 = arith.select %parallel_loop3A_784, %parallel_loop3A_786, %parallel_loop3A_765 : i32
        %parallel_loop3A_788 = arith.constant 32 : i32
        %parallel_loop3A_789 = arith.constant 0 : i32
        %parallel_loop3A_790 = arith.cmpi eq, %parallel_loop3A_788, %parallel_loop3A_789 : i32
        %parallel_loop3A_791 = arith.constant 1 : i32
        %parallel_loop3A_792 = arith.select %parallel_loop3A_790, %parallel_loop3A_791, %parallel_loop3A_788 : i32
        %parallel_loop3A_793 = arith.remsi %parallel_loop3A_422, %parallel_loop3A_792 : i32
        %parallel_loop3A_794 = arith.constant 0 : i32
        %parallel_loop3A_795 = arith.cmpi ne, %parallel_loop3A_793, %parallel_loop3A_794 : i32
        %parallel_loop3A_796 = arith.constant 0 : i32
        %parallel_loop3A_797 = arith.cmpi slt, %parallel_loop3A_793, %parallel_loop3A_796 : i32
        %parallel_loop3A_798 = arith.constant 0 : i32
        %parallel_loop3A_799 = arith.cmpi slt, %parallel_loop3A_792, %parallel_loop3A_798 : i32
        %parallel_loop3A_800 = arith.xori %parallel_loop3A_797, %parallel_loop3A_799 : i1
        %parallel_loop3A_801 = arith.andi %parallel_loop3A_800, %parallel_loop3A_795 : i1
        %parallel_loop3A_802 = arith.addi %parallel_loop3A_793, %parallel_loop3A_792 : i32
        %parallel_loop3A_803 = arith.select %parallel_loop3A_801, %parallel_loop3A_802, %parallel_loop3A_793 : i32
        %parallel_loop3A_804 = arith.constant 16 : i32
        %parallel_loop3A_805 = arith.muli %parallel_loop3A_803, %parallel_loop3A_804 : i32
        %parallel_loop3A_806 = arith.constant 7 : i32
        %parallel_loop3A_807 = arith.index_cast %parallel_loop3A_806 : i32 to index
        %parallel_loop3A_808 = arith.index_cast %parallel_loop3A_787 : i32 to index
        %parallel_loop3A_809 = arith.index_cast %parallel_loop3A_805 : i32 to index
        %parallel_loop3A_810 = tpu.vector_load %arg16[%parallel_loop3A_807, %parallel_loop3A_808, %parallel_loop3A_809] {strides = array<i32>} : memref<8x8x512xf32, #tpu.memory_space<vmem>>, vector<16xf32>,
        tpu.vector_store %arg16[%parallel_loop3A_807, %parallel_loop3A_808, %parallel_loop3A_809], %parallel_loop3A_763 {strides = array<i32>} : memref<8x8x512xf32, #tpu.memory_space<vmem>>, vector<16xf32>,
      } {sc.loop_unroll_factor = 4 : i64, sc.parallel_access}
      %dma_wait3A_276 = arith.constant 2048 : i32
      %dma_wait3A_277 = arith.constant 0 : i32
      %dma_wait3A_278 = tpu.memref_slice %arg15[%dma_wait3A_276, %dma_wait3A_277] : memref<4096x8xf32, #tpu.memory_space<vmem>> -> memref<2048x8xf32, #tpu.memory_space<vmem>>
      %dma_wait3A_279 = arith.constant 2048 : i32
      %dma_wait3A_280 = tpu.memref_slice %arg14[%dma_wait3A_279] : memref<4096xi32, #tpu.memory_space<vmem>> -> memref<2048xi32, #tpu.memory_space<vmem>>
      %dma_wait3A_281 = arith.constant 0 : i32
      %dma_wait3A_282 = arith.constant 0 : i32
      %dma_wait3A_283 = tpu.memref_slice %arg12[%arg0, %dma_wait3A_281, %dma_wait3A_282] : memref<2x1000000x8xf32, #tpu.memory_space<hbm>> -> memref<1x1000000x8xf32, #tpu.memory_space<hbm>>
      %dma_wait3A_284 = tpu.memref_squeeze %dma_wait3A_283 : memref<1x1000000x8xf32, #tpu.memory_space<hbm>> -> memref<1000000x8xf32, #tpu.memory_space<hbm>>
      %dma_wait3A_285 = arith.constant 0 : i32
      %dma_wait3A_286 = arith.constant 0 : i32
      %dma_wait3A_287 = tpu.memref_slice %dma_wait3A_284[%dma_wait3A_285, %dma_wait3A_286] : memref<1000000x8xf32, #tpu.memory_space<hbm>> -> memref<1000000x8xf32, #tpu.memory_space<hbm>>
      tpu.wait_indirect_dma semaphore(%arg17 : memref<!tpu.dma_semaphore, #tpu.memory_space<semaphore_mem>>) src(%dma_wait3A_287 : memref<1000000x8xf32, #tpu.memory_space<hbm>>) dst(%dma_wait3A_278 : memref<2048x8xf32, #tpu.memory_space<vmem>>)
      %parallel_loop3A_288 = arith.constant 128 : i32
      %parallel_loop3A_289 = arith.constant 256 : i32
      %parallel_loop3A_290 = arith.constant 1 : i32
      scf.for %parallel_loop3A_422 = %parallel_loop3A_288 to %parallel_loop3A_289 step %parallel_loop3A_290  : i32 {
        %parallel_loop3A_423 = arith.constant 16 : i32
        %parallel_loop3A_424 = arith.muli %parallel_loop3A_422, %parallel_loop3A_423 : i32
        %parallel_loop3A_425 = vector.broadcast %parallel_loop3A_424 : i32 to vector<16xi32>
        %parallel_loop3A_426 = arith.addi %parallel_loop3A_425, %iota3A : vector<16xi32>
        %parallel_loop3A_427 = tpu.vector_load_idx %arg15[%parallel_loop3A_426, %broadcast_in_dim3A_0] : memref<4096x8xf32, #tpu.memory_space<vmem>>[vector<16xi32>, vector<16xi32>], vector<16xf32>,
        %parallel_loop3A_428 = arith.constant 32 : i32
        %parallel_loop3A_429 = arith.divsi %parallel_loop3A_422, %parallel_loop3A_428 : i32
        %parallel_loop3A_430 = arith.constant 0 : i32
        %parallel_loop3A_431 = arith.cmpi sgt, %parallel_loop3A_422, %parallel_loop3A_430 : i32
        %parallel_loop3A_432 = arith.extui %parallel_loop3A_431 : i1 to i32
        %parallel_loop3A_433 = arith.constant 0 : i32
        %parallel_loop3A_434 = arith.cmpi slt, %parallel_loop3A_422, %parallel_loop3A_433 : i32
        %parallel_loop3A_435 = arith.extui %parallel_loop3A_434 : i1 to i32
        %parallel_loop3A_436 = arith.subi %parallel_loop3A_432, %parallel_loop3A_435 : i32
        %parallel_loop3A_437 = arith.constant 0 : i32
        %parallel_loop3A_438 = arith.cmpi sgt, %parallel_loop3A_428, %parallel_loop3A_437 : i32
        %parallel_loop3A_439 = arith.extui %parallel_loop3A_438 : i1 to i32
        %parallel_loop3A_440 = arith.constant 0 : i32
        %parallel_loop3A_441 = arith.cmpi slt, %parallel_loop3A_428, %parallel_loop3A_440 : i32
        %parallel_loop3A_442 = arith.extui %parallel_loop3A_441 : i1 to i32
        %parallel_loop3A_443 = arith.subi %parallel_loop3A_439, %parallel_loop3A_442 : i32
        %parallel_loop3A_444 = arith.cmpi ne, %parallel_loop3A_436, %parallel_loop3A_443 : i32
        %parallel_loop3A_445 = arith.remsi %parallel_loop3A_422, %parallel_loop3A_428 : i32
        %parallel_loop3A_446 = arith.constant 0 : i32
        %parallel_loop3A_447 = arith.cmpi ne, %parallel_loop3A_445, %parallel_loop3A_446 : i32
        %parallel_loop3A_448 = arith.andi %parallel_loop3A_444, %parallel_loop3A_447 : i1
        %parallel_loop3A_449 = arith.constant 1 : i32
        %parallel_loop3A_450 = arith.subi %parallel_loop3A_429, %parallel_loop3A_449 : i32
        %parallel_loop3A_451 = arith.select %parallel_loop3A_448, %parallel_loop3A_450, %parallel_loop3A_429 : i32
        %parallel_loop3A_452 = arith.constant 32 : i32
        %parallel_loop3A_453 = arith.constant 0 : i32
        %parallel_loop3A_454 = arith.cmpi eq, %parallel_loop3A_452, %parallel_loop3A_453 : i32
        %parallel_loop3A_455 = arith.constant 1 : i32
        %parallel_loop3A_456 = arith.select %parallel_loop3A_454, %parallel_loop3A_455, %parallel_loop3A_452 : i32
        %parallel_loop3A_457 = arith.remsi %parallel_loop3A_422, %parallel_loop3A_456 : i32
        %parallel_loop3A_458 = arith.constant 0 : i32
        %parallel_loop3A_459 = arith.cmpi ne, %parallel_loop3A_457, %parallel_loop3A_458 : i32
        %parallel_loop3A_460 = arith.constant 0 : i32
        %parallel_loop3A_461 = arith.cmpi slt, %parallel_loop3A_457, %parallel_loop3A_460 : i32
        %parallel_loop3A_462 = arith.constant 0 : i32
        %parallel_loop3A_463 = arith.cmpi slt, %parallel_loop3A_456, %parallel_loop3A_462 : i32
        %parallel_loop3A_464 = arith.xori %parallel_loop3A_461, %parallel_loop3A_463 : i1
        %parallel_loop3A_465 = arith.andi %parallel_loop3A_464, %parallel_loop3A_459 : i1
        %parallel_loop3A_466 = arith.addi %parallel_loop3A_457, %parallel_loop3A_456 : i32
        %parallel_loop3A_467 = arith.select %parallel_loop3A_465, %parallel_loop3A_466, %parallel_loop3A_457 : i32
        %parallel_loop3A_468 = arith.constant 16 : i32
        %parallel_loop3A_469 = arith.muli %parallel_loop3A_467, %parallel_loop3A_468 : i32
        %parallel_loop3A_470 = arith.constant 0 : i32
        %parallel_loop3A_471 = arith.index_cast %parallel_loop3A_470 : i32 to index
        %parallel_loop3A_472 = arith.index_cast %parallel_loop3A_451 : i32 to index
        %parallel_loop3A_473 = arith.index_cast %parallel_loop3A_469 : i32 to index
        %parallel_loop3A_474 = tpu.vector_load %arg16[%parallel_loop3A_471, %parallel_loop3A_472, %parallel_loop3A_473] {strides = array<i32>} : memref<8x8x512xf32, #tpu.memory_space<vmem>>, vector<16xf32>,
        tpu.vector_store %arg16[%parallel_loop3A_471, %parallel_loop3A_472, %parallel_loop3A_473], %parallel_loop3A_427 {strides = array<i32>} : memref<8x8x512xf32, #tpu.memory_space<vmem>>, vector<16xf32>,
        %parallel_loop3A_475 = tpu.vector_load_idx %arg15[%parallel_loop3A_426, %broadcast_in_dim3A_2] : memref<4096x8xf32, #tpu.memory_space<vmem>>[vector<16xi32>, vector<16xi32>], vector<16xf32>,
        %parallel_loop3A_476 = arith.constant 32 : i32
        %parallel_loop3A_477 = arith.divsi %parallel_loop3A_422, %parallel_loop3A_476 : i32
        %parallel_loop3A_478 = arith.constant 0 : i32
        %parallel_loop3A_479 = arith.cmpi sgt, %parallel_loop3A_422, %parallel_loop3A_478 : i32
        %parallel_loop3A_480 = arith.extui %parallel_loop3A_479 : i1 to i32
        %parallel_loop3A_481 = arith.constant 0 : i32
        %parallel_loop3A_482 = arith.cmpi slt, %parallel_loop3A_422, %parallel_loop3A_481 : i32
        %parallel_loop3A_483 = arith.extui %parallel_loop3A_482 : i1 to i32
        %parallel_loop3A_484 = arith.subi %parallel_loop3A_480, %parallel_loop3A_483 : i32
        %parallel_loop3A_485 = arith.constant 0 : i32
        %parallel_loop3A_486 = arith.cmpi sgt, %parallel_loop3A_476, %parallel_loop3A_485 : i32
        %parallel_loop3A_487 = arith.extui %parallel_loop3A_486 : i1 to i32
        %parallel_loop3A_488 = arith.constant 0 : i32
        %parallel_loop3A_489 = arith.cmpi slt, %parallel_loop3A_476, %parallel_loop3A_488 : i32
        %parallel_loop3A_490 = arith.extui %parallel_loop3A_489 : i1 to i32
        %parallel_loop3A_491 = arith.subi %parallel_loop3A_487, %parallel_loop3A_490 : i32
        %parallel_loop3A_492 = arith.cmpi ne, %parallel_loop3A_484, %parallel_loop3A_491 : i32
        %parallel_loop3A_493 = arith.remsi %parallel_loop3A_422, %parallel_loop3A_476 : i32
        %parallel_loop3A_494 = arith.constant 0 : i32
        %parallel_loop3A_495 = arith.cmpi ne, %parallel_loop3A_493, %parallel_loop3A_494 : i32
        %parallel_loop3A_496 = arith.andi %parallel_loop3A_492, %parallel_loop3A_495 : i1
        %parallel_loop3A_497 = arith.constant 1 : i32
        %parallel_loop3A_498 = arith.subi %parallel_loop3A_477, %parallel_loop3A_497 : i32
        %parallel_loop3A_499 = arith.select %parallel_loop3A_496, %parallel_loop3A_498, %parallel_loop3A_477 : i32
        %parallel_loop3A_500 = arith.constant 32 : i32
        %parallel_loop3A_501 = arith.constant 0 : i32
        %parallel_loop3A_502 = arith.cmpi eq, %parallel_loop3A_500, %parallel_loop3A_501 : i32
        %parallel_loop3A_503 = arith.constant 1 : i32
        %parallel_loop3A_504 = arith.select %parallel_loop3A_502, %parallel_loop3A_503, %parallel_loop3A_500 : i32
        %parallel_loop3A_505 = arith.remsi %parallel_loop3A_422, %parallel_loop3A_504 : i32
        %parallel_loop3A_506 = arith.constant 0 : i32
        %parallel_loop3A_507 = arith.cmpi ne, %parallel_loop3A_505, %parallel_loop3A_506 : i32
        %parallel_loop3A_508 = arith.constant 0 : i32
        %parallel_loop3A_509 = arith.cmpi slt, %parallel_loop3A_505, %parallel_loop3A_508 : i32
        %parallel_loop3A_510 = arith.constant 0 : i32
        %parallel_loop3A_511 = arith.cmpi slt, %parallel_loop3A_504, %parallel_loop3A_510 : i32
        %parallel_loop3A_512 = arith.xori %parallel_loop3A_509, %parallel_loop3A_511 : i1
        %parallel_loop3A_513 = arith.andi %parallel_loop3A_512, %parallel_loop3A_507 : i1
        %parallel_loop3A_514 = arith.addi %parallel_loop3A_505, %parallel_loop3A_504 : i32
        %parallel_loop3A_515 = arith.select %parallel_loop3A_513, %parallel_loop3A_514, %parallel_loop3A_505 : i32
        %parallel_loop3A_516 = arith.constant 16 : i32
        %parallel_loop3A_517 = arith.muli %parallel_loop3A_515, %parallel_loop3A_516 : i32
        %parallel_loop3A_518 = arith.constant 1 : i32
        %parallel_loop3A_519 = arith.index_cast %parallel_loop3A_518 : i32 to index
        %parallel_loop3A_520 = arith.index_cast %parallel_loop3A_499 : i32 to index
        %parallel_loop3A_521 = arith.index_cast %parallel_loop3A_517 : i32 to index
        %parallel_loop3A_522 = tpu.vector_load %arg16[%parallel_loop3A_519, %parallel_loop3A_520, %parallel_loop3A_521] {strides = array<i32>} : memref<8x8x512xf32, #tpu.memory_space<vmem>>, vector<16xf32>,
        tpu.vector_store %arg16[%parallel_loop3A_519, %parallel_loop3A_520, %parallel_loop3A_521], %parallel_loop3A_475 {strides = array<i32>} : memref<8x8x512xf32, #tpu.memory_space<vmem>>, vector<16xf32>,
        %parallel_loop3A_523 = tpu.vector_load_idx %arg15[%parallel_loop3A_426, %broadcast_in_dim3A_4] : memref<4096x8xf32, #tpu.memory_space<vmem>>[vector<16xi32>, vector<16xi32>], vector<16xf32>,
        %parallel_loop3A_524 = arith.constant 32 : i32
        %parallel_loop3A_525 = arith.divsi %parallel_loop3A_422, %parallel_loop3A_524 : i32
        %parallel_loop3A_526 = arith.constant 0 : i32
        %parallel_loop3A_527 = arith.cmpi sgt, %parallel_loop3A_422, %parallel_loop3A_526 : i32
        %parallel_loop3A_528 = arith.extui %parallel_loop3A_527 : i1 to i32
        %parallel_loop3A_529 = arith.constant 0 : i32
        %parallel_loop3A_530 = arith.cmpi slt, %parallel_loop3A_422, %parallel_loop3A_529 : i32
        %parallel_loop3A_531 = arith.extui %parallel_loop3A_530 : i1 to i32
        %parallel_loop3A_532 = arith.subi %parallel_loop3A_528, %parallel_loop3A_531 : i32
        %parallel_loop3A_533 = arith.constant 0 : i32
        %parallel_loop3A_534 = arith.cmpi sgt, %parallel_loop3A_524, %parallel_loop3A_533 : i32
        %parallel_loop3A_535 = arith.extui %parallel_loop3A_534 : i1 to i32
        %parallel_loop3A_536 = arith.constant 0 : i32
        %parallel_loop3A_537 = arith.cmpi slt, %parallel_loop3A_524, %parallel_loop3A_536 : i32
        %parallel_loop3A_538 = arith.extui %parallel_loop3A_537 : i1 to i32
        %parallel_loop3A_539 = arith.subi %parallel_loop3A_535, %parallel_loop3A_538 : i32
        %parallel_loop3A_540 = arith.cmpi ne, %parallel_loop3A_532, %parallel_loop3A_539 : i32
        %parallel_loop3A_541 = arith.remsi %parallel_loop3A_422, %parallel_loop3A_524 : i32
        %parallel_loop3A_542 = arith.constant 0 : i32
        %parallel_loop3A_543 = arith.cmpi ne, %parallel_loop3A_541, %parallel_loop3A_542 : i32
        %parallel_loop3A_544 = arith.andi %parallel_loop3A_540, %parallel_loop3A_543 : i1
        %parallel_loop3A_545 = arith.constant 1 : i32
        %parallel_loop3A_546 = arith.subi %parallel_loop3A_525, %parallel_loop3A_545 : i32
        %parallel_loop3A_547 = arith.select %parallel_loop3A_544, %parallel_loop3A_546, %parallel_loop3A_525 : i32
        %parallel_loop3A_548 = arith.constant 32 : i32
        %parallel_loop3A_549 = arith.constant 0 : i32
        %parallel_loop3A_550 = arith.cmpi eq, %parallel_loop3A_548, %parallel_loop3A_549 : i32
        %parallel_loop3A_551 = arith.constant 1 : i32
        %parallel_loop3A_552 = arith.select %parallel_loop3A_550, %parallel_loop3A_551, %parallel_loop3A_548 : i32
        %parallel_loop3A_553 = arith.remsi %parallel_loop3A_422, %parallel_loop3A_552 : i32
        %parallel_loop3A_554 = arith.constant 0 : i32
        %parallel_loop3A_555 = arith.cmpi ne, %parallel_loop3A_553, %parallel_loop3A_554 : i32
        %parallel_loop3A_556 = arith.constant 0 : i32
        %parallel_loop3A_557 = arith.cmpi slt, %parallel_loop3A_553, %parallel_loop3A_556 : i32
        %parallel_loop3A_558 = arith.constant 0 : i32
        %parallel_loop3A_559 = arith.cmpi slt, %parallel_loop3A_552, %parallel_loop3A_558 : i32
        %parallel_loop3A_560 = arith.xori %parallel_loop3A_557, %parallel_loop3A_559 : i1
        %parallel_loop3A_561 = arith.andi %parallel_loop3A_560, %parallel_loop3A_555 : i1
        %parallel_loop3A_562 = arith.addi %parallel_loop3A_553, %parallel_loop3A_552 : i32
        %parallel_loop3A_563 = arith.select %parallel_loop3A_561, %parallel_loop3A_562, %parallel_loop3A_553 : i32
        %parallel_loop3A_564 = arith.constant 16 : i32
        %parallel_loop3A_565 = arith.muli %parallel_loop3A_563, %parallel_loop3A_564 : i32
        %parallel_loop3A_566 = arith.constant 2 : i32
        %parallel_loop3A_567 = arith.index_cast %parallel_loop3A_566 : i32 to index
        %parallel_loop3A_568 = arith.index_cast %parallel_loop3A_547 : i32 to index
        %parallel_loop3A_569 = arith.index_cast %parallel_loop3A_565 : i32 to index
        %parallel_loop3A_570 = tpu.vector_load %arg16[%parallel_loop3A_567, %parallel_loop3A_568, %parallel_loop3A_569] {strides = array<i32>} : memref<8x8x512xf32, #tpu.memory_space<vmem>>, vector<16xf32>,
        tpu.vector_store %arg16[%parallel_loop3A_567, %parallel_loop3A_568, %parallel_loop3A_569], %parallel_loop3A_523 {strides = array<i32>} : memref<8x8x512xf32, #tpu.memory_space<vmem>>, vector<16xf32>,
        %parallel_loop3A_571 = tpu.vector_load_idx %arg15[%parallel_loop3A_426, %broadcast_in_dim3A_6] : memref<4096x8xf32, #tpu.memory_space<vmem>>[vector<16xi32>, vector<16xi32>], vector<16xf32>,
        %parallel_loop3A_572 = arith.constant 32 : i32
        %parallel_loop3A_573 = arith.divsi %parallel_loop3A_422, %parallel_loop3A_572 : i32
        %parallel_loop3A_574 = arith.constant 0 : i32
        %parallel_loop3A_575 = arith.cmpi sgt, %parallel_loop3A_422, %parallel_loop3A_574 : i32
        %parallel_loop3A_576 = arith.extui %parallel_loop3A_575 : i1 to i32
        %parallel_loop3A_577 = arith.constant 0 : i32
        %parallel_loop3A_578 = arith.cmpi slt, %parallel_loop3A_422, %parallel_loop3A_577 : i32
        %parallel_loop3A_579 = arith.extui %parallel_loop3A_578 : i1 to i32
        %parallel_loop3A_580 = arith.subi %parallel_loop3A_576, %parallel_loop3A_579 : i32
        %parallel_loop3A_581 = arith.constant 0 : i32
        %parallel_loop3A_582 = arith.cmpi sgt, %parallel_loop3A_572, %parallel_loop3A_581 : i32
        %parallel_loop3A_583 = arith.extui %parallel_loop3A_582 : i1 to i32
        %parallel_loop3A_584 = arith.constant 0 : i32
        %parallel_loop3A_585 = arith.cmpi slt, %parallel_loop3A_572, %parallel_loop3A_584 : i32
        %parallel_loop3A_586 = arith.extui %parallel_loop3A_585 : i1 to i32
        %parallel_loop3A_587 = arith.subi %parallel_loop3A_583, %parallel_loop3A_586 : i32
        %parallel_loop3A_588 = arith.cmpi ne, %parallel_loop3A_580, %parallel_loop3A_587 : i32
        %parallel_loop3A_589 = arith.remsi %parallel_loop3A_422, %parallel_loop3A_572 : i32
        %parallel_loop3A_590 = arith.constant 0 : i32
        %parallel_loop3A_591 = arith.cmpi ne, %parallel_loop3A_589, %parallel_loop3A_590 : i32
        %parallel_loop3A_592 = arith.andi %parallel_loop3A_588, %parallel_loop3A_591 : i1
        %parallel_loop3A_593 = arith.constant 1 : i32
        %parallel_loop3A_594 = arith.subi %parallel_loop3A_573, %parallel_loop3A_593 : i32
        %parallel_loop3A_595 = arith.select %parallel_loop3A_592, %parallel_loop3A_594, %parallel_loop3A_573 : i32
        %parallel_loop3A_596 = arith.constant 32 : i32
        %parallel_loop3A_597 = arith.constant 0 : i32
        %parallel_loop3A_598 = arith.cmpi eq, %parallel_loop3A_596, %parallel_loop3A_597 : i32
        %parallel_loop3A_599 = arith.constant 1 : i32
        %parallel_loop3A_600 = arith.select %parallel_loop3A_598, %parallel_loop3A_599, %parallel_loop3A_596 : i32
        %parallel_loop3A_601 = arith.remsi %parallel_loop3A_422, %parallel_loop3A_600 : i32
        %parallel_loop3A_602 = arith.constant 0 : i32
        %parallel_loop3A_603 = arith.cmpi ne, %parallel_loop3A_601, %parallel_loop3A_602 : i32
        %parallel_loop3A_604 = arith.constant 0 : i32
        %parallel_loop3A_605 = arith.cmpi slt, %parallel_loop3A_601, %parallel_loop3A_604 : i32
        %parallel_loop3A_606 = arith.constant 0 : i32
        %parallel_loop3A_607 = arith.cmpi slt, %parallel_loop3A_600, %parallel_loop3A_606 : i32
        %parallel_loop3A_608 = arith.xori %parallel_loop3A_605, %parallel_loop3A_607 : i1
        %parallel_loop3A_609 = arith.andi %parallel_loop3A_608, %parallel_loop3A_603 : i1
        %parallel_loop3A_610 = arith.addi %parallel_loop3A_601, %parallel_loop3A_600 : i32
        %parallel_loop3A_611 = arith.select %parallel_loop3A_609, %parallel_loop3A_610, %parallel_loop3A_601 : i32
        %parallel_loop3A_612 = arith.constant 16 : i32
        %parallel_loop3A_613 = arith.muli %parallel_loop3A_611, %parallel_loop3A_612 : i32
        %parallel_loop3A_614 = arith.constant 3 : i32
        %parallel_loop3A_615 = arith.index_cast %parallel_loop3A_614 : i32 to index
        %parallel_loop3A_616 = arith.index_cast %parallel_loop3A_595 : i32 to index
        %parallel_loop3A_617 = arith.index_cast %parallel_loop3A_613 : i32 to index
        %parallel_loop3A_618 = tpu.vector_load %arg16[%parallel_loop3A_615, %parallel_loop3A_616, %parallel_loop3A_617] {strides = array<i32>} : memref<8x8x512xf32, #tpu.memory_space<vmem>>, vector<16xf32>,
        tpu.vector_store %arg16[%parallel_loop3A_615, %parallel_loop3A_616, %parallel_loop3A_617], %parallel_loop3A_571 {strides = array<i32>} : memref<8x8x512xf32, #tpu.memory_space<vmem>>, vector<16xf32>,
        %parallel_loop3A_619 = tpu.vector_load_idx %arg15[%parallel_loop3A_426, %broadcast_in_dim3A_8] : memref<4096x8xf32, #tpu.memory_space<vmem>>[vector<16xi32>, vector<16xi32>], vector<16xf32>,
        %parallel_loop3A_620 = arith.constant 32 : i32
        %parallel_loop3A_621 = arith.divsi %parallel_loop3A_422, %parallel_loop3A_620 : i32
        %parallel_loop3A_622 = arith.constant 0 : i32
        %parallel_loop3A_623 = arith.cmpi sgt, %parallel_loop3A_422, %parallel_loop3A_622 : i32
        %parallel_loop3A_624 = arith.extui %parallel_loop3A_623 : i1 to i32
        %parallel_loop3A_625 = arith.constant 0 : i32
        %parallel_loop3A_626 = arith.cmpi slt, %parallel_loop3A_422, %parallel_loop3A_625 : i32
        %parallel_loop3A_627 = arith.extui %parallel_loop3A_626 : i1 to i32
        %parallel_loop3A_628 = arith.subi %parallel_loop3A_624, %parallel_loop3A_627 : i32
        %parallel_loop3A_629 = arith.constant 0 : i32
        %parallel_loop3A_630 = arith.cmpi sgt, %parallel_loop3A_620, %parallel_loop3A_629 : i32
        %parallel_loop3A_631 = arith.extui %parallel_loop3A_630 : i1 to i32
        %parallel_loop3A_632 = arith.constant 0 : i32
        %parallel_loop3A_633 = arith.cmpi slt, %parallel_loop3A_620, %parallel_loop3A_632 : i32
        %parallel_loop3A_634 = arith.extui %parallel_loop3A_633 : i1 to i32
        %parallel_loop3A_635 = arith.subi %parallel_loop3A_631, %parallel_loop3A_634 : i32
        %parallel_loop3A_636 = arith.cmpi ne, %parallel_loop3A_628, %parallel_loop3A_635 : i32
        %parallel_loop3A_637 = arith.remsi %parallel_loop3A_422, %parallel_loop3A_620 : i32
        %parallel_loop3A_638 = arith.constant 0 : i32
        %parallel_loop3A_639 = arith.cmpi ne, %parallel_loop3A_637, %parallel_loop3A_638 : i32
        %parallel_loop3A_640 = arith.andi %parallel_loop3A_636, %parallel_loop3A_639 : i1
        %parallel_loop3A_641 = arith.constant 1 : i32
        %parallel_loop3A_642 = arith.subi %parallel_loop3A_621, %parallel_loop3A_641 : i32
        %parallel_loop3A_643 = arith.select %parallel_loop3A_640, %parallel_loop3A_642, %parallel_loop3A_621 : i32
        %parallel_loop3A_644 = arith.constant 32 : i32
        %parallel_loop3A_645 = arith.constant 0 : i32
        %parallel_loop3A_646 = arith.cmpi eq, %parallel_loop3A_644, %parallel_loop3A_645 : i32
        %parallel_loop3A_647 = arith.constant 1 : i32
        %parallel_loop3A_648 = arith.select %parallel_loop3A_646, %parallel_loop3A_647, %parallel_loop3A_644 : i32
        %parallel_loop3A_649 = arith.remsi %parallel_loop3A_422, %parallel_loop3A_648 : i32
        %parallel_loop3A_650 = arith.constant 0 : i32
        %parallel_loop3A_651 = arith.cmpi ne, %parallel_loop3A_649, %parallel_loop3A_650 : i32
        %parallel_loop3A_652 = arith.constant 0 : i32
        %parallel_loop3A_653 = arith.cmpi slt, %parallel_loop3A_649, %parallel_loop3A_652 : i32
        %parallel_loop3A_654 = arith.constant 0 : i32
        %parallel_loop3A_655 = arith.cmpi slt, %parallel_loop3A_648, %parallel_loop3A_654 : i32
        %parallel_loop3A_656 = arith.xori %parallel_loop3A_653, %parallel_loop3A_655 : i1
        %parallel_loop3A_657 = arith.andi %parallel_loop3A_656, %parallel_loop3A_651 : i1
        %parallel_loop3A_658 = arith.addi %parallel_loop3A_649, %parallel_loop3A_648 : i32
        %parallel_loop3A_659 = arith.select %parallel_loop3A_657, %parallel_loop3A_658, %parallel_loop3A_649 : i32
        %parallel_loop3A_660 = arith.constant 16 : i32
        %parallel_loop3A_661 = arith.muli %parallel_loop3A_659, %parallel_loop3A_660 : i32
        %parallel_loop3A_662 = arith.constant 4 : i32
        %parallel_loop3A_663 = arith.index_cast %parallel_loop3A_662 : i32 to index
        %parallel_loop3A_664 = arith.index_cast %parallel_loop3A_643 : i32 to index
        %parallel_loop3A_665 = arith.index_cast %parallel_loop3A_661 : i32 to index
        %parallel_loop3A_666 = tpu.vector_load %arg16[%parallel_loop3A_663, %parallel_loop3A_664, %parallel_loop3A_665] {strides = array<i32>} : memref<8x8x512xf32, #tpu.memory_space<vmem>>, vector<16xf32>,
        tpu.vector_store %arg16[%parallel_loop3A_663, %parallel_loop3A_664, %parallel_loop3A_665], %parallel_loop3A_619 {strides = array<i32>} : memref<8x8x512xf32, #tpu.memory_space<vmem>>, vector<16xf32>,
        %parallel_loop3A_667 = tpu.vector_load_idx %arg15[%parallel_loop3A_426, %broadcast_in_dim3A_10] : memref<4096x8xf32, #tpu.memory_space<vmem>>[vector<16xi32>, vector<16xi32>], vector<16xf32>,
        %parallel_loop3A_668 = arith.constant 32 : i32
        %parallel_loop3A_669 = arith.divsi %parallel_loop3A_422, %parallel_loop3A_668 : i32
        %parallel_loop3A_670 = arith.constant 0 : i32
        %parallel_loop3A_671 = arith.cmpi sgt, %parallel_loop3A_422, %parallel_loop3A_670 : i32
        %parallel_loop3A_672 = arith.extui %parallel_loop3A_671 : i1 to i32
        %parallel_loop3A_673 = arith.constant 0 : i32
        %parallel_loop3A_674 = arith.cmpi slt, %parallel_loop3A_422, %parallel_loop3A_673 : i32
        %parallel_loop3A_675 = arith.extui %parallel_loop3A_674 : i1 to i32
        %parallel_loop3A_676 = arith.subi %parallel_loop3A_672, %parallel_loop3A_675 : i32
        %parallel_loop3A_677 = arith.constant 0 : i32
        %parallel_loop3A_678 = arith.cmpi sgt, %parallel_loop3A_668, %parallel_loop3A_677 : i32
        %parallel_loop3A_679 = arith.extui %parallel_loop3A_678 : i1 to i32
        %parallel_loop3A_680 = arith.constant 0 : i32
        %parallel_loop3A_681 = arith.cmpi slt, %parallel_loop3A_668, %parallel_loop3A_680 : i32
        %parallel_loop3A_682 = arith.extui %parallel_loop3A_681 : i1 to i32
        %parallel_loop3A_683 = arith.subi %parallel_loop3A_679, %parallel_loop3A_682 : i32
        %parallel_loop3A_684 = arith.cmpi ne, %parallel_loop3A_676, %parallel_loop3A_683 : i32
        %parallel_loop3A_685 = arith.remsi %parallel_loop3A_422, %parallel_loop3A_668 : i32
        %parallel_loop3A_686 = arith.constant 0 : i32
        %parallel_loop3A_687 = arith.cmpi ne, %parallel_loop3A_685, %parallel_loop3A_686 : i32
        %parallel_loop3A_688 = arith.andi %parallel_loop3A_684, %parallel_loop3A_687 : i1
        %parallel_loop3A_689 = arith.constant 1 : i32
        %parallel_loop3A_690 = arith.subi %parallel_loop3A_669, %parallel_loop3A_689 : i32
        %parallel_loop3A_691 = arith.select %parallel_loop3A_688, %parallel_loop3A_690, %parallel_loop3A_669 : i32
        %parallel_loop3A_692 = arith.constant 32 : i32
        %parallel_loop3A_693 = arith.constant 0 : i32
        %parallel_loop3A_694 = arith.cmpi eq, %parallel_loop3A_692, %parallel_loop3A_693 : i32
        %parallel_loop3A_695 = arith.constant 1 : i32
        %parallel_loop3A_696 = arith.select %parallel_loop3A_694, %parallel_loop3A_695, %parallel_loop3A_692 : i32
        %parallel_loop3A_697 = arith.remsi %parallel_loop3A_422, %parallel_loop3A_696 : i32
        %parallel_loop3A_698 = arith.constant 0 : i32
        %parallel_loop3A_699 = arith.cmpi ne, %parallel_loop3A_697, %parallel_loop3A_698 : i32
        %parallel_loop3A_700 = arith.constant 0 : i32
        %parallel_loop3A_701 = arith.cmpi slt, %parallel_loop3A_697, %parallel_loop3A_700 : i32
        %parallel_loop3A_702 = arith.constant 0 : i32
        %parallel_loop3A_703 = arith.cmpi slt, %parallel_loop3A_696, %parallel_loop3A_702 : i32
        %parallel_loop3A_704 = arith.xori %parallel_loop3A_701, %parallel_loop3A_703 : i1
        %parallel_loop3A_705 = arith.andi %parallel_loop3A_704, %parallel_loop3A_699 : i1
        %parallel_loop3A_706 = arith.addi %parallel_loop3A_697, %parallel_loop3A_696 : i32
        %parallel_loop3A_707 = arith.select %parallel_loop3A_705, %parallel_loop3A_706, %parallel_loop3A_697 : i32
        %parallel_loop3A_708 = arith.constant 16 : i32
        %parallel_loop3A_709 = arith.muli %parallel_loop3A_707, %parallel_loop3A_708 : i32
        %parallel_loop3A_710 = arith.constant 5 : i32
        %parallel_loop3A_711 = arith.index_cast %parallel_loop3A_710 : i32 to index
        %parallel_loop3A_712 = arith.index_cast %parallel_loop3A_691 : i32 to index
        %parallel_loop3A_713 = arith.index_cast %parallel_loop3A_709 : i32 to index
        %parallel_loop3A_714 = tpu.vector_load %arg16[%parallel_loop3A_711, %parallel_loop3A_712, %parallel_loop3A_713] {strides = array<i32>} : memref<8x8x512xf32, #tpu.memory_space<vmem>>, vector<16xf32>,
        tpu.vector_store %arg16[%parallel_loop3A_711, %parallel_loop3A_712, %parallel_loop3A_713], %parallel_loop3A_667 {strides = array<i32>} : memref<8x8x512xf32, #tpu.memory_space<vmem>>, vector<16xf32>,
        %parallel_loop3A_715 = tpu.vector_load_idx %arg15[%parallel_loop3A_426, %broadcast_in_dim3A_12] : memref<4096x8xf32, #tpu.memory_space<vmem>>[vector<16xi32>, vector<16xi32>], vector<16xf32>,
        %parallel_loop3A_716 = arith.constant 32 : i32
        %parallel_loop3A_717 = arith.divsi %parallel_loop3A_422, %parallel_loop3A_716 : i32
        %parallel_loop3A_718 = arith.constant 0 : i32
        %parallel_loop3A_719 = arith.cmpi sgt, %parallel_loop3A_422, %parallel_loop3A_718 : i32
        %parallel_loop3A_720 = arith.extui %parallel_loop3A_719 : i1 to i32
        %parallel_loop3A_721 = arith.constant 0 : i32
        %parallel_loop3A_722 = arith.cmpi slt, %parallel_loop3A_422, %parallel_loop3A_721 : i32
        %parallel_loop3A_723 = arith.extui %parallel_loop3A_722 : i1 to i32
        %parallel_loop3A_724 = arith.subi %parallel_loop3A_720, %parallel_loop3A_723 : i32
        %parallel_loop3A_725 = arith.constant 0 : i32
        %parallel_loop3A_726 = arith.cmpi sgt, %parallel_loop3A_716, %parallel_loop3A_725 : i32
        %parallel_loop3A_727 = arith.extui %parallel_loop3A_726 : i1 to i32
        %parallel_loop3A_728 = arith.constant 0 : i32
        %parallel_loop3A_729 = arith.cmpi slt, %parallel_loop3A_716, %parallel_loop3A_728 : i32
        %parallel_loop3A_730 = arith.extui %parallel_loop3A_729 : i1 to i32
        %parallel_loop3A_731 = arith.subi %parallel_loop3A_727, %parallel_loop3A_730 : i32
        %parallel_loop3A_732 = arith.cmpi ne, %parallel_loop3A_724, %parallel_loop3A_731 : i32
        %parallel_loop3A_733 = arith.remsi %parallel_loop3A_422, %parallel_loop3A_716 : i32
        %parallel_loop3A_734 = arith.constant 0 : i32
        %parallel_loop3A_735 = arith.cmpi ne, %parallel_loop3A_733, %parallel_loop3A_734 : i32
        %parallel_loop3A_736 = arith.andi %parallel_loop3A_732, %parallel_loop3A_735 : i1
        %parallel_loop3A_737 = arith.constant 1 : i32
        %parallel_loop3A_738 = arith.subi %parallel_loop3A_717, %parallel_loop3A_737 : i32
        %parallel_loop3A_739 = arith.select %parallel_loop3A_736, %parallel_loop3A_738, %parallel_loop3A_717 : i32
        %parallel_loop3A_740 = arith.constant 32 : i32
        %parallel_loop3A_741 = arith.constant 0 : i32
        %parallel_loop3A_742 = arith.cmpi eq, %parallel_loop3A_740, %parallel_loop3A_741 : i32
        %parallel_loop3A_743 = arith.constant 1 : i32
        %parallel_loop3A_744 = arith.select %parallel_loop3A_742, %parallel_loop3A_743, %parallel_loop3A_740 : i32
        %parallel_loop3A_745 = arith.remsi %parallel_loop3A_422, %parallel_loop3A_744 : i32
        %parallel_loop3A_746 = arith.constant 0 : i32
        %parallel_loop3A_747 = arith.cmpi ne, %parallel_loop3A_745, %parallel_loop3A_746 : i32
        %parallel_loop3A_748 = arith.constant 0 : i32
        %parallel_loop3A_749 = arith.cmpi slt, %parallel_loop3A_745, %parallel_loop3A_748 : i32
        %parallel_loop3A_750 = arith.constant 0 : i32
        %parallel_loop3A_751 = arith.cmpi slt, %parallel_loop3A_744, %parallel_loop3A_750 : i32
        %parallel_loop3A_752 = arith.xori %parallel_loop3A_749, %parallel_loop3A_751 : i1
        %parallel_loop3A_753 = arith.andi %parallel_loop3A_752, %parallel_loop3A_747 : i1
        %parallel_loop3A_754 = arith.addi %parallel_loop3A_745, %parallel_loop3A_744 : i32
        %parallel_loop3A_755 = arith.select %parallel_loop3A_753, %parallel_loop3A_754, %parallel_loop3A_745 : i32
        %parallel_loop3A_756 = arith.constant 16 : i32
        %parallel_loop3A_757 = arith.muli %parallel_loop3A_755, %parallel_loop3A_756 : i32
        %parallel_loop3A_758 = arith.constant 6 : i32
        %parallel_loop3A_759 = arith.index_cast %parallel_loop3A_758 : i32 to index
        %parallel_loop3A_760 = arith.index_cast %parallel_loop3A_739 : i32 to index
        %parallel_loop3A_761 = arith.index_cast %parallel_loop3A_757 : i32 to index
        %parallel_loop3A_762 = tpu.vector_load %arg16[%parallel_loop3A_759, %parallel_loop3A_760, %parallel_loop3A_761] {strides = array<i32>} : memref<8x8x512xf32, #tpu.memory_space<vmem>>, vector<16xf32>,
        tpu.vector_store %arg16[%parallel_loop3A_759, %parallel_loop3A_760, %parallel_loop3A_761], %parallel_loop3A_715 {strides = array<i32>} : memref<8x8x512xf32, #tpu.memory_space<vmem>>, vector<16xf32>,
        %parallel_loop3A_763 = tpu.vector_load_idx %arg15[%parallel_loop3A_426, %broadcast_in_dim3A_14] : memref<4096x8xf32, #tpu.memory_space<vmem>>[vector<16xi32>, vector<16xi32>], vector<16xf32>,
        %parallel_loop3A_764 = arith.constant 32 : i32
        %parallel_loop3A_765 = arith.divsi %parallel_loop3A_422, %parallel_loop3A_764 : i32
        %parallel_loop3A_766 = arith.constant 0 : i32
        %parallel_loop3A_767 = arith.cmpi sgt, %parallel_loop3A_422, %parallel_loop3A_766 : i32
        %parallel_loop3A_768 = arith.extui %parallel_loop3A_767 : i1 to i32
        %parallel_loop3A_769 = arith.constant 0 : i32
        %parallel_loop3A_770 = arith.cmpi slt, %parallel_loop3A_422, %parallel_loop3A_769 : i32
        %parallel_loop3A_771 = arith.extui %parallel_loop3A_770 : i1 to i32
        %parallel_loop3A_772 = arith.subi %parallel_loop3A_768, %parallel_loop3A_771 : i32
        %parallel_loop3A_773 = arith.constant 0 : i32
        %parallel_loop3A_774 = arith.cmpi sgt, %parallel_loop3A_764, %parallel_loop3A_773 : i32
        %parallel_loop3A_775 = arith.extui %parallel_loop3A_774 : i1 to i32
        %parallel_loop3A_776 = arith.constant 0 : i32
        %parallel_loop3A_777 = arith.cmpi slt, %parallel_loop3A_764, %parallel_loop3A_776 : i32
        %parallel_loop3A_778 = arith.extui %parallel_loop3A_777 : i1 to i32
        %parallel_loop3A_779 = arith.subi %parallel_loop3A_775, %parallel_loop3A_778 : i32
        %parallel_loop3A_780 = arith.cmpi ne, %parallel_loop3A_772, %parallel_loop3A_779 : i32
        %parallel_loop3A_781 = arith.remsi %parallel_loop3A_422, %parallel_loop3A_764 : i32
        %parallel_loop3A_782 = arith.constant 0 : i32
        %parallel_loop3A_783 = arith.cmpi ne, %parallel_loop3A_781, %parallel_loop3A_782 : i32
        %parallel_loop3A_784 = arith.andi %parallel_loop3A_780, %parallel_loop3A_783 : i1
        %parallel_loop3A_785 = arith.constant 1 : i32
        %parallel_loop3A_786 = arith.subi %parallel_loop3A_765, %parallel_loop3A_785 : i32
        %parallel_loop3A_787 = arith.select %parallel_loop3A_784, %parallel_loop3A_786, %parallel_loop3A_765 : i32
        %parallel_loop3A_788 = arith.constant 32 : i32
        %parallel_loop3A_789 = arith.constant 0 : i32
        %parallel_loop3A_790 = arith.cmpi eq, %parallel_loop3A_788, %parallel_loop3A_789 : i32
        %parallel_loop3A_791 = arith.constant 1 : i32
        %parallel_loop3A_792 = arith.select %parallel_loop3A_790, %parallel_loop3A_791, %parallel_loop3A_788 : i32
        %parallel_loop3A_793 = arith.remsi %parallel_loop3A_422, %parallel_loop3A_792 : i32
        %parallel_loop3A_794 = arith.constant 0 : i32
        %parallel_loop3A_795 = arith.cmpi ne, %parallel_loop3A_793, %parallel_loop3A_794 : i32
        %parallel_loop3A_796 = arith.constant 0 : i32
        %parallel_loop3A_797 = arith.cmpi slt, %parallel_loop3A_793, %parallel_loop3A_796 : i32
        %parallel_loop3A_798 = arith.constant 0 : i32
        %parallel_loop3A_799 = arith.cmpi slt, %parallel_loop3A_792, %parallel_loop3A_798 : i32
        %parallel_loop3A_800 = arith.xori %parallel_loop3A_797, %parallel_loop3A_799 : i1
        %parallel_loop3A_801 = arith.andi %parallel_loop3A_800, %parallel_loop3A_795 : i1
        %parallel_loop3A_802 = arith.addi %parallel_loop3A_793, %parallel_loop3A_792 : i32
        %parallel_loop3A_803 = arith.select %parallel_loop3A_801, %parallel_loop3A_802, %parallel_loop3A_793 : i32
        %parallel_loop3A_804 = arith.constant 16 : i32
        %parallel_loop3A_805 = arith.muli %parallel_loop3A_803, %parallel_loop3A_804 : i32
        %parallel_loop3A_806 = arith.constant 7 : i32
        %parallel_loop3A_807 = arith.index_cast %parallel_loop3A_806 : i32 to index
        %parallel_loop3A_808 = arith.index_cast %parallel_loop3A_787 : i32 to index
        %parallel_loop3A_809 = arith.index_cast %parallel_loop3A_805 : i32 to index
        %parallel_loop3A_810 = tpu.vector_load %arg16[%parallel_loop3A_807, %parallel_loop3A_808, %parallel_loop3A_809] {strides = array<i32>} : memref<8x8x512xf32, #tpu.memory_space<vmem>>, vector<16xf32>,
        tpu.vector_store %arg16[%parallel_loop3A_807, %parallel_loop3A_808, %parallel_loop3A_809], %parallel_loop3A_763 {strides = array<i32>} : memref<8x8x512xf32, #tpu.memory_space<vmem>>, vector<16xf32>,
      } {sc.loop_unroll_factor = 4 : i64, sc.parallel_access}
      %mul3A_291 = arith.constant 8 : i32
      %mul3A_292 = arith.muli %scan3A_231, %mul3A_291 : i32
      %add3A_293 = arith.addi %select_n3A_97, %mul3A_292 : i32
      %dma_start3A_294 = arith.constant 0 : i32
      %dma_start3A_295 = arith.constant 0 : i32
      %dma_start3A_296 = arith.constant 0 : i32
      %dma_start3A_297 = arith.constant 0 : i32
      %dma_start3A_298 = tpu.memref_slice %arg16[%dma_start3A_294, %dma_start3A_296, %dma_start3A_297] : memref<8x8x512xf32, #tpu.memory_space<vmem>> -> memref<1x8x512xf32, #tpu.memory_space<vmem>>
      %dma_start3A_299 = tpu.memref_squeeze %dma_start3A_298 : memref<1x8x512xf32, #tpu.memory_space<vmem>> -> memref<8x512xf32, #tpu.memory_space<vmem>>
      %dma_start3A_300 = arith.constant 0 : i32
      %dma_start3A_301 = tpu.memref_slice %arg11[%select_n3A_55, %dma_start3A_295, %add3A_293, %dma_start3A_300] : memref<4x8x512x512xf32, #tpu.memory_space<hbm>> -> memref<1x1x8x512xf32, #tpu.memory_space<hbm>>
      %dma_start3A_302 = tpu.memref_squeeze %dma_start3A_301 : memref<1x1x8x512xf32, #tpu.memory_space<hbm>> -> memref<8x512xf32, #tpu.memory_space<hbm>>
      %dma_start3A_303 = arith.constant 0 : i32
      %dma_start3A_304 = tpu.memref_slice %arg11[%select_n3A_55, %dma_start3A_295, %add3A_293, %dma_start3A_303] : memref<4x8x512x512xf32, #tpu.memory_space<hbm>> -> memref<1x1x8x512xf32, #tpu.memory_space<hbm>>
      %dma_start3A_305 = tpu.memref_squeeze %dma_start3A_304 : memref<1x1x8x512xf32, #tpu.memory_space<hbm>> -> memref<8x512xf32, #tpu.memory_space<hbm>>
      %dma_start3A_306 = arith.constant 0 : i32
      %dma_start3A_307 = arith.constant 0 : i32
      %dma_start3A_308 = tpu.memref_slice %arg16[%dma_start3A_294, %dma_start3A_306, %dma_start3A_307] : memref<8x8x512xf32, #tpu.memory_space<vmem>> -> memref<1x8x512xf32, #tpu.memory_space<vmem>>
      %dma_start3A_309 = tpu.memref_squeeze %dma_start3A_308 : memref<1x8x512xf32, #tpu.memory_space<vmem>> -> memref<8x512xf32, #tpu.memory_space<vmem>>
      tpu.enqueue_dma source(%dma_start3A_309 : memref<8x512xf32, #tpu.memory_space<vmem>>) target(%dma_start3A_305 : memref<8x512xf32, #tpu.memory_space<hbm>>) target_semaphore(%arg17 : memref<!tpu.dma_semaphore, #tpu.memory_space<semaphore_mem>>)
      %dma_start3A_310 = arith.constant 1 : i32
      %dma_start3A_311 = arith.constant 1 : i32
      %dma_start3A_312 = arith.constant 0 : i32
      %dma_start3A_313 = arith.constant 0 : i32
      %dma_start3A_314 = tpu.memref_slice %arg16[%dma_start3A_310, %dma_start3A_312, %dma_start3A_313] : memref<8x8x512xf32, #tpu.memory_space<vmem>> -> memref<1x8x512xf32, #tpu.memory_space<vmem>>
      %dma_start3A_315 = tpu.memref_squeeze %dma_start3A_314 : memref<1x8x512xf32, #tpu.memory_space<vmem>> -> memref<8x512xf32, #tpu.memory_space<vmem>>
      %dma_start3A_316 = arith.constant 0 : i32
      %dma_start3A_317 = tpu.memref_slice %arg11[%select_n3A_55, %dma_start3A_311, %add3A_293, %dma_start3A_316] : memref<4x8x512x512xf32, #tpu.memory_space<hbm>> -> memref<1x1x8x512xf32, #tpu.memory_space<hbm>>
      %dma_start3A_318 = tpu.memref_squeeze %dma_start3A_317 : memref<1x1x8x512xf32, #tpu.memory_space<hbm>> -> memref<8x512xf32, #tpu.memory_space<hbm>>
      %dma_start3A_319 = arith.constant 0 : i32
      %dma_start3A_320 = tpu.memref_slice %arg11[%select_n3A_55, %dma_start3A_311, %add3A_293, %dma_start3A_319] : memref<4x8x512x512xf32, #tpu.memory_space<hbm>> -> memref<1x1x8x512xf32, #tpu.memory_space<hbm>>
      %dma_start3A_321 = tpu.memref_squeeze %dma_start3A_320 : memref<1x1x8x512xf32, #tpu.memory_space<hbm>> -> memref<8x512xf32, #tpu.memory_space<hbm>>
      %dma_start3A_322 = arith.constant 0 : i32
      %dma_start3A_323 = arith.constant 0 : i32
      %dma_start3A_324 = tpu.memref_slice %arg16[%dma_start3A_310, %dma_start3A_322, %dma_start3A_323] : memref<8x8x512xf32, #tpu.memory_space<vmem>> -> memref<1x8x512xf32, #tpu.memory_space<vmem>>
      %dma_start3A_325 = tpu.memref_squeeze %dma_start3A_324 : memref<1x8x512xf32, #tpu.memory_space<vmem>> -> memref<8x512xf32, #tpu.memory_space<vmem>>
      tpu.enqueue_dma source(%dma_start3A_325 : memref<8x512xf32, #tpu.memory_space<vmem>>) target(%dma_start3A_321 : memref<8x512xf32, #tpu.memory_space<hbm>>) target_semaphore(%arg17 : memref<!tpu.dma_semaphore, #tpu.memory_space<semaphore_mem>>)
      %dma_start3A_326 = arith.constant 2 : i32
      %dma_start3A_327 = arith.constant 2 : i32
      %dma_start3A_328 = arith.constant 0 : i32
      %dma_start3A_329 = arith.constant 0 : i32
      %dma_start3A_330 = tpu.memref_slice %arg16[%dma_start3A_326, %dma_start3A_328, %dma_start3A_329] : memref<8x8x512xf32, #tpu.memory_space<vmem>> -> memref<1x8x512xf32, #tpu.memory_space<vmem>>
      %dma_start3A_331 = tpu.memref_squeeze %dma_start3A_330 : memref<1x8x512xf32, #tpu.memory_space<vmem>> -> memref<8x512xf32, #tpu.memory_space<vmem>>
      %dma_start3A_332 = arith.constant 0 : i32
      %dma_start3A_333 = tpu.memref_slice %arg11[%select_n3A_55, %dma_start3A_327, %add3A_293, %dma_start3A_332] : memref<4x8x512x512xf32, #tpu.memory_space<hbm>> -> memref<1x1x8x512xf32, #tpu.memory_space<hbm>>
      %dma_start3A_334 = tpu.memref_squeeze %dma_start3A_333 : memref<1x1x8x512xf32, #tpu.memory_space<hbm>> -> memref<8x512xf32, #tpu.memory_space<hbm>>
      %dma_start3A_335 = arith.constant 0 : i32
      %dma_start3A_336 = tpu.memref_slice %arg11[%select_n3A_55, %dma_start3A_327, %add3A_293, %dma_start3A_335] : memref<4x8x512x512xf32, #tpu.memory_space<hbm>> -> memref<1x1x8x512xf32, #tpu.memory_space<hbm>>
      %dma_start3A_337 = tpu.memref_squeeze %dma_start3A_336 : memref<1x1x8x512xf32, #tpu.memory_space<hbm>> -> memref<8x512xf32, #tpu.memory_space<hbm>>
      %dma_start3A_338 = arith.constant 0 : i32
      %dma_start3A_339 = arith.constant 0 : i32
      %dma_start3A_340 = tpu.memref_slice %arg16[%dma_start3A_326, %dma_start3A_338, %dma_start3A_339] : memref<8x8x512xf32, #tpu.memory_space<vmem>> -> memref<1x8x512xf32, #tpu.memory_space<vmem>>
      %dma_start3A_341 = tpu.memref_squeeze %dma_start3A_340 : memref<1x8x512xf32, #tpu.memory_space<vmem>> -> memref<8x512xf32, #tpu.memory_space<vmem>>
      tpu.enqueue_dma source(%dma_start3A_341 : memref<8x512xf32, #tpu.memory_space<vmem>>) target(%dma_start3A_337 : memref<8x512xf32, #tpu.memory_space<hbm>>) target_semaphore(%arg17 : memref<!tpu.dma_semaphore, #tpu.memory_space<semaphore_mem>>)
      %dma_start3A_342 = arith.constant 3 : i32
      %dma_start3A_343 = arith.constant 3 : i32
      %dma_start3A_344 = arith.constant 0 : i32
      %dma_start3A_345 = arith.constant 0 : i32
      %dma_start3A_346 = tpu.memref_slice %arg16[%dma_start3A_342, %dma_start3A_344, %dma_start3A_345] : memref<8x8x512xf32, #tpu.memory_space<vmem>> -> memref<1x8x512xf32, #tpu.memory_space<vmem>>
      %dma_start3A_347 = tpu.memref_squeeze %dma_start3A_346 : memref<1x8x512xf32, #tpu.memory_space<vmem>> -> memref<8x512xf32, #tpu.memory_space<vmem>>
      %dma_start3A_348 = arith.constant 0 : i32
      %dma_start3A_349 = tpu.memref_slice %arg11[%select_n3A_55, %dma_start3A_343, %add3A_293, %dma_start3A_348] : memref<4x8x512x512xf32, #tpu.memory_space<hbm>> -> memref<1x1x8x512xf32, #tpu.memory_space<hbm>>
      %dma_start3A_350 = tpu.memref_squeeze %dma_start3A_349 : memref<1x1x8x512xf32, #tpu.memory_space<hbm>> -> memref<8x512xf32, #tpu.memory_space<hbm>>
      %dma_start3A_351 = arith.constant 0 : i32
      %dma_start3A_352 = tpu.memref_slice %arg11[%select_n3A_55, %dma_start3A_343, %add3A_293, %dma_start3A_351] : memref<4x8x512x512xf32, #tpu.memory_space<hbm>> -> memref<1x1x8x512xf32, #tpu.memory_space<hbm>>
      %dma_start3A_353 = tpu.memref_squeeze %dma_start3A_352 : memref<1x1x8x512xf32, #tpu.memory_space<hbm>> -> memref<8x512xf32, #tpu.memory_space<hbm>>
      %dma_start3A_354 = arith.constant 0 : i32
      %dma_start3A_355 = arith.constant 0 : i32
      %dma_start3A_356 = tpu.memref_slice %arg16[%dma_start3A_342, %dma_start3A_354, %dma_start3A_355] : memref<8x8x512xf32, #tpu.memory_space<vmem>> -> memref<1x8x512xf32, #tpu.memory_space<vmem>>
      %dma_start3A_357 = tpu.memref_squeeze %dma_start3A_356 : memref<1x8x512xf32, #tpu.memory_space<vmem>> -> memref<8x512xf32, #tpu.memory_space<vmem>>
      tpu.enqueue_dma source(%dma_start3A_357 : memref<8x512xf32, #tpu.memory_space<vmem>>) target(%dma_start3A_353 : memref<8x512xf32, #tpu.memory_space<hbm>>) target_semaphore(%arg17 : memref<!tpu.dma_semaphore, #tpu.memory_space<semaphore_mem>>)
      %dma_start3A_358 = arith.constant 4 : i32
      %dma_start3A_359 = arith.constant 4 : i32
      %dma_start3A_360 = arith.constant 0 : i32
      %dma_start3A_361 = arith.constant 0 : i32
      %dma_start3A_362 = tpu.memref_slice %arg16[%dma_start3A_358, %dma_start3A_360, %dma_start3A_361] : memref<8x8x512xf32, #tpu.memory_space<vmem>> -> memref<1x8x512xf32, #tpu.memory_space<vmem>>
      %dma_start3A_363 = tpu.memref_squeeze %dma_start3A_362 : memref<1x8x512xf32, #tpu.memory_space<vmem>> -> memref<8x512xf32, #tpu.memory_space<vmem>>
      %dma_start3A_364 = arith.constant 0 : i32
      %dma_start3A_365 = tpu.memref_slice %arg11[%select_n3A_55, %dma_start3A_359, %add3A_293, %dma_start3A_364] : memref<4x8x512x512xf32, #tpu.memory_space<hbm>> -> memref<1x1x8x512xf32, #tpu.memory_space<hbm>>
      %dma_start3A_366 = tpu.memref_squeeze %dma_start3A_365 : memref<1x1x8x512xf32, #tpu.memory_space<hbm>> -> memref<8x512xf32, #tpu.memory_space<hbm>>
      %dma_start3A_367 = arith.constant 0 : i32
      %dma_start3A_368 = tpu.memref_slice %arg11[%select_n3A_55, %dma_start3A_359, %add3A_293, %dma_start3A_367] : memref<4x8x512x512xf32, #tpu.memory_space<hbm>> -> memref<1x1x8x512xf32, #tpu.memory_space<hbm>>
      %dma_start3A_369 = tpu.memref_squeeze %dma_start3A_368 : memref<1x1x8x512xf32, #tpu.memory_space<hbm>> -> memref<8x512xf32, #tpu.memory_space<hbm>>
      %dma_start3A_370 = arith.constant 0 : i32
      %dma_start3A_371 = arith.constant 0 : i32
      %dma_start3A_372 = tpu.memref_slice %arg16[%dma_start3A_358, %dma_start3A_370, %dma_start3A_371] : memref<8x8x512xf32, #tpu.memory_space<vmem>> -> memref<1x8x512xf32, #tpu.memory_space<vmem>>
      %dma_start3A_373 = tpu.memref_squeeze %dma_start3A_372 : memref<1x8x512xf32, #tpu.memory_space<vmem>> -> memref<8x512xf32, #tpu.memory_space<vmem>>
      tpu.enqueue_dma source(%dma_start3A_373 : memref<8x512xf32, #tpu.memory_space<vmem>>) target(%dma_start3A_369 : memref<8x512xf32, #tpu.memory_space<hbm>>) target_semaphore(%arg17 : memref<!tpu.dma_semaphore, #tpu.memory_space<semaphore_mem>>)
      %dma_start3A_374 = arith.constant 5 : i32
      %dma_start3A_375 = arith.constant 5 : i32
      %dma_start3A_376 = arith.constant 0 : i32
      %dma_start3A_377 = arith.constant 0 : i32
      %dma_start3A_378 = tpu.memref_slice %arg16[%dma_start3A_374, %dma_start3A_376, %dma_start3A_377] : memref<8x8x512xf32, #tpu.memory_space<vmem>> -> memref<1x8x512xf32, #tpu.memory_space<vmem>>
      %dma_start3A_379 = tpu.memref_squeeze %dma_start3A_378 : memref<1x8x512xf32, #tpu.memory_space<vmem>> -> memref<8x512xf32, #tpu.memory_space<vmem>>
      %dma_start3A_380 = arith.constant 0 : i32
      %dma_start3A_381 = tpu.memref_slice %arg11[%select_n3A_55, %dma_start3A_375, %add3A_293, %dma_start3A_380] : memref<4x8x512x512xf32, #tpu.memory_space<hbm>> -> memref<1x1x8x512xf32, #tpu.memory_space<hbm>>
      %dma_start3A_382 = tpu.memref_squeeze %dma_start3A_381 : memref<1x1x8x512xf32, #tpu.memory_space<hbm>> -> memref<8x512xf32, #tpu.memory_space<hbm>>
      %dma_start3A_383 = arith.constant 0 : i32
      %dma_start3A_384 = tpu.memref_slice %arg11[%select_n3A_55, %dma_start3A_375, %add3A_293, %dma_start3A_383] : memref<4x8x512x512xf32, #tpu.memory_space<hbm>> -> memref<1x1x8x512xf32, #tpu.memory_space<hbm>>
      %dma_start3A_385 = tpu.memref_squeeze %dma_start3A_384 : memref<1x1x8x512xf32, #tpu.memory_space<hbm>> -> memref<8x512xf32, #tpu.memory_space<hbm>>
      %dma_start3A_386 = arith.constant 0 : i32
      %dma_start3A_387 = arith.constant 0 : i32
      %dma_start3A_388 = tpu.memref_slice %arg16[%dma_start3A_374, %dma_start3A_386, %dma_start3A_387] : memref<8x8x512xf32, #tpu.memory_space<vmem>> -> memref<1x8x512xf32, #tpu.memory_space<vmem>>
      %dma_start3A_389 = tpu.memref_squeeze %dma_start3A_388 : memref<1x8x512xf32, #tpu.memory_space<vmem>> -> memref<8x512xf32, #tpu.memory_space<vmem>>
      tpu.enqueue_dma source(%dma_start3A_389 : memref<8x512xf32, #tpu.memory_space<vmem>>) target(%dma_start3A_385 : memref<8x512xf32, #tpu.memory_space<hbm>>) target_semaphore(%arg17 : memref<!tpu.dma_semaphore, #tpu.memory_space<semaphore_mem>>)
      %dma_start3A_390 = arith.constant 6 : i32
      %dma_start3A_391 = arith.constant 6 : i32
      %dma_start3A_392 = arith.constant 0 : i32
      %dma_start3A_393 = arith.constant 0 : i32
      %dma_start3A_394 = tpu.memref_slice %arg16[%dma_start3A_390, %dma_start3A_392, %dma_start3A_393] : memref<8x8x512xf32, #tpu.memory_space<vmem>> -> memref<1x8x512xf32, #tpu.memory_space<vmem>>
      %dma_start3A_395 = tpu.memref_squeeze %dma_start3A_394 : memref<1x8x512xf32, #tpu.memory_space<vmem>> -> memref<8x512xf32, #tpu.memory_space<vmem>>
      %dma_start3A_396 = arith.constant 0 : i32
      %dma_start3A_397 = tpu.memref_slice %arg11[%select_n3A_55, %dma_start3A_391, %add3A_293, %dma_start3A_396] : memref<4x8x512x512xf32, #tpu.memory_space<hbm>> -> memref<1x1x8x512xf32, #tpu.memory_space<hbm>>
      %dma_start3A_398 = tpu.memref_squeeze %dma_start3A_397 : memref<1x1x8x512xf32, #tpu.memory_space<hbm>> -> memref<8x512xf32, #tpu.memory_space<hbm>>
      %dma_start3A_399 = arith.constant 0 : i32
      %dma_start3A_400 = tpu.memref_slice %arg11[%select_n3A_55, %dma_start3A_391, %add3A_293, %dma_start3A_399] : memref<4x8x512x512xf32, #tpu.memory_space<hbm>> -> memref<1x1x8x512xf32, #tpu.memory_space<hbm>>
      %dma_start3A_401 = tpu.memref_squeeze %dma_start3A_400 : memref<1x1x8x512xf32, #tpu.memory_space<hbm>> -> memref<8x512xf32, #tpu.memory_space<hbm>>
      %dma_start3A_402 = arith.constant 0 : i32
      %dma_start3A_403 = arith.constant 0 : i32
      %dma_start3A_404 = tpu.memref_slice %arg16[%dma_start3A_390, %dma_start3A_402, %dma_start3A_403] : memref<8x8x512xf32, #tpu.memory_space<vmem>> -> memref<1x8x512xf32, #tpu.memory_space<vmem>>
      %dma_start3A_405 = tpu.memref_squeeze %dma_start3A_404 : memref<1x8x512xf32, #tpu.memory_space<vmem>> -> memref<8x512xf32, #tpu.memory_space<vmem>>
      tpu.enqueue_dma source(%dma_start3A_405 : memref<8x512xf32, #tpu.memory_space<vmem>>) target(%dma_start3A_401 : memref<8x512xf32, #tpu.memory_space<hbm>>) target_semaphore(%arg17 : memref<!tpu.dma_semaphore, #tpu.memory_space<semaphore_mem>>)
      %dma_start3A_406 = arith.constant 7 : i32
      %dma_start3A_407 = arith.constant 7 : i32
      %dma_start3A_408 = arith.constant 0 : i32
      %dma_start3A_409 = arith.constant 0 : i32
      %dma_start3A_410 = tpu.memref_slice %arg16[%dma_start3A_406, %dma_start3A_408, %dma_start3A_409] : memref<8x8x512xf32, #tpu.memory_space<vmem>> -> memref<1x8x512xf32, #tpu.memory_space<vmem>>
      %dma_start3A_411 = tpu.memref_squeeze %dma_start3A_410 : memref<1x8x512xf32, #tpu.memory_space<vmem>> -> memref<8x512xf32, #tpu.memory_space<vmem>>
      %dma_start3A_412 = arith.constant 0 : i32
      %dma_start3A_413 = tpu.memref_slice %arg11[%select_n3A_55, %dma_start3A_407, %add3A_293, %dma_start3A_412] : memref<4x8x512x512xf32, #tpu.memory_space<hbm>> -> memref<1x1x8x512xf32, #tpu.memory_space<hbm>>
      %dma_start3A_414 = tpu.memref_squeeze %dma_start3A_413 : memref<1x1x8x512xf32, #tpu.memory_space<hbm>> -> memref<8x512xf32, #tpu.memory_space<hbm>>
      %dma_start3A_415 = arith.constant 0 : i32
      %dma_start3A_416 = tpu.memref_slice %arg11[%select_n3A_55, %dma_start3A_407, %add3A_293, %dma_start3A_415] : memref<4x8x512x512xf32, #tpu.memory_space<hbm>> -> memref<1x1x8x512xf32, #tpu.memory_space<hbm>>
      %dma_start3A_417 = tpu.memref_squeeze %dma_start3A_416 : memref<1x1x8x512xf32, #tpu.memory_space<hbm>> -> memref<8x512xf32, #tpu.memory_space<hbm>>
      %dma_start3A_418 = arith.constant 0 : i32
      %dma_start3A_419 = arith.constant 0 : i32
      %dma_start3A_420 = tpu.memref_slice %arg16[%dma_start3A_406, %dma_start3A_418, %dma_start3A_419] : memref<8x8x512xf32, #tpu.memory_space<vmem>> -> memref<1x8x512xf32, #tpu.memory_space<vmem>>
      %dma_start3A_421 = tpu.memref_squeeze %dma_start3A_420 : memref<1x8x512xf32, #tpu.memory_space<vmem>> -> memref<8x512xf32, #tpu.memory_space<vmem>>
      tpu.enqueue_dma source(%dma_start3A_421 : memref<8x512xf32, #tpu.memory_space<vmem>>) target(%dma_start3A_417 : memref<8x512xf32, #tpu.memory_space<hbm>>) target_semaphore(%arg17 : memref<!tpu.dma_semaphore, #tpu.memory_space<semaphore_mem>>)
    }
    %scan3A_102 = arith.constant 8 : i32
    %dma_wait3A_103 = arith.constant 0 : i32
    %dma_wait3A_104 = arith.constant 0 : i32
    %dma_wait3A_105 = arith.constant 0 : i32
    %dma_wait3A_106 = arith.constant 0 : i32
    %dma_wait3A_107 = tpu.memref_slice %arg16[%dma_wait3A_103, %dma_wait3A_105, %dma_wait3A_106] : memref<8x8x512xf32, #tpu.memory_space<vmem>> -> memref<1x8x512xf32, #tpu.memory_space<vmem>>
    %dma_wait3A_108 = tpu.memref_squeeze %dma_wait3A_107 : memref<1x8x512xf32, #tpu.memory_space<vmem>> -> memref<8x512xf32, #tpu.memory_space<vmem>>
    %dma_wait3A_109 = arith.constant 0 : i32
    %dma_wait3A_110 = tpu.memref_slice %arg11[%select_n3A_55, %dma_wait3A_104, %select_n3A_97, %dma_wait3A_109] : memref<4x8x512x512xf32, #tpu.memory_space<hbm>> -> memref<1x1x8x512xf32, #tpu.memory_space<hbm>>
    %dma_wait3A_111 = tpu.memref_squeeze %dma_wait3A_110 : memref<1x1x8x512xf32, #tpu.memory_space<hbm>> -> memref<8x512xf32, #tpu.memory_space<hbm>>
    %dma_wait3A_112 = arith.constant 0 : i32
    %dma_wait3A_113 = tpu.memref_slice %arg11[%select_n3A_55, %dma_wait3A_104, %select_n3A_97, %dma_wait3A_112] : memref<4x8x512x512xf32, #tpu.memory_space<hbm>> -> memref<1x1x8x512xf32, #tpu.memory_space<hbm>>
    %dma_wait3A_114 = tpu.memref_squeeze %dma_wait3A_113 : memref<1x1x8x512xf32, #tpu.memory_space<hbm>> -> memref<8x512xf32, #tpu.memory_space<hbm>>
    %dma_wait3A_115 = arith.constant 0 : i32
    %dma_wait3A_116 = arith.constant 0 : i32
    %dma_wait3A_117 = tpu.memref_slice %arg16[%dma_wait3A_103, %dma_wait3A_115, %dma_wait3A_116] : memref<8x8x512xf32, #tpu.memory_space<vmem>> -> memref<1x8x512xf32, #tpu.memory_space<vmem>>
    %dma_wait3A_118 = tpu.memref_squeeze %dma_wait3A_117 : memref<1x8x512xf32, #tpu.memory_space<vmem>> -> memref<8x512xf32, #tpu.memory_space<vmem>>
    tpu.wait_dma2 semaphore(%arg17 : memref<!tpu.dma_semaphore, #tpu.memory_space<semaphore_mem>>) src(%dma_wait3A_118 : memref<8x512xf32, #tpu.memory_space<vmem>>) dst(%dma_wait3A_114 : memref<8x512xf32, #tpu.memory_space<hbm>>)
    %dma_wait3A_119 = arith.constant 1 : i32
    %dma_wait3A_120 = arith.constant 1 : i32
    %dma_wait3A_121 = arith.constant 0 : i32
    %dma_wait3A_122 = arith.constant 0 : i32
    %dma_wait3A_123 = tpu.memref_slice %arg16[%dma_wait3A_119, %dma_wait3A_121, %dma_wait3A_122] : memref<8x8x512xf32, #tpu.memory_space<vmem>> -> memref<1x8x512xf32, #tpu.memory_space<vmem>>
    %dma_wait3A_124 = tpu.memref_squeeze %dma_wait3A_123 : memref<1x8x512xf32, #tpu.memory_space<vmem>> -> memref<8x512xf32, #tpu.memory_space<vmem>>
    %dma_wait3A_125 = arith.constant 0 : i32
    %dma_wait3A_126 = tpu.memref_slice %arg11[%select_n3A_55, %dma_wait3A_120, %select_n3A_97, %dma_wait3A_125] : memref<4x8x512x512xf32, #tpu.memory_space<hbm>> -> memref<1x1x8x512xf32, #tpu.memory_space<hbm>>
    %dma_wait3A_127 = tpu.memref_squeeze %dma_wait3A_126 : memref<1x1x8x512xf32, #tpu.memory_space<hbm>> -> memref<8x512xf32, #tpu.memory_space<hbm>>
    %dma_wait3A_128 = arith.constant 0 : i32
    %dma_wait3A_129 = tpu.memref_slice %arg11[%select_n3A_55, %dma_wait3A_120, %select_n3A_97, %dma_wait3A_128] : memref<4x8x512x512xf32, #tpu.memory_space<hbm>> -> memref<1x1x8x512xf32, #tpu.memory_space<hbm>>
    %dma_wait3A_130 = tpu.memref_squeeze %dma_wait3A_129 : memref<1x1x8x512xf32, #tpu.memory_space<hbm>> -> memref<8x512xf32, #tpu.memory_space<hbm>>
    %dma_wait3A_131 = arith.constant 0 : i32
    %dma_wait3A_132 = arith.constant 0 : i32
    %dma_wait3A_133 = tpu.memref_slice %arg16[%dma_wait3A_119, %dma_wait3A_131, %dma_wait3A_132] : memref<8x8x512xf32, #tpu.memory_space<vmem>> -> memref<1x8x512xf32, #tpu.memory_space<vmem>>
    %dma_wait3A_134 = tpu.memref_squeeze %dma_wait3A_133 : memref<1x8x512xf32, #tpu.memory_space<vmem>> -> memref<8x512xf32, #tpu.memory_space<vmem>>
    tpu.wait_dma2 semaphore(%arg17 : memref<!tpu.dma_semaphore, #tpu.memory_space<semaphore_mem>>) src(%dma_wait3A_134 : memref<8x512xf32, #tpu.memory_space<vmem>>) dst(%dma_wait3A_130 : memref<8x512xf32, #tpu.memory_space<hbm>>)
    %dma_wait3A_135 = arith.constant 2 : i32
    %dma_wait3A_136 = arith.constant 2 : i32
    %dma_wait3A_137 = arith.constant 0 : i32
    %dma_wait3A_138 = arith.constant 0 : i32
    %dma_wait3A_139 = tpu.memref_slice %arg16[%dma_wait3A_135, %dma_wait3A_137, %dma_wait3A_138] : memref<8x8x512xf32, #tpu.memory_space<vmem>> -> memref<1x8x512xf32, #tpu.memory_space<vmem>>
    %dma_wait3A_140 = tpu.memref_squeeze %dma_wait3A_139 : memref<1x8x512xf32, #tpu.memory_space<vmem>> -> memref<8x512xf32, #tpu.memory_space<vmem>>
    %dma_wait3A_141 = arith.constant 0 : i32
    %dma_wait3A_142 = tpu.memref_slice %arg11[%select_n3A_55, %dma_wait3A_136, %select_n3A_97, %dma_wait3A_141] : memref<4x8x512x512xf32, #tpu.memory_space<hbm>> -> memref<1x1x8x512xf32, #tpu.memory_space<hbm>>
    %dma_wait3A_143 = tpu.memref_squeeze %dma_wait3A_142 : memref<1x1x8x512xf32, #tpu.memory_space<hbm>> -> memref<8x512xf32, #tpu.memory_space<hbm>>
    %dma_wait3A_144 = arith.constant 0 : i32
    %dma_wait3A_145 = tpu.memref_slice %arg11[%select_n3A_55, %dma_wait3A_136, %select_n3A_97, %dma_wait3A_144] : memref<4x8x512x512xf32, #tpu.memory_space<hbm>> -> memref<1x1x8x512xf32, #tpu.memory_space<hbm>>
    %dma_wait3A_146 = tpu.memref_squeeze %dma_wait3A_145 : memref<1x1x8x512xf32, #tpu.memory_space<hbm>> -> memref<8x512xf32, #tpu.memory_space<hbm>>
    %dma_wait3A_147 = arith.constant 0 : i32
    %dma_wait3A_148 = arith.constant 0 : i32
    %dma_wait3A_149 = tpu.memref_slice %arg16[%dma_wait3A_135, %dma_wait3A_147, %dma_wait3A_148] : memref<8x8x512xf32, #tpu.memory_space<vmem>> -> memref<1x8x512xf32, #tpu.memory_space<vmem>>
    %dma_wait3A_150 = tpu.memref_squeeze %dma_wait3A_149 : memref<1x8x512xf32, #tpu.memory_space<vmem>> -> memref<8x512xf32, #tpu.memory_space<vmem>>
    tpu.wait_dma2 semaphore(%arg17 : memref<!tpu.dma_semaphore, #tpu.memory_space<semaphore_mem>>) src(%dma_wait3A_150 : memref<8x512xf32, #tpu.memory_space<vmem>>) dst(%dma_wait3A_146 : memref<8x512xf32, #tpu.memory_space<hbm>>)
    %dma_wait3A_151 = arith.constant 3 : i32
    %dma_wait3A_152 = arith.constant 3 : i32
    %dma_wait3A_153 = arith.constant 0 : i32
    %dma_wait3A_154 = arith.constant 0 : i32
    %dma_wait3A_155 = tpu.memref_slice %arg16[%dma_wait3A_151, %dma_wait3A_153, %dma_wait3A_154] : memref<8x8x512xf32, #tpu.memory_space<vmem>> -> memref<1x8x512xf32, #tpu.memory_space<vmem>>
    %dma_wait3A_156 = tpu.memref_squeeze %dma_wait3A_155 : memref<1x8x512xf32, #tpu.memory_space<vmem>> -> memref<8x512xf32, #tpu.memory_space<vmem>>
    %dma_wait3A_157 = arith.constant 0 : i32
    %dma_wait3A_158 = tpu.memref_slice %arg11[%select_n3A_55, %dma_wait3A_152, %select_n3A_97, %dma_wait3A_157] : memref<4x8x512x512xf32, #tpu.memory_space<hbm>> -> memref<1x1x8x512xf32, #tpu.memory_space<hbm>>
    %dma_wait3A_159 = tpu.memref_squeeze %dma_wait3A_158 : memref<1x1x8x512xf32, #tpu.memory_space<hbm>> -> memref<8x512xf32, #tpu.memory_space<hbm>>
    %dma_wait3A_160 = arith.constant 0 : i32
    %dma_wait3A_161 = tpu.memref_slice %arg11[%select_n3A_55, %dma_wait3A_152, %select_n3A_97, %dma_wait3A_160] : memref<4x8x512x512xf32, #tpu.memory_space<hbm>> -> memref<1x1x8x512xf32, #tpu.memory_space<hbm>>
    %dma_wait3A_162 = tpu.memref_squeeze %dma_wait3A_161 : memref<1x1x8x512xf32, #tpu.memory_space<hbm>> -> memref<8x512xf32, #tpu.memory_space<hbm>>
    %dma_wait3A_163 = arith.constant 0 : i32
    %dma_wait3A_164 = arith.constant 0 : i32
    %dma_wait3A_165 = tpu.memref_slice %arg16[%dma_wait3A_151, %dma_wait3A_163, %dma_wait3A_164] : memref<8x8x512xf32, #tpu.memory_space<vmem>> -> memref<1x8x512xf32, #tpu.memory_space<vmem>>
    %dma_wait3A_166 = tpu.memref_squeeze %dma_wait3A_165 : memref<1x8x512xf32, #tpu.memory_space<vmem>> -> memref<8x512xf32, #tpu.memory_space<vmem>>
    tpu.wait_dma2 semaphore(%arg17 : memref<!tpu.dma_semaphore, #tpu.memory_space<semaphore_mem>>) src(%dma_wait3A_166 : memref<8x512xf32, #tpu.memory_space<vmem>>) dst(%dma_wait3A_162 : memref<8x512xf32, #tpu.memory_space<hbm>>)
    %dma_wait3A_167 = arith.constant 4 : i32
    %dma_wait3A_168 = arith.constant 4 : i32
    %dma_wait3A_169 = arith.constant 0 : i32
    %dma_wait3A_170 = arith.constant 0 : i32
    %dma_wait3A_171 = tpu.memref_slice %arg16[%dma_wait3A_167, %dma_wait3A_169, %dma_wait3A_170] : memref<8x8x512xf32, #tpu.memory_space<vmem>> -> memref<1x8x512xf32, #tpu.memory_space<vmem>>
    %dma_wait3A_172 = tpu.memref_squeeze %dma_wait3A_171 : memref<1x8x512xf32, #tpu.memory_space<vmem>> -> memref<8x512xf32, #tpu.memory_space<vmem>>
    %dma_wait3A_173 = arith.constant 0 : i32
    %dma_wait3A_174 = tpu.memref_slice %arg11[%select_n3A_55, %dma_wait3A_168, %select_n3A_97, %dma_wait3A_173] : memref<4x8x512x512xf32, #tpu.memory_space<hbm>> -> memref<1x1x8x512xf32, #tpu.memory_space<hbm>>
    %dma_wait3A_175 = tpu.memref_squeeze %dma_wait3A_174 : memref<1x1x8x512xf32, #tpu.memory_space<hbm>> -> memref<8x512xf32, #tpu.memory_space<hbm>>
    %dma_wait3A_176 = arith.constant 0 : i32
    %dma_wait3A_177 = tpu.memref_slice %arg11[%select_n3A_55, %dma_wait3A_168, %select_n3A_97, %dma_wait3A_176] : memref<4x8x512x512xf32, #tpu.memory_space<hbm>> -> memref<1x1x8x512xf32, #tpu.memory_space<hbm>>
    %dma_wait3A_178 = tpu.memref_squeeze %dma_wait3A_177 : memref<1x1x8x512xf32, #tpu.memory_space<hbm>> -> memref<8x512xf32, #tpu.memory_space<hbm>>
    %dma_wait3A_179 = arith.constant 0 : i32
    %dma_wait3A_180 = arith.constant 0 : i32
    %dma_wait3A_181 = tpu.memref_slice %arg16[%dma_wait3A_167, %dma_wait3A_179, %dma_wait3A_180] : memref<8x8x512xf32, #tpu.memory_space<vmem>> -> memref<1x8x512xf32, #tpu.memory_space<vmem>>
    %dma_wait3A_182 = tpu.memref_squeeze %dma_wait3A_181 : memref<1x8x512xf32, #tpu.memory_space<vmem>> -> memref<8x512xf32, #tpu.memory_space<vmem>>
    tpu.wait_dma2 semaphore(%arg17 : memref<!tpu.dma_semaphore, #tpu.memory_space<semaphore_mem>>) src(%dma_wait3A_182 : memref<8x512xf32, #tpu.memory_space<vmem>>) dst(%dma_wait3A_178 : memref<8x512xf32, #tpu.memory_space<hbm>>)
    %dma_wait3A_183 = arith.constant 5 : i32
    %dma_wait3A_184 = arith.constant 5 : i32
    %dma_wait3A_185 = arith.constant 0 : i32
    %dma_wait3A_186 = arith.constant 0 : i32
    %dma_wait3A_187 = tpu.memref_slice %arg16[%dma_wait3A_183, %dma_wait3A_185, %dma_wait3A_186] : memref<8x8x512xf32, #tpu.memory_space<vmem>> -> memref<1x8x512xf32, #tpu.memory_space<vmem>>
    %dma_wait3A_188 = tpu.memref_squeeze %dma_wait3A_187 : memref<1x8x512xf32, #tpu.memory_space<vmem>> -> memref<8x512xf32, #tpu.memory_space<vmem>>
    %dma_wait3A_189 = arith.constant 0 : i32
    %dma_wait3A_190 = tpu.memref_slice %arg11[%select_n3A_55, %dma_wait3A_184, %select_n3A_97, %dma_wait3A_189] : memref<4x8x512x512xf32, #tpu.memory_space<hbm>> -> memref<1x1x8x512xf32, #tpu.memory_space<hbm>>
    %dma_wait3A_191 = tpu.memref_squeeze %dma_wait3A_190 : memref<1x1x8x512xf32, #tpu.memory_space<hbm>> -> memref<8x512xf32, #tpu.memory_space<hbm>>
    %dma_wait3A_192 = arith.constant 0 : i32
    %dma_wait3A_193 = tpu.memref_slice %arg11[%select_n3A_55, %dma_wait3A_184, %select_n3A_97, %dma_wait3A_192] : memref<4x8x512x512xf32, #tpu.memory_space<hbm>> -> memref<1x1x8x512xf32, #tpu.memory_space<hbm>>
    %dma_wait3A_194 = tpu.memref_squeeze %dma_wait3A_193 : memref<1x1x8x512xf32, #tpu.memory_space<hbm>> -> memref<8x512xf32, #tpu.memory_space<hbm>>
    %dma_wait3A_195 = arith.constant 0 : i32
    %dma_wait3A_196 = arith.constant 0 : i32
    %dma_wait3A_197 = tpu.memref_slice %arg16[%dma_wait3A_183, %dma_wait3A_195, %dma_wait3A_196] : memref<8x8x512xf32, #tpu.memory_space<vmem>> -> memref<1x8x512xf32, #tpu.memory_space<vmem>>
    %dma_wait3A_198 = tpu.memref_squeeze %dma_wait3A_197 : memref<1x8x512xf32, #tpu.memory_space<vmem>> -> memref<8x512xf32, #tpu.memory_space<vmem>>
    tpu.wait_dma2 semaphore(%arg17 : memref<!tpu.dma_semaphore, #tpu.memory_space<semaphore_mem>>) src(%dma_wait3A_198 : memref<8x512xf32, #tpu.memory_space<vmem>>) dst(%dma_wait3A_194 : memref<8x512xf32, #tpu.memory_space<hbm>>)
    %dma_wait3A_199 = arith.constant 6 : i32
    %dma_wait3A_200 = arith.constant 6 : i32
    %dma_wait3A_201 = arith.constant 0 : i32
    %dma_wait3A_202 = arith.constant 0 : i32
    %dma_wait3A_203 = tpu.memref_slice %arg16[%dma_wait3A_199, %dma_wait3A_201, %dma_wait3A_202] : memref<8x8x512xf32, #tpu.memory_space<vmem>> -> memref<1x8x512xf32, #tpu.memory_space<vmem>>
    %dma_wait3A_204 = tpu.memref_squeeze %dma_wait3A_203 : memref<1x8x512xf32, #tpu.memory_space<vmem>> -> memref<8x512xf32, #tpu.memory_space<vmem>>
    %dma_wait3A_205 = arith.constant 0 : i32
    %dma_wait3A_206 = tpu.memref_slice %arg11[%select_n3A_55, %dma_wait3A_200, %select_n3A_97, %dma_wait3A_205] : memref<4x8x512x512xf32, #tpu.memory_space<hbm>> -> memref<1x1x8x512xf32, #tpu.memory_space<hbm>>
    %dma_wait3A_207 = tpu.memref_squeeze %dma_wait3A_206 : memref<1x1x8x512xf32, #tpu.memory_space<hbm>> -> memref<8x512xf32, #tpu.memory_space<hbm>>
    %dma_wait3A_208 = arith.constant 0 : i32
    %dma_wait3A_209 = tpu.memref_slice %arg11[%select_n3A_55, %dma_wait3A_200, %select_n3A_97, %dma_wait3A_208] : memref<4x8x512x512xf32, #tpu.memory_space<hbm>> -> memref<1x1x8x512xf32, #tpu.memory_space<hbm>>
    %dma_wait3A_210 = tpu.memref_squeeze %dma_wait3A_209 : memref<1x1x8x512xf32, #tpu.memory_space<hbm>> -> memref<8x512xf32, #tpu.memory_space<hbm>>
    %dma_wait3A_211 = arith.constant 0 : i32
    %dma_wait3A_212 = arith.constant 0 : i32
    %dma_wait3A_213 = tpu.memref_slice %arg16[%dma_wait3A_199, %dma_wait3A_211, %dma_wait3A_212] : memref<8x8x512xf32, #tpu.memory_space<vmem>> -> memref<1x8x512xf32, #tpu.memory_space<vmem>>
    %dma_wait3A_214 = tpu.memref_squeeze %dma_wait3A_213 : memref<1x8x512xf32, #tpu.memory_space<vmem>> -> memref<8x512xf32, #tpu.memory_space<vmem>>
    tpu.wait_dma2 semaphore(%arg17 : memref<!tpu.dma_semaphore, #tpu.memory_space<semaphore_mem>>) src(%dma_wait3A_214 : memref<8x512xf32, #tpu.memory_space<vmem>>) dst(%dma_wait3A_210 : memref<8x512xf32, #tpu.memory_space<hbm>>)
    %dma_wait3A_215 = arith.constant 7 : i32
    %dma_wait3A_216 = arith.constant 7 : i32
    %dma_wait3A_217 = arith.constant 0 : i32
    %dma_wait3A_218 = arith.constant 0 : i32
    %dma_wait3A_219 = tpu.memref_slice %arg16[%dma_wait3A_215, %dma_wait3A_217, %dma_wait3A_218] : memref<8x8x512xf32, #tpu.memory_space<vmem>> -> memref<1x8x512xf32, #tpu.memory_space<vmem>>
    %dma_wait3A_220 = tpu.memref_squeeze %dma_wait3A_219 : memref<1x8x512xf32, #tpu.memory_space<vmem>> -> memref<8x512xf32, #tpu.memory_space<vmem>>
    %dma_wait3A_221 = arith.constant 0 : i32
    %dma_wait3A_222 = tpu.memref_slice %arg11[%select_n3A_55, %dma_wait3A_216, %select_n3A_97, %dma_wait3A_221] : memref<4x8x512x512xf32, #tpu.memory_space<hbm>> -> memref<1x1x8x512xf32, #tpu.memory_space<hbm>>
    %dma_wait3A_223 = tpu.memref_squeeze %dma_wait3A_222 : memref<1x1x8x512xf32, #tpu.memory_space<hbm>> -> memref<8x512xf32, #tpu.memory_space<hbm>>
    %dma_wait3A_224 = arith.constant 0 : i32
    %dma_wait3A_225 = tpu.memref_slice %arg11[%select_n3A_55, %dma_wait3A_216, %select_n3A_97, %dma_wait3A_224] : memref<4x8x512x512xf32, #tpu.memory_space<hbm>> -> memref<1x1x8x512xf32, #tpu.memory_space<hbm>>
    %dma_wait3A_226 = tpu.memref_squeeze %dma_wait3A_225 : memref<1x1x8x512xf32, #tpu.memory_space<hbm>> -> memref<8x512xf32, #tpu.memory_space<hbm>>
    %dma_wait3A_227 = arith.constant 0 : i32
    %dma_wait3A_228 = arith.constant 0 : i32
    %dma_wait3A_229 = tpu.memref_slice %arg16[%dma_wait3A_215, %dma_wait3A_227, %dma_wait3A_228] : memref<8x8x512xf32, #tpu.memory_space<vmem>> -> memref<1x8x512xf32, #tpu.memory_space<vmem>>
    %dma_wait3A_230 = tpu.memref_squeeze %dma_wait3A_229 : memref<1x8x512xf32, #tpu.memory_space<vmem>> -> memref<8x512xf32, #tpu.memory_space<vmem>>
    tpu.wait_dma2 semaphore(%arg17 : memref<!tpu.dma_semaphore, #tpu.memory_space<semaphore_mem>>) src(%dma_wait3A_230 : memref<8x512xf32, #tpu.memory_space<vmem>>) dst(%dma_wait3A_226 : memref<8x512xf32, #tpu.memory_space<hbm>>)
    return
  }
}

</mosaic_0001>

<sc_bundles>
// kernel: kernel.3.cloned.1.call-start
scs
__scs_entry_jumppad:
0x0: {  	(pc) =	sbr.rel $0x88, $3  }
0x1: {  	(tag) =	ssettag $0x0;
	lr =	simm.s32 $0x1  }
0x2: {  	[smem:$0x3F9F] =	sst lr;
	_ =	strace $0xD0000000  }
0x3: {  	_ = 	snop  }
0x4: {  	_ = 	snop  }
0x5: {  	_ = 	snop  }
0x6: {  	_ = 	snop  }
0x7: {  	_ = 	snop  }
__scs_overlays_trampoline_lowered:
0x8: {  	[smem:$0x3FAE] =	sst s0  }
0x9: {  	[smem:$0x3FAF] =	sst s1  }
0xa: {  	[smem:$0x3FB0] =	sst s2  }
0xb: {  	[smem:$0x3FB1] =	sst s3  }
0xc: {  	[smem:$0x3FB2] =	sst s4  }
0xd: {  	[smem:$0x3FB3] =	sst s5  }
0xe: {  	[smem:$0x3FB4] =	sst s6  }
0xf: {  	[smem:$0x3FB5] =	sst s7  }
0x10: {  	[smem:$0x3FB6] =	sst s8  }
0x11: {  	[smem:$0x3FB7] =	sst s9;
	s0 =	simm.s32 @!p0 $0x0  }
0x12: {  	s1 =	sld [smem:$0x3F9D];
	s0 =	simm.s32 @p0 $0x1  }
0x13: {  	[smem:$0x3FB8] =	sst s0;
	s0 =	simm.s32 @!p1 $0x0  }
0x14: {  	s2 =	sld [smem:$0x3F9C];
	s0 =	simm.s32 @p1 $0x1  }
0x15: {  	[smem:$0x3FB9] =	sst s0;
	s0 =	simm.s32 @!p2 $0x0  }
0x16: {  	s3 =	sld [smem:$0x3FDB];
	s0 =	simm.s32 @p2 $0x1  }
0x17: {  	s4 =	simm.s32 $0x1BF5;
	[smem:$0x3FBB] =	sst s0  }
0x18: {  	s0 =	sld [smem:$0x3F9E];
	_ =	swait.ge [sflag:s4], $0x0  }
0x19: {  	s7 =	sld [smem:$0x3F9F]  }
0x1a: {  	s8 =	sadd.s32 $0xFFFFE003, lr  }
0x1b: {  	s9 =	sadd.s32 $0xFFFFFEF7, lr;
	s5 =	simm.s32 $0xFFFFFFFF;
	p2 =	slt.u32 s8, $0xFFFFF086  }
0x1c: {  	p1 =	slt.u32 s9, $0xF7A;
	s5 =	simm.s32 @!p2 $0x0  }
0x1d: {  	s5 =	simm.s32 @p1 $0x1;
	p0 =	seq.s32 s7, s2  }
0x1e: {  	s7 =	smul.u32 @!p0 $0xF7A, s2;
	p2 =	seq.s32 @!p0 s5, $0x0  }
0x1f: {  	s9 =	smul.u32 $0xF7A, s1;
	s8 =	simm.s32 @!p0 $0x1BF5;
	p2 =	por !p2, p0  }
0x20: {  	[sflag:s8] =	ssyncset.s32 @!p0 $0xFFFFF086;
	s6 =	sadd.s32 @!p0 s3, s7;
	s7 =	simm.s32 @!p0 $0x108  }
0x21: {  	s3 =	sadd.s32 s3, s9;
	s6 =	sadd.s32 @!p0 $0x88, s6;
	s7 =	simm.s32 @p2 $0x1082  }
0x22: {  	[simem:s7], [sflag:s8] =	dma.local @!p0 [hbm:s6], $0xF7A  }
0x23: {  	s9 =	sor.u32 $0xD0000000, s2;
	s6 =	simm.s32 $0x108;
	_ =	swait.ge @!p0 [sflag:s8], $0x0  }
0x24: {  	s3 =	sadd.s32 $0x88, s3;
	s6 =	simm.s32 @!p1 $0x1082;
	[sflag:s4] =	ssyncset.s32 $0xFFFFF086  }
0x25: {  	[simem:s6], [sflag:s4] =	dma.local [hbm:s3], $0xF7A  }
0x26: {  	[smem:$0x3F9F] =	sst s1;
	(tag) =	ssettag s2;
	_ =	strace s9  }
0x27: {  	s1 =	sld [smem:$0x3FAF]  }
0x28: {  	s2 =	sld [smem:$0x3FB0]  }
0x29: {  	s4 =	sld [smem:$0x3FB2]  }
0x2a: {  	p0 =	seq.s32 s5, $0x0;
	s5 =	sld [smem:$0x3FB3]  }
0x2b: {  	s6 =	sld [smem:$0x3FB4]  }
0x2c: {  	s7 =	sld [smem:$0x3FB5]  }
0x2d: {  	s3 =	simm.s32 $0x108;
	s8 =	sld [smem:$0x3FB6]  }
0x2e: {  	s3 =	simm.s32 @!p0 $0x1082;
	s9 =	sld [smem:$0x3FB7]  }
0x2f: {  	lr =	sadd.s32 s0, s3;
	s0 =	sld [smem:$0x3FAE]  }
0x30: {  	s3 =	sld [smem:$0x3FB1]  }
0x31: {  	[smem:$0x3FBA] =	sst s10  }
0x32: {  	s10 =	sld [smem:$0x3FB8];
	_ =	sdelay $0x3  }
0x33: {  	p0 =	seq.s32 s10, $0x1;
	s10 =	sld [smem:$0x3FBA];
	_ =	sdelay $0x3  }
0x34: {  	[smem:$0x3FBA] =	sst s10  }
0x35: {  	s10 =	sld [smem:$0x3FB9];
	_ =	sdelay $0x3  }
0x36: {  	p1 =	seq.s32 s10, $0x1;
	s10 =	sld [smem:$0x3FBA];
	_ =	sdelay $0x3  }
0x37: {  	[smem:$0x3FBA] =	sst s10  }
0x38: {  	s10 =	sld [smem:$0x3FBB]  }
0x39: {  	_ = 	snop;
	(pc) =	sbr.ind lr, $3  }
0x3a: {  	_ = 	snop  }
0x3b: {  	_ = 	snop  }
0x3c: {  	p2 =	seq.s32 s10, $0x1;
	s10 =	sld [smem:$0x3FBA]  }
0x3d: {  	_ =	shalt  }
0x3e: {  	_ =	shalt  }
0x3f: {  	_ =	shalt  }
0x40: {  	_ =	shalt  }
0x41: {  	_ =	shalt  }
0x42: {  	_ =	shalt  }
0x43: {  	_ =	shalt  }
0x44: {  	_ =	shalt  }
0x45: {  	_ =	shalt  }
0x46: {  	_ =	shalt  }
0x47: {  	_ =	shalt  }
0x48: {  	_ =	shalt  }
0x49: {  	_ =	shalt  }
0x4a: {  	_ =	shalt  }
0x4b: {  	_ =	shalt  }
0x4c: {  	_ =	shalt  }
0x4d: {  	_ =	shalt  }
0x4e: {  	_ =	shalt  }
0x4f: {  	_ =	shalt  }
0x50: {  	_ =	shalt  }
0x51: {  	_ =	shalt  }
0x52: {  	_ =	shalt  }
0x53: {  	_ =	shalt  }
0x54: {  	_ =	shalt  }
0x55: {  	_ =	shalt  }
0x56: {  	_ =	shalt  }
0x57: {  	_ =	shalt  }
0x58: {  	_ =	shalt  }
0x59: {  	_ =	shalt  }
0x5a: {  	_ =	shalt  }
0x5b: {  	_ =	shalt  }
0x5c: {  	_ =	shalt  }
0x5d: {  	_ =	shalt  }
0x5e: {  	_ =	shalt  }
0x5f: {  	_ =	shalt  }
0x60: {  	_ =	shalt  }
0x61: {  	_ =	shalt  }
0x62: {  	_ =	shalt  }
0x63: {  	_ =	shalt  }
0x64: {  	_ =	shalt  }
0x65: {  	_ =	shalt  }
0x66: {  	_ =	shalt  }
0x67: {  	_ =	shalt  }
0x68: {  	_ =	shalt  }
0x69: {  	_ =	shalt  }
0x6a: {  	_ =	shalt  }
0x6b: {  	_ =	shalt  }
0x6c: {  	_ =	shalt  }
0x6d: {  	_ =	shalt  }
0x6e: {  	_ =	shalt  }
0x6f: {  	_ =	shalt  }
0x70: {  	_ =	shalt  }
0x71: {  	_ =	shalt  }
0x72: {  	_ =	shalt  }
0x73: {  	_ =	shalt  }
0x74: {  	_ =	shalt  }
0x75: {  	_ =	shalt  }
0x76: {  	_ =	shalt  }
0x77: {  	_ =	shalt  }
0x78: {  	_ =	shalt  }
0x79: {  	_ =	shalt  }
0x7a: {  	_ =	shalt  }
0x7b: {  	_ =	shalt  }
0x7c: {  	_ =	shalt  }
0x7d: {  	_ =	shalt  }
0x7e: {  	_ =	shalt  }
0x7f: {  	_ =	shalt  }
0x80: {  	_ =	shalt  }
0x81: {  	_ =	shalt  }
0x82: {  	_ =	shalt  }
0x83: {  	_ =	shalt  }
0x84: {  	_ =	shalt  }
0x85: {  	_ =	shalt  }
0x86: {  	_ =	shalt  }
0x87: {  	_ =	shalt  }
.Lfunc_end0:
.L_simem_size_0:
called_computation_lowered:
.L_overlay_start_0:
0x88: {  	s2 =	sld [smem:$0x3FD9]  }
0x89: {  	s3 =	sld [smem:$0x3FFE];
	_ =	sdelay $0x1  }
0x8a: {  	s1 =	srdreg.scid  }
0x8b: {  	s0 =	sand.u32 $0x1, s1  }
0x8c: {  	s18 =	sshll.u32 s0, $0xA;
	s2 =	sadd.s32 s3, s2  }
0x8d: {  	s3 =	sadd.s32 s2, s18  }
0x8e: {  	[smem:$0x3FC6] =	sst s3  }
0x8f: {  	_ = 	snop  }
0x90: {  	s3 =	sld [smem:$0x3FD0];
	(tm) =	ssettm $0x1  }
0x91: {  	s4 =	sld [smem:$0x3FFB];
	_ =	sdelay $0x3  }
0x92: {  	_ =	strace s4  }
0x93: {  	s4 =	sld [smem:$0x3FFC];
	_ =	sdelay $0x3  }
0x94: {  	_ =	strace s4  }
0x95: {  	s4 =	sld [smem:$0x3FFD];
	_ =	sdelay $0x3  }
0x96: {  	_ =	strace s4  }
0x97: {  	_ =	strace $0x8FFFFFFF  }
0x98: {  	s19 =	sld [smem:$0x3FDB];
	_ =	sdelay $0x1  }
0x99: {  	s5 =	simm.s32 $_scs_section_size  }
0x9a: {  	s6 =	simm.s32 $_size__tile_overlayer_lowered;
	s7 =	simm.s32 $_tile_overlayer_lowered  }
0x9b: {  	s22 =	simm.s32 $0x1BFF;
	s21 =	sshll.u32 s7, $0x1;
	s4 =	sadd.s32 s5, s19  }
0x9c: {  	s8 =	simm.s32 $0x0;
	s20 =	sshll.u32 s6, $0x1;
	s6 =	sadd.s32 s21, s4  }
0x9d: {  	[timem:s8], [sflag:s22] =	dma.local [hbm:s6], s20  }
0x9e: {  	_ =	swait.ge [sflag:s22], s20  }
0x9f: {  	s5 =	ssub.s32 $0x0, s20;
	[sflag:s22] =	ssyncset.done $0x0  }
0xa0: {  	[sflag:s22] =	ssyncadd.s32 s5;
	_ =	sdelay $0x1  }
0xa1: {  	s23 =	simm.s32 $0x1B8B  }
0xa2: {  	_ =	swait.ge [sflag:s23], $0x1  }
0xa3: {  	[sflag:s23] =	ssyncset.done $0x0  }
0xa4: {  	s25 =	simm.s32 $0x1B8E;
	s24 =	sld [smem:$0x3FFE];
	[sflag:s23] =	ssyncadd.s32 $0xFFFFFFFF  }
0xa5: {  	s26 =	simm.s32 $execute0_lowered;
	[smem:$0x3FD2] =	sst s25  }
0xa6: {  	s6 =	sshll.u32 s26, $0x1;
	_ =	strace $0x80000046;
	[dreg:$0x1] =	wrdreg $0xFFFFFFFF  }
0xa7: {  	s28 =	simm.s32 $_size_execute0_lowered;
	s4 =	sadd.s32 s4, s6;
	[dreg:$0x0] =	wrdreg $0x0  }
0xa8: {  	s6 =	sshll.u32 s28, $0x1;
	[dreg:$0x2] =	wrdreg s4  }
0xa9: {  	[dreg:$0x3] =	wrdreg s6  }
0xaa: {  	[dreg:$0x4] =	wrdreg $0xC0  }
0xab: {  	_ =	task [dreg:s8], $0x5FFFF  }
0xac: {  	[dreg:$0x1] =	wrdreg $0xFFFFFFFF  }
0xad: {  	[dreg:$0x0] =	wrdreg $0x60  }
0xae: {  	[dreg:$0x2] =	wrdreg s24  }
0xaf: {  	s2 =	sadd.s32 $0x800, s2;
	[dreg:$0x3] =	wrdreg s3  }
0xb0: {  	[dreg:$0x4] =	wrdreg s2  }
0xb1: {  	[dreg:$0x5] =	wrdreg $0x9  }
0xb2: {  	_ =	task.clear_ibuf [dreg:s8], $0x6FFFF;
	_ =	strace $0x90000046  }
0xb3: {  	s29 =	simm.s32 $0x9;
	_ =	strace $0x80000048  }
0xb4: {  	_ =	swait.ge [sflag:s29], $0x1  }
0xb5: {  	[sflag:s29] =	ssyncadd.s32 $0xFFFFFFFF  }
0xb6: {  	_ =	strace $0x90000048  }
0xb7: {  	_ =	sfence  }
0xb8: {  	s30 =	sld [smem:$0x0];
	_ =	sdelay $0x2  }
0xb9: {  	s31 =	sshll.u32 s1, $0xD;
	s1 =	sshrl.u32 s1, $0x2  }
0xba: {  	s3 =	sand.u32 $0x4000, s31;
	s1 =	sadd.s32 s1, s30  }
0xbb: {  	s0 =	sor.u32 s3, s0;
	s1 =	sshll.u32 s1, $0x11  }
0xbc: {  	s0 =	sor.u32 s1, s0  }
0xbd: {  	s0 =	sadd.s32 $0x8F2B, s0  }
0xbe: {  	[sflag:s0] =	ssyncadd.remote.s32 $0x1  }
0xbf: {  	_ =	sfence.sel $0xFFFF  }
0xc0: {  	[dreg:$0x0] =	wrdreg $0xFFFFFFFF;
	(pc) =	sbr.abs _section_cstart, $3  }
0xc1: {  	[dreg:$0x1] =	wrdreg $0xFFFFFFFF  }
0xc2: {  	_ =	task.clear_ibuf [dreg:s8], $0x2FFFF;
	_ =	strace $0x9FFFFFFF  }
0xc3: {  	(tm) =	ssettm $0x7FFFFFFF  }
tec
execute0_lowered:
.L_overlay_start_1:
0x0: {  	(tag) =	ssettag $0x1  }
0x1: {  	s10 =	rddreg [dreg:$0x0]  }
0x2: {  	s0 =	rddreg [dreg:$0x1]  }
0x3: {  	s11 =	rddreg [dreg:$0x2];
	s3 =	simm.s32 $0x0  }
0x4: {  	[smem:$0x7FF] =	sst s3;
	s4 =	sadd.s32 $0xF5000, s10  }
0x5: {  	s7 =	sadd.s32 $0x3D200, s10;
	_ =	strace $0x80000047;
	[dreg:$0xb] =	wrdreg s4  }
0x6: {  	s8 =	sadd.s32 $0x1E800, s10;
	[dreg:$0xe] =	wrdreg s7  }
0x7: {  	s1 =	srdreg.scid;
	s9 =	sadd.s32 $0xF4E00, s10;
	[dreg:$0xf] =	wrdreg s8  }
0x8: {  	s6 =	stileid.u32;
	s22 =	sadd.s32 $0xB7A00, s10;
	[dreg:$0x10] =	wrdreg s9  }
0x9: {  	s23 =	simm.s32 $0x10;
	s24 =	sadd.s32 $0x99000, s10;
	[dreg:$0x12] =	wrdreg s22  }
0xa: {  	s28 =	simm.s32 $0x2000;
	s12 =	sadd.s32 $0x1EA00, s10;
	[dreg:$0x14] =	wrdreg s24  }
0xb: {  	s29 =	simm.s32 $0x3000;
	s13 =	sadd.s32 $0xD6600, s10;
	[dreg:$0x4] =	wrdreg s12  }
0xc: {  	s30 =	simm.s32 $0x4000;
	s14 =	sadd.s32 $0xB7C00, s10;
	[dreg:$0x5] =	wrdreg s13  }
0xd: {  	s31 =	simm.s32 $0x5000;
	s16 =	sadd.s32 $0x99200, s10;
	[dreg:$0x6] =	wrdreg s14  }
0xe: {  	s17 =	sadd.s32 $0x7A800, s10;
	s1 =	sand.u32 $0x1, s1;
	[dreg:$0x7] =	wrdreg s16  }
0xf: {  	s18 =	sadd.s32 $0x5BE00, s10;
	s21 =	sadd.s32 $0x3D400, s10;
	[dreg:$0x8] =	wrdreg s17  }
0x10: {  	p0 =	slt.u32 s6, $0x4;
	s25 =	sshll.u32 s6, $0xC;
	[dreg:$0x9] =	wrdreg s18  }
0x11: {  	s20 =	sshll.u32 s6, $0x10;
	s2 =	ssub.s32 $0x2, s1;
	[dreg:$0xa] =	wrdreg s21  }
0x12: {  	s23 =	simm.s32 @!p0 $0xF;
	s7 =	sadd.s32 $0xD6400, s10;
	[dreg:$0xd] =	wrdreg s25  }
0x13: {  	s15 =	smul.u32 $0xF4240, s1;
	s8 =	sadd.s32 $0xFD000, s10;
	[dreg:$0x11] =	wrdreg s7  }
0x14: {  	s19 =	smul.u32 $0x7A1200, s1;
	s9 =	sadd.s32 $0x105000, s10;
	[dreg:$0x1a] =	wrdreg s8  }
0x15: {  	s1 =	sshll.u32 s1, $0xC;
	s22 =	sadd.s32 $0x11D000, s10;
	[dreg:$0x1b] =	wrdreg s9  }
0x16: {  	p0 =	sne.s32 s6, $0x4;
	s24 =	sadd.s32 $0x125000, s10;
	[dreg:$0x1e] =	wrdreg s22  }
0x17: {  	s5 =	sshrl.u32 s2, $0x1;
	s7 =	sadd.s32 $0x5BC00, s10;
	[dreg:$0x1f] =	wrdreg s24  }
0x18: {  	[dreg:$0xc] =	wrdreg s23;
	s2 =	ssub.s32 s2, s5;
	s5 =	sshll.u32 s6, $0xD  }
0x19: {  	s4 =	sshrl.u32 s19, $0x3;
	s6 =	sadd.s32 $0x7A600, s10;
	[dreg:$0x19] =	wrdreg s7  }
0x1a: {  	s19 =	sadd.s32 $0x10D000, s10;
	s1 =	sor.u32 s1, s5;
	[dreg:$0x18] =	wrdreg s6  }
0x1b: {  	s24 =	simm.s32 $0x1;
	[dreg:$0x1c] =	wrdreg s19;
	s0 =	sadd.s32 s0, s1  }
0x1c: {  	s5 =	sor.u32 s20, s1;
	s20 =	sadd.s32 $0x115000, s10;
	[dreg:$0x13] =	wrdreg s0  }
0x1d: {  	s26 =	sadd.s32 $0xF4000, s4;
	s4 =	sand.u32 $0xC7000, s5;
	[dreg:$0x1d] =	wrdreg s20  }
0x1e: {  	s19 =	simm.s32 $0x800;
	s5 =	smax.u32 s2, $0x1;
	[dreg:$0x15] =	wrdreg s4  }
0x1f: {  	s1 =	simm.s32 $0x9000;
	s0 =	sadd.s32 s26, s11;
	[dreg:$0x16] =	wrdreg s5  }
0x20: {  	v0 =	vlaneseq.u32;
	s26 =	sadd.s32 $0x12D000, s10;
	s2 =	simm.s32 $0x2;
	[dreg:$0x17] =	wrdreg s0  }
0x21: {  	v0 =	vmul.u32 $0x8, v0;
	[smem:$0x7FD] =	sst s26;
	s26 =	simm.s32 $0x1000;
	s4 =	simm.s32 $0x0  }
.LBB2_1:
0x22: {  	[smem:$0x7FC] =	sst s4;
	s20 =	simm.s32 $0x0  }
.LBB2_2:
0x23: {  	s0 =	sshll.u32 s20, $0x10  }
0x24: {  	s22 =	sor.u32 s25, s0  }
0x25: {  	s0 =	sshrl.u32 s22, $0x3  }
0x26: {  	s4 =	sadd.s32 s12, s0  }
0x27: {  	[tilespmem:s3], [sflag:$0x1] =	stream.linear.gather [hbm4b:s4+s3], $0x1000, $0x38;
	[tilespmem:$0x19000] =	vst v63  }
0x28: {  	s9 =	sadd.s32 s10, s0  }
0x29: {  	[tilespmem:s26], [sflag:$0x1] =	stream.linear.gather [hbm4b:s9+s3], $0x1000, $0x38;
	[tilespmem:$0x19000] =	vst v63  }
0x2a: {  	s5 =	sadd.s32 s13, s0  }
0x2b: {  	[tilespmem:s28], [sflag:$0x1] =	stream.linear.gather [hbm4b:s5+s3], $0x1000, $0x38;
	[tilespmem:$0x19000] =	vst v63  }
0x2c: {  	s6 =	sadd.s32 s14, s0  }
0x2d: {  	[tilespmem:s29], [sflag:$0x1] =	stream.linear.gather [hbm4b:s6+s3], $0x1000, $0x38;
	[tilespmem:$0x19000] =	vst v63  }
0x2e: {  	s7 =	sadd.s32 s16, s0  }
0x2f: {  	[tilespmem:s30], [sflag:$0x1] =	stream.linear.gather [hbm4b:s7+s3], $0x1000, $0x38;
	[tilespmem:$0x19000] =	vst v63  }
0x30: {  	s8 =	sadd.s32 s17, s0  }
0x31: {  	[tilespmem:s31], [sflag:$0x1] =	stream.linear.gather [hbm4b:s8+s3], $0x1000, $0x38;
	[tilespmem:$0x19000] =	vst v63  }
0x32: {  	s9 =	sadd.s32 s18, s0;
	s5 =	simm.s32 $0x6000  }
0x33: {  	[tilespmem:s5], [sflag:$0x1] =	stream.linear.gather [hbm4b:s9+s3], $0x1000, $0x38;
	[tilespmem:$0x19000] =	vst v63  }
0x34: {  	s0 =	sadd.s32 s21, s0;
	s6 =	simm.s32 $0x7000  }
0x35: {  	[tilespmem:s6], [sflag:$0x1] =	stream.linear.gather [hbm4b:s0+s3], $0x1000, $0x38;
	[tilespmem:$0x19000] =	vst v63  }
0x36: {  	_ =	swait.ge [sflag:s24], $0x1000  }
0x37: {  	[sflag:s24] =	ssyncset.done $0x0  }
0x38: {  	[sflag:s24] =	ssyncadd.s32 $0xFFFFF000  }
0x39: {  	_ =	swait.ge [sflag:s24], $0x1000  }
0x3a: {  	[sflag:s24] =	ssyncset.done $0x0  }
0x3b: {  	[sflag:s24] =	ssyncadd.s32 $0xFFFFF000  }
0x3c: {  	_ =	swait.ge [sflag:s24], $0x1000  }
0x3d: {  	[sflag:s24] =	ssyncset.done $0x0  }
0x3e: {  	[sflag:s24] =	ssyncadd.s32 $0xFFFFF000  }
0x3f: {  	_ =	swait.ge [sflag:s24], $0x1000  }
0x40: {  	[sflag:s24] =	ssyncset.done $0x0  }
0x41: {  	[sflag:s24] =	ssyncadd.s32 $0xFFFFF000  }
0x42: {  	_ =	swait.ge [sflag:s24], $0x1000  }
0x43: {  	[sflag:s24] =	ssyncset.done $0x0  }
0x44: {  	[sflag:s24] =	ssyncadd.s32 $0xFFFFF000  }
0x45: {  	_ =	swait.ge [sflag:s24], $0x1000  }
0x46: {  	[sflag:s24] =	ssyncset.done $0x0  }
0x47: {  	[sflag:s24] =	ssyncadd.s32 $0xFFFFF000  }
0x48: {  	_ =	swait.ge [sflag:s24], $0x1000  }
0x49: {  	[sflag:s24] =	ssyncset.done $0x0  }
0x4a: {  	[sflag:s24] =	ssyncadd.s32 $0xFFFFF000  }
0x4b: {  	_ =	swait.ge [sflag:s24], $0x1000  }
0x4c: {  	p1 =	seq.s32 s20, $0x0;
	[sflag:s24] =	ssyncset.done $0x0  }
0x4d: {  	s0 =	simm.s32 @!p1 $0x1;
	[sflag:s24] =	ssyncadd.s32 $0xFFFFF000  }
0x4e: {  	s7 =	simm.s32 $0x0;
	_ =	swait.ge @!p1 [sflag:s0], $0x8000  }
0x4f: {  	v1 =	vmov s7;
	[sflag:s0] =	ssyncset.done @!p1 $0x0  }
0x50: {  	s4 =	simm.s32 $0x7030;
	v1 =	vshll.u32 v1, $0x3;
	[sflag:s0] =	ssyncadd.s32 @!p1 $0xFFFF8000  }
0x51: {  	v3 =	vor.u32 v0, v1;
	v2 =	vld [tilespmem:s4+$0xFFFF8FD0];
	_ =	sdelay $0x1  }
0x52: {  	s8 =	simm.s32 $0x10  }
0x53: {  	v1 =	vmov s8  }
0x54: {  	v1 =	vshll.u32 v1, $0x3  }
0x55: {  	v1 =	vor.u32 v0, v1;
	v5 =	vld [tilespmem:s4+$0xFFFF8FE0];
	[tilespmem:v3+s1+$0x0] =	vst.idx.msk $0xffff, v2  }
0x56: {  	s9 =	simm.s32 $0x20;
	v6 =	vor.u32 $0x1, v3;
	v7 =	vld [tilespmem:s4+$0xFFFF9FD0]  }
0x57: {  	s5 =	simm.s32 $0x30;
	v4 =	vmov s9  }
0x58: {  	v2 =	vshll.u32 v4, $0x3;
	v4 =	vmov s5  }
0x59: {  	v8 =	vld [tilespmem:s4+$0xFFFF8FF0];
	v2 =	vor.u32 v0, v2;
	v4 =	vshll.u32 v4, $0x3  }
0x5a: {  	v9 =	vld [tilespmem:s4+$0xFFFF9000];
	[tilespmem:v1+s1+$0x0] =	vst.idx.msk $0xffff, v5;
	v4 =	vor.u32 v0, v4  }
0x5b: {  	v5 =	vor.u32 $0x1, v1;
	v10 =	vld [tilespmem:s4+$0xFFFF9FE0];
	[tilespmem:v6+s1+$0x0] =	vst.idx.msk $0xffff, v7  }
0x5c: {  	v7 =	vor.u32 $0x2, v3;
	v6 =	vld [tilespmem:s4+$0xFFFFAFD0];
	_ =	sdelay $0x1  }
0x5d: {  	[tilespmem:v2+s1+$0x0] =	vst.idx.msk $0xffff, v8  }
0x5e: {  	v8 =	vor.u32 $0x1, v2;
	v11 =	vld [tilespmem:s4+$0xFFFF9FF0];
	[tilespmem:v4+s1+$0x0] =	vst.idx.msk $0xffff, v9  }
0x5f: {  	v12 =	vor.u32 $0x1, v4;
	[tilespmem:v5+s1+$0x0] =	vst.idx.msk $0xffff, v10;
	v9 =	vld [tilespmem:s4+$0xFFFFA000]  }
0x60: {  	s6 =	simm.s32 $0x40;
	v10 =	vor.u32 $0x2, v1;
	[tilespmem:v7+s1+$0x0] =	vst.idx.msk $0xffff, v6;
	v7 =	vld [tilespmem:s4+$0xFFFFAFE0]  }
0x61: {  	v5 =	vmov s6  }
0x62: {  	s7 =	simm.s32 $0x50;
	s5 =	simm.s32 $0x7070;
	v5 =	vshll.u32 v5, $0x3  }
0x63: {  	v13 =	vld [tilespmem:s5+$0xFFFF8FD0];
	[tilespmem:v8+s1+$0x0] =	vst.idx.msk $0xffff, v11;
	v8 =	vmov s7;
	v6 =	vor.u32 v0, v5  }
0x64: {  	s8 =	simm.s32 $0x70;
	v14 =	vld [tilespmem:s4+$0xFFFFBFD0];
	v5 =	vshll.u32 v8, $0x3;
	v8 =	vor.u32 $0x3, v3;
	[tilespmem:v12+s1+$0x0] =	vst.idx.msk $0xffff, v9  }
0x65: {  	v9 =	vld [tilespmem:s5+$0xFFFF8FE0];
	v12 =	vmov s8;
	v5 =	vor.u32 v0, v5;
	[tilespmem:v10+s1+$0x0] =	vst.idx.msk $0xffff, v7  }
0x66: {  	v7 =	vshll.u32 v12, $0x3;
	v12 =	vor.u32 $0x3, v1;
	v10 =	vld [tilespmem:s4+$0xFFFFBFE0]  }
0x67: {  	v15 =	vld [tilespmem:s5+$0xFFFF8FF0]  }
0x68: {  	v18 =	vor.u32 $0x2, v2;
	v11 =	vld [tilespmem:s4+$0xFFFFAFF0];
	[tilespmem:v6+s1+$0x0] =	vst.idx.msk $0xffff, v13  }
0x69: {  	v17 =	vor.u32 $0x2, v4;
	v16 =	vld [tilespmem:s4+$0xFFFFB000];
	[tilespmem:v8+s1+$0x0] =	vst.idx.msk $0xffff, v14  }
0x6a: {  	v13 =	vld [tilespmem:s5+$0xFFFF9000];
	v7 =	vor.u32 v0, v7;
	[tilespmem:v5+s1+$0x0] =	vst.idx.msk $0xffff, v9  }
0x6b: {  	v20 =	vor.u32 $0x4, v3;
	s9 =	simm.s32 $0x60;
	v9 =	vld [tilespmem:s4+$0xFFFFCFD0];
	[tilespmem:v12+s1+$0x0] =	vst.idx.msk $0xffff, v10  }
0x6c: {  	v25 =	vor.u32 $0x4, v1;
	v8 =	vmov s9;
	v23 =	vld [tilespmem:s4+$0xFFFFCFE0]  }
0x6d: {  	v22 =	vor.u32 $0x1, v6;
	v19 =	vld [tilespmem:s5+$0xFFFF9FD0];
	[tilespmem:v18+s1+$0x0] =	vst.idx.msk $0xffff, v11;
	v8 =	vshll.u32 v8, $0x3  }
0x6e: {  	[tilespmem:v17+s1+$0x0] =	vst.idx.msk $0xffff, v16;
	v21 =	vld [tilespmem:s4+$0xFFFFBFF0];
	v8 =	vor.u32 v0, v8  }
0x6f: {  	v14 =	vld [tilespmem:s5+$0xFFFF9FE0];
	[tilespmem:v7+s1+$0x0] =	vst.idx.msk $0xffff, v13  }
0x70: {  	v26 =	vor.u32 $0x3, v4;
	v24 =	vld [tilespmem:s4+$0xFFFFC000];
	[tilespmem:v20+s1+$0x0] =	vst.idx.msk $0xffff, v9  }
0x71: {  	v16 =	vld [tilespmem:s5+$0xFFFFA000];
	[tilespmem:v25+s1+$0x0] =	vst.idx.msk $0xffff, v23;
	v23 =	vor.u32 $0x3, v2  }
0x72: {  	[tilespmem:v22+s1+$0x0] =	vst.idx.msk $0xffff, v19;
	v22 =	vor.u32 $0x5, v3;
	v18 =	vld [tilespmem:s4+$0xFFFFDFD0]  }
0x73: {  	v17 =	vld [tilespmem:s5+$0xFFFFAFD0];
	v20 =	vor.u32 $0x2, v6;
	[tilespmem:v8+s1+$0x0] =	vst.idx.msk $0xffff, v15  }
0x74: {  	v11 =	vor.u32 $0x1, v5;
	v13 =	vor.u32 $0x1, v8;
	v19 =	vld [tilespmem:s5+$0xFFFF9FF0]  }
0x75: {  	s6 =	simm.s32 $0x4;
	s7 =	simm.s32 $0x80;
	s8 =	simm.s32 $0x70B0;
	v10 =	vor.u32 $0x4, v4;
	v12 =	vor.u32 $0x1, v7;
	v9 =	vor.u32 $0x4, v7;
	[tilespmem:v26+s1+$0x0] =	vst.idx.msk $0xffff, v24;
	v15 =	vld [tilespmem:s4+$0xFFFFDFE0]  }
.LBB2_3:
0x76: {  	v24 =	vmov s7;
	s0 =	sadd.s32 $0x10, s7;
	s9 =	sadd.s32 $0x30, s7;
	s6 =	sadd.s32 $0x4, s6;
	[tilespmem:v23+s1+$0x0] =	vst.idx.msk $0xffff, v21;
	v21 =	vor.u32 $0x4, v2;
	v23 =	vld [tilespmem:s4+$0xFFFFD000]  }
0x77: {  	v24 =	vshll.u32 v24, $0x3;
	v25 =	vmov s0;
	s0 =	sadd.s32 $0x20, s7;
	v26 =	vmov s9;
	p1 =	slt.u32 s6, $0xFC;
	[tilespmem:v22+s1+$0x0] =	vst.idx.msk $0xffff, v18;
	v18 =	vld [tilespmem:s4+$0xFFFFCFF0]  }
0x78: {  	v22 =	vld [tilespmem:s8+$0xFFFF8FD0];
	v24 =	vor.u32 v0, v24;
	v27 =	vmov s0;
	v26 =	vshll.u32 v26, $0x3;
	[tilespmem:v20+s1+$0x0] =	vst.idx.msk $0xffff, v17  }
0x79: {  	v17 =	vshll.u32 v25, $0x3;
	v20 =	vshll.u32 v27, $0x3;
	v25 =	vld [tilespmem:s5+$0xFFFFBFD0];
	[tilespmem:v13+s1+$0x0] =	vst.idx.msk $0xffff, v19  }
0x7a: {  	v19 =	vor.u32 v0, v20;
	v13 =	vld [tilespmem:s5+$0xFFFFAFF0];
	v20 =	vor.u32 $0x2, v8;
	[tilespmem:v12+s1+$0x0] =	vst.idx.msk $0xffff, v16  }
0x7b: {  	v26 =	vor.u32 v0, v26;
	v12 =	vor.u32 $0x3, v6;
	v16 =	vld [tilespmem:s8+$0xFFFF8FF0];
	[tilespmem:v10+s1+$0x0] =	vst.idx.msk $0xffff, v23;
	v10 =	vmov v9  }
0x7c: {  	v9 =	vor.u32 $0x4, v26;
	v23 =	vor.u32 $0x5, v1;
	[tilespmem:v21+s1+$0x0] =	vst.idx.msk $0xffff, v18;
	v18 =	vld [tilespmem:s4+$0xFFFFE000]  }
0x7d: {  	v17 =	vor.u32 v0, v17;
	[tilespmem:v24+s1+$0x0] =	vst.idx.msk $0xffff, v22;
	v21 =	vld [tilespmem:s4+$0xFFFFDFF0];
	v22 =	vor.u32 $0x5, v4  }
0x7e: {  	v27 =	vor.u32 $0x1, v24;
	[tilespmem:v11+s1+$0x0] =	vst.idx.msk $0xffff, v14;
	v11 =	vld [tilespmem:s4+$0xFFFFEFD0];
	v14 =	vor.u32 $0x6, v3  }
0x7f: {  	v28 =	vld [tilespmem:s5+$0xFFFFAFE0];
	[tilespmem:v20+s1+$0x0] =	vst.idx.msk $0xffff, v13;
	v20 =	vor.u32 $0x5, v2  }
0x80: {  	v13 =	vor.u32 $0x1, v19;
	v29 =	vld [tilespmem:s8+$0xFFFF8FE0];
	[tilespmem:v12+s1+$0x0] =	vst.idx.msk $0xffff, v25;
	v25 =	vor.u32 $0x2, v5  }
0x81: {  	v12 =	vor.u32 $0x1, v26;
	v30 =	vld [tilespmem:s8+$0xFFFF9FD0];
	[tilespmem:v23+s1+$0x0] =	vst.idx.msk $0xffff, v15  }
0x82: {  	v23 =	vor.u32 $0x6, v1;
	v15 =	vld [tilespmem:s4+$0xFFFFEFE0];
	[tilespmem:v22+s1+$0x0] =	vst.idx.msk $0xffff, v18  }
0x83: {  	v22 =	vor.u32 $0x2, v7;
	v18 =	vld [tilespmem:s5+$0xFFFFB000];
	[tilespmem:v14+s1+$0x0] =	vst.idx.msk $0xffff, v11  }
0x84: {  	[tilespmem:v20+s1+$0x0] =	vst.idx.msk $0xffff, v21;
	v14 =	vld [tilespmem:s4+$0xFFFFF000];
	v20 =	vor.u32 $0x6, v4  }
0x85: {  	v11 =	vor.u32 $0x1, v17;
	[tilespmem:v25+s1+$0x0] =	vst.idx.msk $0xffff, v28;
	v21 =	vld [tilespmem:s4+$0xFFFFEFF0];
	v25 =	vor.u32 $0x6, v2  }
0x86: {  	[tilespmem:v17+s1+$0x0] =	vst.idx.msk $0xffff, v29;
	v28 =	vld [tilespmem:s4+$0xFFFFFFD0];
	v29 =	vor.u32 $0x7, v3;
	v3 =	vmov v6;
	v6 =	vmov v24  }
0x87: {  	v24 =	vld [tilespmem:s8+$0xFFFF9000];
	[tilespmem:v23+s1+$0x0] =	vst.idx.msk $0xffff, v15  }
0x88: {  	v15 =	vld [tilespmem:s5+$0xFFFFBFE0];
	[tilespmem:v22+s1+$0x0] =	vst.idx.msk $0xffff, v18  }
0x89: {  	v22 =	vor.u32 $0x3, v5;
	v18 =	vld [tilespmem:s5+$0xFFFFCFD0];
	[tilespmem:v20+s1+$0x0] =	vst.idx.msk $0xffff, v14  }
0x8a: {  	[tilespmem:v25+s1+$0x0] =	vst.idx.msk $0xffff, v21;
	v20 =	vld [tilespmem:s4+$0x0];
	v21 =	vor.u32 $0x7, v4;
	v4 =	vmov v7;
	v7 =	vmov v26  }
0x8b: {  	v25 =	vor.u32 $0x7, v2;
	v2 =	vmov v8;
	v8 =	vmov v19;
	[tilespmem:v29+s1+$0x0] =	vst.idx.msk $0xffff, v28;
	v23 =	vld [tilespmem:s4+$0xFFFFFFF0]  }
0x8c: {  	v14 =	vld [tilespmem:s8+$0xFFFF9FE0];
	[tilespmem:v26+s1+$0x0] =	vst.idx.msk $0xffff, v24;
	v24 =	vor.u32 $0x4, v3  }
0x8d: {  	v26 =	vor.u32 $0x7, v1;
	v1 =	vmov v5;
	v5 =	vmov v17;
	[tilespmem:v19+s1+$0x0] =	vst.idx.msk $0xffff, v16;
	v19 =	vld [tilespmem:s4+$0xFFFFFFE0];
	s4 =	smov.u32 s5;
	s5 =	smov.u32 s8  }
0x8e: {  	[tilespmem:v22+s1+$0x0] =	vst.idx.msk $0xffff, v15;
	v28 =	vld [tilespmem:s4+$0xFFFFC000]  }
0x8f: {  	v29 =	vor.u32 $0x4, v1;
	v15 =	vld [tilespmem:s4+$0xFFFFCFE0];
	[tilespmem:v21+s1+$0x0] =	vst.idx.msk $0xffff, v20  }
0x90: {  	v31 =	vor.u32 $0x3, v4;
	v16 =	vld [tilespmem:s8+$0xFFFFA000];
	[tilespmem:v25+s1+$0x0] =	vst.idx.msk $0xffff, v23  }
.Ltmp0:
0x91: {  	v23 =	vor.u32 $0x3, v2;
	[tilespmem:v24+s1+$0x0] =	vst.idx.msk $0xffff, v18;
	v21 =	vld [tilespmem:s4+$0xFFFFBFF0];
	(pc) =	sbr.rel @p1 .LBB2_3-.Ltmp0, $4  }
0x92: {  	v22 =	vor.u32 $0x5, v3;
	[tilespmem:v27+s1+$0x0] =	vst.idx.msk $0xffff, v30;
	v18 =	vld [tilespmem:s4+$0xFFFFDFD0]  }
0x93: {  	v20 =	vor.u32 $0x2, v6;
	v17 =	vld [tilespmem:s8+$0xFFFFAFD0];
	[tilespmem:v26+s1+$0x0] =	vst.idx.msk $0xffff, v19  }
0x94: {  	v19 =	vld [tilespmem:s8+$0xFFFF9FF0];
	[tilespmem:v29+s1+$0x0] =	vst.idx.msk $0xffff, v15  }
0x95: {  	s7 =	sadd.s32 $0x40, s7;
	s8 =	sadd.s32 $0x40, s8;
	v15 =	vld [tilespmem:s4+$0xFFFFDFE0];
	[tilespmem:v31+s1+$0x0] =	vst.idx.msk $0xffff, v28  }
0x96: {  	_ =	sdelay $0x3  }
0x97: {  	[tilespmem:v23+s1+$0x0] =	vst.idx.msk $0xffff, v21  }
0x98: {  	v56 =	vld [tilespmem:s4+$0xFFFFD000];
	[tilespmem:v12+s1+$0x0] =	vst.idx.msk $0xffff, v16  }
0x99: {  	[tilespmem:v11+s1+$0x0] =	vst.idx.msk $0xffff, v14;
	v24 =	vor.u32 $0x5, v1  }
0x9a: {  	v57 =	vor.u32 $0x4, v2;
	[tilespmem:v22+s1+$0x0] =	vst.idx.msk $0xffff, v18;
	v58 =	vld [tilespmem:s4+$0xFFFFCFF0]  }
0x9b: {  	v60 =	vor.u32 $0x2, v7;
	v12 =	vld [tilespmem:s5+$0xFFFFB000];
	[tilespmem:v20+s1+$0x0] =	vst.idx.msk $0xffff, v17  }
0x9c: {  	v63 =	vor.u32 $0x2, v5;
	v62 =	vld [tilespmem:s5+$0xFFFFAFE0];
	[tilespmem:v13+s1+$0x0] =	vst.idx.msk $0xffff, v19  }
0x9d: {  	v59 =	vor.u32 $0x2, v8;
	v13 =	vld [tilespmem:s5+$0xFFFFAFF0];
	[tilespmem:v10+s1+$0x0] =	vst.idx.msk $0xffff, v56  }
0x9e: {  	v28 =	vor.u32 $0x6, v3;
	v27 =	vld [tilespmem:s4+$0xFFFFEFD0];
	[tilespmem:v24+s1+$0x0] =	vst.idx.msk $0xffff, v15  }
0x9f: {  	v61 =	vor.u32 $0x3, v6;
	v17 =	vld [tilespmem:s5+$0xFFFFBFD0];
	[tilespmem:v57+s1+$0x0] =	vst.idx.msk $0xffff, v58  }
0xa0: {  	v26 =	vor.u32 $0x5, v4;
	v25 =	vld [tilespmem:s4+$0xFFFFE000];
	[tilespmem:v60+s1+$0x0] =	vst.idx.msk $0xffff, v12  }
0xa1: {  	v29 =	vor.u32 $0x3, v7;
	[tilespmem:v63+s1+$0x0] =	vst.idx.msk $0xffff, v62;
	v12 =	vld [tilespmem:s5+$0xFFFFC000]  }
0xa2: {  	v33 =	vor.u32 $0x3, v5;
	v32 =	vld [tilespmem:s5+$0xFFFFBFE0];
	[tilespmem:v59+s1+$0x0] =	vst.idx.msk $0xffff, v13  }
0xa3: {  	v31 =	vor.u32 $0x3, v8;
	[tilespmem:v28+s1+$0x0] =	vst.idx.msk $0xffff, v27;
	v30 =	vld [tilespmem:s5+$0xFFFFBFF0]  }
0xa4: {  	v37 =	vor.u32 $0x6, v1;
	v36 =	vld [tilespmem:s4+$0xFFFFEFE0];
	[tilespmem:v61+s1+$0x0] =	vst.idx.msk $0xffff, v17  }
0xa5: {  	v35 =	vor.u32 $0x5, v2;
	v34 =	vld [tilespmem:s4+$0xFFFFDFF0];
	[tilespmem:v26+s1+$0x0] =	vst.idx.msk $0xffff, v25  }
0xa6: {  	v39 =	vor.u32 $0x4, v6;
	v38 =	vld [tilespmem:s5+$0xFFFFCFD0];
	[tilespmem:v29+s1+$0x0] =	vst.idx.msk $0xffff, v12  }
0xa7: {  	[tilespmem:v33+s1+$0x0] =	vst.idx.msk $0xffff, v32;
	v40 =	vld [tilespmem:s5+$0xFFFFD000]  }
0xa8: {  	v43 =	vor.u32 $0x4, v5;
	v14 =	vld [tilespmem:s5+$0xFFFFCFE0];
	[tilespmem:v31+s1+$0x0] =	vst.idx.msk $0xffff, v30  }
0xa9: {  	v41 =	vor.u32 $0x4, v8;
	[tilespmem:v37+s1+$0x0] =	vst.idx.msk $0xffff, v36;
	v42 =	vld [tilespmem:s5+$0xFFFFCFF0]  }
0xaa: {  	v3 =	vor.u32 $0x7, v3;
	v52 =	vld [tilespmem:s4+$0xFFFFFFD0];
	[tilespmem:v35+s1+$0x0] =	vst.idx.msk $0xffff, v34  }
0xab: {  	v47 =	vor.u32 $0x6, v2;
	v46 =	vld [tilespmem:s4+$0xFFFFEFF0];
	[tilespmem:v39+s1+$0x0] =	vst.idx.msk $0xffff, v38  }
0xac: {  	v48 =	vor.u32 $0x5, v6;
	v13 =	vld [tilespmem:s5+$0xFFFFDFD0];
	[tilespmem:v9+s1+$0x0] =	vst.idx.msk $0xffff, v40  }
0xad: {  	v49 =	vor.u32 $0x5, v7;
	[tilespmem:v43+s1+$0x0] =	vst.idx.msk $0xffff, v14;
	v9 =	vld [tilespmem:s5+$0xFFFFE000]  }
0xae: {  	v51 =	vor.u32 $0x5, v5;
	v14 =	vld [tilespmem:s5+$0xFFFFDFE0];
	[tilespmem:v41+s1+$0x0] =	vst.idx.msk $0xffff, v42  }
0xaf: {  	v50 =	vor.u32 $0x5, v8;
	[tilespmem:v3+s1+$0x0] =	vst.idx.msk $0xffff, v52;
	v11 =	vld [tilespmem:s5+$0xFFFFDFF0]  }
0xb0: {  	v45 =	vor.u32 $0x6, v4;
	v44 =	vld [tilespmem:s4+$0xFFFFF000];
	[tilespmem:v47+s1+$0x0] =	vst.idx.msk $0xffff, v46  }
0xb1: {  	v2 =	vor.u32 $0x7, v2;
	v58 =	vld [tilespmem:s4+$0xFFFFFFF0];
	[tilespmem:v48+s1+$0x0] =	vst.idx.msk $0xffff, v13  }
0xb2: {  	v54 =	vor.u32 $0x6, v6;
	v13 =	vld [tilespmem:s5+$0xFFFFEFD0];
	[tilespmem:v49+s1+$0x0] =	vst.idx.msk $0xffff, v9  }
0xb3: {  	v55 =	vor.u32 $0x6, v7;
	[tilespmem:v51+s1+$0x0] =	vst.idx.msk $0xffff, v14;
	v9 =	vld [tilespmem:s5+$0xFFFFF000]  }
0xb4: {  	v57 =	vor.u32 $0x6, v5;
	v3 =	vld [tilespmem:s5+$0xFFFFEFE0];
	[tilespmem:v50+s1+$0x0] =	vst.idx.msk $0xffff, v11  }
0xb5: {  	v56 =	vor.u32 $0x6, v8;
	[tilespmem:v45+s1+$0x0] =	vst.idx.msk $0xffff, v44;
	v11 =	vld [tilespmem:s5+$0xFFFFEFF0]  }
0xb6: {  	v1 =	vor.u32 $0x7, v1;
	v59 =	vld [tilespmem:s4+$0xFFFFFFE0];
	[tilespmem:v2+s1+$0x0] =	vst.idx.msk $0xffff, v58  }
0xb7: {  	v53 =	vor.u32 $0x7, v4;
	v17 =	vld [tilespmem:s4+$0x0];
	[tilespmem:v54+s1+$0x0] =	vst.idx.msk $0xffff, v13  }
0xb8: {  	v60 =	vor.u32 $0x7, v6;
	v13 =	vld [tilespmem:s5+$0xFFFFFFD0];
	[tilespmem:v55+s1+$0x0] =	vst.idx.msk $0xffff, v9  }
0xb9: {  	v61 =	vor.u32 $0x7, v7;
	[tilespmem:v57+s1+$0x0] =	vst.idx.msk $0xffff, v3;
	v9 =	vld [tilespmem:s5+$0x0]  }
0xba: {  	v63 =	vor.u32 $0x7, v5;
	v2 =	vld [tilespmem:s5+$0xFFFFFFE0];
	[tilespmem:v56+s1+$0x0] =	vst.idx.msk $0xffff, v11  }
0xbb: {  	s20 =	sadd.s32 $0x1, s20;
	v62 =	vor.u32 $0x7, v8;
	[tilespmem:v1+s1+$0x0] =	vst.idx.msk $0xffff, v59;
	v3 =	vld [tilespmem:s5+$0xFFFFFFF0]  }
0xbc: {  	p1 =	sne.s32 s20, s23;
	[tilespmem:v53+s1+$0x0] =	vst.idx.msk $0xffff, v17  }
.Ltmp1:
0xbd: {  	[tilespmem:v60+s1+$0x0] =	vst.idx.msk $0xffff, v13;
	(pc) =	sbr.rel @p1 .LBB2_2-.Ltmp1, $4  }
0xbe: {  	[tilespmem:v61+s1+$0x0] =	vst.idx.msk $0xffff, v9  }
0xbf: {  	s0 =	sadd.s32 s15, s22;
	[tilespmem:v63+s1+$0x0] =	vst.idx.msk $0xffff, v2  }
0xc0: {  	s0 =	sadd.s32 s0, s11;
	[tilespmem:v62+s1+$0x0] =	vst.idx.msk $0xffff, v3  }
0xc1: {  	[hbm4b:s0+s3] =	stream.linear.scatter [tilespmem:s1], [sflag:$0x1], $0x8000, $0x38;
	[tilespmem:$0x19000] =	vst v63  }
.Ltmp2:
0xc2: {  	(pc) =	sbr.rel @p0 .LBB2_9-.Ltmp2, $4  }
0xc3: {  	_ = 	snop  }
0xc4: {  	_ =	swait.ge [sflag:s24], $0x8000  }
0xc5: {  	[sflag:s24] =	ssyncset.done $0x0  }
0xc6: {  	[sflag:s24] =	ssyncadd.s32 $0xFFFF8000  }
0xc7: {  	s0 =	simm.s32 $0x0;
	s4 =	rddreg [dreg:$0xe]  }
0xc8: {  	[tilespmem:s0], [sflag:$0x1] =	stream.linear.gather [hbm4b:s4+s0], $0x240, $0x38;
	[tilespmem:$0x19000] =	vst v63  }
0xc9: {  	s13 =	rddreg [dreg:$0xf]  }
0xca: {  	[tilespmem:s26], [sflag:$0x1] =	stream.linear.gather [hbm4b:s13+s0], $0x240, $0x38;
	[tilespmem:$0x19000] =	vst v63  }
0xcb: {  	s14 =	rddreg [dreg:$0x10]  }
0xcc: {  	[tilespmem:s28], [sflag:$0x1] =	stream.linear.gather [hbm4b:s14+s0], $0x240, $0x38;
	[tilespmem:$0x19000] =	vst v63  }
0xcd: {  	s16 =	rddreg [dreg:$0x11]  }
0xce: {  	[tilespmem:s29], [sflag:$0x1] =	stream.linear.gather [hbm4b:s16+s0], $0x240, $0x38;
	[tilespmem:$0x19000] =	vst v63  }
0xcf: {  	s17 =	rddreg [dreg:$0x12]  }
0xd0: {  	[tilespmem:s30], [sflag:$0x1] =	stream.linear.gather [hbm4b:s17+s0], $0x240, $0x38;
	[tilespmem:$0x19000] =	vst v63  }
0xd1: {  	s18 =	rddreg [dreg:$0x14]  }
0xd2: {  	[tilespmem:s31], [sflag:$0x1] =	stream.linear.gather [hbm4b:s18+s0], $0x240, $0x38;
	[tilespmem:$0x19000] =	vst v63  }
0xd3: {  	s20 =	rddreg [dreg:$0x18];
	s5 =	simm.s32 $0x6000  }
0xd4: {  	[tilespmem:s5], [sflag:$0x1] =	stream.linear.gather [hbm4b:s20+s0], $0x240, $0x38;
	[tilespmem:$0x19000] =	vst v63  }
0xd5: {  	s21 =	rddreg [dreg:$0x19];
	s22 =	simm.s32 $0x7000  }
0xd6: {  	[tilespmem:s22], [sflag:$0x1] =	stream.linear.gather [hbm4b:s21+s0], $0x240, $0x38;
	[tilespmem:$0x19000] =	vst v63  }
0xd7: {  	_ =	swait.ge [sflag:s24], $0x240  }
0xd8: {  	[sflag:s24] =	ssyncset.done $0x0  }
0xd9: {  	[sflag:s24] =	ssyncadd.s32 $0xFFFFFDC0  }
0xda: {  	_ =	swait.ge [sflag:s24], $0x240  }
0xdb: {  	[sflag:s24] =	ssyncset.done $0x0  }
0xdc: {  	[sflag:s24] =	ssyncadd.s32 $0xFFFFFDC0  }
0xdd: {  	_ =	swait.ge [sflag:s24], $0x240  }
0xde: {  	[sflag:s24] =	ssyncset.done $0x0  }
0xdf: {  	[sflag:s24] =	ssyncadd.s32 $0xFFFFFDC0  }
0xe0: {  	_ =	swait.ge [sflag:s24], $0x240  }
0xe1: {  	[sflag:s24] =	ssyncset.done $0x0  }
0xe2: {  	[sflag:s24] =	ssyncadd.s32 $0xFFFFFDC0  }
0xe3: {  	_ =	swait.ge [sflag:s24], $0x240  }
0xe4: {  	[sflag:s24] =	ssyncset.done $0x0  }
0xe5: {  	[sflag:s24] =	ssyncadd.s32 $0xFFFFFDC0  }
0xe6: {  	_ =	swait.ge [sflag:s24], $0x240  }
0xe7: {  	[sflag:s24] =	ssyncset.done $0x0  }
0xe8: {  	[sflag:s24] =	ssyncadd.s32 $0xFFFFFDC0  }
0xe9: {  	_ =	swait.ge [sflag:s24], $0x240  }
0xea: {  	[sflag:s24] =	ssyncset.done $0x0  }
0xeb: {  	[sflag:s24] =	ssyncadd.s32 $0xFFFFFDC0  }
0xec: {  	_ =	swait.ge [sflag:s24], $0x240  }
0xed: {  	v1 =	vmov s0;
	[sflag:s24] =	ssyncset.done $0x0  }
0xee: {  	s4 =	simm.s32 $0x7030;
	v1 =	vshll.u32 v1, $0x3;
	[sflag:s24] =	ssyncadd.s32 $0xFFFFFDC0  }
0xef: {  	v3 =	vor.u32 v0, v1;
	v2 =	vld [tilespmem:s4+$0xFFFF8FD0];
	_ =	sdelay $0x1  }
0xf0: {  	s23 =	simm.s32 $0x10  }
0xf1: {  	v1 =	vmov s23  }
0xf2: {  	v1 =	vshll.u32 v1, $0x3  }
0xf3: {  	v1 =	vor.u32 v0, v1;
	v5 =	vld [tilespmem:s4+$0xFFFF8FE0];
	[tilespmem:v3+s1+$0x0] =	vst.idx.msk $0xffff, v2  }
0xf4: {  	s25 =	simm.s32 $0x20;
	v6 =	vor.u32 $0x1, v3;
	v7 =	vld [tilespmem:s4+$0xFFFF9FD0]  }
0xf5: {  	v4 =	vmov s25;
	s26 =	simm.s32 $0x30  }
0xf6: {  	v2 =	vshll.u32 v4, $0x3;
	v4 =	vmov s26  }
0xf7: {  	v8 =	vld [tilespmem:s4+$0xFFFF8FF0];
	v2 =	vor.u32 v0, v2;
	v4 =	vshll.u32 v4, $0x3  }
0xf8: {  	v9 =	vld [tilespmem:s4+$0xFFFF9000];
	[tilespmem:v1+s1+$0x0] =	vst.idx.msk $0xffff, v5;
	v4 =	vor.u32 v0, v4  }
0xf9: {  	v5 =	vor.u32 $0x1, v1;
	v10 =	vld [tilespmem:s4+$0xFFFF9FE0];
	[tilespmem:v6+s1+$0x0] =	vst.idx.msk $0xffff, v7  }
0xfa: {  	v7 =	vor.u32 $0x2, v3;
	v6 =	vld [tilespmem:s4+$0xFFFFAFD0];
	_ =	sdelay $0x1  }
0xfb: {  	[tilespmem:v2+s1+$0x0] =	vst.idx.msk $0xffff, v8  }
0xfc: {  	v8 =	vor.u32 $0x1, v2;
	v11 =	vld [tilespmem:s4+$0xFFFF9FF0];
	[tilespmem:v4+s1+$0x0] =	vst.idx.msk $0xffff, v9  }
0xfd: {  	v12 =	vor.u32 $0x1, v4;
	[tilespmem:v5+s1+$0x0] =	vst.idx.msk $0xffff, v10;
	v9 =	vld [tilespmem:s4+$0xFFFFA000]  }
0xfe: {  	s28 =	simm.s32 $0x40;
	v10 =	vor.u32 $0x2, v1;
	[tilespmem:v7+s1+$0x0] =	vst.idx.msk $0xffff, v6;
	v7 =	vld [tilespmem:s4+$0xFFFFAFE0]  }
0xff: {  	v5 =	vmov s28  }
0x100: {  	s29 =	simm.s32 $0x50;
	s5 =	simm.s32 $0x7070;
	v5 =	vshll.u32 v5, $0x3  }
0x101: {  	v13 =	vld [tilespmem:s5+$0xFFFF8FD0];
	[tilespmem:v8+s1+$0x0] =	vst.idx.msk $0xffff, v11;
	v8 =	vmov s29;
	v6 =	vor.u32 v0, v5  }
0x102: {  	s30 =	simm.s32 $0x70;
	v14 =	vld [tilespmem:s4+$0xFFFFBFD0];
	v5 =	vshll.u32 v8, $0x3;
	v8 =	vor.u32 $0x3, v3;
	[tilespmem:v12+s1+$0x0] =	vst.idx.msk $0xffff, v9  }
0x103: {  	v9 =	vld [tilespmem:s5+$0xFFFF8FE0];
	v12 =	vmov s30;
	v5 =	vor.u32 v0, v5;
	[tilespmem:v10+s1+$0x0] =	vst.idx.msk $0xffff, v7  }
0x104: {  	v7 =	vshll.u32 v12, $0x3;
	v12 =	vor.u32 $0x3, v1;
	v10 =	vld [tilespmem:s4+$0xFFFFBFE0]  }
0x105: {  	v15 =	vld [tilespmem:s5+$0xFFFF8FF0]  }
0x106: {  	v18 =	vor.u32 $0x2, v2;
	v11 =	vld [tilespmem:s4+$0xFFFFAFF0];
	[tilespmem:v6+s1+$0x0] =	vst.idx.msk $0xffff, v13  }
0x107: {  	v17 =	vor.u32 $0x2, v4;
	v16 =	vld [tilespmem:s4+$0xFFFFB000];
	[tilespmem:v8+s1+$0x0] =	vst.idx.msk $0xffff, v14  }
0x108: {  	v13 =	vld [tilespmem:s5+$0xFFFF9000];
	v7 =	vor.u32 v0, v7;
	[tilespmem:v5+s1+$0x0] =	vst.idx.msk $0xffff, v9  }
0x109: {  	v20 =	vor.u32 $0x4, v3;
	s31 =	simm.s32 $0x60;
	v9 =	vld [tilespmem:s4+$0xFFFFCFD0];
	[tilespmem:v12+s1+$0x0] =	vst.idx.msk $0xffff, v10  }
0x10a: {  	v25 =	vor.u32 $0x4, v1;
	v8 =	vmov s31;
	v23 =	vld [tilespmem:s4+$0xFFFFCFE0]  }
0x10b: {  	v22 =	vor.u32 $0x1, v6;
	v19 =	vld [tilespmem:s5+$0xFFFF9FD0];
	[tilespmem:v18+s1+$0x0] =	vst.idx.msk $0xffff, v11;
	v8 =	vshll.u32 v8, $0x3  }
0x10c: {  	[tilespmem:v17+s1+$0x0] =	vst.idx.msk $0xffff, v16;
	v21 =	vld [tilespmem:s4+$0xFFFFBFF0];
	v8 =	vor.u32 v0, v8  }
0x10d: {  	v14 =	vld [tilespmem:s5+$0xFFFF9FE0];
	[tilespmem:v7+s1+$0x0] =	vst.idx.msk $0xffff, v13  }
0x10e: {  	v26 =	vor.u32 $0x3, v4;
	v24 =	vld [tilespmem:s4+$0xFFFFC000];
	[tilespmem:v20+s1+$0x0] =	vst.idx.msk $0xffff, v9  }
0x10f: {  	v16 =	vld [tilespmem:s5+$0xFFFFA000];
	[tilespmem:v25+s1+$0x0] =	vst.idx.msk $0xffff, v23;
	v23 =	vor.u32 $0x3, v2  }
0x110: {  	[tilespmem:v22+s1+$0x0] =	vst.idx.msk $0xffff, v19;
	v22 =	vor.u32 $0x5, v3;
	v18 =	vld [tilespmem:s4+$0xFFFFDFD0]  }
0x111: {  	v17 =	vld [tilespmem:s5+$0xFFFFAFD0];
	v20 =	vor.u32 $0x2, v6;
	[tilespmem:v8+s1+$0x0] =	vst.idx.msk $0xffff, v15  }
0x112: {  	v11 =	vor.u32 $0x1, v5;
	v13 =	vor.u32 $0x1, v8;
	v19 =	vld [tilespmem:s5+$0xFFFF9FF0]  }
0x113: {  	s6 =	simm.s32 $0x4;
	s7 =	simm.s32 $0x80;
	s8 =	simm.s32 $0x70B0;
	v10 =	vor.u32 $0x4, v4;
	v12 =	vor.u32 $0x1, v7;
	v9 =	vor.u32 $0x4, v7;
	[tilespmem:v26+s1+$0x0] =	vst.idx.msk $0xffff, v24;
	v15 =	vld [tilespmem:s4+$0xFFFFDFE0]  }
.LBB2_7:
0x114: {  	v24 =	vmov s7;
	s0 =	sadd.s32 $0x10, s7;
	s9 =	sadd.s32 $0x30, s7;
	s6 =	sadd.s32 $0x4, s6;
	[tilespmem:v23+s1+$0x0] =	vst.idx.msk $0xffff, v21;
	v21 =	vor.u32 $0x4, v2;
	v23 =	vld [tilespmem:s4+$0xFFFFD000]  }
0x115: {  	v24 =	vshll.u32 v24, $0x3;
	v25 =	vmov s0;
	s0 =	sadd.s32 $0x20, s7;
	v26 =	vmov s9;
	p1 =	slt.u32 s6, $0x20;
	[tilespmem:v22+s1+$0x0] =	vst.idx.msk $0xffff, v18;
	v18 =	vld [tilespmem:s4+$0xFFFFCFF0]  }
0x116: {  	v22 =	vld [tilespmem:s8+$0xFFFF8FD0];
	v24 =	vor.u32 v0, v24;
	v27 =	vmov s0;
	v26 =	vshll.u32 v26, $0x3;
	[tilespmem:v20+s1+$0x0] =	vst.idx.msk $0xffff, v17  }
0x117: {  	v17 =	vshll.u32 v25, $0x3;
	v20 =	vshll.u32 v27, $0x3;
	v25 =	vld [tilespmem:s5+$0xFFFFBFD0];
	[tilespmem:v13+s1+$0x0] =	vst.idx.msk $0xffff, v19  }
0x118: {  	v19 =	vor.u32 v0, v20;
	v13 =	vld [tilespmem:s5+$0xFFFFAFF0];
	v20 =	vor.u32 $0x2, v8;
	[tilespmem:v12+s1+$0x0] =	vst.idx.msk $0xffff, v16  }
0x119: {  	v26 =	vor.u32 v0, v26;
	v12 =	vor.u32 $0x3, v6;
	v16 =	vld [tilespmem:s8+$0xFFFF8FF0];
	[tilespmem:v10+s1+$0x0] =	vst.idx.msk $0xffff, v23;
	v10 =	vmov v9  }
0x11a: {  	v9 =	vor.u32 $0x4, v26;
	v23 =	vor.u32 $0x5, v1;
	[tilespmem:v21+s1+$0x0] =	vst.idx.msk $0xffff, v18;
	v18 =	vld [tilespmem:s4+$0xFFFFE000]  }
0x11b: {  	v17 =	vor.u32 v0, v17;
	[tilespmem:v24+s1+$0x0] =	vst.idx.msk $0xffff, v22;
	v21 =	vld [tilespmem:s4+$0xFFFFDFF0];
	v22 =	vor.u32 $0x5, v4  }
0x11c: {  	v27 =	vor.u32 $0x1, v24;
	[tilespmem:v11+s1+$0x0] =	vst.idx.msk $0xffff, v14;
	v11 =	vld [tilespmem:s4+$0xFFFFEFD0];
	v14 =	vor.u32 $0x6, v3  }
0x11d: {  	v28 =	vld [tilespmem:s5+$0xFFFFAFE0];
	[tilespmem:v20+s1+$0x0] =	vst.idx.msk $0xffff, v13;
	v20 =	vor.u32 $0x5, v2  }
0x11e: {  	v13 =	vor.u32 $0x1, v19;
	v29 =	vld [tilespmem:s8+$0xFFFF8FE0];
	[tilespmem:v12+s1+$0x0] =	vst.idx.msk $0xffff, v25;
	v25 =	vor.u32 $0x2, v5  }
0x11f: {  	v12 =	vor.u32 $0x1, v26;
	v30 =	vld [tilespmem:s8+$0xFFFF9FD0];
	[tilespmem:v23+s1+$0x0] =	vst.idx.msk $0xffff, v15  }
0x120: {  	v23 =	vor.u32 $0x6, v1;
	v15 =	vld [tilespmem:s4+$0xFFFFEFE0];
	[tilespmem:v22+s1+$0x0] =	vst.idx.msk $0xffff, v18  }
0x121: {  	v22 =	vor.u32 $0x2, v7;
	v18 =	vld [tilespmem:s5+$0xFFFFB000];
	[tilespmem:v14+s1+$0x0] =	vst.idx.msk $0xffff, v11  }
0x122: {  	[tilespmem:v20+s1+$0x0] =	vst.idx.msk $0xffff, v21;
	v14 =	vld [tilespmem:s4+$0xFFFFF000];
	v20 =	vor.u32 $0x6, v4  }
0x123: {  	v11 =	vor.u32 $0x1, v17;
	[tilespmem:v25+s1+$0x0] =	vst.idx.msk $0xffff, v28;
	v21 =	vld [tilespmem:s4+$0xFFFFEFF0];
	v25 =	vor.u32 $0x6, v2  }
0x124: {  	[tilespmem:v17+s1+$0x0] =	vst.idx.msk $0xffff, v29;
	v28 =	vld [tilespmem:s4+$0xFFFFFFD0];
	v29 =	vor.u32 $0x7, v3;
	v3 =	vmov v6;
	v6 =	vmov v24  }
0x125: {  	v24 =	vld [tilespmem:s8+$0xFFFF9000];
	[tilespmem:v23+s1+$0x0] =	vst.idx.msk $0xffff, v15  }
0x126: {  	v15 =	vld [tilespmem:s5+$0xFFFFBFE0];
	[tilespmem:v22+s1+$0x0] =	vst.idx.msk $0xffff, v18  }
0x127: {  	v22 =	vor.u32 $0x3, v5;
	v18 =	vld [tilespmem:s5+$0xFFFFCFD0];
	[tilespmem:v20+s1+$0x0] =	vst.idx.msk $0xffff, v14  }
0x128: {  	[tilespmem:v25+s1+$0x0] =	vst.idx.msk $0xffff, v21;
	v20 =	vld [tilespmem:s4+$0x0];
	v21 =	vor.u32 $0x7, v4;
	v4 =	vmov v7;
	v7 =	vmov v26  }
0x129: {  	v25 =	vor.u32 $0x7, v2;
	v2 =	vmov v8;
	v8 =	vmov v19;
	[tilespmem:v29+s1+$0x0] =	vst.idx.msk $0xffff, v28;
	v23 =	vld [tilespmem:s4+$0xFFFFFFF0]  }
0x12a: {  	v14 =	vld [tilespmem:s8+$0xFFFF9FE0];
	[tilespmem:v26+s1+$0x0] =	vst.idx.msk $0xffff, v24;
	v24 =	vor.u32 $0x4, v3  }
0x12b: {  	v26 =	vor.u32 $0x7, v1;
	v1 =	vmov v5;
	v5 =	vmov v17;
	[tilespmem:v19+s1+$0x0] =	vst.idx.msk $0xffff, v16;
	v19 =	vld [tilespmem:s4+$0xFFFFFFE0];
	s4 =	smov.u32 s5;
	s5 =	smov.u32 s8  }
0x12c: {  	[tilespmem:v22+s1+$0x0] =	vst.idx.msk $0xffff, v15;
	v28 =	vld [tilespmem:s4+$0xFFFFC000]  }
0x12d: {  	v29 =	vor.u32 $0x4, v1;
	v15 =	vld [tilespmem:s4+$0xFFFFCFE0];
	[tilespmem:v21+s1+$0x0] =	vst.idx.msk $0xffff, v20  }
0x12e: {  	v31 =	vor.u32 $0x3, v4;
	v16 =	vld [tilespmem:s8+$0xFFFFA000];
	[tilespmem:v25+s1+$0x0] =	vst.idx.msk $0xffff, v23  }
.Ltmp3:
0x12f: {  	v23 =	vor.u32 $0x3, v2;
	[tilespmem:v24+s1+$0x0] =	vst.idx.msk $0xffff, v18;
	v21 =	vld [tilespmem:s4+$0xFFFFBFF0];
	(pc) =	sbr.rel @p1 .LBB2_7-.Ltmp3, $4  }
0x130: {  	v22 =	vor.u32 $0x5, v3;
	[tilespmem:v27+s1+$0x0] =	vst.idx.msk $0xffff, v30;
	v18 =	vld [tilespmem:s4+$0xFFFFDFD0]  }
0x131: {  	v20 =	vor.u32 $0x2, v6;
	v17 =	vld [tilespmem:s8+$0xFFFFAFD0];
	[tilespmem:v26+s1+$0x0] =	vst.idx.msk $0xffff, v19  }
0x132: {  	v19 =	vld [tilespmem:s8+$0xFFFF9FF0];
	[tilespmem:v29+s1+$0x0] =	vst.idx.msk $0xffff, v15  }
0x133: {  	s7 =	sadd.s32 $0x40, s7;
	s8 =	sadd.s32 $0x40, s8;
	v15 =	vld [tilespmem:s4+$0xFFFFDFE0];
	[tilespmem:v31+s1+$0x0] =	vst.idx.msk $0xffff, v28  }
0x134: {  	_ =	sdelay $0x3  }
0x135: {  	[tilespmem:v23+s1+$0x0] =	vst.idx.msk $0xffff, v21  }
0x136: {  	v56 =	vld [tilespmem:s4+$0xFFFFD000];
	[tilespmem:v12+s1+$0x0] =	vst.idx.msk $0xffff, v16  }
0x137: {  	[tilespmem:v11+s1+$0x0] =	vst.idx.msk $0xffff, v14;
	v24 =	vor.u32 $0x5, v1  }
0x138: {  	v57 =	vor.u32 $0x4, v2;
	[tilespmem:v22+s1+$0x0] =	vst.idx.msk $0xffff, v18;
	v58 =	vld [tilespmem:s4+$0xFFFFCFF0]  }
0x139: {  	v60 =	vor.u32 $0x2, v7;
	v12 =	vld [tilespmem:s5+$0xFFFFB000];
	[tilespmem:v20+s1+$0x0] =	vst.idx.msk $0xffff, v17  }
0x13a: {  	v63 =	vor.u32 $0x2, v5;
	v62 =	vld [tilespmem:s5+$0xFFFFAFE0];
	[tilespmem:v13+s1+$0x0] =	vst.idx.msk $0xffff, v19  }
0x13b: {  	v59 =	vor.u32 $0x2, v8;
	v13 =	vld [tilespmem:s5+$0xFFFFAFF0];
	[tilespmem:v10+s1+$0x0] =	vst.idx.msk $0xffff, v56  }
0x13c: {  	v28 =	vor.u32 $0x6, v3;
	v27 =	vld [tilespmem:s4+$0xFFFFEFD0];
	[tilespmem:v24+s1+$0x0] =	vst.idx.msk $0xffff, v15  }
0x13d: {  	v61 =	vor.u32 $0x3, v6;
	v17 =	vld [tilespmem:s5+$0xFFFFBFD0];
	[tilespmem:v57+s1+$0x0] =	vst.idx.msk $0xffff, v58  }
0x13e: {  	v26 =	vor.u32 $0x5, v4;
	v25 =	vld [tilespmem:s4+$0xFFFFE000];
	[tilespmem:v60+s1+$0x0] =	vst.idx.msk $0xffff, v12  }
0x13f: {  	v29 =	vor.u32 $0x3, v7;
	[tilespmem:v63+s1+$0x0] =	vst.idx.msk $0xffff, v62;
	v12 =	vld [tilespmem:s5+$0xFFFFC000]  }
0x140: {  	v33 =	vor.u32 $0x3, v5;
	v32 =	vld [tilespmem:s5+$0xFFFFBFE0];
	[tilespmem:v59+s1+$0x0] =	vst.idx.msk $0xffff, v13  }
0x141: {  	v31 =	vor.u32 $0x3, v8;
	[tilespmem:v28+s1+$0x0] =	vst.idx.msk $0xffff, v27;
	v30 =	vld [tilespmem:s5+$0xFFFFBFF0]  }
0x142: {  	v37 =	vor.u32 $0x6, v1;
	v36 =	vld [tilespmem:s4+$0xFFFFEFE0];
	[tilespmem:v61+s1+$0x0] =	vst.idx.msk $0xffff, v17  }
0x143: {  	v35 =	vor.u32 $0x5, v2;
	v34 =	vld [tilespmem:s4+$0xFFFFDFF0];
	[tilespmem:v26+s1+$0x0] =	vst.idx.msk $0xffff, v25  }
0x144: {  	v39 =	vor.u32 $0x4, v6;
	v38 =	vld [tilespmem:s5+$0xFFFFCFD0];
	[tilespmem:v29+s1+$0x0] =	vst.idx.msk $0xffff, v12  }
0x145: {  	[tilespmem:v33+s1+$0x0] =	vst.idx.msk $0xffff, v32;
	v40 =	vld [tilespmem:s5+$0xFFFFD000]  }
0x146: {  	v43 =	vor.u32 $0x4, v5;
	v14 =	vld [tilespmem:s5+$0xFFFFCFE0];
	[tilespmem:v31+s1+$0x0] =	vst.idx.msk $0xffff, v30  }
0x147: {  	v41 =	vor.u32 $0x4, v8;
	[tilespmem:v37+s1+$0x0] =	vst.idx.msk $0xffff, v36;
	v42 =	vld [tilespmem:s5+$0xFFFFCFF0]  }
0x148: {  	v3 =	vor.u32 $0x7, v3;
	v52 =	vld [tilespmem:s4+$0xFFFFFFD0];
	[tilespmem:v35+s1+$0x0] =	vst.idx.msk $0xffff, v34  }
0x149: {  	v47 =	vor.u32 $0x6, v2;
	v46 =	vld [tilespmem:s4+$0xFFFFEFF0];
	[tilespmem:v39+s1+$0x0] =	vst.idx.msk $0xffff, v38  }
0x14a: {  	v48 =	vor.u32 $0x5, v6;
	v13 =	vld [tilespmem:s5+$0xFFFFDFD0];
	[tilespmem:v9+s1+$0x0] =	vst.idx.msk $0xffff, v40  }
0x14b: {  	v49 =	vor.u32 $0x5, v7;
	[tilespmem:v43+s1+$0x0] =	vst.idx.msk $0xffff, v14;
	v9 =	vld [tilespmem:s5+$0xFFFFE000]  }
0x14c: {  	v51 =	vor.u32 $0x5, v5;
	v14 =	vld [tilespmem:s5+$0xFFFFDFE0];
	[tilespmem:v41+s1+$0x0] =	vst.idx.msk $0xffff, v42  }
0x14d: {  	v50 =	vor.u32 $0x5, v8;
	[tilespmem:v3+s1+$0x0] =	vst.idx.msk $0xffff, v52;
	v11 =	vld [tilespmem:s5+$0xFFFFDFF0]  }
0x14e: {  	v45 =	vor.u32 $0x6, v4;
	v44 =	vld [tilespmem:s4+$0xFFFFF000];
	[tilespmem:v47+s1+$0x0] =	vst.idx.msk $0xffff, v46  }
0x14f: {  	v2 =	vor.u32 $0x7, v2;
	v58 =	vld [tilespmem:s4+$0xFFFFFFF0];
	[tilespmem:v48+s1+$0x0] =	vst.idx.msk $0xffff, v13  }
0x150: {  	v54 =	vor.u32 $0x6, v6;
	v13 =	vld [tilespmem:s5+$0xFFFFEFD0];
	[tilespmem:v49+s1+$0x0] =	vst.idx.msk $0xffff, v9  }
0x151: {  	v55 =	vor.u32 $0x6, v7;
	[tilespmem:v51+s1+$0x0] =	vst.idx.msk $0xffff, v14;
	v9 =	vld [tilespmem:s5+$0xFFFFF000]  }
0x152: {  	v57 =	vor.u32 $0x6, v5;
	v3 =	vld [tilespmem:s5+$0xFFFFEFE0];
	[tilespmem:v50+s1+$0x0] =	vst.idx.msk $0xffff, v11  }
0x153: {  	v56 =	vor.u32 $0x6, v8;
	[tilespmem:v45+s1+$0x0] =	vst.idx.msk $0xffff, v44;
	v11 =	vld [tilespmem:s5+$0xFFFFEFF0]  }
0x154: {  	v1 =	vor.u32 $0x7, v1;
	v59 =	vld [tilespmem:s4+$0xFFFFFFE0];
	[tilespmem:v2+s1+$0x0] =	vst.idx.msk $0xffff, v58  }
0x155: {  	v53 =	vor.u32 $0x7, v4;
	v17 =	vld [tilespmem:s4+$0x0];
	[tilespmem:v54+s1+$0x0] =	vst.idx.msk $0xffff, v13  }
0x156: {  	v60 =	vor.u32 $0x7, v6;
	v13 =	vld [tilespmem:s5+$0xFFFFFFD0];
	[tilespmem:v55+s1+$0x0] =	vst.idx.msk $0xffff, v9  }
0x157: {  	v61 =	vor.u32 $0x7, v7;
	[tilespmem:v57+s1+$0x0] =	vst.idx.msk $0xffff, v3;
	v9 =	vld [tilespmem:s5+$0x0]  }
0x158: {  	v63 =	vor.u32 $0x7, v5;
	v2 =	vld [tilespmem:s5+$0xFFFFFFE0];
	[tilespmem:v56+s1+$0x0] =	vst.idx.msk $0xffff, v11  }
0x159: {  	v62 =	vor.u32 $0x7, v8;
	[tilespmem:v1+s1+$0x0] =	vst.idx.msk $0xffff, v59;
	v3 =	vld [tilespmem:s5+$0xFFFFFFF0]  }
0x15a: {  	[tilespmem:v53+s1+$0x0] =	vst.idx.msk $0xffff, v17  }
0x15b: {  	[tilespmem:v60+s1+$0x0] =	vst.idx.msk $0xffff, v13  }
0x15c: {  	[tilespmem:v61+s1+$0x0] =	vst.idx.msk $0xffff, v9  }
0x15d: {  	[tilespmem:v63+s1+$0x0] =	vst.idx.msk $0xffff, v2  }
0x15e: {  	[tilespmem:v62+s1+$0x0] =	vst.idx.msk $0xffff, v3  }
0x15f: {  	s0 =	rddreg [dreg:$0x17]  }
0x160: {  	[hbm4b:s0+s3] =	stream.linear.scatter [tilespmem:s1], [sflag:$0x2], $0x1200, $0x38;
	[tilespmem:$0x19000] =	vst v63  }
0x161: {  	_ =	swait.ge [sflag:s2], $0x1200  }
0x162: {  	[sflag:s2] =	ssyncset.done $0x0  }
0x163: {  	[sflag:s2] =	ssyncadd.s32 $0xFFFFEE00  }
.LBB2_9:
0x164: {  	[bflag:$0x0] =	sbarrier.arrive $0xFFFF;
	s20 =	sadd.s32 s15, s11;
	s22 =	simm.s32 $0x0  }
.LBB2_10:
0x165: {  	s25 =	sshll.u32 s22, $0x9;
	s0 =	rddreg [dreg:$0x13]  }
0x166: {  	s4 =	simm.s32 $0x8000;
	s0 =	sadd.s32 s25, s0  }
0x167: {  	[tilespmem:s4], [sflag:$0x2] =	stream.linear.gather [hbm4b:s0+s3], $0x1000, $0x38;
	[tilespmem:$0x19000] =	vst v63  }
0x168: {  	_ =	swait.ge [sflag:s2], $0x1000  }
0x169: {  	[sflag:s2] =	ssyncset.done $0x0  }
0x16a: {  	[sflag:s2] =	ssyncadd.s32 $0xFFFFF000  }
0x16b: {  	[tilespmem:s1], [sflag:$0x1] =	stream.indirect.gather [hbm4b:s20+s19], $0x8, s4, s19, $0xb8;
	[tilespmem:$0x19000] =	vst v63  }
0x16c: {  	s23 =	simm.s32 $0x8800;
	s26 =	simm.s32 $0xD000  }
0x16d: {  	[tilespmem:s26], [sflag:$0x1] =	stream.indirect.gather [hbm4b:s20+s19], $0x8, s23, s19, $0xb8;
	[tilespmem:$0x19000] =	vst v63  }
0x16e: {  	_ =	swait.ge [sflag:s24], $0x4000  }
0x16f: {  	p1 =	seq.s32 s22, $0x0;
	[sflag:s24] =	ssyncset.done $0x0  }
0x170: {  	s0 =	simm.s32 @!p1 $0x1;
	[sflag:s24] =	ssyncadd.s32 $0xFFFFC000  }
0x171: {  	_ =	swait.ge @!p1 [sflag:s0], $0x1000  }
0x172: {  	[sflag:s0] =	ssyncset.done @!p1 $0x0  }
0x173: {  	[sflag:s0] =	ssyncadd.s32 @!p1 $0xFFFFF000  }
0x174: {  	_ =	swait.ge @!p1 [sflag:s0], $0x1000  }
0x175: {  	[sflag:s0] =	ssyncset.done @!p1 $0x0  }
0x176: {  	[sflag:s0] =	ssyncadd.s32 @!p1 $0xFFFFF000  }
0x177: {  	_ =	swait.ge @!p1 [sflag:s0], $0x1000  }
0x178: {  	[sflag:s0] =	ssyncset.done @!p1 $0x0  }
0x179: {  	[sflag:s0] =	ssyncadd.s32 @!p1 $0xFFFFF000  }
0x17a: {  	_ =	swait.ge @!p1 [sflag:s0], $0x1000  }
0x17b: {  	[sflag:s0] =	ssyncset.done @!p1 $0x0  }
0x17c: {  	[sflag:s0] =	ssyncadd.s32 @!p1 $0xFFFFF000  }
0x17d: {  	_ =	swait.ge @!p1 [sflag:s0], $0x1000  }
0x17e: {  	[sflag:s0] =	ssyncset.done @!p1 $0x0  }
0x17f: {  	[sflag:s0] =	ssyncadd.s32 @!p1 $0xFFFFF000  }
0x180: {  	_ =	swait.ge @!p1 [sflag:s0], $0x1000  }
0x181: {  	s29 =	simm.s32 $0x20;
	[sflag:s0] =	ssyncset.done @!p1 $0x0  }
0x182: {  	s5 =	simm.s32 $0x10;
	v1 =	vmov s29;
	[sflag:s0] =	ssyncadd.s32 @!p1 $0xFFFFF000  }
0x183: {  	s7 =	simm.s32 $0x30;
	v2 =	vmov s5;
	v1 =	vshll.u32 v1, $0x3;
	_ =	swait.ge @!p1 [sflag:s0], $0x1000  }
0x184: {  	v3 =	vmov s7;
	v2 =	vshll.u32 v2, $0x3;
	v8 =	vor.u32 v0, v1;
	[sflag:s0] =	ssyncset.done @!p1 $0x0  }
0x185: {  	v1 =	vshll.u32 v3, $0x3;
	v5 =	vor.u32 v0, v2;
	[sflag:s0] =	ssyncadd.s32 @!p1 $0xFFFFF000  }
0x186: {  	v1 =	vor.u32 v0, v1;
	_ =	swait.ge @!p1 [sflag:s0], $0x1000  }
0x187: {  	[sflag:s0] =	ssyncset.done @!p1 $0x0  }
0x188: {  	[sflag:s0] =	ssyncadd.s32 @!p1 $0xFFFFF000  }
0x189: {  	v2 =	vld.idx.msk [tilespmem:v8+s1+$0x0], $0xffff  }
0x18a: {  	s30 =	simm.s32 $0x0;
	v6 =	vor.u32 $0x1, v8;
	v3 =	vld.idx.msk [tilespmem:v5+s1+$0x0], $0xffff  }
0x18b: {  	s14 =	sand.u32 $0x600, s30;
	v7 =	vor.u32 $0x1, v5;
	v9 =	vld.idx.msk [tilespmem:v1+s1+$0x0], $0xffff  }
0x18c: {  	s6 =	sand.u32 $0x1E0, s29;
	s8 =	sor.u32 $0x11000, s14;
	v10 =	vor.u32 $0x1, v1  }
0x18d: {  	s5 =	sand.u32 $0x1D0, s5;
	v4 =	vmov s30;
	s9 =	sor.u32 s6, s8  }
0x18e: {  	v4 =	vshll.u32 v4, $0x3;
	s10 =	sor.u32 s5, s8;
	s4 =	sand.u32 $0x1F0, s7;
	[tilespmem:s9+$0x0] =	vst v2  }
0x18f: {  	v4 =	vor.u32 v0, v4;
	s11 =	sor.u32 s4, s8;
	[tilespmem:s10+$0x0] =	vst v3;
	v2 =	vld.idx.msk [tilespmem:v6+s1+$0x0], $0xffff  }
0x190: {  	[tilespmem:s11+$0x0] =	vst v9;
	v3 =	vld.idx.msk [tilespmem:v7+s1+$0x0], $0xffff;
	v6 =	vor.u32 $0x2, v8  }
0x191: {  	v7 =	vor.u32 $0x2, v5;
	v9 =	vld.idx.msk [tilespmem:v10+s1+$0x0], $0xffff  }
0x192: {  	s12 =	sor.u32 $0x12000, s14;
	v10 =	vor.u32 $0x2, v1  }
0x193: {  	s13 =	sor.u32 s6, s12  }
0x194: {  	v11 =	vld.idx.msk [tilespmem:v4+s1+$0x0], $0xffff;
	s10 =	sor.u32 s5, s12;
	[tilespmem:s13+$0x0] =	vst v2  }
0x195: {  	s16 =	sor.u32 s4, s12;
	v2 =	vor.u32 $0x1, v4;
	[tilespmem:s10+$0x0] =	vst v3;
	v3 =	vld.idx.msk [tilespmem:v6+s1+$0x0], $0xffff  }
0x196: {  	[tilespmem:s16+$0x0] =	vst v9;
	v6 =	vld.idx.msk [tilespmem:v7+s1+$0x0], $0xffff;
	v7 =	vor.u32 $0x3, v8  }
0x197: {  	s7 =	sand.u32 $0x1C0, s30;
	v9 =	vor.u32 $0x3, v5;
	v10 =	vld.idx.msk [tilespmem:v10+s1+$0x0], $0xffff  }
0x198: {  	s17 =	sor.u32 $0x13000, s14;
	v12 =	vor.u32 $0x3, v1;
	s0 =	sor.u32 s7, s8  }
0x199: {  	s18 =	sor.u32 s6, s17;
	[tilespmem:s0+$0x0] =	vst v11  }
0x19a: {  	s21 =	sor.u32 s5, s17;
	v2 =	vld.idx.msk [tilespmem:v2+s1+$0x0], $0xffff;
	[tilespmem:s18+$0x0] =	vst v3  }
0x19b: {  	s23 =	sor.u32 s4, s17;
	v3 =	vor.u32 $0x2, v4;
	[tilespmem:s21+$0x0] =	vst v6;
	v7 =	vld.idx.msk [tilespmem:v7+s1+$0x0], $0xffff  }
0x19c: {  	s10 =	simm.s32 $0x70;
	[tilespmem:s23+$0x0] =	vst v10;
	v10 =	vor.u32 $0x4, v8;
	v9 =	vld.idx.msk [tilespmem:v9+s1+$0x0], $0xffff  }
0x19d: {  	v11 =	vor.u32 $0x4, v5;
	s11 =	simm.s32 $0x60;
	v6 =	vmov s10;
	v12 =	vld.idx.msk [tilespmem:v12+s1+$0x0], $0xffff  }
0x19e: {  	v13 =	vor.u32 $0x4, v1;
	s26 =	sor.u32 s7, s12;
	s9 =	sor.u32 $0x14000, s14;
	v14 =	vmov s11;
	s13 =	simm.s32 $0x50;
	v6 =	vshll.u32 v6, $0x3  }
0x19f: {  	s29 =	sor.u32 s6, s9;
	v14 =	vshll.u32 v14, $0x3;
	v15 =	vmov s13;
	[tilespmem:s26+$0x0] =	vst v2;
	v2 =	vor.u32 v0, v6  }
0x1a0: {  	s12 =	sor.u32 s5, s9;
	v6 =	vor.u32 v0, v14;
	v16 =	vld.idx.msk [tilespmem:v3+s1+$0x0], $0xffff;
	v3 =	vshll.u32 v15, $0x3;
	[tilespmem:s29+$0x0] =	vst v7  }
0x1a1: {  	s30 =	sor.u32 s4, s9;
	v3 =	vor.u32 v0, v3;
	[tilespmem:s12+$0x0] =	vst v9;
	v7 =	vld.idx.msk [tilespmem:v10+s1+$0x0], $0xffff  }
0x1a2: {  	v9 =	vor.u32 $0x3, v4;
	[tilespmem:s30+$0x0] =	vst v12;
	v10 =	vld.idx.msk [tilespmem:v11+s1+$0x0], $0xffff  }
0x1a3: {  	v11 =	vor.u32 $0x5, v8;
	v12 =	vld.idx.msk [tilespmem:v13+s1+$0x0], $0xffff  }
0x1a4: {  	v13 =	vor.u32 $0x5, v5;
	v14 =	vld.idx.msk [tilespmem:v2+s1+$0x0], $0xffff  }
0x1a5: {  	s8 =	sor.u32 s7, s17;
	s0 =	sor.u32 $0x15000, s14;
	v15 =	vor.u32 $0x5, v1;
	v17 =	vld.idx.msk [tilespmem:v6+s1+$0x0], $0xffff  }
0x1a6: {  	s17 =	simm.s32 $0x40;
	s12 =	sor.u32 s6, s0;
	[tilespmem:s8+$0x0] =	vst v16;
	v16 =	vld.idx.msk [tilespmem:v3+s1+$0x0], $0xffff  }
0x1a7: {  	s16 =	sor.u32 s5, s0;
	v18 =	vor.u32 $0x1, v6;
	v9 =	vld.idx.msk [tilespmem:v9+s1+$0x0], $0xffff;
	[tilespmem:s12+$0x0] =	vst v7;
	s12 =	sand.u32 $0x600, s17  }
0x1a8: {  	s11 =	sand.u32 $0x1E0, s11;
	s21 =	sor.u32 s4, s0;
	v19 =	vor.u32 $0x1, v3;
	[tilespmem:s16+$0x0] =	vst v10;
	v10 =	vld.idx.msk [tilespmem:v11+s1+$0x0], $0xffff;
	s23 =	sor.u32 $0x11000, s12  }
0x1a9: {  	s10 =	sand.u32 $0x1F0, s10;
	v20 =	vor.u32 $0x1, v2;
	[tilespmem:s21+$0x0] =	vst v12;
	v11 =	vld.idx.msk [tilespmem:v13+s1+$0x0], $0xffff;
	s18 =	sor.u32 s11, s23  }
0x1aa: {  	s8 =	sand.u32 $0x1D0, s13;
	v7 =	vmov s17;
	v13 =	vld.idx.msk [tilespmem:v15+s1+$0x0], $0xffff;
	v15 =	vor.u32 $0x4, v4;
	s26 =	sor.u32 s10, s23;
	[tilespmem:s18+$0x0] =	vst v17  }
0x1ab: {  	v12 =	vor.u32 $0x6, v8;
	v7 =	vshll.u32 v7, $0x3;
	s21 =	sor.u32 s8, s23;
	[tilespmem:s26+$0x0] =	vst v14  }
0x1ac: {  	s9 =	sor.u32 s7, s9;
	s16 =	sor.u32 $0x16000, s14;
	v7 =	vor.u32 v0, v7;
	[tilespmem:s21+$0x0] =	vst v16;
	v16 =	vld.idx.msk [tilespmem:v18+s1+$0x0], $0xffff  }
0x1ad: {  	s29 =	sor.u32 s6, s16;
	v17 =	vor.u32 $0x6, v5;
	[tilespmem:s9+$0x0] =	vst v9;
	v18 =	vld.idx.msk [tilespmem:v19+s1+$0x0], $0xffff  }
0x1ae: {  	s30 =	sor.u32 s5, s16;
	v14 =	vor.u32 $0x2, v6;
	v19 =	vld.idx.msk [tilespmem:v20+s1+$0x0], $0xffff;
	[tilespmem:s29+$0x0] =	vst v10  }
0x1af: {  	v10 =	vor.u32 $0x2, v3;
	[tilespmem:s30+$0x0] =	vst v11;
	v11 =	vld.idx.msk [tilespmem:v15+s1+$0x0], $0xffff  }
0x1b0: {  	s21 =	sor.u32 $0x12000, s12;
	v20 =	vor.u32 $0x2, v2;
	s30 =	sor.u32 s4, s16;
	v12 =	vld.idx.msk [tilespmem:v12+s1+$0x0], $0xffff  }
0x1b1: {  	v8 =	vor.u32 $0x7, v8;
	s13 =	sor.u32 s11, s21;
	v9 =	vld.idx.msk [tilespmem:v7+s1+$0x0], $0xffff;
	[tilespmem:s30+$0x0] =	vst v13  }
0x1b2: {  	s18 =	sor.u32 s8, s21;
	v15 =	vor.u32 $0x1, v7;
	[tilespmem:s13+$0x0] =	vst v16;
	v16 =	vld.idx.msk [tilespmem:v17+s1+$0x0], $0xffff  }
0x1b3: {  	s9 =	sor.u32 $0x17000, s14;
	s26 =	sor.u32 s10, s21;
	v17 =	vor.u32 $0x5, v4;
	[tilespmem:s18+$0x0] =	vst v18;
	v14 =	vld.idx.msk [tilespmem:v14+s1+$0x0], $0xffff  }
0x1b4: {  	s29 =	sor.u32 s6, s9;
	s13 =	sand.u32 $0x1C0, s17;
	v18 =	vor.u32 $0x6, v1;
	[tilespmem:s26+$0x0] =	vst v19;
	v10 =	vld.idx.msk [tilespmem:v10+s1+$0x0], $0xffff  }
0x1b5: {  	v5 =	vor.u32 $0x7, v5;
	s23 =	sor.u32 s13, s23;
	v20 =	vld.idx.msk [tilespmem:v20+s1+$0x0], $0xffff;
	[tilespmem:s29+$0x0] =	vst v12  }
0x1b6: {  	s0 =	sor.u32 s7, s0;
	v19 =	vor.u32 $0x3, v6;
	[tilespmem:s23+$0x0] =	vst v9;
	v8 =	vld.idx.msk [tilespmem:v8+s1+$0x0], $0xffff  }
0x1b7: {  	[tilespmem:s0+$0x0] =	vst v11;
	v12 =	vor.u32 $0x3, v3;
	s23 =	sor.u32 $0x13000, s12;
	s29 =	sor.u32 s5, s9;
	v15 =	vld.idx.msk [tilespmem:v15+s1+$0x0], $0xffff  }
0x1b8: {  	v9 =	vor.u32 $0x3, v2;
	s17 =	sor.u32 s11, s23;
	v11 =	vld.idx.msk [tilespmem:v17+s1+$0x0], $0xffff;
	[tilespmem:s29+$0x0] =	vst v16  }
0x1b9: {  	v13 =	vor.u32 $0x2, v7;
	[tilespmem:s17+$0x0] =	vst v14;
	v14 =	vld.idx.msk [tilespmem:v18+s1+$0x0], $0xffff  }
0x1ba: {  	s18 =	sor.u32 s8, s23;
	v17 =	vor.u32 $0x6, v4;
	v5 =	vld.idx.msk [tilespmem:v5+s1+$0x0], $0xffff  }
0x1bb: {  	s26 =	sor.u32 s10, s23;
	v18 =	vor.u32 $0x7, v1;
	[tilespmem:s18+$0x0] =	vst v10;
	v10 =	vld.idx.msk [tilespmem:v19+s1+$0x0], $0xffff  }
0x1bc: {  	s30 =	sor.u32 s13, s21;
	v16 =	vor.u32 $0x4, v6;
	s17 =	simm.s32 $0xB0;
	[tilespmem:s26+$0x0] =	vst v20;
	v12 =	vld.idx.msk [tilespmem:v12+s1+$0x0], $0xffff  }
0x1bd: {  	s21 =	simm.s32 $0xA0;
	v20 =	vor.u32 $0x4, v3;
	s18 =	sor.u32 s7, s16;
	v1 =	vmov s17;
	v19 =	vld.idx.msk [tilespmem:v9+s1+$0x0], $0xffff;
	[tilespmem:s30+$0x0] =	vst v15  }
0x1be: {  	s29 =	sor.u32 s4, s9;
	s16 =	sor.u32 $0x14000, s12;
	v9 =	vmov s21;
	v1 =	vshll.u32 v1, $0x3;
	v15 =	vor.u32 $0x4, v2;
	v13 =	vld.idx.msk [tilespmem:v13+s1+$0x0], $0xffff;
	[tilespmem:s18+$0x0] =	vst v11  }
0x1bf: {  	s28 =	simm.s32 $0x90;
	v21 =	vshll.u32 v9, $0x3;
	v9 =	vor.u32 v0, v1;
	s30 =	sor.u32 s11, s16;
	v17 =	vld.idx.msk [tilespmem:v17+s1+$0x0], $0xffff;
	[tilespmem:s29+$0x0] =	vst v14  }
0x1c0: {  	v11 =	vmov s28;
	v1 =	vor.u32 v0, v21;
	s29 =	sor.u32 s8, s16;
	[tilespmem:s30+$0x0] =	vst v10;
	v10 =	vld.idx.msk [tilespmem:v18+s1+$0x0], $0xffff  }
0x1c1: {  	s0 =	sor.u32 $0x18000, s14;
	s18 =	sor.u32 s10, s16;
	v11 =	vshll.u32 v11, $0x3;
	v14 =	vor.u32 $0x3, v7;
	[tilespmem:s29+$0x0] =	vst v12;
	v12 =	vld.idx.msk [tilespmem:v16+s1+$0x0], $0xffff  }
0x1c2: {  	s6 =	sor.u32 s6, s0;
	v11 =	vor.u32 v0, v11;
	[tilespmem:s18+$0x0] =	vst v19;
	v16 =	vld.idx.msk [tilespmem:v20+s1+$0x0], $0xffff  }
0x1c3: {  	s5 =	sor.u32 s5, s0;
	v4 =	vor.u32 $0x7, v4;
	[tilespmem:s6+$0x0] =	vst v8;
	v15 =	vld.idx.msk [tilespmem:v15+s1+$0x0], $0xffff  }
0x1c4: {  	s23 =	sor.u32 s13, s23;
	v8 =	vor.u32 $0x5, v6;
	s6 =	simm.s32 $0x80;
	[tilespmem:s5+$0x0] =	vst v5;
	v19 =	vld.idx.msk [tilespmem:v9+s1+$0x0], $0xffff  }
0x1c5: {  	s26 =	sor.u32 s7, s9;
	v5 =	vmov s6;
	v18 =	vor.u32 $0x5, v3;
	[tilespmem:s23+$0x0] =	vst v13;
	v20 =	vld.idx.msk [tilespmem:v1+s1+$0x0], $0xffff  }
0x1c6: {  	s4 =	sor.u32 s4, s0;
	s9 =	sor.u32 $0x15000, s12;
	v5 =	vshll.u32 v5, $0x3;
	v13 =	vor.u32 $0x5, v2;
	[tilespmem:s26+$0x0] =	vst v17;
	v14 =	vld.idx.msk [tilespmem:v14+s1+$0x0], $0xffff  }
0x1c7: {  	s29 =	sor.u32 s11, s9;
	v26 =	vor.u32 v0, v5;
	v17 =	vld.idx.msk [tilespmem:v11+s1+$0x0], $0xffff;
	[tilespmem:s4+$0x0] =	vst v10  }
0x1c8: {  	v21 =	vor.u32 $0x1, v1;
	s30 =	sor.u32 s8, s9;
	s26 =	sand.u32 $0x600, s6;
	v5 =	vld.idx.msk [tilespmem:v4+s1+$0x0], $0xffff;
	[tilespmem:s29+$0x0] =	vst v12  }
0x1c9: {  	s5 =	sand.u32 $0x1E0, s21;
	s18 =	sor.u32 s10, s9;
	s23 =	sor.u32 $0x11000, s26;
	v12 =	vor.u32 $0x1, v11;
	[tilespmem:s30+$0x0] =	vst v16;
	v8 =	vld.idx.msk [tilespmem:v8+s1+$0x0], $0xffff  }
0x1ca: {  	s4 =	sand.u32 $0x1F0, s17;
	s29 =	sor.u32 s5, s23;
	v16 =	vor.u32 $0x1, v9;
	[tilespmem:s18+$0x0] =	vst v15;
	v18 =	vld.idx.msk [tilespmem:v18+s1+$0x0], $0xffff  }
0x1cb: {  	s28 =	sand.u32 $0x1D0, s28;
	v15 =	vor.u32 $0x6, v6;
	s18 =	sor.u32 s4, s23;
	v13 =	vld.idx.msk [tilespmem:v13+s1+$0x0], $0xffff;
	[tilespmem:s29+$0x0] =	vst v20  }
0x1cc: {  	v4 =	vor.u32 $0x4, v7;
	s30 =	sor.u32 s28, s23;
	[tilespmem:s18+$0x0] =	vst v19;
	v20 =	vld.idx.msk [tilespmem:v26+s1+$0x0], $0xffff  }
0x1cd: {  	v22 =	vor.u32 $0x6, v2;
	s16 =	sor.u32 s13, s16;
	s17 =	sor.u32 $0x16000, s12;
	v10 =	vld.idx.msk [tilespmem:v21+s1+$0x0], $0xffff;
	[tilespmem:s30+$0x0] =	vst v17  }
0x1ce: {  	s21 =	sor.u32 s11, s17;
	[tilespmem:s16+$0x0] =	vst v14;
	v17 =	vor.u32 $0x6, v3;
	v12 =	vld.idx.msk [tilespmem:v12+s1+$0x0], $0xffff  }
0x1cf: {  	v19 =	vor.u32 $0x2, v1;
	s29 =	sor.u32 s8, s17;
	v16 =	vld.idx.msk [tilespmem:v16+s1+$0x0], $0xffff;
	[tilespmem:s21+$0x0] =	vst v8  }
0x1d0: {  	s30 =	sor.u32 s10, s17;
	v8 =	vor.u32 $0x2, v11;
	s21 =	sor.u32 $0x12000, s26;
	v14 =	vld.idx.msk [tilespmem:v15+s1+$0x0], $0xffff;
	[tilespmem:s29+$0x0] =	vst v18  }
0x1d1: {  	v15 =	vor.u32 $0x2, v9;
	s18 =	sor.u32 s5, s21;
	v18 =	vld.idx.msk [tilespmem:v4+s1+$0x0], $0xffff;
	[tilespmem:s30+$0x0] =	vst v13  }
0x1d2: {  	v6 =	vor.u32 $0x7, v6;
	s29 =	sor.u32 s28, s21;
	[tilespmem:s18+$0x0] =	vst v10;
	v23 =	vld.idx.msk [tilespmem:v22+s1+$0x0], $0xffff  }
0x1d3: {  	v13 =	vor.u32 $0x1, v26;
	s30 =	sor.u32 s4, s21;
	v17 =	vld.idx.msk [tilespmem:v17+s1+$0x0], $0xffff;
	[tilespmem:s29+$0x0] =	vst v12;
	s29 =	sor.u32 $0x17000, s12  }
0x1d4: {  	s6 =	sand.u32 $0x1C0, s6;
	v21 =	vor.u32 $0x5, v7;
	v19 =	vld.idx.msk [tilespmem:v19+s1+$0x0], $0xffff;
	[tilespmem:s30+$0x0] =	vst v16;
	s18 =	sor.u32 s11, s29  }
0x1d5: {  	v27 =	vld.idx.msk [tilespmem:v8+s1+$0x0], $0xffff;
	s30 =	sor.u32 s6, s23;
	v16 =	vor.u32 $0x3, v1;
	[tilespmem:s18+$0x0] =	vst v14  }
0x1d6: {  	v29 =	vor.u32 $0x3, v9;
	v28 =	vor.u32 $0x3, v11;
	s9 =	sor.u32 s13, s9;
	v4 =	vor.u32 $0x7, v3;
	v15 =	vld.idx.msk [tilespmem:v15+s1+$0x0], $0xffff;
	[tilespmem:s30+$0x0] =	vst v20  }
0x1d7: {  	s14 =	simm.s32 $0x8;
	v3 =	vor.u32 $0x7, v2;
	v2 =	vor.u32 $0x7, v7;
	v10 =	vor.u32 $0x5, v11;
	s16 =	sor.u32 s8, s29;
	s30 =	sor.u32 $0x13000, s26;
	[tilespmem:s9+$0x0] =	vst v18;
	v20 =	vld.idx.msk [tilespmem:v6+s1+$0x0], $0xffff  }
0x1d8: {  	s7 =	sor.u32 s7, s0;
	v22 =	vor.u32 $0x2, v26;
	v12 =	vor.u32 $0x5, v9;
	s23 =	sor.u32 s13, s17;
	v8 =	vor.u32 $0x6, v9;
	v25 =	vld.idx.msk [tilespmem:v13+s1+$0x0], $0xffff;
	s17 =	sor.u32 s5, s30;
	[tilespmem:s16+$0x0] =	vst v17  }
0x1d9: {  	s12 =	sor.u32 $0x18000, s12;
	s0 =	sor.u32 s10, s29;
	v14 =	vor.u32 $0x4, v9;
	v18 =	vor.u32 $0x3, v26;
	v6 =	vor.u32 $0x6, v7;
	v24 =	vld.idx.msk [tilespmem:v21+s1+$0x0], $0xffff;
	s18 =	sor.u32 s28, s30;
	[tilespmem:s17+$0x0] =	vst v19  }
0x1da: {  	v13 =	vor.u32 $0x4, v11;
	v7 =	vor.u32 $0x6, v11;
	s16 =	sor.u32 s6, s21;
	s21 =	sor.u32 s13, s29;
	v17 =	vor.u32 $0x7, v11;
	s29 =	sor.u32 s4, s30;
	[tilespmem:s18+$0x0] =	vst v27;
	v27 =	vld.idx.msk [tilespmem:v16+s1+$0x0], $0xffff  }
0x1db: {  	s11 =	sor.u32 s11, s12;
	s31 =	sor.u32 s8, s12;
	s8 =	simm.s32 $0xF0;
	v11 =	vor.u32 $0x7, v9;
	v19 =	vor.u32 $0x6, v26;
	v9 =	vor.u32 $0x7, v26;
	[tilespmem:s29+$0x0] =	vst v15;
	v21 =	vld.idx.msk [tilespmem:v28+s1+$0x0], $0xffff  }
0x1dc: {  	s9 =	sor.u32 s6, s30;
	s13 =	sor.u32 s13, s12;
	v16 =	vor.u32 $0x4, v26;
	v15 =	vor.u32 $0x5, v26;
	v28 =	vor.u32 $0x4, v1;
	[tilespmem:s11+$0x0] =	vst v20;
	v26 =	vld.idx.msk [tilespmem:v29+s1+$0x0], $0xffff;
	s11 =	sor.u32 s10, s12  }
.LBB2_11:
0x1dd: {  	s10 =	sadd.s32 $0xFFFFFFE0, s8;
	s17 =	sadd.s32 $0xFFFFFFF0, s8;
	v20 =	vmov s8;
	s14 =	sadd.s32 $0x4, s14;
	[tilespmem:s16+$0x0] =	vst v25;
	v25 =	vld.idx.msk [tilespmem:v4+s1+$0x0], $0xffff;
	v4 =	vmov v17  }
0x1de: {  	s12 =	sor.u32 $0x14000, s26;
	v17 =	vmov s10;
	s10 =	sand.u32 $0x1D0, s10;
	v29 =	vmov s17;
	v20 =	vshll.u32 v20, $0x3;
	p1 =	slt.u32 s14, $0x7C;
	v22 =	vld.idx.msk [tilespmem:v22+s1+$0x0], $0xffff;
	[tilespmem:s23+$0x0] =	vst v24  }
0x1df: {  	s23 =	sand.u32 $0x1F0, s8;
	s16 =	sor.u32 s6, s12;
	s29 =	sor.u32 s5, s12;
	v17 =	vshll.u32 v17, $0x3;
	v24 =	vshll.u32 v29, $0x3;
	v29 =	vor.u32 v0, v20;
	v30 =	vld.idx.msk [tilespmem:v6+s1+$0x0], $0xffff;
	[tilespmem:s0+$0x0] =	vst v23;
	v6 =	vmovc v19  }
0x1e0: {  	s18 =	sor.u32 s4, s12;
	s0 =	sor.u32 s28, s12;
	s12 =	smov.u32 s4;
	v19 =	vor.u32 v0, v17;
	v23 =	vor.u32 v0, v24;
	v24 =	vor.u32 $0x1, v29;
	[tilespmem:s29+$0x0] =	vst v27;
	v27 =	vld.idx.msk [tilespmem:v3+s1+$0x0], $0xffff  }
0x1e1: {  	s30 =	smov.u32 s6;
	s4 =	smov.u32 s23;
	v33 =	vor.u32 $0x2, v29;
	v3 =	vmovc v11;
	s29 =	smov.u32 s5;
	v31 =	vor.u32 $0x1, v19;
	v32 =	vor.u32 $0x2, v19;
	[tilespmem:s0+$0x0] =	vst v21;
	v28 =	vld.idx.msk [tilespmem:v28+s1+$0x0], $0xffff  }
0x1e2: {  	v20 =	vor.u32 $0x3, v29;
	v21 =	vor.u32 $0x3, v19;
	v34 =	vld.idx.msk [tilespmem:v13+s1+$0x0], $0xffff;
	v13 =	vor.u32 $0x4, v19;
	[tilespmem:s18+$0x0] =	vst v26  }
0x1e3: {  	v35 =	vor.u32 $0x5, v1;
	v26 =	vor.u32 $0x5, v19;
	v36 =	vld.idx.msk [tilespmem:v14+s1+$0x0], $0xffff;
	v14 =	vor.u32 $0x4, v29;
	[tilespmem:s7+$0x0] =	vst v5;
	s7 =	smov.u32 s13  }
0x1e4: {  	v39 =	vor.u32 $0x6, v29;
	v37 =	vor.u32 $0x6, v19;
	v5 =	vor.u32 $0x5, v29;
	v38 =	vld.idx.msk [tilespmem:v29+s1+$0x0], $0xffff;
	[tilespmem:s9+$0x0] =	vst v22  }
0x1e5: {  	v11 =	vor.u32 $0x7, v29;
	v17 =	vor.u32 $0x7, v19;
	s0 =	sor.u32 $0x15000, s26;
	v40 =	vld.idx.msk [tilespmem:v23+s1+$0x0], $0xffff;
	[tilespmem:s21+$0x0] =	vst v30  }
0x1e6: {  	s5 =	sor.u32 s28, s0;
	s6 =	sor.u32 s29, s0;
	s9 =	sor.u32 s30, s0;
	v29 =	vld.idx.msk [tilespmem:v19+s1+$0x0], $0xffff;
	[tilespmem:s31+$0x0] =	vst v25  }
0x1e7: {  	s13 =	sadd.s32 $0xFFFFFFD0, s8;
	s0 =	sor.u32 s12, s0;
	v25 =	vor.u32 $0x1, v23;
	v30 =	vld.idx.msk [tilespmem:v18+s1+$0x0], $0xffff;
	[tilespmem:s6+$0x0] =	vst v28  }
0x1e8: {  	v18 =	vmov s13;
	s6 =	sand.u32 $0x1C0, s13;
	s13 =	sand.u32 $0x600, s13;
	[tilespmem:s5+$0x0] =	vst v34;
	v28 =	vld.idx.msk [tilespmem:v35+s1+$0x0], $0xffff  }
0x1e9: {  	v18 =	vshll.u32 v18, $0x3;
	s18 =	sor.u32 $0x11000, s13;
	s5 =	sand.u32 $0x1E0, s17;
	v34 =	vld.idx.msk [tilespmem:v10+s1+$0x0], $0xffff;
	[tilespmem:s0+$0x0] =	vst v36;
	v10 =	vmov v26  }
0x1ea: {  	v35 =	vor.u32 $0x6, v1;
	v26 =	vor.u32 v0, v18;
	s17 =	sor.u32 s6, s18;
	s0 =	sor.u32 s10, s18;
	s21 =	sor.u32 s5, s18;
	v36 =	vld.idx.msk [tilespmem:v12+s1+$0x0], $0xffff;
	[tilespmem:s11+$0x0] =	vst v27;
	v12 =	vmov v5  }
0x1eb: {  	v27 =	vor.u32 $0x1, v26;
	v22 =	vor.u32 $0x2, v26;
	v18 =	vor.u32 $0x3, v26;
	s11 =	sor.u32 s4, s18;
	[tilespmem:s21+$0x0] =	vst v40;
	v5 =	vld.idx.msk [tilespmem:v2+s1+$0x0], $0xffff;
	v2 =	vmovc v9  }
0x1ec: {  	v41 =	vor.u32 $0x5, v26;
	v19 =	vor.u32 $0x6, v26;
	v40 =	vor.u32 $0x4, v26;
	[tilespmem:s0+$0x0] =	vst v29;
	v25 =	vld.idx.msk [tilespmem:v25+s1+$0x0], $0xffff;
	s0 =	sor.u32 $0x16000, s26  }
0x1ed: {  	v9 =	vor.u32 $0x7, v26;
	v29 =	vld.idx.msk [tilespmem:v31+s1+$0x0], $0xffff;
	[tilespmem:s11+$0x0] =	vst v38;
	s23 =	sor.u32 s30, s0;
	s11 =	sor.u32 s28, s0;
	s18 =	sor.u32 s29, s0  }
0x1ee: {  	v31 =	vor.u32 $0x2, v23;
	s0 =	sor.u32 s12, s0;
	v24 =	vld.idx.msk [tilespmem:v24+s1+$0x0], $0xffff;
	[tilespmem:s18+$0x0] =	vst v28  }
0x1ef: {  	[tilespmem:s16+$0x0] =	vst v30;
	v28 =	vld.idx.msk [tilespmem:v35+s1+$0x0], $0xffff  }
0x1f0: {  	s18 =	sor.u32 $0x12000, s13;
	v26 =	vld.idx.msk [tilespmem:v26+s1+$0x0], $0xffff;
	[tilespmem:s11+$0x0] =	vst v34  }
0x1f1: {  	s16 =	sor.u32 s6, s18;
	s21 =	sor.u32 s5, s18;
	s11 =	sor.u32 s10, s18;
	v34 =	vor.u32 $0x7, v1;
	v1 =	vmov v23;
	v30 =	vld.idx.msk [tilespmem:v16+s1+$0x0], $0xffff;
	[tilespmem:s0+$0x0] =	vst v36;
	v16 =	vmov v40  }
0x1f2: {  	s0 =	sor.u32 s4, s18;
	[tilespmem:s21+$0x0] =	vst v25;
	v23 =	vld.idx.msk [tilespmem:v7+s1+$0x0], $0xffff;
	v7 =	vmov v37  }
0x1f3: {  	[tilespmem:s11+$0x0] =	vst v29;
	v29 =	vld.idx.msk [tilespmem:v31+s1+$0x0], $0xffff;
	s11 =	sor.u32 $0x17000, s26  }
0x1f4: {  	v31 =	vld.idx.msk [tilespmem:v32+s1+$0x0], $0xffff;
	[tilespmem:s0+$0x0] =	vst v24;
	s21 =	sor.u32 s30, s11;
	s18 =	sor.u32 s28, s11;
	s0 =	sor.u32 s29, s11  }
0x1f5: {  	v32 =	vor.u32 $0x3, v1;
	v33 =	vld.idx.msk [tilespmem:v33+s1+$0x0], $0xffff;
	[tilespmem:s0+$0x0] =	vst v28;
	s0 =	sor.u32 s12, s11  }
0x1f6: {  	s11 =	sor.u32 $0x13000, s13;
	[tilespmem:s17+$0x0] =	vst v26;
	v34 =	vld.idx.msk [tilespmem:v34+s1+$0x0], $0xffff  }
0x1f7: {  	s17 =	sor.u32 s10, s11;
	v25 =	vld.idx.msk [tilespmem:v27+s1+$0x0], $0xffff;
	[tilespmem:s9+$0x0] =	vst v30  }
.Ltmp4:
0x1f8: {  	s31 =	sor.u32 s5, s11;
	s9 =	sor.u32 s6, s11;
	v24 =	vld.idx.msk [tilespmem:v15+s1+$0x0], $0xffff;
	[tilespmem:s18+$0x0] =	vst v23;
	(pc) =	sbr.rel @p1 .LBB2_11-.Ltmp4, $4  }
0x1f9: {  	s11 =	sor.u32 s4, s11;
	v15 =	vmov v41;
	[tilespmem:s31+$0x0] =	vst v29;
	v23 =	vld.idx.msk [tilespmem:v8+s1+$0x0], $0xffff;
	v8 =	vmov v39  }
0x1fa: {  	[tilespmem:s17+$0x0] =	vst v31;
	v27 =	vld.idx.msk [tilespmem:v32+s1+$0x0], $0xffff;
	s17 =	sor.u32 $0x18000, s26;
	s26 =	smov.u32 s13  }
0x1fb: {  	v21 =	vld.idx.msk [tilespmem:v21+s1+$0x0], $0xffff;
	[tilespmem:s11+$0x0] =	vst v33;
	s13 =	sor.u32 s30, s17;
	s31 =	sor.u32 s28, s17;
	s11 =	sor.u32 s29, s17  }
0x1fc: {  	s8 =	sadd.s32 $0x40, s8;
	v28 =	vor.u32 $0x4, v1;
	s28 =	smov.u32 s10;
	v26 =	vld.idx.msk [tilespmem:v20+s1+$0x0], $0xffff;
	[tilespmem:s11+$0x0] =	vst v34;
	s11 =	sor.u32 s12, s17  }
0x1fd: {  	_ =	sdelay $0x2  }
0x1fe: {  	[tilespmem:s16+$0x0] =	vst v25  }
0x1ff: {  	v20 =	vld.idx.msk [tilespmem:v22+s1+$0x0], $0xffff;
	_ =	sdelay $0x4  }
0x200: {  	[tilespmem:s9+$0x0] =	vst v20  }
0x201: {  	s8 =	sor.u32 $0x14000, s26;
	v18 =	vld.idx.msk [tilespmem:v18+s1+$0x0], $0xffff  }
0x202: {  	s14 =	sor.u32 s5, s8  }
0x203: {  	s16 =	sor.u32 s28, s8;
	[tilespmem:s14+$0x0] =	vst v27  }
0x204: {  	s10 =	sor.u32 s4, s8;
	[tilespmem:s16+$0x0] =	vst v21;
	v20 =	vld.idx.msk [tilespmem:v28+s1+$0x0], $0xffff  }
0x205: {  	s8 =	sor.u32 s6, s8;
	v21 =	vor.u32 $0x5, v1;
	v13 =	vld.idx.msk [tilespmem:v13+s1+$0x0], $0xffff;
	[tilespmem:s10+$0x0] =	vst v26  }
0x206: {  	v14 =	vld.idx.msk [tilespmem:v14+s1+$0x0], $0xffff;
	[tilespmem:s8+$0x0] =	vst v18  }
0x207: {  	s17 =	sor.u32 $0x15000, s26;
	v16 =	vld.idx.msk [tilespmem:v16+s1+$0x0], $0xffff  }
0x208: {  	[tilespmem:s23+$0x0] =	vst v24;
	s18 =	sor.u32 s5, s17  }
0x209: {  	s29 =	sor.u32 s28, s17;
	[tilespmem:s18+$0x0] =	vst v20  }
0x20a: {  	s30 =	sor.u32 s4, s17;
	[tilespmem:s29+$0x0] =	vst v13;
	v18 =	vld.idx.msk [tilespmem:v21+s1+$0x0], $0xffff  }
0x20b: {  	s12 =	sor.u32 s6, s17;
	v13 =	vor.u32 $0x6, v1;
	v10 =	vld.idx.msk [tilespmem:v10+s1+$0x0], $0xffff;
	[tilespmem:s30+$0x0] =	vst v14  }
0x20c: {  	v12 =	vld.idx.msk [tilespmem:v12+s1+$0x0], $0xffff;
	[tilespmem:s12+$0x0] =	vst v16  }
0x20d: {  	[tilespmem:s7+$0x0] =	vst v5;
	s14 =	sor.u32 $0x16000, s26;
	v14 =	vld.idx.msk [tilespmem:v15+s1+$0x0], $0xffff  }
0x20e: {  	[tilespmem:s0+$0x0] =	vst v23;
	v6 =	vld.idx.msk [tilespmem:v6+s1+$0x0], $0xffff;
	s16 =	sor.u32 s5, s14  }
0x20f: {  	v4 =	vld.idx.msk [tilespmem:v4+s1+$0x0], $0xffff;
	s17 =	sor.u32 s28, s14;
	[tilespmem:s16+$0x0] =	vst v18  }
0x210: {  	s18 =	sor.u32 s4, s14;
	[tilespmem:s17+$0x0] =	vst v10;
	v5 =	vld.idx.msk [tilespmem:v13+s1+$0x0], $0xffff  }
0x211: {  	s23 =	sor.u32 s6, s14;
	v1 =	vor.u32 $0x7, v1;
	[tilespmem:s18+$0x0] =	vst v12;
	v7 =	vld.idx.msk [tilespmem:v7+s1+$0x0], $0xffff  }
0x212: {  	v8 =	vld.idx.msk [tilespmem:v8+s1+$0x0], $0xffff;
	[tilespmem:s23+$0x0] =	vst v14  }
0x213: {  	[tilespmem:s21+$0x0] =	vst v6;
	s29 =	sor.u32 $0x17000, s26;
	v6 =	vld.idx.msk [tilespmem:v19+s1+$0x0], $0xffff  }
0x214: {  	v3 =	vld.idx.msk [tilespmem:v3+s1+$0x0], $0xffff;
	[tilespmem:s31+$0x0] =	vst v4;
	s30 =	sor.u32 s5, s29  }
0x215: {  	v2 =	vld.idx.msk [tilespmem:v2+s1+$0x0], $0xffff;
	s8 =	sor.u32 s28, s29;
	[tilespmem:s30+$0x0] =	vst v5  }
0x216: {  	s9 =	sor.u32 s4, s29;
	[tilespmem:s8+$0x0] =	vst v7;
	v1 =	vld.idx.msk [tilespmem:v1+s1+$0x0], $0xffff  }
0x217: {  	s10 =	sor.u32 s6, s29;
	v4 =	vld.idx.msk [tilespmem:v17+s1+$0x0], $0xffff;
	[tilespmem:s9+$0x0] =	vst v8  }
0x218: {  	v5 =	vld.idx.msk [tilespmem:v11+s1+$0x0], $0xffff;
	[tilespmem:s10+$0x0] =	vst v6  }
0x219: {  	[tilespmem:s11+$0x0] =	vst v3;
	s12 =	sor.u32 $0x18000, s26;
	v3 =	vld.idx.msk [tilespmem:v9+s1+$0x0], $0xffff  }
0x21a: {  	[tilespmem:s13+$0x0] =	vst v2;
	s16 =	simm.s32 $0x820;
	s14 =	sor.u32 s5, s12  }
0x21b: {  	s18 =	simm.s32 $0x810;
	s17 =	sor.u32 s28, s12;
	[tilespmem:s14+$0x0] =	vst v1;
	v1 =	vmov s16  }
0x21c: {  	v2 =	vmov s18;
	s21 =	sor.u32 s4, s12;
	s23 =	simm.s32 $0x830;
	[tilespmem:s17+$0x0] =	vst v4;
	v1 =	vshll.u32 v1, $0x3  }
0x21d: {  	v2 =	vshll.u32 v2, $0x3;
	s26 =	sor.u32 s6, s12;
	v4 =	vmov s23;
	[tilespmem:s21+$0x0] =	vst v5;
	v8 =	vor.u32 v0, v1  }
0x21e: {  	v6 =	vor.u32 v0, v2;
	v1 =	vshll.u32 v4, $0x3;
	[tilespmem:s26+$0x0] =	vst v3  }
0x21f: {  	v1 =	vor.u32 v0, v1;
	_ =	swait.ge [sflag:s24], $0x4000  }
0x220: {  	[sflag:s24] =	ssyncset.done $0x0  }
0x221: {  	[sflag:s24] =	ssyncadd.s32 $0xFFFFC000  }
0x222: {  	v2 =	vld.idx.msk [tilespmem:v8+s1+$0x0], $0xffff  }
0x223: {  	s29 =	simm.s32 $0x800;
	v5 =	vor.u32 $0x1, v8;
	v3 =	vld.idx.msk [tilespmem:v6+s1+$0x0], $0xffff  }
0x224: {  	s14 =	sand.u32 $0xE00, s29;
	v7 =	vor.u32 $0x1, v6;
	v9 =	vld.idx.msk [tilespmem:v1+s1+$0x0], $0xffff  }
0x225: {  	s6 =	sand.u32 $0x1E0, s16;
	s30 =	sor.u32 $0x11000, s14;
	v10 =	vor.u32 $0x1, v1  }
0x226: {  	s5 =	sand.u32 $0x1D0, s18;
	v4 =	vmov s29;
	s0 =	sor.u32 s6, s30  }
0x227: {  	s4 =	sand.u32 $0x1F0, s23;
	s8 =	sor.u32 s5, s30;
	v4 =	vshll.u32 v4, $0x3;
	[tilespmem:s0+$0x0] =	vst v2  }
0x228: {  	s9 =	sor.u32 s4, s30;
	v4 =	vor.u32 v0, v4;
	[tilespmem:s8+$0x0] =	vst v3;
	v2 =	vld.idx.msk [tilespmem:v5+s1+$0x0], $0xffff  }
0x229: {  	[tilespmem:s9+$0x0] =	vst v9;
	v3 =	vld.idx.msk [tilespmem:v7+s1+$0x0], $0xffff;
	v5 =	vor.u32 $0x2, v8  }
0x22a: {  	v7 =	vor.u32 $0x2, v6;
	v9 =	vld.idx.msk [tilespmem:v10+s1+$0x0], $0xffff  }
0x22b: {  	s11 =	sor.u32 $0x12000, s14;
	v10 =	vor.u32 $0x2, v1  }
0x22c: {  	s12 =	sor.u32 s6, s11  }
0x22d: {  	s13 =	sor.u32 s5, s11;
	v11 =	vld.idx.msk [tilespmem:v4+s1+$0x0], $0xffff;
	[tilespmem:s12+$0x0] =	vst v2  }
0x22e: {  	s16 =	sor.u32 s4, s11;
	v2 =	vor.u32 $0x1, v4;
	[tilespmem:s13+$0x0] =	vst v3;
	v3 =	vld.idx.msk [tilespmem:v5+s1+$0x0], $0xffff  }
0x22f: {  	[tilespmem:s16+$0x0] =	vst v9;
	v5 =	vld.idx.msk [tilespmem:v7+s1+$0x0], $0xffff;
	v7 =	vor.u32 $0x3, v8  }
0x230: {  	s7 =	sand.u32 $0x1C0, s29;
	v9 =	vor.u32 $0x3, v6;
	v10 =	vld.idx.msk [tilespmem:v10+s1+$0x0], $0xffff  }
0x231: {  	s18 =	sor.u32 $0x13000, s14;
	s17 =	sor.u32 s7, s30;
	v12 =	vor.u32 $0x3, v1  }
0x232: {  	s21 =	sor.u32 s6, s18;
	[tilespmem:s17+$0x0] =	vst v11  }
0x233: {  	s23 =	sor.u32 s5, s18;
	v2 =	vld.idx.msk [tilespmem:v2+s1+$0x0], $0xffff;
	[tilespmem:s21+$0x0] =	vst v3  }
0x234: {  	s26 =	sor.u32 s4, s18;
	v3 =	vor.u32 $0x2, v4;
	[tilespmem:s23+$0x0] =	vst v5;
	v7 =	vld.idx.msk [tilespmem:v7+s1+$0x0], $0xffff  }
0x235: {  	s13 =	simm.s32 $0x870;
	[tilespmem:s26+$0x0] =	vst v10;
	v10 =	vor.u32 $0x4, v8;
	v9 =	vld.idx.msk [tilespmem:v9+s1+$0x0], $0xffff  }
0x236: {  	s29 =	simm.s32 $0x860;
	v11 =	vor.u32 $0x4, v6;
	v5 =	vmov s13;
	v12 =	vld.idx.msk [tilespmem:v12+s1+$0x0], $0xffff  }
0x237: {  	s30 =	simm.s32 $0x850;
	v14 =	vmov s29;
	v13 =	vor.u32 $0x4, v1;
	s0 =	sor.u32 s7, s11;
	s9 =	sor.u32 $0x14000, s14;
	v5 =	vshll.u32 v5, $0x3  }
0x238: {  	v15 =	vmov s30;
	v14 =	vshll.u32 v14, $0x3;
	s11 =	sor.u32 s6, s9;
	[tilespmem:s0+$0x0] =	vst v2;
	v2 =	vor.u32 v0, v5  }
0x239: {  	s12 =	sor.u32 s5, s9;
	v5 =	vor.u32 v0, v14;
	v16 =	vld.idx.msk [tilespmem:v3+s1+$0x0], $0xffff;
	v3 =	vshll.u32 v15, $0x3;
	[tilespmem:s11+$0x0] =	vst v7  }
0x23a: {  	s17 =	sor.u32 s4, s9;
	v3 =	vor.u32 v0, v3;
	[tilespmem:s12+$0x0] =	vst v9;
	v7 =	vld.idx.msk [tilespmem:v10+s1+$0x0], $0xffff  }
0x23b: {  	v9 =	vor.u32 $0x3, v4;
	[tilespmem:s17+$0x0] =	vst v12;
	v10 =	vld.idx.msk [tilespmem:v11+s1+$0x0], $0xffff  }
0x23c: {  	v11 =	vor.u32 $0x5, v8;
	v12 =	vld.idx.msk [tilespmem:v13+s1+$0x0], $0xffff  }
0x23d: {  	v13 =	vor.u32 $0x5, v6;
	v14 =	vld.idx.msk [tilespmem:v2+s1+$0x0], $0xffff  }
0x23e: {  	s10 =	sor.u32 s7, s18;
	s0 =	sor.u32 $0x15000, s14;
	v15 =	vor.u32 $0x5, v1;
	v17 =	vld.idx.msk [tilespmem:v5+s1+$0x0], $0xffff  }
0x23f: {  	s18 =	sor.u32 s6, s0;
	s17 =	simm.s32 $0x840;
	[tilespmem:s10+$0x0] =	vst v16;
	v16 =	vld.idx.msk [tilespmem:v3+s1+$0x0], $0xffff  }
0x240: {  	v18 =	vor.u32 $0x1, v5;
	s21 =	sor.u32 s5, s0;
	s12 =	sand.u32 $0xE00, s17;
	v9 =	vld.idx.msk [tilespmem:v9+s1+$0x0], $0xffff;
	[tilespmem:s18+$0x0] =	vst v7  }
0x241: {  	s23 =	sor.u32 s4, s0;
	s11 =	sand.u32 $0x1E0, s29;
	v19 =	vor.u32 $0x1, v3;
	[tilespmem:s21+$0x0] =	vst v10;
	s18 =	sor.u32 $0x11000, s12;
	v10 =	vld.idx.msk [tilespmem:v11+s1+$0x0], $0xffff  }
0x242: {  	v20 =	vor.u32 $0x1, v2;
	s10 =	sand.u32 $0x1F0, s13;
	[tilespmem:s23+$0x0] =	vst v12;
	v11 =	vld.idx.msk [tilespmem:v13+s1+$0x0], $0xffff;
	s26 =	sor.u32 s11, s18  }
0x243: {  	s8 =	sand.u32 $0x1D0, s30;
	v7 =	vmov s17;
	v13 =	vld.idx.msk [tilespmem:v15+s1+$0x0], $0xffff;
	v15 =	vor.u32 $0x4, v4;
	s30 =	sor.u32 s10, s18;
	[tilespmem:s26+$0x0] =	vst v17  }
0x244: {  	v12 =	vor.u32 $0x6, v8;
	v7 =	vshll.u32 v7, $0x3;
	s29 =	sor.u32 s8, s18;
	[tilespmem:s30+$0x0] =	vst v14  }
0x245: {  	s16 =	sor.u32 $0x16000, s14;
	s9 =	sor.u32 s7, s9;
	v7 =	vor.u32 v0, v7;
	[tilespmem:s29+$0x0] =	vst v16;
	v16 =	vld.idx.msk [tilespmem:v18+s1+$0x0], $0xffff  }
0x246: {  	s21 =	sor.u32 s6, s16;
	v17 =	vor.u32 $0x6, v6;
	[tilespmem:s9+$0x0] =	vst v9;
	v18 =	vld.idx.msk [tilespmem:v19+s1+$0x0], $0xffff  }
0x247: {  	s23 =	sor.u32 s5, s16;
	v14 =	vor.u32 $0x2, v5;
	v19 =	vld.idx.msk [tilespmem:v20+s1+$0x0], $0xffff;
	[tilespmem:s21+$0x0] =	vst v10  }
0x248: {  	v10 =	vor.u32 $0x2, v3;
	s21 =	sor.u32 $0x12000, s12;
	[tilespmem:s23+$0x0] =	vst v11;
	v11 =	vld.idx.msk [tilespmem:v15+s1+$0x0], $0xffff  }
0x249: {  	v20 =	vor.u32 $0x2, v2;
	v12 =	vld.idx.msk [tilespmem:v12+s1+$0x0], $0xffff;
	s26 =	sor.u32 s11, s21  }
0x24a: {  	v8 =	vor.u32 $0x7, v8;
	v9 =	vld.idx.msk [tilespmem:v7+s1+$0x0], $0xffff;
	s29 =	sor.u32 s8, s21;
	[tilespmem:s26+$0x0] =	vst v16  }
0x24b: {  	v15 =	vor.u32 $0x1, v7;
	s30 =	sor.u32 s10, s21;
	v16 =	vld.idx.msk [tilespmem:v17+s1+$0x0], $0xffff;
	[tilespmem:s29+$0x0] =	vst v18  }
0x24c: {  	s9 =	sor.u32 $0x17000, s14;
	v17 =	vor.u32 $0x5, v4;
	s26 =	sor.u32 s4, s16;
	v14 =	vld.idx.msk [tilespmem:v14+s1+$0x0], $0xffff;
	[tilespmem:s30+$0x0] =	vst v19  }
0x24d: {  	s13 =	sand.u32 $0x1C0, s17;
	s23 =	sor.u32 s6, s9;
	v18 =	vor.u32 $0x6, v1;
	[tilespmem:s26+$0x0] =	vst v13;
	v10 =	vld.idx.msk [tilespmem:v10+s1+$0x0], $0xffff  }
0x24e: {  	s18 =	sor.u32 s13, s18;
	v6 =	vor.u32 $0x7, v6;
	v20 =	vld.idx.msk [tilespmem:v20+s1+$0x0], $0xffff;
	[tilespmem:s23+$0x0] =	vst v12  }
0x24f: {  	s0 =	sor.u32 s7, s0;
	v19 =	vor.u32 $0x3, v5;
	[tilespmem:s18+$0x0] =	vst v9;
	v8 =	vld.idx.msk [tilespmem:v8+s1+$0x0], $0xffff  }
0x250: {  	s26 =	sor.u32 s5, s9;
	[tilespmem:s0+$0x0] =	vst v11;
	v12 =	vor.u32 $0x3, v3;
	s18 =	sor.u32 $0x13000, s12;
	v15 =	vld.idx.msk [tilespmem:v15+s1+$0x0], $0xffff  }
0x251: {  	v9 =	vor.u32 $0x3, v2;
	s29 =	sor.u32 s11, s18;
	v11 =	vld.idx.msk [tilespmem:v17+s1+$0x0], $0xffff;
	[tilespmem:s26+$0x0] =	vst v16  }
0x252: {  	v13 =	vor.u32 $0x2, v7;
	[tilespmem:s29+$0x0] =	vst v14;
	v14 =	vld.idx.msk [tilespmem:v18+s1+$0x0], $0xffff  }
0x253: {  	s30 =	sor.u32 s8, s18;
	v17 =	vor.u32 $0x6, v4;
	v6 =	vld.idx.msk [tilespmem:v6+s1+$0x0], $0xffff  }
0x254: {  	s23 =	sor.u32 s10, s18;
	v18 =	vor.u32 $0x7, v1;
	[tilespmem:s30+$0x0] =	vst v10;
	v10 =	vld.idx.msk [tilespmem:v19+s1+$0x0], $0xffff  }
0x255: {  	s17 =	simm.s32 $0x8B0;
	v16 =	vor.u32 $0x4, v5;
	s29 =	sor.u32 s13, s21;
	[tilespmem:s23+$0x0] =	vst v20;
	v12 =	vld.idx.msk [tilespmem:v12+s1+$0x0], $0xffff  }
0x256: {  	s21 =	simm.s32 $0x8A0;
	v1 =	vmov s17;
	v20 =	vor.u32 $0x4, v3;
	s30 =	sor.u32 s7, s16;
	v19 =	vld.idx.msk [tilespmem:v9+s1+$0x0], $0xffff;
	[tilespmem:s29+$0x0] =	vst v15  }
0x257: {  	s26 =	sor.u32 s4, s9;
	v1 =	vshll.u32 v1, $0x3;
	s16 =	sor.u32 $0x14000, s12;
	v9 =	vmov s21;
	v15 =	vor.u32 $0x4, v2;
	v13 =	vld.idx.msk [tilespmem:v13+s1+$0x0], $0xffff;
	[tilespmem:s30+$0x0] =	vst v11  }
0x258: {  	s28 =	simm.s32 $0x890;
	v21 =	vshll.u32 v9, $0x3;
	v9 =	vor.u32 v0, v1;
	s29 =	sor.u32 s11, s16;
	v17 =	vld.idx.msk [tilespmem:v17+s1+$0x0], $0xffff;
	[tilespmem:s26+$0x0] =	vst v14  }
0x259: {  	v11 =	vmov s28;
	v1 =	vor.u32 v0, v21;
	s30 =	sor.u32 s8, s16;
	[tilespmem:s29+$0x0] =	vst v10;
	v10 =	vld.idx.msk [tilespmem:v18+s1+$0x0], $0xffff  }
0x25a: {  	s0 =	sor.u32 $0x18000, s14;
	s23 =	sor.u32 s10, s16;
	v11 =	vshll.u32 v11, $0x3;
	v14 =	vor.u32 $0x3, v7;
	[tilespmem:s30+$0x0] =	vst v12;
	v12 =	vld.idx.msk [tilespmem:v16+s1+$0x0], $0xffff  }
0x25b: {  	s6 =	sor.u32 s6, s0;
	v11 =	vor.u32 v0, v11;
	[tilespmem:s23+$0x0] =	vst v19;
	v16 =	vld.idx.msk [tilespmem:v20+s1+$0x0], $0xffff  }
0x25c: {  	s5 =	sor.u32 s5, s0;
	v4 =	vor.u32 $0x7, v4;
	[tilespmem:s6+$0x0] =	vst v8;
	v15 =	vld.idx.msk [tilespmem:v15+s1+$0x0], $0xffff  }
0x25d: {  	v8 =	vor.u32 $0x5, v5;
	s6 =	simm.s32 $0x880;
	s26 =	sor.u32 s13, s18;
	[tilespmem:s5+$0x0] =	vst v6;
	v19 =	vld.idx.msk [tilespmem:v9+s1+$0x0], $0xffff  }
0x25e: {  	v6 =	vmov s6;
	v18 =	vor.u32 $0x5, v3;
	s29 =	sor.u32 s7, s9;
	[tilespmem:s26+$0x0] =	vst v13;
	v20 =	vld.idx.msk [tilespmem:v1+s1+$0x0], $0xffff  }
0x25f: {  	s4 =	sor.u32 s4, s0;
	s9 =	sor.u32 $0x15000, s12;
	v6 =	vshll.u32 v6, $0x3;
	v13 =	vor.u32 $0x5, v2;
	[tilespmem:s29+$0x0] =	vst v17;
	v14 =	vld.idx.msk [tilespmem:v14+s1+$0x0], $0xffff  }
0x260: {  	s30 =	sor.u32 s11, s9;
	v26 =	vor.u32 v0, v6;
	v17 =	vld.idx.msk [tilespmem:v11+s1+$0x0], $0xffff;
	[tilespmem:s4+$0x0] =	vst v10  }
0x261: {  	v21 =	vor.u32 $0x1, v1;
	s18 =	sor.u32 s8, s9;
	s26 =	sand.u32 $0xE00, s6;
	v6 =	vld.idx.msk [tilespmem:v4+s1+$0x0], $0xffff;
	[tilespmem:s30+$0x0] =	vst v12  }
0x262: {  	s5 =	sand.u32 $0x1E0, s21;
	s23 =	sor.u32 s10, s9;
	v12 =	vor.u32 $0x1, v11;
	[tilespmem:s18+$0x0] =	vst v16;
	v8 =	vld.idx.msk [tilespmem:v8+s1+$0x0], $0xffff;
	s18 =	sor.u32 $0x11000, s26  }
0x263: {  	s4 =	sand.u32 $0x1F0, s17;
	v16 =	vor.u32 $0x1, v9;
	[tilespmem:s23+$0x0] =	vst v15;
	v18 =	vld.idx.msk [tilespmem:v18+s1+$0x0], $0xffff;
	s29 =	sor.u32 s5, s18  }
0x264: {  	s28 =	sand.u32 $0x1D0, s28;
	v15 =	vor.u32 $0x6, v5;
	v13 =	vld.idx.msk [tilespmem:v13+s1+$0x0], $0xffff;
	s21 =	sor.u32 s4, s18;
	[tilespmem:s29+$0x0] =	vst v20  }
0x265: {  	v4 =	vor.u32 $0x4, v7;
	s30 =	sor.u32 s28, s18;
	[tilespmem:s21+$0x0] =	vst v19;
	v20 =	vld.idx.msk [tilespmem:v26+s1+$0x0], $0xffff  }
0x266: {  	v22 =	vor.u32 $0x6, v2;
	s16 =	sor.u32 s13, s16;
	s17 =	sor.u32 $0x16000, s12;
	[tilespmem:s30+$0x0] =	vst v17;
	v10 =	vld.idx.msk [tilespmem:v21+s1+$0x0], $0xffff  }
0x267: {  	s23 =	sor.u32 s11, s17;
	[tilespmem:s16+$0x0] =	vst v14;
	v17 =	vor.u32 $0x6, v3;
	v12 =	vld.idx.msk [tilespmem:v12+s1+$0x0], $0xffff  }
0x268: {  	v19 =	vor.u32 $0x2, v1;
	s29 =	sor.u32 s8, s17;
	v16 =	vld.idx.msk [tilespmem:v16+s1+$0x0], $0xffff;
	[tilespmem:s23+$0x0] =	vst v8  }
0x269: {  	s21 =	sor.u32 $0x12000, s26;
	s30 =	sor.u32 s10, s17;
	v8 =	vor.u32 $0x2, v11;
	v14 =	vld.idx.msk [tilespmem:v15+s1+$0x0], $0xffff;
	[tilespmem:s29+$0x0] =	vst v18  }
0x26a: {  	s23 =	sor.u32 s5, s21;
	v15 =	vor.u32 $0x2, v9;
	v18 =	vld.idx.msk [tilespmem:v4+s1+$0x0], $0xffff;
	[tilespmem:s30+$0x0] =	vst v13  }
0x26b: {  	v5 =	vor.u32 $0x7, v5;
	s29 =	sor.u32 s28, s21;
	v23 =	vld.idx.msk [tilespmem:v22+s1+$0x0], $0xffff;
	[tilespmem:s23+$0x0] =	vst v10  }
0x26c: {  	v13 =	vor.u32 $0x1, v26;
	s30 =	sor.u32 s4, s21;
	v17 =	vld.idx.msk [tilespmem:v17+s1+$0x0], $0xffff;
	[tilespmem:s29+$0x0] =	vst v12;
	s29 =	sor.u32 $0x17000, s12  }
0x26d: {  	s6 =	sand.u32 $0x1C0, s6;
	v21 =	vor.u32 $0x5, v7;
	v19 =	vld.idx.msk [tilespmem:v19+s1+$0x0], $0xffff;
	[tilespmem:s30+$0x0] =	vst v16;
	s23 =	sor.u32 s11, s29  }
0x26e: {  	v27 =	vld.idx.msk [tilespmem:v8+s1+$0x0], $0xffff;
	s30 =	sor.u32 s6, s18;
	v16 =	vor.u32 $0x3, v1;
	[tilespmem:s23+$0x0] =	vst v14  }
0x26f: {  	v30 =	vor.u32 $0x3, v9;
	v29 =	vor.u32 $0x3, v11;
	s9 =	sor.u32 s13, s9;
	v4 =	vor.u32 $0x7, v3;
	v28 =	vld.idx.msk [tilespmem:v15+s1+$0x0], $0xffff;
	[tilespmem:s30+$0x0] =	vst v20  }
0x270: {  	s14 =	simm.s32 $0x88;
	v3 =	vor.u32 $0x7, v2;
	v2 =	vor.u32 $0x7, v7;
	v22 =	vor.u32 $0x2, v26;
	s16 =	sor.u32 s8, s29;
	s18 =	sor.u32 $0x13000, s26;
	[tilespmem:s9+$0x0] =	vst v18;
	v20 =	vld.idx.msk [tilespmem:v5+s1+$0x0], $0xffff  }
0x271: {  	s7 =	sor.u32 s7, s0;
	v10 =	vor.u32 $0x5, v11;
	v12 =	vor.u32 $0x5, v9;
	s12 =	sor.u32 $0x18000, s12;
	v8 =	vor.u32 $0x6, v11;
	s30 =	sor.u32 s5, s18;
	v25 =	vld.idx.msk [tilespmem:v13+s1+$0x0], $0xffff;
	[tilespmem:s16+$0x0] =	vst v17  }
0x272: {  	s0 =	sor.u32 s10, s29;
	v14 =	vor.u32 $0x4, v9;
	s23 =	sor.u32 s13, s17;
	s17 =	sor.u32 s28, s18;
	v18 =	vor.u32 $0x3, v26;
	v15 =	vor.u32 $0x5, v26;
	v24 =	vld.idx.msk [tilespmem:v21+s1+$0x0], $0xffff;
	[tilespmem:s30+$0x0] =	vst v19  }
0x273: {  	s11 =	sor.u32 s11, s12;
	s31 =	sor.u32 s8, s12;
	v5 =	vor.u32 $0x6, v7;
	v13 =	vor.u32 $0x4, v11;
	v7 =	vor.u32 $0x6, v9;
	s30 =	sor.u32 s4, s18;
	[tilespmem:s17+$0x0] =	vst v27;
	v27 =	vld.idx.msk [tilespmem:v16+s1+$0x0], $0xffff  }
0x274: {  	s8 =	simm.s32 $0x8F0;
	s9 =	sor.u32 s6, s18;
	s16 =	sor.u32 s6, s21;
	v17 =	vor.u32 $0x7, v11;
	v11 =	vor.u32 $0x7, v9;
	v9 =	vor.u32 $0x7, v26;
	v21 =	vld.idx.msk [tilespmem:v29+s1+$0x0], $0xffff;
	[tilespmem:s30+$0x0] =	vst v28  }
0x275: {  	s21 =	sor.u32 s13, s29;
	s13 =	sor.u32 s13, s12;
	v19 =	vor.u32 $0x6, v26;
	v16 =	vor.u32 $0x4, v26;
	v28 =	vor.u32 $0x4, v1;
	v26 =	vld.idx.msk [tilespmem:v30+s1+$0x0], $0xffff;
	[tilespmem:s11+$0x0] =	vst v20;
	s11 =	sor.u32 s10, s12  }
.LBB2_13:
0x276: {  	s10 =	sadd.s32 $0xFFFFFFE0, s8;
	s17 =	sadd.s32 $0xFFFFFFF0, s8;
	v20 =	vmov s8;
	s14 =	sadd.s32 $0x4, s14;
	[tilespmem:s16+$0x0] =	vst v25;
	v25 =	vld.idx.msk [tilespmem:v4+s1+$0x0], $0xffff;
	v4 =	vmov v17  }
0x277: {  	s12 =	sor.u32 $0x14000, s26;
	v17 =	vmov s10;
	s10 =	sand.u32 $0x1D0, s10;
	v29 =	vmov s17;
	v20 =	vshll.u32 v20, $0x3;
	p1 =	slt.u32 s14, $0xFC;
	v22 =	vld.idx.msk [tilespmem:v22+s1+$0x0], $0xffff;
	[tilespmem:s23+$0x0] =	vst v24  }
0x278: {  	s18 =	sand.u32 $0x1F0, s8;
	s16 =	sor.u32 s6, s12;
	s23 =	sor.u32 s5, s12;
	v17 =	vshll.u32 v17, $0x3;
	v24 =	vshll.u32 v29, $0x3;
	v29 =	vor.u32 v0, v20;
	v30 =	vld.idx.msk [tilespmem:v5+s1+$0x0], $0xffff;
	[tilespmem:s0+$0x0] =	vst v23;
	v5 =	vmovc v19  }
0x279: {  	s0 =	sor.u32 s28, s12;
	v19 =	vor.u32 v0, v17;
	v23 =	vor.u32 v0, v24;
	v24 =	vor.u32 $0x1, v29;
	[tilespmem:s23+$0x0] =	vst v27;
	s23 =	sor.u32 s4, s12;
	v27 =	vld.idx.msk [tilespmem:v3+s1+$0x0], $0xffff;
	s12 =	smov.u32 s4  }
0x27a: {  	s30 =	smov.u32 s6;
	s29 =	smov.u32 s5;
	v33 =	vor.u32 $0x2, v29;
	v3 =	vmovc v11;
	s4 =	smov.u32 s18;
	v31 =	vor.u32 $0x1, v19;
	v32 =	vor.u32 $0x2, v19;
	[tilespmem:s0+$0x0] =	vst v21;
	v28 =	vld.idx.msk [tilespmem:v28+s1+$0x0], $0xffff  }
0x27b: {  	v20 =	vor.u32 $0x3, v29;
	v21 =	vor.u32 $0x3, v19;
	v34 =	vld.idx.msk [tilespmem:v13+s1+$0x0], $0xffff;
	v13 =	vor.u32 $0x4, v19;
	[tilespmem:s23+$0x0] =	vst v26  }
0x27c: {  	v35 =	vor.u32 $0x5, v1;
	v26 =	vor.u32 $0x5, v19;
	v36 =	vld.idx.msk [tilespmem:v14+s1+$0x0], $0xffff;
	v14 =	vor.u32 $0x4, v29;
	[tilespmem:s7+$0x0] =	vst v6;
	s7 =	smov.u32 s13  }
0x27d: {  	v39 =	vor.u32 $0x6, v29;
	v37 =	vor.u32 $0x6, v19;
	v6 =	vor.u32 $0x5, v29;
	v38 =	vld.idx.msk [tilespmem:v29+s1+$0x0], $0xffff;
	[tilespmem:s9+$0x0] =	vst v22  }
0x27e: {  	v11 =	vor.u32 $0x7, v29;
	v17 =	vor.u32 $0x7, v19;
	s0 =	sor.u32 $0x15000, s26;
	v40 =	vld.idx.msk [tilespmem:v23+s1+$0x0], $0xffff;
	[tilespmem:s21+$0x0] =	vst v30  }
0x27f: {  	s5 =	sor.u32 s28, s0;
	s6 =	sor.u32 s29, s0;
	s9 =	sor.u32 s30, s0;
	v29 =	vld.idx.msk [tilespmem:v19+s1+$0x0], $0xffff;
	[tilespmem:s31+$0x0] =	vst v25  }
0x280: {  	s13 =	sadd.s32 $0xFFFFFFD0, s8;
	s0 =	sor.u32 s12, s0;
	v25 =	vor.u32 $0x1, v23;
	v30 =	vld.idx.msk [tilespmem:v18+s1+$0x0], $0xffff;
	[tilespmem:s6+$0x0] =	vst v28  }
0x281: {  	v18 =	vmov s13;
	s6 =	sand.u32 $0x1C0, s13;
	s13 =	sand.u32 $0xE00, s13;
	[tilespmem:s5+$0x0] =	vst v34;
	v28 =	vld.idx.msk [tilespmem:v35+s1+$0x0], $0xffff  }
0x282: {  	v18 =	vshll.u32 v18, $0x3;
	s18 =	sor.u32 $0x11000, s13;
	s5 =	sand.u32 $0x1E0, s17;
	v34 =	vld.idx.msk [tilespmem:v10+s1+$0x0], $0xffff;
	[tilespmem:s0+$0x0] =	vst v36;
	v10 =	vmov v26  }
0x283: {  	v35 =	vor.u32 $0x6, v1;
	v26 =	vor.u32 v0, v18;
	s17 =	sor.u32 s6, s18;
	s0 =	sor.u32 s10, s18;
	s21 =	sor.u32 s5, s18;
	v36 =	vld.idx.msk [tilespmem:v12+s1+$0x0], $0xffff;
	[tilespmem:s11+$0x0] =	vst v27;
	v12 =	vmov v6  }
0x284: {  	v27 =	vor.u32 $0x1, v26;
	v22 =	vor.u32 $0x2, v26;
	v18 =	vor.u32 $0x3, v26;
	s11 =	sor.u32 s4, s18;
	[tilespmem:s21+$0x0] =	vst v40;
	v6 =	vld.idx.msk [tilespmem:v2+s1+$0x0], $0xffff;
	v2 =	vmovc v9  }
0x285: {  	v41 =	vor.u32 $0x5, v26;
	v19 =	vor.u32 $0x6, v26;
	v40 =	vor.u32 $0x4, v26;
	[tilespmem:s0+$0x0] =	vst v29;
	v25 =	vld.idx.msk [tilespmem:v25+s1+$0x0], $0xffff;
	s0 =	sor.u32 $0x16000, s26  }
0x286: {  	v9 =	vor.u32 $0x7, v26;
	v29 =	vld.idx.msk [tilespmem:v31+s1+$0x0], $0xffff;
	[tilespmem:s11+$0x0] =	vst v38;
	s23 =	sor.u32 s30, s0;
	s11 =	sor.u32 s28, s0;
	s18 =	sor.u32 s29, s0  }
0x287: {  	v31 =	vor.u32 $0x2, v23;
	s0 =	sor.u32 s12, s0;
	v24 =	vld.idx.msk [tilespmem:v24+s1+$0x0], $0xffff;
	[tilespmem:s18+$0x0] =	vst v28  }
0x288: {  	[tilespmem:s16+$0x0] =	vst v30;
	v28 =	vld.idx.msk [tilespmem:v35+s1+$0x0], $0xffff  }
0x289: {  	s18 =	sor.u32 $0x12000, s13;
	v26 =	vld.idx.msk [tilespmem:v26+s1+$0x0], $0xffff;
	[tilespmem:s11+$0x0] =	vst v34  }
0x28a: {  	s16 =	sor.u32 s6, s18;
	s21 =	sor.u32 s5, s18;
	s11 =	sor.u32 s10, s18;
	v34 =	vor.u32 $0x7, v1;
	v1 =	vmov v23;
	v30 =	vld.idx.msk [tilespmem:v16+s1+$0x0], $0xffff;
	[tilespmem:s0+$0x0] =	vst v36;
	v16 =	vmov v40  }
0x28b: {  	s0 =	sor.u32 s4, s18;
	[tilespmem:s21+$0x0] =	vst v25;
	v23 =	vld.idx.msk [tilespmem:v8+s1+$0x0], $0xffff;
	v8 =	vmov v37  }
0x28c: {  	[tilespmem:s11+$0x0] =	vst v29;
	v29 =	vld.idx.msk [tilespmem:v31+s1+$0x0], $0xffff;
	s11 =	sor.u32 $0x17000, s26  }
0x28d: {  	v31 =	vld.idx.msk [tilespmem:v32+s1+$0x0], $0xffff;
	[tilespmem:s0+$0x0] =	vst v24;
	s21 =	sor.u32 s30, s11;
	s18 =	sor.u32 s28, s11;
	s0 =	sor.u32 s29, s11  }
0x28e: {  	v32 =	vor.u32 $0x3, v1;
	v33 =	vld.idx.msk [tilespmem:v33+s1+$0x0], $0xffff;
	[tilespmem:s0+$0x0] =	vst v28;
	s0 =	sor.u32 s12, s11  }
0x28f: {  	s11 =	sor.u32 $0x13000, s13;
	[tilespmem:s17+$0x0] =	vst v26;
	v34 =	vld.idx.msk [tilespmem:v34+s1+$0x0], $0xffff  }
0x290: {  	s17 =	sor.u32 s10, s11;
	v25 =	vld.idx.msk [tilespmem:v27+s1+$0x0], $0xffff;
	[tilespmem:s9+$0x0] =	vst v30  }
.Ltmp5:
0x291: {  	s31 =	sor.u32 s5, s11;
	s9 =	sor.u32 s6, s11;
	v24 =	vld.idx.msk [tilespmem:v15+s1+$0x0], $0xffff;
	[tilespmem:s18+$0x0] =	vst v23;
	(pc) =	sbr.rel @p1 .LBB2_13-.Ltmp5, $4  }
0x292: {  	s11 =	sor.u32 s4, s11;
	v15 =	vmov v41;
	[tilespmem:s31+$0x0] =	vst v29;
	v23 =	vld.idx.msk [tilespmem:v7+s1+$0x0], $0xffff;
	v7 =	vmov v39  }
0x293: {  	[tilespmem:s17+$0x0] =	vst v31;
	v27 =	vld.idx.msk [tilespmem:v32+s1+$0x0], $0xffff;
	s17 =	sor.u32 $0x18000, s26;
	s26 =	smov.u32 s13  }
0x294: {  	v21 =	vld.idx.msk [tilespmem:v21+s1+$0x0], $0xffff;
	[tilespmem:s11+$0x0] =	vst v33;
	s13 =	sor.u32 s30, s17;
	s31 =	sor.u32 s28, s17;
	s11 =	sor.u32 s29, s17  }
0x295: {  	s8 =	sadd.s32 $0x40, s8;
	v28 =	vor.u32 $0x4, v1;
	s28 =	smov.u32 s10;
	v26 =	vld.idx.msk [tilespmem:v20+s1+$0x0], $0xffff;
	[tilespmem:s11+$0x0] =	vst v34;
	s11 =	sor.u32 s12, s17  }
0x296: {  	_ =	sdelay $0x2  }
0x297: {  	[tilespmem:s16+$0x0] =	vst v25  }
0x298: {  	v20 =	vld.idx.msk [tilespmem:v22+s1+$0x0], $0xffff;
	_ =	sdelay $0x4  }
0x299: {  	[tilespmem:s9+$0x0] =	vst v20  }
0x29a: {  	s8 =	sor.u32 $0x14000, s26;
	v18 =	vld.idx.msk [tilespmem:v18+s1+$0x0], $0xffff  }
0x29b: {  	s12 =	sor.u32 s5, s8  }
0x29c: {  	s14 =	sor.u32 s28, s8;
	[tilespmem:s12+$0x0] =	vst v27  }
0x29d: {  	s16 =	sor.u32 s4, s8;
	v55 =	vld.idx.msk [tilespmem:v28+s1+$0x0], $0xffff;
	[tilespmem:s14+$0x0] =	vst v21  }
0x29e: {  	v56 =	vor.u32 $0x5, v1;
	s8 =	sor.u32 s6, s8;
	v13 =	vld.idx.msk [tilespmem:v13+s1+$0x0], $0xffff;
	[tilespmem:s16+$0x0] =	vst v26  }
0x29f: {  	v14 =	vld.idx.msk [tilespmem:v14+s1+$0x0], $0xffff;
	[tilespmem:s8+$0x0] =	vst v18  }
0x2a0: {  	s17 =	sor.u32 $0x15000, s26;
	v16 =	vld.idx.msk [tilespmem:v16+s1+$0x0], $0xffff  }
0x2a1: {  	[tilespmem:s23+$0x0] =	vst v24;
	s18 =	sor.u32 s5, s17  }
0x2a2: {  	s29 =	sor.u32 s28, s17;
	[tilespmem:s18+$0x0] =	vst v55  }
0x2a3: {  	s30 =	sor.u32 s4, s17;
	v57 =	vld.idx.msk [tilespmem:v56+s1+$0x0], $0xffff;
	[tilespmem:s29+$0x0] =	vst v13  }
0x2a4: {  	v58 =	vor.u32 $0x6, v1;
	s10 =	sor.u32 s6, s17;
	[tilespmem:s30+$0x0] =	vst v14;
	v10 =	vld.idx.msk [tilespmem:v10+s1+$0x0], $0xffff  }
0x2a5: {  	v12 =	vld.idx.msk [tilespmem:v12+s1+$0x0], $0xffff;
	[tilespmem:s10+$0x0] =	vst v16  }
0x2a6: {  	[tilespmem:s7+$0x0] =	vst v6;
	s12 =	sor.u32 $0x16000, s26;
	v59 =	vld.idx.msk [tilespmem:v15+s1+$0x0], $0xffff  }
0x2a7: {  	v4 =	vld.idx.msk [tilespmem:v4+s1+$0x0], $0xffff;
	[tilespmem:s0+$0x0] =	vst v23;
	s14 =	sor.u32 s5, s12  }
0x2a8: {  	v5 =	vld.idx.msk [tilespmem:v5+s1+$0x0], $0xffff;
	s16 =	sor.u32 s28, s12;
	[tilespmem:s14+$0x0] =	vst v57  }
0x2a9: {  	s17 =	sor.u32 s4, s12;
	v60 =	vld.idx.msk [tilespmem:v58+s1+$0x0], $0xffff;
	[tilespmem:s16+$0x0] =	vst v10  }
0x2aa: {  	v1 =	vor.u32 $0x7, v1;
	s18 =	sor.u32 s6, s12;
	[tilespmem:s17+$0x0] =	vst v12;
	v8 =	vld.idx.msk [tilespmem:v8+s1+$0x0], $0xffff  }
0x2ab: {  	v7 =	vld.idx.msk [tilespmem:v7+s1+$0x0], $0xffff;
	[tilespmem:s18+$0x0] =	vst v59  }
0x2ac: {  	s23 =	sor.u32 $0x17000, s26;
	[tilespmem:s31+$0x0] =	vst v4;
	v61 =	vld.idx.msk [tilespmem:v19+s1+$0x0], $0xffff  }
0x2ad: {  	v3 =	vld.idx.msk [tilespmem:v3+s1+$0x0], $0xffff;
	[tilespmem:s21+$0x0] =	vst v5;
	s29 =	sor.u32 s5, s23  }
0x2ae: {  	v2 =	vld.idx.msk [tilespmem:v2+s1+$0x0], $0xffff;
	s30 =	sor.u32 s28, s23;
	[tilespmem:s29+$0x0] =	vst v60  }
0x2af: {  	s31 =	sor.u32 s4, s23;
	v1 =	vld.idx.msk [tilespmem:v1+s1+$0x0], $0xffff;
	[tilespmem:s30+$0x0] =	vst v8  }
0x2b0: {  	s0 =	sor.u32 s6, s23;
	[tilespmem:s31+$0x0] =	vst v7;
	v62 =	vld.idx.msk [tilespmem:v17+s1+$0x0], $0xffff  }
0x2b1: {  	v63 =	vld.idx.msk [tilespmem:v11+s1+$0x0], $0xffff;
	[tilespmem:s0+$0x0] =	vst v61  }
0x2b2: {  	s7 =	sor.u32 $0x18000, s26;
	[tilespmem:s11+$0x0] =	vst v3;
	v3 =	vld.idx.msk [tilespmem:v9+s1+$0x0], $0xffff  }
0x2b3: {  	s8 =	sor.u32 s5, s7;
	[tilespmem:s13+$0x0] =	vst v2  }
0x2b4: {  	s9 =	sor.u32 s28, s7;
	[tilespmem:s8+$0x0] =	vst v1  }
0x2b5: {  	s10 =	sor.u32 s4, s7;
	[tilespmem:s9+$0x0] =	vst v62  }
0x2b6: {  	[tilespmem:s10+$0x0] =	vst v63;
	s0 =	sor.u32 s6, s7  }
0x2b7: {  	s22 =	sadd.s32 $0x1, s22;
	s4 =	rddreg [dreg:$0x15];
	[tilespmem:s0+$0x0] =	vst v3  }
0x2b8: {  	p1 =	sne.s32 s22, $0x8;
	s4 =	sadd.s32 s4, s25;
	s0 =	rddreg [dreg:$0xb]  }
0x2b9: {  	s11 =	simm.s32 $0x11000;
	s12 =	rddreg [dreg:$0x1a];
	s0 =	sadd.s32 s0, s4  }
0x2ba: {  	[hbm4b:s0+s3] =	stream.linear.scatter [tilespmem:s11], [sflag:$0x1], $0x1000, $0x38;
	[tilespmem:$0x19000] =	vst v63  }
0x2bb: {  	s13 =	simm.s32 $0x12000;
	s14 =	rddreg [dreg:$0x1b];
	s0 =	sadd.s32 s4, s12  }
0x2bc: {  	[hbm4b:s0+s3] =	stream.linear.scatter [tilespmem:s13], [sflag:$0x1], $0x1000, $0x38;
	[tilespmem:$0x19000] =	vst v63  }
0x2bd: {  	s16 =	simm.s32 $0x13000;
	s17 =	rddreg [dreg:$0x1c];
	s0 =	sadd.s32 s4, s14  }
0x2be: {  	[hbm4b:s0+s3] =	stream.linear.scatter [tilespmem:s16], [sflag:$0x1], $0x1000, $0x38;
	[tilespmem:$0x19000] =	vst v63  }
0x2bf: {  	s18 =	simm.s32 $0x14000;
	s21 =	rddreg [dreg:$0x1d];
	s0 =	sadd.s32 s4, s17  }
0x2c0: {  	[hbm4b:s0+s3] =	stream.linear.scatter [tilespmem:s18], [sflag:$0x1], $0x1000, $0x38;
	[tilespmem:$0x19000] =	vst v63  }
0x2c1: {  	s23 =	simm.s32 $0x15000;
	s25 =	rddreg [dreg:$0x1e];
	s0 =	sadd.s32 s4, s21  }
0x2c2: {  	[hbm4b:s0+s3] =	stream.linear.scatter [tilespmem:s23], [sflag:$0x1], $0x1000, $0x38;
	[tilespmem:$0x19000] =	vst v63  }
0x2c3: {  	s26 =	simm.s32 $0x16000;
	s28 =	rddreg [dreg:$0x1f];
	s0 =	sadd.s32 s4, s25  }
0x2c4: {  	[hbm4b:s0+s3] =	stream.linear.scatter [tilespmem:s26], [sflag:$0x1], $0x1000, $0x38;
	[tilespmem:$0x19000] =	vst v63  }
.Ltmp6:
0x2c5: {  	s30 =	sld [smem:$0x7FD];
	(pc) =	sbr.rel @p1 .LBB2_10-.Ltmp6, $4  }
0x2c6: {  	s29 =	simm.s32 $0x17000;
	s0 =	sadd.s32 s4, s28  }
0x2c7: {  	[hbm4b:s0+s3] =	stream.linear.scatter [tilespmem:s29], [sflag:$0x1], $0x1000, $0x38;
	[tilespmem:$0x19000] =	vst v63  }
0x2c8: {  	s31 =	simm.s32 $0x18000;
	s0 =	sadd.s32 s4, s30  }
0x2c9: {  	[hbm4b:s0+s3] =	stream.linear.scatter [tilespmem:s31], [sflag:$0x1], $0x1000, $0x38;
	[tilespmem:$0x19000] =	vst v63  }
0x2ca: {  	_ =	swait.ge [sflag:s24], $0x1000  }
0x2cb: {  	[sflag:s24] =	ssyncset.done $0x0  }
0x2cc: {  	[sflag:s24] =	ssyncadd.s32 $0xFFFFF000  }
0x2cd: {  	_ =	swait.ge [sflag:s24], $0x1000  }
0x2ce: {  	[sflag:s24] =	ssyncset.done $0x0  }
0x2cf: {  	[sflag:s24] =	ssyncadd.s32 $0xFFFFF000  }
0x2d0: {  	_ =	swait.ge [sflag:s24], $0x1000  }
0x2d1: {  	[sflag:s24] =	ssyncset.done $0x0  }
0x2d2: {  	[sflag:s24] =	ssyncadd.s32 $0xFFFFF000  }
0x2d3: {  	_ =	swait.ge [sflag:s24], $0x1000  }
0x2d4: {  	[sflag:s24] =	ssyncset.done $0x0  }
0x2d5: {  	[sflag:s24] =	ssyncadd.s32 $0xFFFFF000  }
0x2d6: {  	_ =	swait.ge [sflag:s24], $0x1000  }
0x2d7: {  	[sflag:s24] =	ssyncset.done $0x0  }
0x2d8: {  	[sflag:s24] =	ssyncadd.s32 $0xFFFFF000  }
0x2d9: {  	_ =	swait.ge [sflag:s24], $0x1000  }
0x2da: {  	[sflag:s24] =	ssyncset.done $0x0  }
0x2db: {  	[sflag:s24] =	ssyncadd.s32 $0xFFFFF000  }
0x2dc: {  	_ =	swait.ge [sflag:s24], $0x1000  }
0x2dd: {  	[sflag:s24] =	ssyncset.done $0x0  }
0x2de: {  	[sflag:s24] =	ssyncadd.s32 $0xFFFFF000  }
0x2df: {  	_ =	swait.ge [sflag:s24], $0x1000  }
0x2e0: {  	s4 =	sld [smem:$0x7FC]  }
0x2e1: {  	s0 =	rddreg [dreg:$0x16]  }
0x2e2: {  	s12 =	rddreg [dreg:$0x4]  }
0x2e3: {  	s13 =	rddreg [dreg:$0x5]  }
0x2e4: {  	s14 =	rddreg [dreg:$0x6]  }
0x2e5: {  	s16 =	rddreg [dreg:$0x7]  }
0x2e6: {  	s17 =	rddreg [dreg:$0x8];
	s4 =	sadd.s32 $0x1, s4  }
0x2e7: {  	s18 =	rddreg [dreg:$0x9];
	p1 =	sne.s32 s4, s0  }
.Ltmp7:
0x2e8: {  	s21 =	rddreg [dreg:$0xa];
	(pc) =	sbr.rel @p1 .LBB2_1-.Ltmp7, $4  }
0x2e9: {  	[sflag:s24] =	ssyncset.done $0x0;
	s23 =	rddreg [dreg:$0xc]  }
0x2ea: {  	s26 =	simm.s32 $0x1000;
	s25 =	rddreg [dreg:$0xd];
	[sflag:s24] =	ssyncadd.s32 $0xFFFFF000  }
0x2eb: {  	s28 =	simm.s32 $0x2000;
	s29 =	simm.s32 $0x3000;
	s10 =	rddreg [dreg:$0x0]  }
0x2ec: {  	s30 =	simm.s32 $0x4000;
	s31 =	simm.s32 $0x5000;
	s11 =	rddreg [dreg:$0x2]  }
0x2ed: {  	_ =	sfence.sel $0x180000  }
0x2ee: {  	[bflag:$0x0] =	sbarrier.arrive $0xFFFF  }
0x2ef: {  	_ =	strace $0x90000047  }
0x2f0: {  	s0 =	stileid.u32;
	[bflag:$0x2] =	sbarrier.arrive $0xFFFF  }
0x2f1: {  	p0 =	sne.s32 s0, $0x0;
	s0 =	rddreg [dreg:$0x3]  }
0x2f2: {  	s0 =	sadd.s32 @!p0 $0x100000, s0  }
0x2f3: {  	[sflag:s0] =	ssyncadd.tile.s32 @!p0 $0x1;
	_ =	shalt  }
.Lfunc_end2:
_tile_overlayer_lowered:
.L_overlay_start_2:
0x2f4: {  	(tag) =	ssettag $0x2  }
0x2f5: {  	s0 =	rddreg [dreg:$0x0];
	s2 =	stileid.u32  }
0x2f6: {  	s1 =	rddreg [dreg:$0x1];
	p0 =	sne.s32 s2, $0x0  }
0x2f7: {  	s3 =	rddreg [dreg:$0x2];
	[bflag:$0x3] =	sbarrier.arrive $0xFFFF;
	s2 =	simm.s32 @!p0 $0x1C02  }
0x2f8: {  	[timem:s3], [sflag:s2] =	dma.local @!p0 [hbm:s0], s1  }
0x2f9: {  	s0 =	simm.s32 @!p0 $0x2  }
0x2fa: {  	_ =	swait.ge @!p0 [sflag:s0], s1  }
0x2fb: {  	s1 =	ssub.s32 @!p0 $0x0, s1;
	[sflag:s0] =	ssyncset.done @!p0 $0x0  }
0x2fc: {  	[sflag:s0] =	ssyncadd.s32 @!p0 s1  }
0x2fd: {  	[bflag:$0x3] =	sbarrier.arrive $0xFFFF  }
0x2fe: {  	_ =	shalt  }

</sc_bundles>
